<compile_context>
chip_gen: v7x
topology: tpu7x:2x2x1
jax: 0.10.2.dev20260603
libtpu: 0.0.44.dev20260713+nightly
codegen_flags: <defaults>
</compile_context>

<pallas_src>
import functools

import jax
import jax.numpy as jnp
from jax import lax
from jax.experimental import pallas as pl
from jax.experimental.pallas import tpu as pltpu
from jax.experimental.pallas import tpu_sc as plsc

N = 10000
E = 320000
F_IN = 128
H = 256
C = 16
G = 64

NC = 2
NS = 16
NW = NC * NS
L = 16
CHUNK = 80
CCH = 128
FW = 128
HALF = N // 2
PART = 2504
NPARTS = 4
DUMP = 64
BN = 1000
NB = N // BN


def _sc_degree(dst4, zhist):
  nch = dst4.shape[2]
  mesh = plsc.VectorSubcoreMesh(core_axis_name="c", subcore_axis_name="s")
  nvec = CHUNK // L

  @functools.partial(
      pl.kernel,
      out_type=jax.ShapeDtypeStruct((NW * 2, HALF * L), jnp.float32),
      mesh=mesh,
      compiler_params=pltpu.CompilerParams(needs_layout_passes=False),
      scratch_types=[
          pltpu.VMEM((nch, CHUNK), jnp.int32),
          pltpu.VMEM((HALF * L,), jnp.float32),
      ],
  )
  def deg_kernel(dst_hbm, z_hbm, out_hbm, dst_v, acc):
    c = lax.axis_index("c")
    s = lax.axis_index("s")
    w = c * NS + s
    pltpu.sync_copy(dst_hbm.at[s, c], dst_v)
    ones = jnp.ones((L,), jnp.float32)
    cols = lax.iota(jnp.int32, L)
    for h in range(2):
      pltpu.sync_copy(z_hbm, acc)

      def body(j, carry):
        for k in range(nvec):
          d = dst_v[j, pl.ds(k * L, L)]
          local = d - h * HALF
          msk = (local >= 0) & (local < HALF)
          localc = jnp.clip(local, 0, HALF - 1)
          plsc.addupdate_scatter(acc, [localc * L + cols], ones, mask=msk)
        return carry

      lax.fori_loop(0, nch, body, 0)
      pltpu.sync_copy(acc, out_hbm.at[w * 2 + h])

  return deg_kernel(dst4, zhist)


def _sc_aggregate(table, src_w, dst_w, zrows, nphase, core_quarters,
                  split_table):
  slen = src_w.shape[1]
  nvec = slen // L
  cap = slen + CCH
  out_rows = NC * nphase * PART
  mesh = plsc.VectorSubcoreMesh(core_axis_name="c", subcore_axis_name="s")

  @functools.partial(
      pl.kernel,
      out_type=jax.ShapeDtypeStruct((out_rows, FW), jnp.float32),
      mesh=mesh,
      compiler_params=pltpu.CompilerParams(needs_layout_passes=False),
      scratch_types=[
          pltpu.VMEM((cap,), jnp.int32),
          pltpu.VMEM((cap,), jnp.int32),
          pltpu.VMEM((CCH, FW), jnp.float32),
          pltpu.VMEM((CCH, FW), jnp.float32),
          pltpu.VMEM_SHARED((PART + DUMP, FW), jnp.float32),
          pltpu.SemaphoreType.DMA,
          pltpu.SemaphoreType.DMA,
      ],
  )
  def agg_kernel(table_hbm, src_hbm, dst_hbm, z_hbm, out_hbm,
                 src_v, dst_v, rows_a, rows_b, acc, sem_a, sem_b):
    c = lax.axis_index("c")
    s = lax.axis_index("s")
    lanes = lax.iota(jnp.int32, L)

    for q in range(nphase):
      @pl.when(s == 0)
      def _():
        pltpu.sync_copy(z_hbm, acc)

      pltpu.sync_copy(src_hbm.at[s], src_v.at[pl.ds(0, slen)])
      pltpu.sync_copy(dst_hbm.at[s], dst_v.at[pl.ds(0, slen)])
      qq = c * nphase + q if core_quarters else q
      base_node = qq * PART
      soff = c * N if split_table else 0

      def comp(v, cnt):
        d = dst_v[pl.ds(v * L, L)] - base_node
        sv = src_v[pl.ds(v * L, L)] + soff
        msk = (d >= 0) & (d < PART)
        plsc.store_compressed(dst_v.at[pl.ds(cnt, L)], d, mask=msk)
        plsc.store_compressed(src_v.at[pl.ds(cnt, L)], sv, mask=msk)
        return cnt + plsc.all_reduce_population_count(msk)[0]

      cnt = lax.fori_loop(0, nvec, comp, 0)
      for k in range(CCH // L):
        dst_v[pl.ds(cnt + k * L, L)] = PART + ((lanes + k * L) & (DUMP - 1))
        src_v[pl.ds(cnt + k * L, L)] = (lanes * 577 + k * 131) & 8191
      nchk = cnt // CCH + 1
      plsc.subcore_barrier()

      npair = (nchk + 1) // 2
      pltpu.async_copy(table_hbm.at[src_v.at[pl.ds(0, CCH)]], rows_a,
                       sem_a)

      def body(jj, carry):
        j = 2 * jj

        @pl.when(j + 1 < nchk)
        def _():
          pltpu.async_copy(
              table_hbm.at[src_v.at[pl.ds((j + 1) * CCH, CCH)]],
              rows_b, sem_b)

        pltpu.make_async_copy(table_hbm.at[src_v.at[pl.ds(0, CCH)]],
                              rows_a, sem_a).wait()
        pltpu.sync_copy(rows_a, acc.at[dst_v.at[pl.ds(j * CCH, CCH)]],
                        add=True)

        @pl.when(j + 2 < nchk)
        def _():
          pltpu.async_copy(
              table_hbm.at[src_v.at[pl.ds((j + 2) * CCH, CCH)]],
              rows_a, sem_a)

        @pl.when(j + 1 < nchk)
        def _():
          pltpu.make_async_copy(table_hbm.at[src_v.at[pl.ds(0, CCH)]],
                                rows_b, sem_b).wait()
          pltpu.sync_copy(rows_b,
                          acc.at[dst_v.at[pl.ds((j + 1) * CCH, CCH)]],
                          add=True)

        return carry

      lax.fori_loop(0, npair, body, 0)
      plsc.subcore_barrier()

      @pl.when(s == 1)
      def _():
        base = c * (nphase * PART) + q * PART
        pltpu.sync_copy(acc.at[pl.ds(0, PART)],
                        out_hbm.at[pl.ds(base, PART)])

      if q + 1 < nphase:
        plsc.subcore_barrier()

  return agg_kernel(table, src_w, dst_w, zrows)


def _tc_prep(deg_parts, x):

  def body(deg_ref, x_ref, p1_ref, dinv_ref):
    deg = jnp.sum(deg_ref[...], axis=(0, 2)) + 1.0
    dinv = lax.rsqrt(jnp.maximum(deg, 1.0))
    p1_ref[...] = x_ref[...] * dinv[:, None]
    dinv_ref[...] = jnp.broadcast_to(dinv[:, None], (BN, 8))

  return pl.pallas_call(
      body,
      grid=(NB,),
      in_specs=[
          pl.BlockSpec((NW, BN, L), lambda i: (0, i, 0)),
          pl.BlockSpec((BN, F_IN), lambda i: (i, 0)),
      ],
      out_specs=[
          pl.BlockSpec((BN, F_IN), lambda i: (i, 0)),
          pl.BlockSpec((BN, 8), lambda i: (i, 0)),
      ],
      out_shape=[
          jax.ShapeDtypeStruct((N, F_IN), jnp.float32),
          jax.ShapeDtypeStruct((N, 8), jnp.float32),
      ],
  )(deg_parts, x)


def _tc_mid(dinv8, p1, agg1, w1r, b1r):
  hw = H // NC

  def body(dinv_ref, p1_ref, a1_ref, w_ref, b_ref, out_ref):
    dinv = dinv_ref[:, 0]
    t1 = a1_ref[...] + p1_ref[...]
    z = jnp.dot(t1, w_ref[0], preferred_element_type=jnp.float32)
    h = jnp.maximum(z * dinv[:, None] + b_ref[0, 0], 0.0)
    out_ref[0] = h * dinv[:, None]

  return pl.pallas_call(
      body,
      grid=(NB, NC),
      in_specs=[
          pl.BlockSpec((BN, 8), lambda i, c: (i, 0)),
          pl.BlockSpec((BN, F_IN), lambda i, c: (i, 0)),
          pl.BlockSpec((BN, F_IN), lambda i, c: (i, 0)),
          pl.BlockSpec((1, F_IN, hw), lambda i, c: (c, 0, 0)),
          pl.BlockSpec((1, 1, hw), lambda i, c: (c, 0, 0)),
      ],
      out_specs=pl.BlockSpec((1, BN, hw), lambda i, c: (c, i, 0)),
      out_shape=jax.ShapeDtypeStruct((NC, N, hw), jnp.float32),
  )(dinv8, p1, agg1, w1r, b1r)


def _tc_final(dinv8, p2s, agg2s, w2r, b2r, wl, blr, batch3):
  hw = H // NC

  def body(dinv_ref, p2_ref, a2_ref, w2_ref, b2_ref, wl_ref, bl_ref,
           bat_ref, out_ref, pool_acc, cnt_acc):
    i = pl.program_id(0)

    @pl.when(i == 0)
    def _():
      pool_acc[...] = jnp.zeros_like(pool_acc)
      cnt_acc[...] = jnp.zeros_like(cnt_acc)

    dinv = dinv_ref[:, 0]
    t2a = a2_ref[0] + p2_ref[0]
    t2b = a2_ref[1] + p2_ref[1]
    z = (jnp.dot(t2a, w2_ref[0], preferred_element_type=jnp.float32)
         + jnp.dot(t2b, w2_ref[1], preferred_element_type=jnp.float32))
    h2 = jnp.maximum(z * dinv[:, None] + b2_ref[0], 0.0)
    bat = bat_ref[0]
    gids = lax.broadcasted_iota(jnp.int32, (G, 1), 0)
    oht = (gids == bat).astype(jnp.float32)
    pool_acc[...] += jnp.dot(oht, h2, preferred_element_type=jnp.float32)
    cnt_acc[...] += jnp.dot(oht, jnp.ones((BN, 8), jnp.float32),
                            preferred_element_type=jnp.float32)
    pooled = pool_acc[...] / jnp.maximum(cnt_acc[...][:, 0:1], 1.0)
    out_ref[...] = (jnp.dot(pooled, wl_ref[...],
                            preferred_element_type=jnp.float32) + bl_ref[0])

  return pl.pallas_call(
      body,
      grid=(NB,),
      in_specs=[
          pl.BlockSpec((BN, 8), lambda i: (i, 0)),
          pl.BlockSpec((NC, BN, hw), lambda i: (0, i, 0)),
          pl.BlockSpec((NC, BN, hw), lambda i: (0, i, 0)),
          pl.BlockSpec((NC, hw, H), lambda i: (0, 0, 0)),
          pl.BlockSpec((1, H), lambda i: (0, 0)),
          pl.BlockSpec((H, C), lambda i: (0, 0)),
          pl.BlockSpec((1, C), lambda i: (0, 0)),
          pl.BlockSpec((1, 1, BN), lambda i: (i, 0, 0)),
      ],
      out_specs=pl.BlockSpec((G, C), lambda i: (0, 0)),
      out_shape=jax.ShapeDtypeStruct((G, C), jnp.float32),
      scratch_shapes=[
          pltpu.VMEM((G, H), jnp.float32),
          pltpu.VMEM((G, 8), jnp.float32),
      ],
  )(dinv8, p2s, agg2s, w2r, b2r, wl, blr, batch3)


def kernel(x, edge_index, batch, W1, b1, W2, b2, Wl, bl):
  nch_half = E // NW // CHUNK
  per_w = E // NS
  slen = (per_w // CCH + 1) * CCH
  pad_n = slen - per_w
  src_pad = jnp.broadcast_to((jnp.arange(pad_n, dtype=jnp.int32) * 83)
                             % N, (NS, pad_n))
  src_p = jnp.concatenate(
      [edge_index[0].reshape(NS, per_w), src_pad], axis=1)
  dst_p = jnp.pad(edge_index[1].reshape(NS, per_w),
                  ((0, 0), (0, pad_n)), constant_values=N)

  zrows = jnp.zeros((PART + DUMP, FW), jnp.float32)
  zhist = jnp.zeros((HALF * L,), jnp.float32)

  deg_parts = _sc_degree(
      edge_index[1].reshape(NS, NC, nch_half, CHUNK),
      zhist).reshape(NW, N, L)

  p1, dinv8 = _tc_prep(deg_parts, x)
  agg1 = _sc_aggregate(p1, src_p, dst_p, zrows, nphase=2,
                       core_quarters=True, split_table=False)[:N]

  w1r = W1.reshape(F_IN, NC, H // NC).transpose(1, 0, 2)
  b1r = b1.reshape(NC, 1, H // NC)
  p2s = _tc_mid(dinv8, p1, agg1, w1r, b1r)

  agg2 = _sc_aggregate(p2s.reshape(NC * N, H // NC), src_p, dst_p,
                       zrows, nphase=4, core_quarters=False,
                       split_table=True).reshape(NC, NPARTS * PART,
                                                 H // NC)[:, :N]

  w2r = W2.reshape(NC, H // NC, H)
  b2r = b2.reshape(1, H)
  blr = bl.reshape(1, C)
  batch3 = batch.reshape(NB, 1, BN)
  return _tc_final(dinv8, p2s, agg2, w2r, b2r, Wl, blr, batch3)

# --- scband reference (transcript-rebuilt; emitter-appended) ---
"""Pipeline reference for scband-gcnclassifier-26560077758581 (READ-ONLY COPY).

The authoritative reference and input builder live on the scoring server;
editing this copy changes nothing except your own understanding.
"""

import jax, jax.numpy as jnp
import numpy as np

N = 10000
E = 320000
F_IN = 128
H = 256
C = 16
G = 64


def setup_inputs(seed: int = 0) -> dict:
    key = jax.random.key(seed)
    ks = jax.random.split(key, 10)
    x = jax.random.normal(ks[0], (N, F_IN), dtype=jnp.float32)
    edge_index = jax.random.randint(ks[1], (2, E), 0, N, dtype=jnp.int32)
    batch = jnp.sort(jax.random.randint(ks[2], (N,), 0, G, dtype=jnp.int32))
    W1 = jax.random.normal(ks[3], (F_IN, H), dtype=jnp.float32) * 0.05
    b1 = jnp.zeros((H,), dtype=jnp.float32)
    W2 = jax.random.normal(ks[4], (H, H), dtype=jnp.float32) * 0.05
    b2 = jnp.zeros((H,), dtype=jnp.float32)
    Wl = jax.random.normal(ks[5], (H, C), dtype=jnp.float32) * 0.05
    bl = jnp.zeros((C,), dtype=jnp.float32)
    return {"x": x, "edge_index": edge_index, "batch": batch,
            "W1": W1, "b1": b1, "W2": W2, "b2": b2, "Wl": Wl, "bl": bl}


def _gcn_conv(x, edge_index, W, b):
    # GCNConv (Kipf & Welling): add self-loops, symmetric normalization,
    # linear transform, scatter-add aggregation, bias.
    h = x @ W
    loop = jnp.arange(N, dtype=edge_index.dtype)
    src = jnp.concatenate([edge_index[0], loop])
    dst = jnp.concatenate([edge_index[1], loop])
    deg = jax.ops.segment_sum(jnp.ones_like(dst, dtype=h.dtype), dst, num_segments=N)
    dinv = jax.lax.rsqrt(jnp.maximum(deg, 1.0))  # deg >= 1 due to self-loops
    norm = dinv[src] * dinv[dst]
    msgs = h[src] * norm[:, None]
    out = jax.ops.segment_sum(msgs, dst, num_segments=N)
    return out + b


def _global_mean_pool(x, batch):
    sums = jax.ops.segment_sum(x, batch, num_segments=G)
    cnts = jax.ops.segment_sum(jnp.ones((x.shape[0],), dtype=x.dtype), batch, num_segments=G)
    return sums / jnp.maximum(cnts, 1.0)[:, None]


def reference(x, edge_index, batch, W1, b1, W2, b2, Wl, bl):
    h = jax.nn.relu(_gcn_conv(x, edge_index, W1, b1))
    h = jax.nn.relu(_gcn_conv(h, edge_index, W2, b2))
    pooled = _global_mean_pool(h, batch)
    return pooled @ Wl + bl

if __name__ == "__main__":
    import jax
    _d = setup_inputs()
    print(jax.jit(kernel)(*tuple(_d.values())))

</pallas_src>

<mosaic_0001>
#map = affine_map<(d0, d1) -> (0, 0, 0, 0)>
#map1 = affine_map<(d0, d1) -> (0)>
#map2 = affine_map<(d0, d1) -> (0, 0)>
module attributes {stable_mosaic.version = 14 : i64} {
  func.func @deg_kernel(%arg0: i32, %arg1: i32, %arg2: memref<16x2x125x80xi32, #tpu.memory_space<hbm>>, %arg3: memref<80000xf32, #tpu.memory_space<hbm>>, %arg4: memref<64x80000xf32, #tpu.memory_space<hbm>>, %arg5: memref<125x80xi32, #tpu.memory_space<vmem>>, %arg6: memref<80000xf32, #tpu.memory_space<vmem>>) attributes {dimension_semantics = [#tpu.dimension_semantics<core_parallel>, #tpu.dimension_semantics<subcore_parallel>], iteration_bounds = array<i64: 2, 16>, scalar_prefetch = 0 : i64, scratch_operands = 2 : i64, tpu.core_type = #tpu.core_type<sc_vector_subcore>, window_params = [{transform_indices = #map}, {transform_indices = #map1}, {transform_indices = #map2}]} {
    %mul3A = arith.constant 16 : i32
    %mul3A_0 = arith.muli %arg0, %mul3A : i32
    %add3A = arith.addi %mul3A_0, %arg1 : i32
    "tpu.region"() ({
      %run_scoped3A = tpu.sem_alloc : memref<!tpu.dma_semaphore, #tpu.memory_space<semaphore_mem>>
      %dma_start3A = arith.constant 0 : i32
      %dma_start3A_21 = arith.constant 0 : i32
      %dma_start3A_22 = tpu.memref_slice %arg2[%arg1, %arg0, %dma_start3A, %dma_start3A_21] : memref<16x2x125x80xi32, #tpu.memory_space<hbm>> -> memref<1x1x125x80xi32, #tpu.memory_space<hbm>>
      %dma_start3A_23 = tpu.memref_squeeze %dma_start3A_22 : memref<1x1x125x80xi32, #tpu.memory_space<hbm>> -> memref<125x80xi32, #tpu.memory_space<hbm>>
      %dma_start3A_24 = arith.constant 0 : i32
      %dma_start3A_25 = arith.constant 0 : i32
      %dma_start3A_26 = tpu.memref_slice %arg2[%arg1, %arg0, %dma_start3A_24, %dma_start3A_25] : memref<16x2x125x80xi32, #tpu.memory_space<hbm>> -> memref<1x1x125x80xi32, #tpu.memory_space<hbm>>
      %dma_start3A_27 = tpu.memref_squeeze %dma_start3A_26 : memref<1x1x125x80xi32, #tpu.memory_space<hbm>> -> memref<125x80xi32, #tpu.memory_space<hbm>>
      tpu.enqueue_dma source(%dma_start3A_27 : memref<125x80xi32, #tpu.memory_space<hbm>>) target(%arg5 : memref<125x80xi32, #tpu.memory_space<vmem>>) target_semaphore(%run_scoped3A : memref<!tpu.dma_semaphore, #tpu.memory_space<semaphore_mem>>)
      %dma_wait3A = arith.constant 0 : i32
      %dma_wait3A_28 = arith.constant 0 : i32
      %dma_wait3A_29 = tpu.memref_slice %arg2[%arg1, %arg0, %dma_wait3A, %dma_wait3A_28] : memref<16x2x125x80xi32, #tpu.memory_space<hbm>> -> memref<1x1x125x80xi32, #tpu.memory_space<hbm>>
      %dma_wait3A_30 = tpu.memref_squeeze %dma_wait3A_29 : memref<1x1x125x80xi32, #tpu.memory_space<hbm>> -> memref<125x80xi32, #tpu.memory_space<hbm>>
      %dma_wait3A_31 = arith.constant 0 : i32
      %dma_wait3A_32 = arith.constant 0 : i32
      %dma_wait3A_33 = tpu.memref_slice %arg2[%arg1, %arg0, %dma_wait3A_31, %dma_wait3A_32] : memref<16x2x125x80xi32, #tpu.memory_space<hbm>> -> memref<1x1x125x80xi32, #tpu.memory_space<hbm>>
      %dma_wait3A_34 = tpu.memref_squeeze %dma_wait3A_33 : memref<1x1x125x80xi32, #tpu.memory_space<hbm>> -> memref<125x80xi32, #tpu.memory_space<hbm>>
      tpu.wait_dma2 semaphore(%run_scoped3A : memref<!tpu.dma_semaphore, #tpu.memory_space<semaphore_mem>>) src(%dma_wait3A_34 : memref<125x80xi32, #tpu.memory_space<hbm>>) dst(%arg5 : memref<125x80xi32, #tpu.memory_space<vmem>>)
      tpu.yield
    }) : () -> ()
    %broadcast_in_dim3A = arith.constant 1.000000e+00 : f32
    %broadcast_in_dim3A_1 = vector.broadcast %broadcast_in_dim3A : f32 to vector<16xf32>
    %iota3A = tpu.iota {dimensions = array<i32: 0>} : vector<16xi32>
    "tpu.region"() ({
      %run_scoped3A = tpu.sem_alloc : memref<!tpu.dma_semaphore, #tpu.memory_space<semaphore_mem>>
      tpu.enqueue_dma source(%arg3 : memref<80000xf32, #tpu.memory_space<hbm>>) target(%arg6 : memref<80000xf32, #tpu.memory_space<vmem>>) target_semaphore(%run_scoped3A : memref<!tpu.dma_semaphore, #tpu.memory_space<semaphore_mem>>)
      tpu.wait_dma2 semaphore(%run_scoped3A : memref<!tpu.dma_semaphore, #tpu.memory_space<semaphore_mem>>) src(%arg3 : memref<80000xf32, #tpu.memory_space<hbm>>) dst(%arg6 : memref<80000xf32, #tpu.memory_space<vmem>>)
      tpu.yield
    }) : () -> ()
    %scan3A = arith.constant 0 : i32
    %scan3A_2 = arith.constant 0 : i32
    %scan3A_3 = arith.constant 125 : i32
    %scan3A_4 = arith.addi %scan3A_2, %scan3A_3 : i32
    %scan3A_5 = arith.constant 1 : i32
    scf.for %scan3A_21 = %scan3A_2 to %scan3A_4 step %scan3A_5  : i32 {
      %get3A = arith.index_cast %scan3A_21 : i32 to index
      %get3A_22 = arith.constant 0 : index
      %get3A_23 = tpu.vector_load %arg5[%get3A, %get3A_22] {strides = array<i32>} : memref<125x80xi32, #tpu.memory_space<vmem>>, vector<16xi32>,
      %sub3A = arith.constant 0 : i32
      %sub3A_24 = vector.broadcast %sub3A : i32 to vector<16xi32>
      %sub3A_25 = arith.subi %get3A_23, %sub3A_24 : vector<16xi32>
      %ge3A = arith.constant 0 : i32
      %ge3A_26 = vector.broadcast %ge3A : i32 to vector<16xi32>
      %ge3A_27 = arith.cmpi sge, %sub3A_25, %ge3A_26 : vector<16xi32>
      %lt3A = arith.constant 5000 : i32
      %lt3A_28 = vector.broadcast %lt3A : i32 to vector<16xi32>
      %lt3A_29 = arith.cmpi slt, %sub3A_25, %lt3A_28 : vector<16xi32>
      %and3A = arith.andi %ge3A_27, %lt3A_29 : vector<16xi1>
      %jit3A = arith.constant 0 : i32
      %jit3A_30 = arith.constant 4999 : i32
      %max3A = vector.broadcast %jit3A : i32 to vector<16xi32>
      %max3A_31 = arith.maxsi %max3A, %sub3A_25 : vector<16xi32>
      %min3A = vector.broadcast %jit3A_30 : i32 to vector<16xi32>
      %min3A_32 = arith.minsi %min3A, %max3A_31 : vector<16xi32>
      %mul3A_33 = arith.constant 16 : i32
      %mul3A_34 = vector.broadcast %mul3A_33 : i32 to vector<16xi32>
      %mul3A_35 = arith.muli %min3A_32, %mul3A_34 : vector<16xi32>
      %add3A_36 = arith.addi %mul3A_35, %iota3A : vector<16xi32>
      tpu.vector_store_idx %arg6[%add3A_36], %broadcast_in_dim3A_1 masked %and3A {add = true} : memref<80000xf32, #tpu.memory_space<vmem>>[vector<16xi32>], vector<16xf32>, vector<16xi1>
      %get3A_37 = arith.index_cast %scan3A_21 : i32 to index
      %get3A_38 = arith.constant 16 : index
      %get3A_39 = tpu.vector_load %arg5[%get3A_37, %get3A_38] {strides = array<i32>} : memref<125x80xi32, #tpu.memory_space<vmem>>, vector<16xi32>,
      %sub3A_40 = arith.constant 0 : i32
      %sub3A_41 = vector.broadcast %sub3A_40 : i32 to vector<16xi32>
      %sub3A_42 = arith.subi %get3A_39, %sub3A_41 : vector<16xi32>
      %ge3A_43 = arith.constant 0 : i32
      %ge3A_44 = vector.broadcast %ge3A_43 : i32 to vector<16xi32>
      %ge3A_45 = arith.cmpi sge, %sub3A_42, %ge3A_44 : vector<16xi32>
      %lt3A_46 = arith.constant 5000 : i32
      %lt3A_47 = vector.broadcast %lt3A_46 : i32 to vector<16xi32>
      %lt3A_48 = arith.cmpi slt, %sub3A_42, %lt3A_47 : vector<16xi32>
      %and3A_49 = arith.andi %ge3A_45, %lt3A_48 : vector<16xi1>
      %jit3A_50 = arith.constant 0 : i32
      %jit3A_51 = arith.constant 4999 : i32
      %max3A_52 = vector.broadcast %jit3A_50 : i32 to vector<16xi32>
      %max3A_53 = arith.maxsi %max3A_52, %sub3A_42 : vector<16xi32>
      %min3A_54 = vector.broadcast %jit3A_51 : i32 to vector<16xi32>
      %min3A_55 = arith.minsi %min3A_54, %max3A_53 : vector<16xi32>
      %mul3A_56 = arith.constant 16 : i32
      %mul3A_57 = vector.broadcast %mul3A_56 : i32 to vector<16xi32>
      %mul3A_58 = arith.muli %min3A_55, %mul3A_57 : vector<16xi32>
      %add3A_59 = arith.addi %mul3A_58, %iota3A : vector<16xi32>
      tpu.vector_store_idx %arg6[%add3A_59], %broadcast_in_dim3A_1 masked %and3A_49 {add = true} : memref<80000xf32, #tpu.memory_space<vmem>>[vector<16xi32>], vector<16xf32>, vector<16xi1>
      %get3A_60 = arith.index_cast %scan3A_21 : i32 to index
      %get3A_61 = arith.constant 32 : index
      %get3A_62 = tpu.vector_load %arg5[%get3A_60, %get3A_61] {strides = array<i32>} : memref<125x80xi32, #tpu.memory_space<vmem>>, vector<16xi32>,
      %sub3A_63 = arith.constant 0 : i32
      %sub3A_64 = vector.broadcast %sub3A_63 : i32 to vector<16xi32>
      %sub3A_65 = arith.subi %get3A_62, %sub3A_64 : vector<16xi32>
      %ge3A_66 = arith.constant 0 : i32
      %ge3A_67 = vector.broadcast %ge3A_66 : i32 to vector<16xi32>
      %ge3A_68 = arith.cmpi sge, %sub3A_65, %ge3A_67 : vector<16xi32>
      %lt3A_69 = arith.constant 5000 : i32
      %lt3A_70 = vector.broadcast %lt3A_69 : i32 to vector<16xi32>
      %lt3A_71 = arith.cmpi slt, %sub3A_65, %lt3A_70 : vector<16xi32>
      %and3A_72 = arith.andi %ge3A_68, %lt3A_71 : vector<16xi1>
      %jit3A_73 = arith.constant 0 : i32
      %jit3A_74 = arith.constant 4999 : i32
      %max3A_75 = vector.broadcast %jit3A_73 : i32 to vector<16xi32>
      %max3A_76 = arith.maxsi %max3A_75, %sub3A_65 : vector<16xi32>
      %min3A_77 = vector.broadcast %jit3A_74 : i32 to vector<16xi32>
      %min3A_78 = arith.minsi %min3A_77, %max3A_76 : vector<16xi32>
      %mul3A_79 = arith.constant 16 : i32
      %mul3A_80 = vector.broadcast %mul3A_79 : i32 to vector<16xi32>
      %mul3A_81 = arith.muli %min3A_78, %mul3A_80 : vector<16xi32>
      %add3A_82 = arith.addi %mul3A_81, %iota3A : vector<16xi32>
      tpu.vector_store_idx %arg6[%add3A_82], %broadcast_in_dim3A_1 masked %and3A_72 {add = true} : memref<80000xf32, #tpu.memory_space<vmem>>[vector<16xi32>], vector<16xf32>, vector<16xi1>
      %get3A_83 = arith.index_cast %scan3A_21 : i32 to index
      %get3A_84 = arith.constant 48 : index
      %get3A_85 = tpu.vector_load %arg5[%get3A_83, %get3A_84] {strides = array<i32>} : memref<125x80xi32, #tpu.memory_space<vmem>>, vector<16xi32>,
      %sub3A_86 = arith.constant 0 : i32
      %sub3A_87 = vector.broadcast %sub3A_86 : i32 to vector<16xi32>
      %sub3A_88 = arith.subi %get3A_85, %sub3A_87 : vector<16xi32>
      %ge3A_89 = arith.constant 0 : i32
      %ge3A_90 = vector.broadcast %ge3A_89 : i32 to vector<16xi32>
      %ge3A_91 = arith.cmpi sge, %sub3A_88, %ge3A_90 : vector<16xi32>
      %lt3A_92 = arith.constant 5000 : i32
      %lt3A_93 = vector.broadcast %lt3A_92 : i32 to vector<16xi32>
      %lt3A_94 = arith.cmpi slt, %sub3A_88, %lt3A_93 : vector<16xi32>
      %and3A_95 = arith.andi %ge3A_91, %lt3A_94 : vector<16xi1>
      %jit3A_96 = arith.constant 0 : i32
      %jit3A_97 = arith.constant 4999 : i32
      %max3A_98 = vector.broadcast %jit3A_96 : i32 to vector<16xi32>
      %max3A_99 = arith.maxsi %max3A_98, %sub3A_88 : vector<16xi32>
      %min3A_100 = vector.broadcast %jit3A_97 : i32 to vector<16xi32>
      %min3A_101 = arith.minsi %min3A_100, %max3A_99 : vector<16xi32>
      %mul3A_102 = arith.constant 16 : i32
      %mul3A_103 = vector.broadcast %mul3A_102 : i32 to vector<16xi32>
      %mul3A_104 = arith.muli %min3A_101, %mul3A_103 : vector<16xi32>
      %add3A_105 = arith.addi %mul3A_104, %iota3A : vector<16xi32>
      tpu.vector_store_idx %arg6[%add3A_105], %broadcast_in_dim3A_1 masked %and3A_95 {add = true} : memref<80000xf32, #tpu.memory_space<vmem>>[vector<16xi32>], vector<16xf32>, vector<16xi1>
      %get3A_106 = arith.index_cast %scan3A_21 : i32 to index
      %get3A_107 = arith.constant 64 : index
      %get3A_108 = tpu.vector_load %arg5[%get3A_106, %get3A_107] {strides = array<i32>} : memref<125x80xi32, #tpu.memory_space<vmem>>, vector<16xi32>,
      %sub3A_109 = arith.constant 0 : i32
      %sub3A_110 = vector.broadcast %sub3A_109 : i32 to vector<16xi32>
      %sub3A_111 = arith.subi %get3A_108, %sub3A_110 : vector<16xi32>
      %ge3A_112 = arith.constant 0 : i32
      %ge3A_113 = vector.broadcast %ge3A_112 : i32 to vector<16xi32>
      %ge3A_114 = arith.cmpi sge, %sub3A_111, %ge3A_113 : vector<16xi32>
      %lt3A_115 = arith.constant 5000 : i32
      %lt3A_116 = vector.broadcast %lt3A_115 : i32 to vector<16xi32>
      %lt3A_117 = arith.cmpi slt, %sub3A_111, %lt3A_116 : vector<16xi32>
      %and3A_118 = arith.andi %ge3A_114, %lt3A_117 : vector<16xi1>
      %jit3A_119 = arith.constant 0 : i32
      %jit3A_120 = arith.constant 4999 : i32
      %max3A_121 = vector.broadcast %jit3A_119 : i32 to vector<16xi32>
      %max3A_122 = arith.maxsi %max3A_121, %sub3A_111 : vector<16xi32>
      %min3A_123 = vector.broadcast %jit3A_120 : i32 to vector<16xi32>
      %min3A_124 = arith.minsi %min3A_123, %max3A_122 : vector<16xi32>
      %mul3A_125 = arith.constant 16 : i32
      %mul3A_126 = vector.broadcast %mul3A_125 : i32 to vector<16xi32>
      %mul3A_127 = arith.muli %min3A_124, %mul3A_126 : vector<16xi32>
      %add3A_128 = arith.addi %mul3A_127, %iota3A : vector<16xi32>
      tpu.vector_store_idx %arg6[%add3A_128], %broadcast_in_dim3A_1 masked %and3A_118 {add = true} : memref<80000xf32, #tpu.memory_space<vmem>>[vector<16xi32>], vector<16xf32>, vector<16xi1>
    }
    %scan3A_6 = arith.constant 125 : i32
    %mul3A_7 = arith.constant 2 : i32
    %mul3A_8 = arith.muli %add3A, %mul3A_7 : i32
    %add3A_9 = arith.constant 0 : i32
    %add3A_10 = arith.addi %mul3A_8, %add3A_9 : i32
    "tpu.region"() ({
      %run_scoped3A = tpu.sem_alloc : memref<!tpu.dma_semaphore, #tpu.memory_space<semaphore_mem>>
      %dma_start3A = arith.constant 0 : i32
      %dma_start3A_21 = tpu.memref_slice %arg4[%add3A_10, %dma_start3A] : memref<64x80000xf32, #tpu.memory_space<hbm>> -> memref<1x80000xf32, #tpu.memory_space<hbm>>
      %dma_start3A_22 = tpu.memref_squeeze %dma_start3A_21 : memref<1x80000xf32, #tpu.memory_space<hbm>> -> memref<80000xf32, #tpu.memory_space<hbm>>
      %dma_start3A_23 = arith.constant 0 : i32
      %dma_start3A_24 = tpu.memref_slice %arg4[%add3A_10, %dma_start3A_23] : memref<64x80000xf32, #tpu.memory_space<hbm>> -> memref<1x80000xf32, #tpu.memory_space<hbm>>
      %dma_start3A_25 = tpu.memref_squeeze %dma_start3A_24 : memref<1x80000xf32, #tpu.memory_space<hbm>> -> memref<80000xf32, #tpu.memory_space<hbm>>
      tpu.enqueue_dma source(%arg6 : memref<80000xf32, #tpu.memory_space<vmem>>) target(%dma_start3A_25 : memref<80000xf32, #tpu.memory_space<hbm>>) target_semaphore(%run_scoped3A : memref<!tpu.dma_semaphore, #tpu.memory_space<semaphore_mem>>)
      %dma_wait3A = arith.constant 0 : i32
      %dma_wait3A_26 = tpu.memref_slice %arg4[%add3A_10, %dma_wait3A] : memref<64x80000xf32, #tpu.memory_space<hbm>> -> memref<1x80000xf32, #tpu.memory_space<hbm>>
      %dma_wait3A_27 = tpu.memref_squeeze %dma_wait3A_26 : memref<1x80000xf32, #tpu.memory_space<hbm>> -> memref<80000xf32, #tpu.memory_space<hbm>>
      %dma_wait3A_28 = arith.constant 0 : i32
      %dma_wait3A_29 = tpu.memref_slice %arg4[%add3A_10, %dma_wait3A_28] : memref<64x80000xf32, #tpu.memory_space<hbm>> -> memref<1x80000xf32, #tpu.memory_space<hbm>>
      %dma_wait3A_30 = tpu.memref_squeeze %dma_wait3A_29 : memref<1x80000xf32, #tpu.memory_space<hbm>> -> memref<80000xf32, #tpu.memory_space<hbm>>
      tpu.wait_dma2 semaphore(%run_scoped3A : memref<!tpu.dma_semaphore, #tpu.memory_space<semaphore_mem>>) src(%arg6 : memref<80000xf32, #tpu.memory_space<vmem>>) dst(%dma_wait3A_30 : memref<80000xf32, #tpu.memory_space<hbm>>)
      tpu.yield
    }) : () -> ()
    "tpu.region"() ({
      %run_scoped3A = tpu.sem_alloc : memref<!tpu.dma_semaphore, #tpu.memory_space<semaphore_mem>>
      tpu.enqueue_dma source(%arg3 : memref<80000xf32, #tpu.memory_space<hbm>>) target(%arg6 : memref<80000xf32, #tpu.memory_space<vmem>>) target_semaphore(%run_scoped3A : memref<!tpu.dma_semaphore, #tpu.memory_space<semaphore_mem>>)
      tpu.wait_dma2 semaphore(%run_scoped3A : memref<!tpu.dma_semaphore, #tpu.memory_space<semaphore_mem>>) src(%arg3 : memref<80000xf32, #tpu.memory_space<hbm>>) dst(%arg6 : memref<80000xf32, #tpu.memory_space<vmem>>)
      tpu.yield
    }) : () -> ()
    %scan3A_11 = arith.constant 0 : i32
    %scan3A_12 = arith.constant 0 : i32
    %scan3A_13 = arith.constant 125 : i32
    %scan3A_14 = arith.addi %scan3A_12, %scan3A_13 : i32
    %scan3A_15 = arith.constant 1 : i32
    scf.for %scan3A_21 = %scan3A_12 to %scan3A_14 step %scan3A_15  : i32 {
      %get3A = arith.index_cast %scan3A_21 : i32 to index
      %get3A_22 = arith.constant 0 : index
      %get3A_23 = tpu.vector_load %arg5[%get3A, %get3A_22] {strides = array<i32>} : memref<125x80xi32, #tpu.memory_space<vmem>>, vector<16xi32>,
      %sub3A = arith.constant 5000 : i32
      %sub3A_24 = vector.broadcast %sub3A : i32 to vector<16xi32>
      %sub3A_25 = arith.subi %get3A_23, %sub3A_24 : vector<16xi32>
      %ge3A = arith.constant 0 : i32
      %ge3A_26 = vector.broadcast %ge3A : i32 to vector<16xi32>
      %ge3A_27 = arith.cmpi sge, %sub3A_25, %ge3A_26 : vector<16xi32>
      %lt3A = arith.constant 5000 : i32
      %lt3A_28 = vector.broadcast %lt3A : i32 to vector<16xi32>
      %lt3A_29 = arith.cmpi slt, %sub3A_25, %lt3A_28 : vector<16xi32>
      %and3A = arith.andi %ge3A_27, %lt3A_29 : vector<16xi1>
      %jit3A = arith.constant 0 : i32
      %jit3A_30 = arith.constant 4999 : i32
      %max3A = vector.broadcast %jit3A : i32 to vector<16xi32>
      %max3A_31 = arith.maxsi %max3A, %sub3A_25 : vector<16xi32>
      %min3A = vector.broadcast %jit3A_30 : i32 to vector<16xi32>
      %min3A_32 = arith.minsi %min3A, %max3A_31 : vector<16xi32>
      %mul3A_33 = arith.constant 16 : i32
      %mul3A_34 = vector.broadcast %mul3A_33 : i32 to vector<16xi32>
      %mul3A_35 = arith.muli %min3A_32, %mul3A_34 : vector<16xi32>
      %add3A_36 = arith.addi %mul3A_35, %iota3A : vector<16xi32>
      tpu.vector_store_idx %arg6[%add3A_36], %broadcast_in_dim3A_1 masked %and3A {add = true} : memref<80000xf32, #tpu.memory_space<vmem>>[vector<16xi32>], vector<16xf32>, vector<16xi1>
      %get3A_37 = arith.index_cast %scan3A_21 : i32 to index
      %get3A_38 = arith.constant 16 : index
      %get3A_39 = tpu.vector_load %arg5[%get3A_37, %get3A_38] {strides = array<i32>} : memref<125x80xi32, #tpu.memory_space<vmem>>, vector<16xi32>,
      %sub3A_40 = arith.constant 5000 : i32
      %sub3A_41 = vector.broadcast %sub3A_40 : i32 to vector<16xi32>
      %sub3A_42 = arith.subi %get3A_39, %sub3A_41 : vector<16xi32>
      %ge3A_43 = arith.constant 0 : i32
      %ge3A_44 = vector.broadcast %ge3A_43 : i32 to vector<16xi32>
      %ge3A_45 = arith.cmpi sge, %sub3A_42, %ge3A_44 : vector<16xi32>
      %lt3A_46 = arith.constant 5000 : i32
      %lt3A_47 = vector.broadcast %lt3A_46 : i32 to vector<16xi32>
      %lt3A_48 = arith.cmpi slt, %sub3A_42, %lt3A_47 : vector<16xi32>
      %and3A_49 = arith.andi %ge3A_45, %lt3A_48 : vector<16xi1>
      %jit3A_50 = arith.constant 0 : i32
      %jit3A_51 = arith.constant 4999 : i32
      %max3A_52 = vector.broadcast %jit3A_50 : i32 to vector<16xi32>
      %max3A_53 = arith.maxsi %max3A_52, %sub3A_42 : vector<16xi32>
      %min3A_54 = vector.broadcast %jit3A_51 : i32 to vector<16xi32>
      %min3A_55 = arith.minsi %min3A_54, %max3A_53 : vector<16xi32>
      %mul3A_56 = arith.constant 16 : i32
      %mul3A_57 = vector.broadcast %mul3A_56 : i32 to vector<16xi32>
      %mul3A_58 = arith.muli %min3A_55, %mul3A_57 : vector<16xi32>
      %add3A_59 = arith.addi %mul3A_58, %iota3A : vector<16xi32>
      tpu.vector_store_idx %arg6[%add3A_59], %broadcast_in_dim3A_1 masked %and3A_49 {add = true} : memref<80000xf32, #tpu.memory_space<vmem>>[vector<16xi32>], vector<16xf32>, vector<16xi1>
      %get3A_60 = arith.index_cast %scan3A_21 : i32 to index
      %get3A_61 = arith.constant 32 : index
      %get3A_62 = tpu.vector_load %arg5[%get3A_60, %get3A_61] {strides = array<i32>} : memref<125x80xi32, #tpu.memory_space<vmem>>, vector<16xi32>,
      %sub3A_63 = arith.constant 5000 : i32
      %sub3A_64 = vector.broadcast %sub3A_63 : i32 to vector<16xi32>
      %sub3A_65 = arith.subi %get3A_62, %sub3A_64 : vector<16xi32>
      %ge3A_66 = arith.constant 0 : i32
      %ge3A_67 = vector.broadcast %ge3A_66 : i32 to vector<16xi32>
      %ge3A_68 = arith.cmpi sge, %sub3A_65, %ge3A_67 : vector<16xi32>
      %lt3A_69 = arith.constant 5000 : i32
      %lt3A_70 = vector.broadcast %lt3A_69 : i32 to vector<16xi32>
      %lt3A_71 = arith.cmpi slt, %sub3A_65, %lt3A_70 : vector<16xi32>
      %and3A_72 = arith.andi %ge3A_68, %lt3A_71 : vector<16xi1>
      %jit3A_73 = arith.constant 0 : i32
      %jit3A_74 = arith.constant 4999 : i32
      %max3A_75 = vector.broadcast %jit3A_73 : i32 to vector<16xi32>
      %max3A_76 = arith.maxsi %max3A_75, %sub3A_65 : vector<16xi32>
      %min3A_77 = vector.broadcast %jit3A_74 : i32 to vector<16xi32>
      %min3A_78 = arith.minsi %min3A_77, %max3A_76 : vector<16xi32>
      %mul3A_79 = arith.constant 16 : i32
      %mul3A_80 = vector.broadcast %mul3A_79 : i32 to vector<16xi32>
      %mul3A_81 = arith.muli %min3A_78, %mul3A_80 : vector<16xi32>
      %add3A_82 = arith.addi %mul3A_81, %iota3A : vector<16xi32>
      tpu.vector_store_idx %arg6[%add3A_82], %broadcast_in_dim3A_1 masked %and3A_72 {add = true} : memref<80000xf32, #tpu.memory_space<vmem>>[vector<16xi32>], vector<16xf32>, vector<16xi1>
      %get3A_83 = arith.index_cast %scan3A_21 : i32 to index
      %get3A_84 = arith.constant 48 : index
      %get3A_85 = tpu.vector_load %arg5[%get3A_83, %get3A_84] {strides = array<i32>} : memref<125x80xi32, #tpu.memory_space<vmem>>, vector<16xi32>,
      %sub3A_86 = arith.constant 5000 : i32
      %sub3A_87 = vector.broadcast %sub3A_86 : i32 to vector<16xi32>
      %sub3A_88 = arith.subi %get3A_85, %sub3A_87 : vector<16xi32>
      %ge3A_89 = arith.constant 0 : i32
      %ge3A_90 = vector.broadcast %ge3A_89 : i32 to vector<16xi32>
      %ge3A_91 = arith.cmpi sge, %sub3A_88, %ge3A_90 : vector<16xi32>
      %lt3A_92 = arith.constant 5000 : i32
      %lt3A_93 = vector.broadcast %lt3A_92 : i32 to vector<16xi32>
      %lt3A_94 = arith.cmpi slt, %sub3A_88, %lt3A_93 : vector<16xi32>
      %and3A_95 = arith.andi %ge3A_91, %lt3A_94 : vector<16xi1>
      %jit3A_96 = arith.constant 0 : i32
      %jit3A_97 = arith.constant 4999 : i32
      %max3A_98 = vector.broadcast %jit3A_96 : i32 to vector<16xi32>
      %max3A_99 = arith.maxsi %max3A_98, %sub3A_88 : vector<16xi32>
      %min3A_100 = vector.broadcast %jit3A_97 : i32 to vector<16xi32>
      %min3A_101 = arith.minsi %min3A_100, %max3A_99 : vector<16xi32>
      %mul3A_102 = arith.constant 16 : i32
      %mul3A_103 = vector.broadcast %mul3A_102 : i32 to vector<16xi32>
      %mul3A_104 = arith.muli %min3A_101, %mul3A_103 : vector<16xi32>
      %add3A_105 = arith.addi %mul3A_104, %iota3A : vector<16xi32>
      tpu.vector_store_idx %arg6[%add3A_105], %broadcast_in_dim3A_1 masked %and3A_95 {add = true} : memref<80000xf32, #tpu.memory_space<vmem>>[vector<16xi32>], vector<16xf32>, vector<16xi1>
      %get3A_106 = arith.index_cast %scan3A_21 : i32 to index
      %get3A_107 = arith.constant 64 : index
      %get3A_108 = tpu.vector_load %arg5[%get3A_106, %get3A_107] {strides = array<i32>} : memref<125x80xi32, #tpu.memory_space<vmem>>, vector<16xi32>,
      %sub3A_109 = arith.constant 5000 : i32
      %sub3A_110 = vector.broadcast %sub3A_109 : i32 to vector<16xi32>
      %sub3A_111 = arith.subi %get3A_108, %sub3A_110 : vector<16xi32>
      %ge3A_112 = arith.constant 0 : i32
      %ge3A_113 = vector.broadcast %ge3A_112 : i32 to vector<16xi32>
      %ge3A_114 = arith.cmpi sge, %sub3A_111, %ge3A_113 : vector<16xi32>
      %lt3A_115 = arith.constant 5000 : i32
      %lt3A_116 = vector.broadcast %lt3A_115 : i32 to vector<16xi32>
      %lt3A_117 = arith.cmpi slt, %sub3A_111, %lt3A_116 : vector<16xi32>
      %and3A_118 = arith.andi %ge3A_114, %lt3A_117 : vector<16xi1>
      %jit3A_119 = arith.constant 0 : i32
      %jit3A_120 = arith.constant 4999 : i32
      %max3A_121 = vector.broadcast %jit3A_119 : i32 to vector<16xi32>
      %max3A_122 = arith.maxsi %max3A_121, %sub3A_111 : vector<16xi32>
      %min3A_123 = vector.broadcast %jit3A_120 : i32 to vector<16xi32>
      %min3A_124 = arith.minsi %min3A_123, %max3A_122 : vector<16xi32>
      %mul3A_125 = arith.constant 16 : i32
      %mul3A_126 = vector.broadcast %mul3A_125 : i32 to vector<16xi32>
      %mul3A_127 = arith.muli %min3A_124, %mul3A_126 : vector<16xi32>
      %add3A_128 = arith.addi %mul3A_127, %iota3A : vector<16xi32>
      tpu.vector_store_idx %arg6[%add3A_128], %broadcast_in_dim3A_1 masked %and3A_118 {add = true} : memref<80000xf32, #tpu.memory_space<vmem>>[vector<16xi32>], vector<16xf32>, vector<16xi1>
    }
    %scan3A_16 = arith.constant 125 : i32
    %mul3A_17 = arith.constant 2 : i32
    %mul3A_18 = arith.muli %add3A, %mul3A_17 : i32
    %add3A_19 = arith.constant 1 : i32
    %add3A_20 = arith.addi %mul3A_18, %add3A_19 : i32
    "tpu.region"() ({
      %run_scoped3A = tpu.sem_alloc : memref<!tpu.dma_semaphore, #tpu.memory_space<semaphore_mem>>
      %dma_start3A = arith.constant 0 : i32
      %dma_start3A_21 = tpu.memref_slice %arg4[%add3A_20, %dma_start3A] : memref<64x80000xf32, #tpu.memory_space<hbm>> -> memref<1x80000xf32, #tpu.memory_space<hbm>>
      %dma_start3A_22 = tpu.memref_squeeze %dma_start3A_21 : memref<1x80000xf32, #tpu.memory_space<hbm>> -> memref<80000xf32, #tpu.memory_space<hbm>>
      %dma_start3A_23 = arith.constant 0 : i32
      %dma_start3A_24 = tpu.memref_slice %arg4[%add3A_20, %dma_start3A_23] : memref<64x80000xf32, #tpu.memory_space<hbm>> -> memref<1x80000xf32, #tpu.memory_space<hbm>>
      %dma_start3A_25 = tpu.memref_squeeze %dma_start3A_24 : memref<1x80000xf32, #tpu.memory_space<hbm>> -> memref<80000xf32, #tpu.memory_space<hbm>>
      tpu.enqueue_dma source(%arg6 : memref<80000xf32, #tpu.memory_space<vmem>>) target(%dma_start3A_25 : memref<80000xf32, #tpu.memory_space<hbm>>) target_semaphore(%run_scoped3A : memref<!tpu.dma_semaphore, #tpu.memory_space<semaphore_mem>>)
      %dma_wait3A = arith.constant 0 : i32
      %dma_wait3A_26 = tpu.memref_slice %arg4[%add3A_20, %dma_wait3A] : memref<64x80000xf32, #tpu.memory_space<hbm>> -> memref<1x80000xf32, #tpu.memory_space<hbm>>
      %dma_wait3A_27 = tpu.memref_squeeze %dma_wait3A_26 : memref<1x80000xf32, #tpu.memory_space<hbm>> -> memref<80000xf32, #tpu.memory_space<hbm>>
      %dma_wait3A_28 = arith.constant 0 : i32
      %dma_wait3A_29 = tpu.memref_slice %arg4[%add3A_20, %dma_wait3A_28] : memref<64x80000xf32, #tpu.memory_space<hbm>> -> memref<1x80000xf32, #tpu.memory_space<hbm>>
      %dma_wait3A_30 = tpu.memref_squeeze %dma_wait3A_29 : memref<1x80000xf32, #tpu.memory_space<hbm>> -> memref<80000xf32, #tpu.memory_space<hbm>>
      tpu.wait_dma2 semaphore(%run_scoped3A : memref<!tpu.dma_semaphore, #tpu.memory_space<semaphore_mem>>) src(%arg6 : memref<80000xf32, #tpu.memory_space<vmem>>) dst(%dma_wait3A_30 : memref<80000xf32, #tpu.memory_space<hbm>>)
      tpu.yield
    }) : () -> ()
    return
  }
}

#map = affine_map<(d0, d1) -> (0, 0)>
module attributes {stable_mosaic.version = 14 : i64} {
  func.func @agg_kernel(%arg0: i32, %arg1: i32, %arg2: memref<20000x128xf32, #tpu.memory_space<hbm>>, %arg3: memref<16x20096xi32, #tpu.memory_space<hbm>>, %arg4: memref<16x20096xi32, #tpu.memory_space<hbm>>, %arg5: memref<2568x128xf32, #tpu.memory_space<hbm>>, %arg6: memref<20032x128xf32, #tpu.memory_space<hbm>>, %arg7: memref<20224xi32, #tpu.memory_space<vmem>>, %arg8: memref<20224xi32, #tpu.memory_space<vmem>>, %arg9: memref<128x128xf32, #tpu.memory_space<vmem>>, %arg10: memref<128x128xf32, #tpu.memory_space<vmem>>, %arg11: memref<2568x128xf32, #tpu.memory_space<vmem_shared>>, %arg12: memref<!tpu.dma_semaphore, #tpu.memory_space<semaphore_mem>>, %arg13: memref<!tpu.dma_semaphore, #tpu.memory_space<semaphore_mem>>) attributes {dimension_semantics = [#tpu.dimension_semantics<core_parallel>, #tpu.dimension_semantics<subcore_parallel>], iteration_bounds = array<i64: 2, 16>, scalar_prefetch = 0 : i64, scratch_operands = 7 : i64, tpu.core_type = #tpu.core_type<sc_vector_subcore>, window_params = [{transform_indices = #map}, {transform_indices = #map}, {transform_indices = #map}, {transform_indices = #map}, {transform_indices = #map}]} {
    %iota3A = tpu.iota {dimensions = array<i32: 0>} : vector<16xi32>
    %eq3A = arith.constant 0 : i32
    %eq3A_0 = arith.cmpi eq, %arg1, %eq3A : i32
    %convert_element_type3A = arith.extui %eq3A_0 : i1 to i32
    %cond3A = arith.constant 0 : i32
    %cond3A_1 = arith.cmpi ne, %convert_element_type3A, %cond3A : i32
    scf.if %cond3A_1 {
      "tpu.region"() ({
        %run_scoped3A = tpu.sem_alloc : memref<!tpu.dma_semaphore, #tpu.memory_space<semaphore_mem>>
        tpu.enqueue_dma source(%arg5 : memref<2568x128xf32, #tpu.memory_space<hbm>>) target(%arg11 : memref<2568x128xf32, #tpu.memory_space<vmem_shared>>) target_semaphore(%run_scoped3A : memref<!tpu.dma_semaphore, #tpu.memory_space<semaphore_mem>>)
        tpu.wait_dma2 semaphore(%run_scoped3A : memref<!tpu.dma_semaphore, #tpu.memory_space<semaphore_mem>>) src(%arg5 : memref<2568x128xf32, #tpu.memory_space<hbm>>) dst(%arg11 : memref<2568x128xf32, #tpu.memory_space<vmem_shared>>)
        tpu.yield
      }) : () -> ()
    } else {
    }
    "tpu.region"() ({
      %run_scoped3A = tpu.sem_alloc : memref<!tpu.dma_semaphore, #tpu.memory_space<semaphore_mem>>
      %dma_start3A_1169 = arith.constant 0 : i32
      %dma_start3A_1170 = tpu.memref_slice %arg7[%dma_start3A_1169] : memref<20224xi32, #tpu.memory_space<vmem>> -> memref<20096xi32, #tpu.memory_space<vmem>>
      %dma_start3A_1171 = arith.constant 0 : i32
      %dma_start3A_1172 = tpu.memref_slice %arg3[%arg1, %dma_start3A_1171] : memref<16x20096xi32, #tpu.memory_space<hbm>> -> memref<1x20096xi32, #tpu.memory_space<hbm>>
      %dma_start3A_1173 = tpu.memref_squeeze %dma_start3A_1172 : memref<1x20096xi32, #tpu.memory_space<hbm>> -> memref<20096xi32, #tpu.memory_space<hbm>>
      %dma_start3A_1174 = arith.constant 0 : i32
      %dma_start3A_1175 = tpu.memref_slice %arg7[%dma_start3A_1174] : memref<20224xi32, #tpu.memory_space<vmem>> -> memref<20096xi32, #tpu.memory_space<vmem>>
      %dma_start3A_1176 = arith.constant 0 : i32
      %dma_start3A_1177 = tpu.memref_slice %arg3[%arg1, %dma_start3A_1176] : memref<16x20096xi32, #tpu.memory_space<hbm>> -> memref<1x20096xi32, #tpu.memory_space<hbm>>
      %dma_start3A_1178 = tpu.memref_squeeze %dma_start3A_1177 : memref<1x20096xi32, #tpu.memory_space<hbm>> -> memref<20096xi32, #tpu.memory_space<hbm>>
      tpu.enqueue_dma source(%dma_start3A_1178 : memref<20096xi32, #tpu.memory_space<hbm>>) target(%dma_start3A_1175 : memref<20096xi32, #tpu.memory_space<vmem>>) target_semaphore(%run_scoped3A : memref<!tpu.dma_semaphore, #tpu.memory_space<semaphore_mem>>)
      %dma_wait3A = arith.constant 0 : i32
      %dma_wait3A_1179 = tpu.memref_slice %arg7[%dma_wait3A] : memref<20224xi32, #tpu.memory_space<vmem>> -> memref<20096xi32, #tpu.memory_space<vmem>>
      %dma_wait3A_1180 = arith.constant 0 : i32
      %dma_wait3A_1181 = tpu.memref_slice %arg3[%arg1, %dma_wait3A_1180] : memref<16x20096xi32, #tpu.memory_space<hbm>> -> memref<1x20096xi32, #tpu.memory_space<hbm>>
      %dma_wait3A_1182 = tpu.memref_squeeze %dma_wait3A_1181 : memref<1x20096xi32, #tpu.memory_space<hbm>> -> memref<20096xi32, #tpu.memory_space<hbm>>
      %dma_wait3A_1183 = arith.constant 0 : i32
      %dma_wait3A_1184 = tpu.memref_slice %arg7[%dma_wait3A_1183] : memref<20224xi32, #tpu.memory_space<vmem>> -> memref<20096xi32, #tpu.memory_space<vmem>>
      %dma_wait3A_1185 = arith.constant 0 : i32
      %dma_wait3A_1186 = tpu.memref_slice %arg3[%arg1, %dma_wait3A_1185] : memref<16x20096xi32, #tpu.memory_space<hbm>> -> memref<1x20096xi32, #tpu.memory_space<hbm>>
      %dma_wait3A_1187 = tpu.memref_squeeze %dma_wait3A_1186 : memref<1x20096xi32, #tpu.memory_space<hbm>> -> memref<20096xi32, #tpu.memory_space<hbm>>
      tpu.wait_dma2 semaphore(%run_scoped3A : memref<!tpu.dma_semaphore, #tpu.memory_space<semaphore_mem>>) src(%dma_wait3A_1187 : memref<20096xi32, #tpu.memory_space<hbm>>) dst(%dma_wait3A_1184 : memref<20096xi32, #tpu.memory_space<vmem>>)
      tpu.yield
    }) : () -> ()
    "tpu.region"() ({
      %run_scoped3A = tpu.sem_alloc : memref<!tpu.dma_semaphore, #tpu.memory_space<semaphore_mem>>
      %dma_start3A_1169 = arith.constant 0 : i32
      %dma_start3A_1170 = tpu.memref_slice %arg8[%dma_start3A_1169] : memref<20224xi32, #tpu.memory_space<vmem>> -> memref<20096xi32, #tpu.memory_space<vmem>>
      %dma_start3A_1171 = arith.constant 0 : i32
      %dma_start3A_1172 = tpu.memref_slice %arg4[%arg1, %dma_start3A_1171] : memref<16x20096xi32, #tpu.memory_space<hbm>> -> memref<1x20096xi32, #tpu.memory_space<hbm>>
      %dma_start3A_1173 = tpu.memref_squeeze %dma_start3A_1172 : memref<1x20096xi32, #tpu.memory_space<hbm>> -> memref<20096xi32, #tpu.memory_space<hbm>>
      %dma_start3A_1174 = arith.constant 0 : i32
      %dma_start3A_1175 = tpu.memref_slice %arg8[%dma_start3A_1174] : memref<20224xi32, #tpu.memory_space<vmem>> -> memref<20096xi32, #tpu.memory_space<vmem>>
      %dma_start3A_1176 = arith.constant 0 : i32
      %dma_start3A_1177 = tpu.memref_slice %arg4[%arg1, %dma_start3A_1176] : memref<16x20096xi32, #tpu.memory_space<hbm>> -> memref<1x20096xi32, #tpu.memory_space<hbm>>
      %dma_start3A_1178 = tpu.memref_squeeze %dma_start3A_1177 : memref<1x20096xi32, #tpu.memory_space<hbm>> -> memref<20096xi32, #tpu.memory_space<hbm>>
      tpu.enqueue_dma source(%dma_start3A_1178 : memref<20096xi32, #tpu.memory_space<hbm>>) target(%dma_start3A_1175 : memref<20096xi32, #tpu.memory_space<vmem>>) target_semaphore(%run_scoped3A : memref<!tpu.dma_semaphore, #tpu.memory_space<semaphore_mem>>)
      %dma_wait3A = arith.constant 0 : i32
      %dma_wait3A_1179 = tpu.memref_slice %arg8[%dma_wait3A] : memref<20224xi32, #tpu.memory_space<vmem>> -> memref<20096xi32, #tpu.memory_space<vmem>>
      %dma_wait3A_1180 = arith.constant 0 : i32
      %dma_wait3A_1181 = tpu.memref_slice %arg4[%arg1, %dma_wait3A_1180] : memref<16x20096xi32, #tpu.memory_space<hbm>> -> memref<1x20096xi32, #tpu.memory_space<hbm>>
      %dma_wait3A_1182 = tpu.memref_squeeze %dma_wait3A_1181 : memref<1x20096xi32, #tpu.memory_space<hbm>> -> memref<20096xi32, #tpu.memory_space<hbm>>
      %dma_wait3A_1183 = arith.constant 0 : i32
      %dma_wait3A_1184 = tpu.memref_slice %arg8[%dma_wait3A_1183] : memref<20224xi32, #tpu.memory_space<vmem>> -> memref<20096xi32, #tpu.memory_space<vmem>>
      %dma_wait3A_1185 = arith.constant 0 : i32
      %dma_wait3A_1186 = tpu.memref_slice %arg4[%arg1, %dma_wait3A_1185] : memref<16x20096xi32, #tpu.memory_space<hbm>> -> memref<1x20096xi32, #tpu.memory_space<hbm>>
      %dma_wait3A_1187 = tpu.memref_squeeze %dma_wait3A_1186 : memref<1x20096xi32, #tpu.memory_space<hbm>> -> memref<20096xi32, #tpu.memory_space<hbm>>
      tpu.wait_dma2 semaphore(%run_scoped3A : memref<!tpu.dma_semaphore, #tpu.memory_space<semaphore_mem>>) src(%dma_wait3A_1187 : memref<20096xi32, #tpu.memory_space<hbm>>) dst(%dma_wait3A_1184 : memref<20096xi32, #tpu.memory_space<vmem>>)
      tpu.yield
    }) : () -> ()
    %mul3A = arith.constant 10000 : i32
    %mul3A_2 = arith.muli %arg0, %mul3A : i32
    %scan3A = arith.constant 0 : i32
    %scan3A_3 = arith.constant 0 : i32
    %scan3A_4 = arith.constant 1256 : i32
    %scan3A_5 = arith.addi %scan3A_3, %scan3A_4 : i32
    %scan3A_6 = arith.constant 1 : i32
    %scan3A_7 = scf.for %scan3A_1169 = %scan3A_3 to %scan3A_5 step %scan3A_6 iter_args(%scan3A_1170 = %scan3A) -> (i32)  : i32 {
      %mul3A_1171 = arith.constant 16 : i32
      %mul3A_1172 = arith.muli %scan3A_1169, %mul3A_1171 : i32
      %get3A = arith.index_cast %mul3A_1172 : i32 to index
      %get3A_1173 = tpu.vector_load %arg8[%get3A] {strides = array<i32>} : memref<20224xi32, #tpu.memory_space<vmem>>, vector<16xi32>,
      %sub3A_1174 = arith.constant 0 : i32
      %sub3A_1175 = vector.broadcast %sub3A_1174 : i32 to vector<16xi32>
      %sub3A_1176 = arith.subi %get3A_1173, %sub3A_1175 : vector<16xi32>
      %mul3A_1177 = arith.constant 16 : i32
      %mul3A_1178 = arith.muli %scan3A_1169, %mul3A_1177 : i32
      %get3A_1179 = arith.index_cast %mul3A_1178 : i32 to index
      %get3A_1180 = tpu.vector_load %arg7[%get3A_1179] {strides = array<i32>} : memref<20224xi32, #tpu.memory_space<vmem>>, vector<16xi32>,
      %add3A_1181 = vector.broadcast %mul3A_2 : i32 to vector<16xi32>
      %add3A_1182 = arith.addi %get3A_1180, %add3A_1181 : vector<16xi32>
      %ge3A = arith.constant 0 : i32
      %ge3A_1183 = vector.broadcast %ge3A : i32 to vector<16xi32>
      %ge3A_1184 = arith.cmpi sge, %sub3A_1176, %ge3A_1183 : vector<16xi32>
      %lt3A = arith.constant 2504 : i32
      %lt3A_1185 = vector.broadcast %lt3A : i32 to vector<16xi32>
      %lt3A_1186 = arith.cmpi slt, %sub3A_1176, %lt3A_1185 : vector<16xi32>
      %and3A_1187 = arith.andi %ge3A_1184, %lt3A_1186 : vector<16xi1>
      %swap3A_1188 = arith.index_cast %scan3A_1170 : i32 to index
      %swap3A_1189 = tpu.vector_load %arg8[%swap3A_1188] masked %and3A_1187 {strides = array<i32>} : memref<20224xi32, #tpu.memory_space<vmem>>, vector<16xi32>, vector<16xi1>
      tpu.vector_store %arg8[%swap3A_1188], %sub3A_1176 masked %and3A_1187 {strides = array<i32>} : memref<20224xi32, #tpu.memory_space<vmem>>, vector<16xi32>, vector<16xi1>
      %swap3A_1190 = arith.index_cast %scan3A_1170 : i32 to index
      %swap3A_1191 = tpu.vector_load %arg7[%swap3A_1190] masked %and3A_1187 {strides = array<i32>} : memref<20224xi32, #tpu.memory_space<vmem>>, vector<16xi32>, vector<16xi1>
      tpu.vector_store %arg7[%swap3A_1190], %add3A_1182 masked %and3A_1187 {strides = array<i32>} : memref<20224xi32, #tpu.memory_space<vmem>>, vector<16xi32>, vector<16xi1>
      %all_reduce_population_count3A = tpu.all_reduce %and3A_1187 {dim = 0 : i64, kind = #tpu.reduction_kind<sum>} : vector<16xi1> -> vector<16xi32>
      %slice3A = vector.extract_strided_slice %all_reduce_population_count3A {offsets = [0], sizes = [1], strides = [1]} : vector<16xi32> to vector<1xi32>
      %squeeze3A = vector.extract %slice3A[0] : i32 from vector<1xi32>
      %add3A_1192 = arith.addi %scan3A_1170, %squeeze3A : i32
      scf.yield %add3A_1192 : i32
    }
    %scan3A_8 = arith.constant 1256 : i32
    %add3A = arith.constant 0 : i32
    %add3A_9 = vector.broadcast %add3A : i32 to vector<16xi32>
    %add3A_10 = arith.addi %iota3A, %add3A_9 : vector<16xi32>
    %and3A = arith.constant 63 : i32
    %and3A_11 = vector.broadcast %and3A : i32 to vector<16xi32>
    %and3A_12 = arith.andi %add3A_10, %and3A_11 : vector<16xi32>
    %add3A_13 = arith.constant 2504 : i32
    %add3A_14 = vector.broadcast %add3A_13 : i32 to vector<16xi32>
    %add3A_15 = arith.addi %add3A_14, %and3A_12 : vector<16xi32>
    %add3A_16 = arith.constant 0 : i32
    %add3A_17 = arith.addi %scan3A_7, %add3A_16 : i32
    %swap3A = arith.index_cast %add3A_17 : i32 to index
    %swap3A_18 = tpu.vector_load %arg8[%swap3A] {strides = array<i32>} : memref<20224xi32, #tpu.memory_space<vmem>>, vector<16xi32>,
    tpu.vector_store %arg8[%swap3A], %add3A_15 {strides = array<i32>} : memref<20224xi32, #tpu.memory_space<vmem>>, vector<16xi32>,
    %mul3A_19 = arith.constant 577 : i32
    %mul3A_20 = vector.broadcast %mul3A_19 : i32 to vector<16xi32>
    %mul3A_21 = arith.muli %iota3A, %mul3A_20 : vector<16xi32>
    %add3A_22 = arith.constant 0 : i32
    %add3A_23 = vector.broadcast %add3A_22 : i32 to vector<16xi32>
    %add3A_24 = arith.addi %mul3A_21, %add3A_23 : vector<16xi32>
    %and3A_25 = arith.constant 8191 : i32
    %and3A_26 = vector.broadcast %and3A_25 : i32 to vector<16xi32>
    %and3A_27 = arith.andi %add3A_24, %and3A_26 : vector<16xi32>
    %add3A_28 = arith.constant 0 : i32
    %add3A_29 = arith.addi %scan3A_7, %add3A_28 : i32
    %swap3A_30 = arith.index_cast %add3A_29 : i32 to index
    %swap3A_31 = tpu.vector_load %arg7[%swap3A_30] {strides = array<i32>} : memref<20224xi32, #tpu.memory_space<vmem>>, vector<16xi32>,
    tpu.vector_store %arg7[%swap3A_30], %and3A_27 {strides = array<i32>} : memref<20224xi32, #tpu.memory_space<vmem>>, vector<16xi32>,
    %add3A_32 = arith.constant 16 : i32
    %add3A_33 = vector.broadcast %add3A_32 : i32 to vector<16xi32>
    %add3A_34 = arith.addi %iota3A, %add3A_33 : vector<16xi32>
    %and3A_35 = arith.constant 63 : i32
    %and3A_36 = vector.broadcast %and3A_35 : i32 to vector<16xi32>
    %and3A_37 = arith.andi %add3A_34, %and3A_36 : vector<16xi32>
    %add3A_38 = arith.constant 2504 : i32
    %add3A_39 = vector.broadcast %add3A_38 : i32 to vector<16xi32>
    %add3A_40 = arith.addi %add3A_39, %and3A_37 : vector<16xi32>
    %add3A_41 = arith.constant 16 : i32
    %add3A_42 = arith.addi %scan3A_7, %add3A_41 : i32
    %swap3A_43 = arith.index_cast %add3A_42 : i32 to index
    %swap3A_44 = tpu.vector_load %arg8[%swap3A_43] {strides = array<i32>} : memref<20224xi32, #tpu.memory_space<vmem>>, vector<16xi32>,
    tpu.vector_store %arg8[%swap3A_43], %add3A_40 {strides = array<i32>} : memref<20224xi32, #tpu.memory_space<vmem>>, vector<16xi32>,
    %mul3A_45 = arith.constant 577 : i32
    %mul3A_46 = vector.broadcast %mul3A_45 : i32 to vector<16xi32>
    %mul3A_47 = arith.muli %iota3A, %mul3A_46 : vector<16xi32>
    %add3A_48 = arith.constant 131 : i32
    %add3A_49 = vector.broadcast %add3A_48 : i32 to vector<16xi32>
    %add3A_50 = arith.addi %mul3A_47, %add3A_49 : vector<16xi32>
    %and3A_51 = arith.constant 8191 : i32
    %and3A_52 = vector.broadcast %and3A_51 : i32 to vector<16xi32>
    %and3A_53 = arith.andi %add3A_50, %and3A_52 : vector<16xi32>
    %add3A_54 = arith.constant 16 : i32
    %add3A_55 = arith.addi %scan3A_7, %add3A_54 : i32
    %swap3A_56 = arith.index_cast %add3A_55 : i32 to index
    %swap3A_57 = tpu.vector_load %arg7[%swap3A_56] {strides = array<i32>} : memref<20224xi32, #tpu.memory_space<vmem>>, vector<16xi32>,
    tpu.vector_store %arg7[%swap3A_56], %and3A_53 {strides = array<i32>} : memref<20224xi32, #tpu.memory_space<vmem>>, vector<16xi32>,
    %add3A_58 = arith.constant 32 : i32
    %add3A_59 = vector.broadcast %add3A_58 : i32 to vector<16xi32>
    %add3A_60 = arith.addi %iota3A, %add3A_59 : vector<16xi32>
    %and3A_61 = arith.constant 63 : i32
    %and3A_62 = vector.broadcast %and3A_61 : i32 to vector<16xi32>
    %and3A_63 = arith.andi %add3A_60, %and3A_62 : vector<16xi32>
    %add3A_64 = arith.constant 2504 : i32
    %add3A_65 = vector.broadcast %add3A_64 : i32 to vector<16xi32>
    %add3A_66 = arith.addi %add3A_65, %and3A_63 : vector<16xi32>
    %add3A_67 = arith.constant 32 : i32
    %add3A_68 = arith.addi %scan3A_7, %add3A_67 : i32
    %swap3A_69 = arith.index_cast %add3A_68 : i32 to index
    %swap3A_70 = tpu.vector_load %arg8[%swap3A_69] {strides = array<i32>} : memref<20224xi32, #tpu.memory_space<vmem>>, vector<16xi32>,
    tpu.vector_store %arg8[%swap3A_69], %add3A_66 {strides = array<i32>} : memref<20224xi32, #tpu.memory_space<vmem>>, vector<16xi32>,
    %mul3A_71 = arith.constant 577 : i32
    %mul3A_72 = vector.broadcast %mul3A_71 : i32 to vector<16xi32>
    %mul3A_73 = arith.muli %iota3A, %mul3A_72 : vector<16xi32>
    %add3A_74 = arith.constant 262 : i32
    %add3A_75 = vector.broadcast %add3A_74 : i32 to vector<16xi32>
    %add3A_76 = arith.addi %mul3A_73, %add3A_75 : vector<16xi32>
    %and3A_77 = arith.constant 8191 : i32
    %and3A_78 = vector.broadcast %and3A_77 : i32 to vector<16xi32>
    %and3A_79 = arith.andi %add3A_76, %and3A_78 : vector<16xi32>
    %add3A_80 = arith.constant 32 : i32
    %add3A_81 = arith.addi %scan3A_7, %add3A_80 : i32
    %swap3A_82 = arith.index_cast %add3A_81 : i32 to index
    %swap3A_83 = tpu.vector_load %arg7[%swap3A_82] {strides = array<i32>} : memref<20224xi32, #tpu.memory_space<vmem>>, vector<16xi32>,
    tpu.vector_store %arg7[%swap3A_82], %and3A_79 {strides = array<i32>} : memref<20224xi32, #tpu.memory_space<vmem>>, vector<16xi32>,
    %add3A_84 = arith.constant 48 : i32
    %add3A_85 = vector.broadcast %add3A_84 : i32 to vector<16xi32>
    %add3A_86 = arith.addi %iota3A, %add3A_85 : vector<16xi32>
    %and3A_87 = arith.constant 63 : i32
    %and3A_88 = vector.broadcast %and3A_87 : i32 to vector<16xi32>
    %and3A_89 = arith.andi %add3A_86, %and3A_88 : vector<16xi32>
    %add3A_90 = arith.constant 2504 : i32
    %add3A_91 = vector.broadcast %add3A_90 : i32 to vector<16xi32>
    %add3A_92 = arith.addi %add3A_91, %and3A_89 : vector<16xi32>
    %add3A_93 = arith.constant 48 : i32
    %add3A_94 = arith.addi %scan3A_7, %add3A_93 : i32
    %swap3A_95 = arith.index_cast %add3A_94 : i32 to index
    %swap3A_96 = tpu.vector_load %arg8[%swap3A_95] {strides = array<i32>} : memref<20224xi32, #tpu.memory_space<vmem>>, vector<16xi32>,
    tpu.vector_store %arg8[%swap3A_95], %add3A_92 {strides = array<i32>} : memref<20224xi32, #tpu.memory_space<vmem>>, vector<16xi32>,
    %mul3A_97 = arith.constant 577 : i32
    %mul3A_98 = vector.broadcast %mul3A_97 : i32 to vector<16xi32>
    %mul3A_99 = arith.muli %iota3A, %mul3A_98 : vector<16xi32>
    %add3A_100 = arith.constant 393 : i32
    %add3A_101 = vector.broadcast %add3A_100 : i32 to vector<16xi32>
    %add3A_102 = arith.addi %mul3A_99, %add3A_101 : vector<16xi32>
    %and3A_103 = arith.constant 8191 : i32
    %and3A_104 = vector.broadcast %and3A_103 : i32 to vector<16xi32>
    %and3A_105 = arith.andi %add3A_102, %and3A_104 : vector<16xi32>
    %add3A_106 = arith.constant 48 : i32
    %add3A_107 = arith.addi %scan3A_7, %add3A_106 : i32
    %swap3A_108 = arith.index_cast %add3A_107 : i32 to index
    %swap3A_109 = tpu.vector_load %arg7[%swap3A_108] {strides = array<i32>} : memref<20224xi32, #tpu.memory_space<vmem>>, vector<16xi32>,
    tpu.vector_store %arg7[%swap3A_108], %and3A_105 {strides = array<i32>} : memref<20224xi32, #tpu.memory_space<vmem>>, vector<16xi32>,
    %add3A_110 = arith.constant 64 : i32
    %add3A_111 = vector.broadcast %add3A_110 : i32 to vector<16xi32>
    %add3A_112 = arith.addi %iota3A, %add3A_111 : vector<16xi32>
    %and3A_113 = arith.constant 63 : i32
    %and3A_114 = vector.broadcast %and3A_113 : i32 to vector<16xi32>
    %and3A_115 = arith.andi %add3A_112, %and3A_114 : vector<16xi32>
    %add3A_116 = arith.constant 2504 : i32
    %add3A_117 = vector.broadcast %add3A_116 : i32 to vector<16xi32>
    %add3A_118 = arith.addi %add3A_117, %and3A_115 : vector<16xi32>
    %add3A_119 = arith.constant 64 : i32
    %add3A_120 = arith.addi %scan3A_7, %add3A_119 : i32
    %swap3A_121 = arith.index_cast %add3A_120 : i32 to index
    %swap3A_122 = tpu.vector_load %arg8[%swap3A_121] {strides = array<i32>} : memref<20224xi32, #tpu.memory_space<vmem>>, vector<16xi32>,
    tpu.vector_store %arg8[%swap3A_121], %add3A_118 {strides = array<i32>} : memref<20224xi32, #tpu.memory_space<vmem>>, vector<16xi32>,
    %mul3A_123 = arith.constant 577 : i32
    %mul3A_124 = vector.broadcast %mul3A_123 : i32 to vector<16xi32>
    %mul3A_125 = arith.muli %iota3A, %mul3A_124 : vector<16xi32>
    %add3A_126 = arith.constant 524 : i32
    %add3A_127 = vector.broadcast %add3A_126 : i32 to vector<16xi32>
    %add3A_128 = arith.addi %mul3A_125, %add3A_127 : vector<16xi32>
    %and3A_129 = arith.constant 8191 : i32
    %and3A_130 = vector.broadcast %and3A_129 : i32 to vector<16xi32>
    %and3A_131 = arith.andi %add3A_128, %and3A_130 : vector<16xi32>
    %add3A_132 = arith.constant 64 : i32
    %add3A_133 = arith.addi %scan3A_7, %add3A_132 : i32
    %swap3A_134 = arith.index_cast %add3A_133 : i32 to index
    %swap3A_135 = tpu.vector_load %arg7[%swap3A_134] {strides = array<i32>} : memref<20224xi32, #tpu.memory_space<vmem>>, vector<16xi32>,
    tpu.vector_store %arg7[%swap3A_134], %and3A_131 {strides = array<i32>} : memref<20224xi32, #tpu.memory_space<vmem>>, vector<16xi32>,
    %add3A_136 = arith.constant 80 : i32
    %add3A_137 = vector.broadcast %add3A_136 : i32 to vector<16xi32>
    %add3A_138 = arith.addi %iota3A, %add3A_137 : vector<16xi32>
    %and3A_139 = arith.constant 63 : i32
    %and3A_140 = vector.broadcast %and3A_139 : i32 to vector<16xi32>
    %and3A_141 = arith.andi %add3A_138, %and3A_140 : vector<16xi32>
    %add3A_142 = arith.constant 2504 : i32
    %add3A_143 = vector.broadcast %add3A_142 : i32 to vector<16xi32>
    %add3A_144 = arith.addi %add3A_143, %and3A_141 : vector<16xi32>
    %add3A_145 = arith.constant 80 : i32
    %add3A_146 = arith.addi %scan3A_7, %add3A_145 : i32
    %swap3A_147 = arith.index_cast %add3A_146 : i32 to index
    %swap3A_148 = tpu.vector_load %arg8[%swap3A_147] {strides = array<i32>} : memref<20224xi32, #tpu.memory_space<vmem>>, vector<16xi32>,
    tpu.vector_store %arg8[%swap3A_147], %add3A_144 {strides = array<i32>} : memref<20224xi32, #tpu.memory_space<vmem>>, vector<16xi32>,
    %mul3A_149 = arith.constant 577 : i32
    %mul3A_150 = vector.broadcast %mul3A_149 : i32 to vector<16xi32>
    %mul3A_151 = arith.muli %iota3A, %mul3A_150 : vector<16xi32>
    %add3A_152 = arith.constant 655 : i32
    %add3A_153 = vector.broadcast %add3A_152 : i32 to vector<16xi32>
    %add3A_154 = arith.addi %mul3A_151, %add3A_153 : vector<16xi32>
    %and3A_155 = arith.constant 8191 : i32
    %and3A_156 = vector.broadcast %and3A_155 : i32 to vector<16xi32>
    %and3A_157 = arith.andi %add3A_154, %and3A_156 : vector<16xi32>
    %add3A_158 = arith.constant 80 : i32
    %add3A_159 = arith.addi %scan3A_7, %add3A_158 : i32
    %swap3A_160 = arith.index_cast %add3A_159 : i32 to index
    %swap3A_161 = tpu.vector_load %arg7[%swap3A_160] {strides = array<i32>} : memref<20224xi32, #tpu.memory_space<vmem>>, vector<16xi32>,
    tpu.vector_store %arg7[%swap3A_160], %and3A_157 {strides = array<i32>} : memref<20224xi32, #tpu.memory_space<vmem>>, vector<16xi32>,
    %add3A_162 = arith.constant 96 : i32
    %add3A_163 = vector.broadcast %add3A_162 : i32 to vector<16xi32>
    %add3A_164 = arith.addi %iota3A, %add3A_163 : vector<16xi32>
    %and3A_165 = arith.constant 63 : i32
    %and3A_166 = vector.broadcast %and3A_165 : i32 to vector<16xi32>
    %and3A_167 = arith.andi %add3A_164, %and3A_166 : vector<16xi32>
    %add3A_168 = arith.constant 2504 : i32
    %add3A_169 = vector.broadcast %add3A_168 : i32 to vector<16xi32>
    %add3A_170 = arith.addi %add3A_169, %and3A_167 : vector<16xi32>
    %add3A_171 = arith.constant 96 : i32
    %add3A_172 = arith.addi %scan3A_7, %add3A_171 : i32
    %swap3A_173 = arith.index_cast %add3A_172 : i32 to index
    %swap3A_174 = tpu.vector_load %arg8[%swap3A_173] {strides = array<i32>} : memref<20224xi32, #tpu.memory_space<vmem>>, vector<16xi32>,
    tpu.vector_store %arg8[%swap3A_173], %add3A_170 {strides = array<i32>} : memref<20224xi32, #tpu.memory_space<vmem>>, vector<16xi32>,
    %mul3A_175 = arith.constant 577 : i32
    %mul3A_176 = vector.broadcast %mul3A_175 : i32 to vector<16xi32>
    %mul3A_177 = arith.muli %iota3A, %mul3A_176 : vector<16xi32>
    %add3A_178 = arith.constant 786 : i32
    %add3A_179 = vector.broadcast %add3A_178 : i32 to vector<16xi32>
    %add3A_180 = arith.addi %mul3A_177, %add3A_179 : vector<16xi32>
    %and3A_181 = arith.constant 8191 : i32
    %and3A_182 = vector.broadcast %and3A_181 : i32 to vector<16xi32>
    %and3A_183 = arith.andi %add3A_180, %and3A_182 : vector<16xi32>
    %add3A_184 = arith.constant 96 : i32
    %add3A_185 = arith.addi %scan3A_7, %add3A_184 : i32
    %swap3A_186 = arith.index_cast %add3A_185 : i32 to index
    %swap3A_187 = tpu.vector_load %arg7[%swap3A_186] {strides = array<i32>} : memref<20224xi32, #tpu.memory_space<vmem>>, vector<16xi32>,
    tpu.vector_store %arg7[%swap3A_186], %and3A_183 {strides = array<i32>} : memref<20224xi32, #tpu.memory_space<vmem>>, vector<16xi32>,
    %add3A_188 = arith.constant 112 : i32
    %add3A_189 = vector.broadcast %add3A_188 : i32 to vector<16xi32>
    %add3A_190 = arith.addi %iota3A, %add3A_189 : vector<16xi32>
    %and3A_191 = arith.constant 63 : i32
    %and3A_192 = vector.broadcast %and3A_191 : i32 to vector<16xi32>
    %and3A_193 = arith.andi %add3A_190, %and3A_192 : vector<16xi32>
    %add3A_194 = arith.constant 2504 : i32
    %add3A_195 = vector.broadcast %add3A_194 : i32 to vector<16xi32>
    %add3A_196 = arith.addi %add3A_195, %and3A_193 : vector<16xi32>
    %add3A_197 = arith.constant 112 : i32
    %add3A_198 = arith.addi %scan3A_7, %add3A_197 : i32
    %swap3A_199 = arith.index_cast %add3A_198 : i32 to index
    %swap3A_200 = tpu.vector_load %arg8[%swap3A_199] {strides = array<i32>} : memref<20224xi32, #tpu.memory_space<vmem>>, vector<16xi32>,
    tpu.vector_store %arg8[%swap3A_199], %add3A_196 {strides = array<i32>} : memref<20224xi32, #tpu.memory_space<vmem>>, vector<16xi32>,
    %mul3A_201 = arith.constant 577 : i32
    %mul3A_202 = vector.broadcast %mul3A_201 : i32 to vector<16xi32>
    %mul3A_203 = arith.muli %iota3A, %mul3A_202 : vector<16xi32>
    %add3A_204 = arith.constant 917 : i32
    %add3A_205 = vector.broadcast %add3A_204 : i32 to vector<16xi32>
    %add3A_206 = arith.addi %mul3A_203, %add3A_205 : vector<16xi32>
    %and3A_207 = arith.constant 8191 : i32
    %and3A_208 = vector.broadcast %and3A_207 : i32 to vector<16xi32>
    %and3A_209 = arith.andi %add3A_206, %and3A_208 : vector<16xi32>
    %add3A_210 = arith.constant 112 : i32
    %add3A_211 = arith.addi %scan3A_7, %add3A_210 : i32
    %swap3A_212 = arith.index_cast %add3A_211 : i32 to index
    %swap3A_213 = tpu.vector_load %arg7[%swap3A_212] {strides = array<i32>} : memref<20224xi32, #tpu.memory_space<vmem>>, vector<16xi32>,
    tpu.vector_store %arg7[%swap3A_212], %and3A_209 {strides = array<i32>} : memref<20224xi32, #tpu.memory_space<vmem>>, vector<16xi32>,
    %jit3A = arith.constant 128 : i32
    %div3A = arith.divsi %scan3A_7, %jit3A : i32
    %sign3A = arith.constant 0 : i32
    %sign3A_214 = arith.cmpi sgt, %scan3A_7, %sign3A : i32
    %sign3A_215 = arith.extui %sign3A_214 : i1 to i32
    %sign3A_216 = arith.constant 0 : i32
    %sign3A_217 = arith.cmpi slt, %scan3A_7, %sign3A_216 : i32
    %sign3A_218 = arith.extui %sign3A_217 : i1 to i32
    %sign3A_219 = arith.subi %sign3A_215, %sign3A_218 : i32
    %sign3A_220 = arith.constant 0 : i32
    %sign3A_221 = arith.cmpi sgt, %jit3A, %sign3A_220 : i32
    %sign3A_222 = arith.extui %sign3A_221 : i1 to i32
    %sign3A_223 = arith.constant 0 : i32
    %sign3A_224 = arith.cmpi slt, %jit3A, %sign3A_223 : i32
    %sign3A_225 = arith.extui %sign3A_224 : i1 to i32
    %sign3A_226 = arith.subi %sign3A_222, %sign3A_225 : i32
    %ne3A = arith.cmpi ne, %sign3A_219, %sign3A_226 : i32
    %rem3A = arith.remsi %scan3A_7, %jit3A : i32
    %ne3A_227 = arith.constant 0 : i32
    %ne3A_228 = arith.cmpi ne, %rem3A, %ne3A_227 : i32
    %and3A_229 = arith.andi %ne3A, %ne3A_228 : i1
    %sub3A = arith.constant 1 : i32
    %sub3A_230 = arith.subi %div3A, %sub3A : i32
    %select_n3A = arith.select %and3A_229, %sub3A_230, %div3A : i32
    %add3A_231 = arith.constant 1 : i32
    %add3A_232 = arith.addi %select_n3A, %add3A_231 : i32
    %barrier3A = arith.constant 0 : index
    tpu.barrier barrier_id(%barrier3A)
    %add3A_233 = arith.constant 1 : i32
    %add3A_234 = arith.addi %add3A_232, %add3A_233 : i32
    %jit3A_235 = arith.constant 2 : i32
    %div3A_236 = arith.divsi %add3A_234, %jit3A_235 : i32
    %sign3A_237 = arith.constant 0 : i32
    %sign3A_238 = arith.cmpi sgt, %add3A_234, %sign3A_237 : i32
    %sign3A_239 = arith.extui %sign3A_238 : i1 to i32
    %sign3A_240 = arith.constant 0 : i32
    %sign3A_241 = arith.cmpi slt, %add3A_234, %sign3A_240 : i32
    %sign3A_242 = arith.extui %sign3A_241 : i1 to i32
    %sign3A_243 = arith.subi %sign3A_239, %sign3A_242 : i32
    %sign3A_244 = arith.constant 0 : i32
    %sign3A_245 = arith.cmpi sgt, %jit3A_235, %sign3A_244 : i32
    %sign3A_246 = arith.extui %sign3A_245 : i1 to i32
    %sign3A_247 = arith.constant 0 : i32
    %sign3A_248 = arith.cmpi slt, %jit3A_235, %sign3A_247 : i32
    %sign3A_249 = arith.extui %sign3A_248 : i1 to i32
    %sign3A_250 = arith.subi %sign3A_246, %sign3A_249 : i32
    %ne3A_251 = arith.cmpi ne, %sign3A_243, %sign3A_250 : i32
    %rem3A_252 = arith.remsi %add3A_234, %jit3A_235 : i32
    %ne3A_253 = arith.constant 0 : i32
    %ne3A_254 = arith.cmpi ne, %rem3A_252, %ne3A_253 : i32
    %and3A_255 = arith.andi %ne3A_251, %ne3A_254 : i1
    %sub3A_256 = arith.constant 1 : i32
    %sub3A_257 = arith.subi %div3A_236, %sub3A_256 : i32
    %select_n3A_258 = arith.select %and3A_255, %sub3A_257, %div3A_236 : i32
    %dma_start3A = arith.constant 0 : i32
    %dma_start3A_259 = tpu.memref_slice %arg7[%dma_start3A] : memref<20224xi32, #tpu.memory_space<vmem>> -> memref<128xi32, #tpu.memory_space<vmem>>
    %dma_start3A_260 = arith.constant 0 : i32
    %dma_start3A_261 = arith.constant 0 : i32
    %dma_start3A_262 = tpu.memref_slice %arg2[%dma_start3A_260, %dma_start3A_261] : memref<20000x128xf32, #tpu.memory_space<hbm>> -> memref<20000x128xf32, #tpu.memory_space<hbm>>
    tpu.enqueue_indirect_dma source(%dma_start3A_262 : memref<20000x128xf32, #tpu.memory_space<hbm>>) target(%arg9 : memref<128x128xf32, #tpu.memory_space<vmem>>) offsets(%dma_start3A_259 : memref<128xi32, #tpu.memory_space<vmem>>) semaphore(%arg12 : memref<!tpu.dma_semaphore, #tpu.memory_space<semaphore_mem>>)
    %while3A = arith.constant 0 : i32
    %while3A_263 = arith.constant 0 : i32
    %while3A_264 = arith.subi %select_n3A_258, %while3A_263 : i32
    %while3A_265 = arith.addi %while3A_263, %while3A_264 : i32
    %while3A_266 = arith.constant 1 : i32
    %while3A_267 = arith.divsi %while3A_264, %while3A_266 : i32
    %while3A_268 = arith.muli %while3A_267, %while3A_266 : i32
    %while3A_269 = arith.addi %while3A_263, %while3A_268 : i32
    %while3A_270 = arith.constant 1 : i32
    scf.for %while3A_1169 = %while3A_263 to %while3A_269 step %while3A_270  : i32 {
      %mul3A_1170 = arith.constant 2 : i32
      %mul3A_1171 = arith.muli %mul3A_1170, %while3A_1169 : i32
      %add3A_1172 = arith.constant 1 : i32
      %add3A_1173 = arith.addi %mul3A_1171, %add3A_1172 : i32
      %lt3A = arith.cmpi slt, %add3A_1173, %add3A_232 : i32
      %convert_element_type3A_1174 = arith.extui %lt3A : i1 to i32
      %cond3A_1175 = arith.constant 0 : i32
      %cond3A_1176 = arith.cmpi ne, %convert_element_type3A_1174, %cond3A_1175 : i32
      scf.if %cond3A_1176 {
        %add3A_1195 = arith.constant 1 : i32
        %add3A_1196 = arith.addi %mul3A_1171, %add3A_1195 : i32
        %mul3A_1197 = arith.constant 128 : i32
        %mul3A_1198 = arith.muli %add3A_1196, %mul3A_1197 : i32
        %dma_start3A_1199 = tpu.memref_slice %arg7[%mul3A_1198] : memref<20224xi32, #tpu.memory_space<vmem>> -> memref<128xi32, #tpu.memory_space<vmem>>
        %dma_start3A_1200 = arith.constant 0 : i32
        %dma_start3A_1201 = arith.constant 0 : i32
        %dma_start3A_1202 = tpu.memref_slice %arg2[%dma_start3A_1200, %dma_start3A_1201] : memref<20000x128xf32, #tpu.memory_space<hbm>> -> memref<20000x128xf32, #tpu.memory_space<hbm>>
        tpu.enqueue_indirect_dma source(%dma_start3A_1202 : memref<20000x128xf32, #tpu.memory_space<hbm>>) target(%arg10 : memref<128x128xf32, #tpu.memory_space<vmem>>) offsets(%dma_start3A_1199 : memref<128xi32, #tpu.memory_space<vmem>>) semaphore(%arg13 : memref<!tpu.dma_semaphore, #tpu.memory_space<semaphore_mem>>)
      } else {
      }
      %dma_wait3A = arith.constant 0 : i32
      %dma_wait3A_1177 = tpu.memref_slice %arg7[%dma_wait3A] : memref<20224xi32, #tpu.memory_space<vmem>> -> memref<128xi32, #tpu.memory_space<vmem>>
      %dma_wait3A_1178 = arith.constant 0 : i32
      %dma_wait3A_1179 = arith.constant 0 : i32
      %dma_wait3A_1180 = tpu.memref_slice %arg2[%dma_wait3A_1178, %dma_wait3A_1179] : memref<20000x128xf32, #tpu.memory_space<hbm>> -> memref<20000x128xf32, #tpu.memory_space<hbm>>
      tpu.wait_indirect_dma semaphore(%arg12 : memref<!tpu.dma_semaphore, #tpu.memory_space<semaphore_mem>>) src(%dma_wait3A_1180 : memref<20000x128xf32, #tpu.memory_space<hbm>>) dst(%arg9 : memref<128x128xf32, #tpu.memory_space<vmem>>)
      %mul3A_1181 = arith.constant 128 : i32
      %mul3A_1182 = arith.muli %mul3A_1171, %mul3A_1181 : i32
      "tpu.region"() ({
        %run_scoped3A = tpu.sem_alloc : memref<!tpu.dma_semaphore, #tpu.memory_space<semaphore_mem>>
        %dma_start3A_1195 = tpu.memref_slice %arg8[%mul3A_1182] : memref<20224xi32, #tpu.memory_space<vmem>> -> memref<128xi32, #tpu.memory_space<vmem>>
        %dma_start3A_1196 = arith.constant 0 : i32
        %dma_start3A_1197 = arith.constant 0 : i32
        %dma_start3A_1198 = tpu.memref_slice %arg11[%dma_start3A_1196, %dma_start3A_1197] : memref<2568x128xf32, #tpu.memory_space<vmem_shared>> -> memref<2568x128xf32, #tpu.memory_space<vmem_shared>>
        tpu.enqueue_indirect_dma source(%arg9 : memref<128x128xf32, #tpu.memory_space<vmem>>) target(%dma_start3A_1198 : memref<2568x128xf32, #tpu.memory_space<vmem_shared>>) offsets(%dma_start3A_1195 : memref<128xi32, #tpu.memory_space<vmem>>) semaphore(%run_scoped3A : memref<!tpu.dma_semaphore, #tpu.memory_space<semaphore_mem>>) {add = true}
        %dma_wait3A_1199 = tpu.memref_slice %arg8[%mul3A_1182] : memref<20224xi32, #tpu.memory_space<vmem>> -> memref<128xi32, #tpu.memory_space<vmem>>
        %dma_wait3A_1200 = arith.constant 0 : i32
        %dma_wait3A_1201 = arith.constant 0 : i32
        %dma_wait3A_1202 = tpu.memref_slice %arg11[%dma_wait3A_1200, %dma_wait3A_1201] : memref<2568x128xf32, #tpu.memory_space<vmem_shared>> -> memref<2568x128xf32, #tpu.memory_space<vmem_shared>>
        tpu.wait_indirect_dma semaphore(%run_scoped3A : memref<!tpu.dma_semaphore, #tpu.memory_space<semaphore_mem>>) src(%arg9 : memref<128x128xf32, #tpu.memory_space<vmem>>) dst(%dma_wait3A_1202 : memref<2568x128xf32, #tpu.memory_space<vmem_shared>>)
        tpu.yield
      }) : () -> ()
      %add3A_1183 = arith.constant 2 : i32
      %add3A_1184 = arith.addi %mul3A_1171, %add3A_1183 : i32
      %lt3A_1185 = arith.cmpi slt, %add3A_1184, %add3A_232 : i32
      %convert_element_type3A_1186 = arith.extui %lt3A_1185 : i1 to i32
      %cond3A_1187 = arith.constant 0 : i32
      %cond3A_1188 = arith.cmpi ne, %convert_element_type3A_1186, %cond3A_1187 : i32
      scf.if %cond3A_1188 {
        %add3A_1195 = arith.constant 2 : i32
        %add3A_1196 = arith.addi %mul3A_1171, %add3A_1195 : i32
        %mul3A_1197 = arith.constant 128 : i32
        %mul3A_1198 = arith.muli %add3A_1196, %mul3A_1197 : i32
        %dma_start3A_1199 = tpu.memref_slice %arg7[%mul3A_1198] : memref<20224xi32, #tpu.memory_space<vmem>> -> memref<128xi32, #tpu.memory_space<vmem>>
        %dma_start3A_1200 = arith.constant 0 : i32
        %dma_start3A_1201 = arith.constant 0 : i32
        %dma_start3A_1202 = tpu.memref_slice %arg2[%dma_start3A_1200, %dma_start3A_1201] : memref<20000x128xf32, #tpu.memory_space<hbm>> -> memref<20000x128xf32, #tpu.memory_space<hbm>>
        tpu.enqueue_indirect_dma source(%dma_start3A_1202 : memref<20000x128xf32, #tpu.memory_space<hbm>>) target(%arg9 : memref<128x128xf32, #tpu.memory_space<vmem>>) offsets(%dma_start3A_1199 : memref<128xi32, #tpu.memory_space<vmem>>) semaphore(%arg12 : memref<!tpu.dma_semaphore, #tpu.memory_space<semaphore_mem>>)
      } else {
      }
      %add3A_1189 = arith.constant 1 : i32
      %add3A_1190 = arith.addi %mul3A_1171, %add3A_1189 : i32
      %lt3A_1191 = arith.cmpi slt, %add3A_1190, %add3A_232 : i32
      %convert_element_type3A_1192 = arith.extui %lt3A_1191 : i1 to i32
      %cond3A_1193 = arith.constant 0 : i32
      %cond3A_1194 = arith.cmpi ne, %convert_element_type3A_1192, %cond3A_1193 : i32
      scf.if %cond3A_1194 {
        %dma_wait3A_1195 = arith.constant 0 : i32
        %dma_wait3A_1196 = tpu.memref_slice %arg7[%dma_wait3A_1195] : memref<20224xi32, #tpu.memory_space<vmem>> -> memref<128xi32, #tpu.memory_space<vmem>>
        %dma_wait3A_1197 = arith.constant 0 : i32
        %dma_wait3A_1198 = arith.constant 0 : i32
        %dma_wait3A_1199 = tpu.memref_slice %arg2[%dma_wait3A_1197, %dma_wait3A_1198] : memref<20000x128xf32, #tpu.memory_space<hbm>> -> memref<20000x128xf32, #tpu.memory_space<hbm>>
        tpu.wait_indirect_dma semaphore(%arg13 : memref<!tpu.dma_semaphore, #tpu.memory_space<semaphore_mem>>) src(%dma_wait3A_1199 : memref<20000x128xf32, #tpu.memory_space<hbm>>) dst(%arg10 : memref<128x128xf32, #tpu.memory_space<vmem>>)
        %add3A_1200 = arith.constant 1 : i32
        %add3A_1201 = arith.addi %mul3A_1171, %add3A_1200 : i32
        %mul3A_1202 = arith.constant 128 : i32
        %mul3A_1203 = arith.muli %add3A_1201, %mul3A_1202 : i32
        "tpu.region"() ({
          %run_scoped3A = tpu.sem_alloc : memref<!tpu.dma_semaphore, #tpu.memory_space<semaphore_mem>>
          %dma_start3A_1204 = tpu.memref_slice %arg8[%mul3A_1203] : memref<20224xi32, #tpu.memory_space<vmem>> -> memref<128xi32, #tpu.memory_space<vmem>>
          %dma_start3A_1205 = arith.constant 0 : i32
          %dma_start3A_1206 = arith.constant 0 : i32
          %dma_start3A_1207 = tpu.memref_slice %arg11[%dma_start3A_1205, %dma_start3A_1206] : memref<2568x128xf32, #tpu.memory_space<vmem_shared>> -> memref<2568x128xf32, #tpu.memory_space<vmem_shared>>
          tpu.enqueue_indirect_dma source(%arg10 : memref<128x128xf32, #tpu.memory_space<vmem>>) target(%dma_start3A_1207 : memref<2568x128xf32, #tpu.memory_space<vmem_shared>>) offsets(%dma_start3A_1204 : memref<128xi32, #tpu.memory_space<vmem>>) semaphore(%run_scoped3A : memref<!tpu.dma_semaphore, #tpu.memory_space<semaphore_mem>>) {add = true}
          %dma_wait3A_1208 = tpu.memref_slice %arg8[%mul3A_1203] : memref<20224xi32, #tpu.memory_space<vmem>> -> memref<128xi32, #tpu.memory_space<vmem>>
          %dma_wait3A_1209 = arith.constant 0 : i32
          %dma_wait3A_1210 = arith.constant 0 : i32
          %dma_wait3A_1211 = tpu.memref_slice %arg11[%dma_wait3A_1209, %dma_wait3A_1210] : memref<2568x128xf32, #tpu.memory_space<vmem_shared>> -> memref<2568x128xf32, #tpu.memory_space<vmem_shared>>
          tpu.wait_indirect_dma semaphore(%run_scoped3A : memref<!tpu.dma_semaphore, #tpu.memory_space<semaphore_mem>>) src(%arg10 : memref<128x128xf32, #tpu.memory_space<vmem>>) dst(%dma_wait3A_1211 : memref<2568x128xf32, #tpu.memory_space<vmem_shared>>)
          tpu.yield
        }) : () -> ()
      } else {
      }
    }
    %while3A_271 = arith.constant 1 : i32
    scf.for %while3A_1169 = %while3A_269 to %while3A_265 step %while3A_271  : i32 {
      %mul3A_1170 = arith.constant 2 : i32
      %mul3A_1171 = arith.muli %mul3A_1170, %while3A_1169 : i32
      %add3A_1172 = arith.constant 1 : i32
      %add3A_1173 = arith.addi %mul3A_1171, %add3A_1172 : i32
      %lt3A = arith.cmpi slt, %add3A_1173, %add3A_232 : i32
      %convert_element_type3A_1174 = arith.extui %lt3A : i1 to i32
      %cond3A_1175 = arith.constant 0 : i32
      %cond3A_1176 = arith.cmpi ne, %convert_element_type3A_1174, %cond3A_1175 : i32
      scf.if %cond3A_1176 {
        %add3A_1195 = arith.constant 1 : i32
        %add3A_1196 = arith.addi %mul3A_1171, %add3A_1195 : i32
        %mul3A_1197 = arith.constant 128 : i32
        %mul3A_1198 = arith.muli %add3A_1196, %mul3A_1197 : i32
        %dma_start3A_1199 = tpu.memref_slice %arg7[%mul3A_1198] : memref<20224xi32, #tpu.memory_space<vmem>> -> memref<128xi32, #tpu.memory_space<vmem>>
        %dma_start3A_1200 = arith.constant 0 : i32
        %dma_start3A_1201 = arith.constant 0 : i32
        %dma_start3A_1202 = tpu.memref_slice %arg2[%dma_start3A_1200, %dma_start3A_1201] : memref<20000x128xf32, #tpu.memory_space<hbm>> -> memref<20000x128xf32, #tpu.memory_space<hbm>>
        tpu.enqueue_indirect_dma source(%dma_start3A_1202 : memref<20000x128xf32, #tpu.memory_space<hbm>>) target(%arg10 : memref<128x128xf32, #tpu.memory_space<vmem>>) offsets(%dma_start3A_1199 : memref<128xi32, #tpu.memory_space<vmem>>) semaphore(%arg13 : memref<!tpu.dma_semaphore, #tpu.memory_space<semaphore_mem>>)
      } else {
      }
      %dma_wait3A = arith.constant 0 : i32
      %dma_wait3A_1177 = tpu.memref_slice %arg7[%dma_wait3A] : memref<20224xi32, #tpu.memory_space<vmem>> -> memref<128xi32, #tpu.memory_space<vmem>>
      %dma_wait3A_1178 = arith.constant 0 : i32
      %dma_wait3A_1179 = arith.constant 0 : i32
      %dma_wait3A_1180 = tpu.memref_slice %arg2[%dma_wait3A_1178, %dma_wait3A_1179] : memref<20000x128xf32, #tpu.memory_space<hbm>> -> memref<20000x128xf32, #tpu.memory_space<hbm>>
      tpu.wait_indirect_dma semaphore(%arg12 : memref<!tpu.dma_semaphore, #tpu.memory_space<semaphore_mem>>) src(%dma_wait3A_1180 : memref<20000x128xf32, #tpu.memory_space<hbm>>) dst(%arg9 : memref<128x128xf32, #tpu.memory_space<vmem>>)
      %mul3A_1181 = arith.constant 128 : i32
      %mul3A_1182 = arith.muli %mul3A_1171, %mul3A_1181 : i32
      "tpu.region"() ({
        %run_scoped3A = tpu.sem_alloc : memref<!tpu.dma_semaphore, #tpu.memory_space<semaphore_mem>>
        %dma_start3A_1195 = tpu.memref_slice %arg8[%mul3A_1182] : memref<20224xi32, #tpu.memory_space<vmem>> -> memref<128xi32, #tpu.memory_space<vmem>>
        %dma_start3A_1196 = arith.constant 0 : i32
        %dma_start3A_1197 = arith.constant 0 : i32
        %dma_start3A_1198 = tpu.memref_slice %arg11[%dma_start3A_1196, %dma_start3A_1197] : memref<2568x128xf32, #tpu.memory_space<vmem_shared>> -> memref<2568x128xf32, #tpu.memory_space<vmem_shared>>
        tpu.enqueue_indirect_dma source(%arg9 : memref<128x128xf32, #tpu.memory_space<vmem>>) target(%dma_start3A_1198 : memref<2568x128xf32, #tpu.memory_space<vmem_shared>>) offsets(%dma_start3A_1195 : memref<128xi32, #tpu.memory_space<vmem>>) semaphore(%run_scoped3A : memref<!tpu.dma_semaphore, #tpu.memory_space<semaphore_mem>>) {add = true}
        %dma_wait3A_1199 = tpu.memref_slice %arg8[%mul3A_1182] : memref<20224xi32, #tpu.memory_space<vmem>> -> memref<128xi32, #tpu.memory_space<vmem>>
        %dma_wait3A_1200 = arith.constant 0 : i32
        %dma_wait3A_1201 = arith.constant 0 : i32
        %dma_wait3A_1202 = tpu.memref_slice %arg11[%dma_wait3A_1200, %dma_wait3A_1201] : memref<2568x128xf32, #tpu.memory_space<vmem_shared>> -> memref<2568x128xf32, #tpu.memory_space<vmem_shared>>
        tpu.wait_indirect_dma semaphore(%run_scoped3A : memref<!tpu.dma_semaphore, #tpu.memory_space<semaphore_mem>>) src(%arg9 : memref<128x128xf32, #tpu.memory_space<vmem>>) dst(%dma_wait3A_1202 : memref<2568x128xf32, #tpu.memory_space<vmem_shared>>)
        tpu.yield
      }) : () -> ()
      %add3A_1183 = arith.constant 2 : i32
      %add3A_1184 = arith.addi %mul3A_1171, %add3A_1183 : i32
      %lt3A_1185 = arith.cmpi slt, %add3A_1184, %add3A_232 : i32
      %convert_element_type3A_1186 = arith.extui %lt3A_1185 : i1 to i32
      %cond3A_1187 = arith.constant 0 : i32
      %cond3A_1188 = arith.cmpi ne, %convert_element_type3A_1186, %cond3A_1187 : i32
      scf.if %cond3A_1188 {
        %add3A_1195 = arith.constant 2 : i32
        %add3A_1196 = arith.addi %mul3A_1171, %add3A_1195 : i32
        %mul3A_1197 = arith.constant 128 : i32
        %mul3A_1198 = arith.muli %add3A_1196, %mul3A_1197 : i32
        %dma_start3A_1199 = tpu.memref_slice %arg7[%mul3A_1198] : memref<20224xi32, #tpu.memory_space<vmem>> -> memref<128xi32, #tpu.memory_space<vmem>>
        %dma_start3A_1200 = arith.constant 0 : i32
        %dma_start3A_1201 = arith.constant 0 : i32
        %dma_start3A_1202 = tpu.memref_slice %arg2[%dma_start3A_1200, %dma_start3A_1201] : memref<20000x128xf32, #tpu.memory_space<hbm>> -> memref<20000x128xf32, #tpu.memory_space<hbm>>
        tpu.enqueue_indirect_dma source(%dma_start3A_1202 : memref<20000x128xf32, #tpu.memory_space<hbm>>) target(%arg9 : memref<128x128xf32, #tpu.memory_space<vmem>>) offsets(%dma_start3A_1199 : memref<128xi32, #tpu.memory_space<vmem>>) semaphore(%arg12 : memref<!tpu.dma_semaphore, #tpu.memory_space<semaphore_mem>>)
      } else {
      }
      %add3A_1189 = arith.constant 1 : i32
      %add3A_1190 = arith.addi %mul3A_1171, %add3A_1189 : i32
      %lt3A_1191 = arith.cmpi slt, %add3A_1190, %add3A_232 : i32
      %convert_element_type3A_1192 = arith.extui %lt3A_1191 : i1 to i32
      %cond3A_1193 = arith.constant 0 : i32
      %cond3A_1194 = arith.cmpi ne, %convert_element_type3A_1192, %cond3A_1193 : i32
      scf.if %cond3A_1194 {
        %dma_wait3A_1195 = arith.constant 0 : i32
        %dma_wait3A_1196 = tpu.memref_slice %arg7[%dma_wait3A_1195] : memref<20224xi32, #tpu.memory_space<vmem>> -> memref<128xi32, #tpu.memory_space<vmem>>
        %dma_wait3A_1197 = arith.constant 0 : i32
        %dma_wait3A_1198 = arith.constant 0 : i32
        %dma_wait3A_1199 = tpu.memref_slice %arg2[%dma_wait3A_1197, %dma_wait3A_1198] : memref<20000x128xf32, #tpu.memory_space<hbm>> -> memref<20000x128xf32, #tpu.memory_space<hbm>>
        tpu.wait_indirect_dma semaphore(%arg13 : memref<!tpu.dma_semaphore, #tpu.memory_space<semaphore_mem>>) src(%dma_wait3A_1199 : memref<20000x128xf32, #tpu.memory_space<hbm>>) dst(%arg10 : memref<128x128xf32, #tpu.memory_space<vmem>>)
        %add3A_1200 = arith.constant 1 : i32
        %add3A_1201 = arith.addi %mul3A_1171, %add3A_1200 : i32
        %mul3A_1202 = arith.constant 128 : i32
        %mul3A_1203 = arith.muli %add3A_1201, %mul3A_1202 : i32
        "tpu.region"() ({
          %run_scoped3A = tpu.sem_alloc : memref<!tpu.dma_semaphore, #tpu.memory_space<semaphore_mem>>
          %dma_start3A_1204 = tpu.memref_slice %arg8[%mul3A_1203] : memref<20224xi32, #tpu.memory_space<vmem>> -> memref<128xi32, #tpu.memory_space<vmem>>
          %dma_start3A_1205 = arith.constant 0 : i32
          %dma_start3A_1206 = arith.constant 0 : i32
          %dma_start3A_1207 = tpu.memref_slice %arg11[%dma_start3A_1205, %dma_start3A_1206] : memref<2568x128xf32, #tpu.memory_space<vmem_shared>> -> memref<2568x128xf32, #tpu.memory_space<vmem_shared>>
          tpu.enqueue_indirect_dma source(%arg10 : memref<128x128xf32, #tpu.memory_space<vmem>>) target(%dma_start3A_1207 : memref<2568x128xf32, #tpu.memory_space<vmem_shared>>) offsets(%dma_start3A_1204 : memref<128xi32, #tpu.memory_space<vmem>>) semaphore(%run_scoped3A : memref<!tpu.dma_semaphore, #tpu.memory_space<semaphore_mem>>) {add = true}
          %dma_wait3A_1208 = tpu.memref_slice %arg8[%mul3A_1203] : memref<20224xi32, #tpu.memory_space<vmem>> -> memref<128xi32, #tpu.memory_space<vmem>>
          %dma_wait3A_1209 = arith.constant 0 : i32
          %dma_wait3A_1210 = arith.constant 0 : i32
          %dma_wait3A_1211 = tpu.memref_slice %arg11[%dma_wait3A_1209, %dma_wait3A_1210] : memref<2568x128xf32, #tpu.memory_space<vmem_shared>> -> memref<2568x128xf32, #tpu.memory_space<vmem_shared>>
          tpu.wait_indirect_dma semaphore(%run_scoped3A : memref<!tpu.dma_semaphore, #tpu.memory_space<semaphore_mem>>) src(%arg10 : memref<128x128xf32, #tpu.memory_space<vmem>>) dst(%dma_wait3A_1211 : memref<2568x128xf32, #tpu.memory_space<vmem_shared>>)
          tpu.yield
        }) : () -> ()
      } else {
      }
    }
    %barrier3A_272 = arith.constant 0 : index
    tpu.barrier barrier_id(%barrier3A_272)
    %eq3A_273 = arith.constant 1 : i32
    %eq3A_274 = arith.cmpi eq, %arg1, %eq3A_273 : i32
    %convert_element_type3A_275 = arith.extui %eq3A_274 : i1 to i32
    %cond3A_276 = arith.constant 0 : i32
    %cond3A_277 = arith.cmpi ne, %convert_element_type3A_275, %cond3A_276 : i32
    scf.if %cond3A_277 {
      %mul3A_1169 = arith.constant 10016 : i32
      %mul3A_1170 = arith.muli %arg0, %mul3A_1169 : i32
      %add3A_1171 = arith.constant 0 : i32
      %add3A_1172 = arith.addi %mul3A_1170, %add3A_1171 : i32
      "tpu.region"() ({
        %run_scoped3A = tpu.sem_alloc : memref<!tpu.dma_semaphore, #tpu.memory_space<semaphore_mem>>
        %dma_start3A_1173 = arith.constant 0 : i32
        %dma_start3A_1174 = tpu.memref_slice %arg6[%add3A_1172, %dma_start3A_1173] : memref<20032x128xf32, #tpu.memory_space<hbm>> -> memref<2504x128xf32, #tpu.memory_space<hbm>>
        %dma_start3A_1175 = arith.constant 0 : i32
        %dma_start3A_1176 = arith.constant 0 : i32
        %dma_start3A_1177 = tpu.memref_slice %arg11[%dma_start3A_1175, %dma_start3A_1176] : memref<2568x128xf32, #tpu.memory_space<vmem_shared>> -> memref<2504x128xf32, #tpu.memory_space<vmem_shared>>
        tpu.enqueue_dma source(%dma_start3A_1177 : memref<2504x128xf32, #tpu.memory_space<vmem_shared>>) target(%dma_start3A_1174 : memref<2504x128xf32, #tpu.memory_space<hbm>>) target_semaphore(%run_scoped3A : memref<!tpu.dma_semaphore, #tpu.memory_space<semaphore_mem>>)
        %dma_wait3A = arith.constant 0 : i32
        %dma_wait3A_1178 = tpu.memref_slice %arg6[%add3A_1172, %dma_wait3A] : memref<20032x128xf32, #tpu.memory_space<hbm>> -> memref<2504x128xf32, #tpu.memory_space<hbm>>
        %dma_wait3A_1179 = arith.constant 0 : i32
        %dma_wait3A_1180 = arith.constant 0 : i32
        %dma_wait3A_1181 = tpu.memref_slice %arg11[%dma_wait3A_1179, %dma_wait3A_1180] : memref<2568x128xf32, #tpu.memory_space<vmem_shared>> -> memref<2504x128xf32, #tpu.memory_space<vmem_shared>>
        tpu.wait_dma2 semaphore(%run_scoped3A : memref<!tpu.dma_semaphore, #tpu.memory_space<semaphore_mem>>) src(%dma_wait3A_1181 : memref<2504x128xf32, #tpu.memory_space<vmem_shared>>) dst(%dma_wait3A_1178 : memref<2504x128xf32, #tpu.memory_space<hbm>>)
        tpu.yield
      }) : () -> ()
    } else {
    }
    %barrier3A_278 = arith.constant 0 : index
    tpu.barrier barrier_id(%barrier3A_278)
    %eq3A_279 = arith.constant 0 : i32
    %eq3A_280 = arith.cmpi eq, %arg1, %eq3A_279 : i32
    %convert_element_type3A_281 = arith.extui %eq3A_280 : i1 to i32
    %cond3A_282 = arith.constant 0 : i32
    %cond3A_283 = arith.cmpi ne, %convert_element_type3A_281, %cond3A_282 : i32
    scf.if %cond3A_283 {
      "tpu.region"() ({
        %run_scoped3A = tpu.sem_alloc : memref<!tpu.dma_semaphore, #tpu.memory_space<semaphore_mem>>
        tpu.enqueue_dma source(%arg5 : memref<2568x128xf32, #tpu.memory_space<hbm>>) target(%arg11 : memref<2568x128xf32, #tpu.memory_space<vmem_shared>>) target_semaphore(%run_scoped3A : memref<!tpu.dma_semaphore, #tpu.memory_space<semaphore_mem>>)
        tpu.wait_dma2 semaphore(%run_scoped3A : memref<!tpu.dma_semaphore, #tpu.memory_space<semaphore_mem>>) src(%arg5 : memref<2568x128xf32, #tpu.memory_space<hbm>>) dst(%arg11 : memref<2568x128xf32, #tpu.memory_space<vmem_shared>>)
        tpu.yield
      }) : () -> ()
    } else {
    }
    "tpu.region"() ({
      %run_scoped3A = tpu.sem_alloc : memref<!tpu.dma_semaphore, #tpu.memory_space<semaphore_mem>>
      %dma_start3A_1169 = arith.constant 0 : i32
      %dma_start3A_1170 = tpu.memref_slice %arg7[%dma_start3A_1169] : memref<20224xi32, #tpu.memory_space<vmem>> -> memref<20096xi32, #tpu.memory_space<vmem>>
      %dma_start3A_1171 = arith.constant 0 : i32
      %dma_start3A_1172 = tpu.memref_slice %arg3[%arg1, %dma_start3A_1171] : memref<16x20096xi32, #tpu.memory_space<hbm>> -> memref<1x20096xi32, #tpu.memory_space<hbm>>
      %dma_start3A_1173 = tpu.memref_squeeze %dma_start3A_1172 : memref<1x20096xi32, #tpu.memory_space<hbm>> -> memref<20096xi32, #tpu.memory_space<hbm>>
      %dma_start3A_1174 = arith.constant 0 : i32
      %dma_start3A_1175 = tpu.memref_slice %arg7[%dma_start3A_1174] : memref<20224xi32, #tpu.memory_space<vmem>> -> memref<20096xi32, #tpu.memory_space<vmem>>
      %dma_start3A_1176 = arith.constant 0 : i32
      %dma_start3A_1177 = tpu.memref_slice %arg3[%arg1, %dma_start3A_1176] : memref<16x20096xi32, #tpu.memory_space<hbm>> -> memref<1x20096xi32, #tpu.memory_space<hbm>>
      %dma_start3A_1178 = tpu.memref_squeeze %dma_start3A_1177 : memref<1x20096xi32, #tpu.memory_space<hbm>> -> memref<20096xi32, #tpu.memory_space<hbm>>
      tpu.enqueue_dma source(%dma_start3A_1178 : memref<20096xi32, #tpu.memory_space<hbm>>) target(%dma_start3A_1175 : memref<20096xi32, #tpu.memory_space<vmem>>) target_semaphore(%run_scoped3A : memref<!tpu.dma_semaphore, #tpu.memory_space<semaphore_mem>>)
      %dma_wait3A = arith.constant 0 : i32
      %dma_wait3A_1179 = tpu.memref_slice %arg7[%dma_wait3A] : memref<20224xi32, #tpu.memory_space<vmem>> -> memref<20096xi32, #tpu.memory_space<vmem>>
      %dma_wait3A_1180 = arith.constant 0 : i32
      %dma_wait3A_1181 = tpu.memref_slice %arg3[%arg1, %dma_wait3A_1180] : memref<16x20096xi32, #tpu.memory_space<hbm>> -> memref<1x20096xi32, #tpu.memory_space<hbm>>
      %dma_wait3A_1182 = tpu.memref_squeeze %dma_wait3A_1181 : memref<1x20096xi32, #tpu.memory_space<hbm>> -> memref<20096xi32, #tpu.memory_space<hbm>>
      %dma_wait3A_1183 = arith.constant 0 : i32
      %dma_wait3A_1184 = tpu.memref_slice %arg7[%dma_wait3A_1183] : memref<20224xi32, #tpu.memory_space<vmem>> -> memref<20096xi32, #tpu.memory_space<vmem>>
      %dma_wait3A_1185 = arith.constant 0 : i32
      %dma_wait3A_1186 = tpu.memref_slice %arg3[%arg1, %dma_wait3A_1185] : memref<16x20096xi32, #tpu.memory_space<hbm>> -> memref<1x20096xi32, #tpu.memory_space<hbm>>
      %dma_wait3A_1187 = tpu.memref_squeeze %dma_wait3A_1186 : memref<1x20096xi32, #tpu.memory_space<hbm>> -> memref<20096xi32, #tpu.memory_space<hbm>>
      tpu.wait_dma2 semaphore(%run_scoped3A : memref<!tpu.dma_semaphore, #tpu.memory_space<semaphore_mem>>) src(%dma_wait3A_1187 : memref<20096xi32, #tpu.memory_space<hbm>>) dst(%dma_wait3A_1184 : memref<20096xi32, #tpu.memory_space<vmem>>)
      tpu.yield
    }) : () -> ()
    "tpu.region"() ({
      %run_scoped3A = tpu.sem_alloc : memref<!tpu.dma_semaphore, #tpu.memory_space<semaphore_mem>>
      %dma_start3A_1169 = arith.constant 0 : i32
      %dma_start3A_1170 = tpu.memref_slice %arg8[%dma_start3A_1169] : memref<20224xi32, #tpu.memory_space<vmem>> -> memref<20096xi32, #tpu.memory_space<vmem>>
      %dma_start3A_1171 = arith.constant 0 : i32
      %dma_start3A_1172 = tpu.memref_slice %arg4[%arg1, %dma_start3A_1171] : memref<16x20096xi32, #tpu.memory_space<hbm>> -> memref<1x20096xi32, #tpu.memory_space<hbm>>
      %dma_start3A_1173 = tpu.memref_squeeze %dma_start3A_1172 : memref<1x20096xi32, #tpu.memory_space<hbm>> -> memref<20096xi32, #tpu.memory_space<hbm>>
      %dma_start3A_1174 = arith.constant 0 : i32
      %dma_start3A_1175 = tpu.memref_slice %arg8[%dma_start3A_1174] : memref<20224xi32, #tpu.memory_space<vmem>> -> memref<20096xi32, #tpu.memory_space<vmem>>
      %dma_start3A_1176 = arith.constant 0 : i32
      %dma_start3A_1177 = tpu.memref_slice %arg4[%arg1, %dma_start3A_1176] : memref<16x20096xi32, #tpu.memory_space<hbm>> -> memref<1x20096xi32, #tpu.memory_space<hbm>>
      %dma_start3A_1178 = tpu.memref_squeeze %dma_start3A_1177 : memref<1x20096xi32, #tpu.memory_space<hbm>> -> memref<20096xi32, #tpu.memory_space<hbm>>
      tpu.enqueue_dma source(%dma_start3A_1178 : memref<20096xi32, #tpu.memory_space<hbm>>) target(%dma_start3A_1175 : memref<20096xi32, #tpu.memory_space<vmem>>) target_semaphore(%run_scoped3A : memref<!tpu.dma_semaphore, #tpu.memory_space<semaphore_mem>>)
      %dma_wait3A = arith.constant 0 : i32
      %dma_wait3A_1179 = tpu.memref_slice %arg8[%dma_wait3A] : memref<20224xi32, #tpu.memory_space<vmem>> -> memref<20096xi32, #tpu.memory_space<vmem>>
      %dma_wait3A_1180 = arith.constant 0 : i32
      %dma_wait3A_1181 = tpu.memref_slice %arg4[%arg1, %dma_wait3A_1180] : memref<16x20096xi32, #tpu.memory_space<hbm>> -> memref<1x20096xi32, #tpu.memory_space<hbm>>
      %dma_wait3A_1182 = tpu.memref_squeeze %dma_wait3A_1181 : memref<1x20096xi32, #tpu.memory_space<hbm>> -> memref<20096xi32, #tpu.memory_space<hbm>>
      %dma_wait3A_1183 = arith.constant 0 : i32
      %dma_wait3A_1184 = tpu.memref_slice %arg8[%dma_wait3A_1183] : memref<20224xi32, #tpu.memory_space<vmem>> -> memref<20096xi32, #tpu.memory_space<vmem>>
      %dma_wait3A_1185 = arith.constant 0 : i32
      %dma_wait3A_1186 = tpu.memref_slice %arg4[%arg1, %dma_wait3A_1185] : memref<16x20096xi32, #tpu.memory_space<hbm>> -> memref<1x20096xi32, #tpu.memory_space<hbm>>
      %dma_wait3A_1187 = tpu.memref_squeeze %dma_wait3A_1186 : memref<1x20096xi32, #tpu.memory_space<hbm>> -> memref<20096xi32, #tpu.memory_space<hbm>>
      tpu.wait_dma2 semaphore(%run_scoped3A : memref<!tpu.dma_semaphore, #tpu.memory_space<semaphore_mem>>) src(%dma_wait3A_1187 : memref<20096xi32, #tpu.memory_space<hbm>>) dst(%dma_wait3A_1184 : memref<20096xi32, #tpu.memory_space<vmem>>)
      tpu.yield
    }) : () -> ()
    %mul3A_284 = arith.constant 10000 : i32
    %mul3A_285 = arith.muli %arg0, %mul3A_284 : i32
    %scan3A_286 = arith.constant 0 : i32
    %scan3A_287 = arith.constant 0 : i32
    %scan3A_288 = arith.constant 1256 : i32
    %scan3A_289 = arith.addi %scan3A_287, %scan3A_288 : i32
    %scan3A_290 = arith.constant 1 : i32
    %scan3A_291 = scf.for %scan3A_1169 = %scan3A_287 to %scan3A_289 step %scan3A_290 iter_args(%scan3A_1170 = %scan3A_286) -> (i32)  : i32 {
      %mul3A_1171 = arith.constant 16 : i32
      %mul3A_1172 = arith.muli %scan3A_1169, %mul3A_1171 : i32
      %get3A = arith.index_cast %mul3A_1172 : i32 to index
      %get3A_1173 = tpu.vector_load %arg8[%get3A] {strides = array<i32>} : memref<20224xi32, #tpu.memory_space<vmem>>, vector<16xi32>,
      %sub3A_1174 = arith.constant 2504 : i32
      %sub3A_1175 = vector.broadcast %sub3A_1174 : i32 to vector<16xi32>
      %sub3A_1176 = arith.subi %get3A_1173, %sub3A_1175 : vector<16xi32>
      %mul3A_1177 = arith.constant 16 : i32
      %mul3A_1178 = arith.muli %scan3A_1169, %mul3A_1177 : i32
      %get3A_1179 = arith.index_cast %mul3A_1178 : i32 to index
      %get3A_1180 = tpu.vector_load %arg7[%get3A_1179] {strides = array<i32>} : memref<20224xi32, #tpu.memory_space<vmem>>, vector<16xi32>,
      %add3A_1181 = vector.broadcast %mul3A_285 : i32 to vector<16xi32>
      %add3A_1182 = arith.addi %get3A_1180, %add3A_1181 : vector<16xi32>
      %ge3A = arith.constant 0 : i32
      %ge3A_1183 = vector.broadcast %ge3A : i32 to vector<16xi32>
      %ge3A_1184 = arith.cmpi sge, %sub3A_1176, %ge3A_1183 : vector<16xi32>
      %lt3A = arith.constant 2504 : i32
      %lt3A_1185 = vector.broadcast %lt3A : i32 to vector<16xi32>
      %lt3A_1186 = arith.cmpi slt, %sub3A_1176, %lt3A_1185 : vector<16xi32>
      %and3A_1187 = arith.andi %ge3A_1184, %lt3A_1186 : vector<16xi1>
      %swap3A_1188 = arith.index_cast %scan3A_1170 : i32 to index
      %swap3A_1189 = tpu.vector_load %arg8[%swap3A_1188] masked %and3A_1187 {strides = array<i32>} : memref<20224xi32, #tpu.memory_space<vmem>>, vector<16xi32>, vector<16xi1>
      tpu.vector_store %arg8[%swap3A_1188], %sub3A_1176 masked %and3A_1187 {strides = array<i32>} : memref<20224xi32, #tpu.memory_space<vmem>>, vector<16xi32>, vector<16xi1>
      %swap3A_1190 = arith.index_cast %scan3A_1170 : i32 to index
      %swap3A_1191 = tpu.vector_load %arg7[%swap3A_1190] masked %and3A_1187 {strides = array<i32>} : memref<20224xi32, #tpu.memory_space<vmem>>, vector<16xi32>, vector<16xi1>
      tpu.vector_store %arg7[%swap3A_1190], %add3A_1182 masked %and3A_1187 {strides = array<i32>} : memref<20224xi32, #tpu.memory_space<vmem>>, vector<16xi32>, vector<16xi1>
      %all_reduce_population_count3A = tpu.all_reduce %and3A_1187 {dim = 0 : i64, kind = #tpu.reduction_kind<sum>} : vector<16xi1> -> vector<16xi32>
      %slice3A = vector.extract_strided_slice %all_reduce_population_count3A {offsets = [0], sizes = [1], strides = [1]} : vector<16xi32> to vector<1xi32>
      %squeeze3A = vector.extract %slice3A[0] : i32 from vector<1xi32>
      %add3A_1192 = arith.addi %scan3A_1170, %squeeze3A : i32
      scf.yield %add3A_1192 : i32
    }
    %scan3A_292 = arith.constant 1256 : i32
    %add3A_293 = arith.constant 0 : i32
    %add3A_294 = vector.broadcast %add3A_293 : i32 to vector<16xi32>
    %add3A_295 = arith.addi %iota3A, %add3A_294 : vector<16xi32>
    %and3A_296 = arith.constant 63 : i32
    %and3A_297 = vector.broadcast %and3A_296 : i32 to vector<16xi32>
    %and3A_298 = arith.andi %add3A_295, %and3A_297 : vector<16xi32>
    %add3A_299 = arith.constant 2504 : i32
    %add3A_300 = vector.broadcast %add3A_299 : i32 to vector<16xi32>
    %add3A_301 = arith.addi %add3A_300, %and3A_298 : vector<16xi32>
    %add3A_302 = arith.constant 0 : i32
    %add3A_303 = arith.addi %scan3A_291, %add3A_302 : i32
    %swap3A_304 = arith.index_cast %add3A_303 : i32 to index
    %swap3A_305 = tpu.vector_load %arg8[%swap3A_304] {strides = array<i32>} : memref<20224xi32, #tpu.memory_space<vmem>>, vector<16xi32>,
    tpu.vector_store %arg8[%swap3A_304], %add3A_301 {strides = array<i32>} : memref<20224xi32, #tpu.memory_space<vmem>>, vector<16xi32>,
    %mul3A_306 = arith.constant 577 : i32
    %mul3A_307 = vector.broadcast %mul3A_306 : i32 to vector<16xi32>
    %mul3A_308 = arith.muli %iota3A, %mul3A_307 : vector<16xi32>
    %add3A_309 = arith.constant 0 : i32
    %add3A_310 = vector.broadcast %add3A_309 : i32 to vector<16xi32>
    %add3A_311 = arith.addi %mul3A_308, %add3A_310 : vector<16xi32>
    %and3A_312 = arith.constant 8191 : i32
    %and3A_313 = vector.broadcast %and3A_312 : i32 to vector<16xi32>
    %and3A_314 = arith.andi %add3A_311, %and3A_313 : vector<16xi32>
    %add3A_315 = arith.constant 0 : i32
    %add3A_316 = arith.addi %scan3A_291, %add3A_315 : i32
    %swap3A_317 = arith.index_cast %add3A_316 : i32 to index
    %swap3A_318 = tpu.vector_load %arg7[%swap3A_317] {strides = array<i32>} : memref<20224xi32, #tpu.memory_space<vmem>>, vector<16xi32>,
    tpu.vector_store %arg7[%swap3A_317], %and3A_314 {strides = array<i32>} : memref<20224xi32, #tpu.memory_space<vmem>>, vector<16xi32>,
    %add3A_319 = arith.constant 16 : i32
    %add3A_320 = vector.broadcast %add3A_319 : i32 to vector<16xi32>
    %add3A_321 = arith.addi %iota3A, %add3A_320 : vector<16xi32>
    %and3A_322 = arith.constant 63 : i32
    %and3A_323 = vector.broadcast %and3A_322 : i32 to vector<16xi32>
    %and3A_324 = arith.andi %add3A_321, %and3A_323 : vector<16xi32>
    %add3A_325 = arith.constant 2504 : i32
    %add3A_326 = vector.broadcast %add3A_325 : i32 to vector<16xi32>
    %add3A_327 = arith.addi %add3A_326, %and3A_324 : vector<16xi32>
    %add3A_328 = arith.constant 16 : i32
    %add3A_329 = arith.addi %scan3A_291, %add3A_328 : i32
    %swap3A_330 = arith.index_cast %add3A_329 : i32 to index
    %swap3A_331 = tpu.vector_load %arg8[%swap3A_330] {strides = array<i32>} : memref<20224xi32, #tpu.memory_space<vmem>>, vector<16xi32>,
    tpu.vector_store %arg8[%swap3A_330], %add3A_327 {strides = array<i32>} : memref<20224xi32, #tpu.memory_space<vmem>>, vector<16xi32>,
    %mul3A_332 = arith.constant 577 : i32
    %mul3A_333 = vector.broadcast %mul3A_332 : i32 to vector<16xi32>
    %mul3A_334 = arith.muli %iota3A, %mul3A_333 : vector<16xi32>
    %add3A_335 = arith.constant 131 : i32
    %add3A_336 = vector.broadcast %add3A_335 : i32 to vector<16xi32>
    %add3A_337 = arith.addi %mul3A_334, %add3A_336 : vector<16xi32>
    %and3A_338 = arith.constant 8191 : i32
    %and3A_339 = vector.broadcast %and3A_338 : i32 to vector<16xi32>
    %and3A_340 = arith.andi %add3A_337, %and3A_339 : vector<16xi32>
    %add3A_341 = arith.constant 16 : i32
    %add3A_342 = arith.addi %scan3A_291, %add3A_341 : i32
    %swap3A_343 = arith.index_cast %add3A_342 : i32 to index
    %swap3A_344 = tpu.vector_load %arg7[%swap3A_343] {strides = array<i32>} : memref<20224xi32, #tpu.memory_space<vmem>>, vector<16xi32>,
    tpu.vector_store %arg7[%swap3A_343], %and3A_340 {strides = array<i32>} : memref<20224xi32, #tpu.memory_space<vmem>>, vector<16xi32>,
    %add3A_345 = arith.constant 32 : i32
    %add3A_346 = vector.broadcast %add3A_345 : i32 to vector<16xi32>
    %add3A_347 = arith.addi %iota3A, %add3A_346 : vector<16xi32>
    %and3A_348 = arith.constant 63 : i32
    %and3A_349 = vector.broadcast %and3A_348 : i32 to vector<16xi32>
    %and3A_350 = arith.andi %add3A_347, %and3A_349 : vector<16xi32>
    %add3A_351 = arith.constant 2504 : i32
    %add3A_352 = vector.broadcast %add3A_351 : i32 to vector<16xi32>
    %add3A_353 = arith.addi %add3A_352, %and3A_350 : vector<16xi32>
    %add3A_354 = arith.constant 32 : i32
    %add3A_355 = arith.addi %scan3A_291, %add3A_354 : i32
    %swap3A_356 = arith.index_cast %add3A_355 : i32 to index
    %swap3A_357 = tpu.vector_load %arg8[%swap3A_356] {strides = array<i32>} : memref<20224xi32, #tpu.memory_space<vmem>>, vector<16xi32>,
    tpu.vector_store %arg8[%swap3A_356], %add3A_353 {strides = array<i32>} : memref<20224xi32, #tpu.memory_space<vmem>>, vector<16xi32>,
    %mul3A_358 = arith.constant 577 : i32
    %mul3A_359 = vector.broadcast %mul3A_358 : i32 to vector<16xi32>
    %mul3A_360 = arith.muli %iota3A, %mul3A_359 : vector<16xi32>
    %add3A_361 = arith.constant 262 : i32
    %add3A_362 = vector.broadcast %add3A_361 : i32 to vector<16xi32>
    %add3A_363 = arith.addi %mul3A_360, %add3A_362 : vector<16xi32>
    %and3A_364 = arith.constant 8191 : i32
    %and3A_365 = vector.broadcast %and3A_364 : i32 to vector<16xi32>
    %and3A_366 = arith.andi %add3A_363, %and3A_365 : vector<16xi32>
    %add3A_367 = arith.constant 32 : i32
    %add3A_368 = arith.addi %scan3A_291, %add3A_367 : i32
    %swap3A_369 = arith.index_cast %add3A_368 : i32 to index
    %swap3A_370 = tpu.vector_load %arg7[%swap3A_369] {strides = array<i32>} : memref<20224xi32, #tpu.memory_space<vmem>>, vector<16xi32>,
    tpu.vector_store %arg7[%swap3A_369], %and3A_366 {strides = array<i32>} : memref<20224xi32, #tpu.memory_space<vmem>>, vector<16xi32>,
    %add3A_371 = arith.constant 48 : i32
    %add3A_372 = vector.broadcast %add3A_371 : i32 to vector<16xi32>
    %add3A_373 = arith.addi %iota3A, %add3A_372 : vector<16xi32>
    %and3A_374 = arith.constant 63 : i32
    %and3A_375 = vector.broadcast %and3A_374 : i32 to vector<16xi32>
    %and3A_376 = arith.andi %add3A_373, %and3A_375 : vector<16xi32>
    %add3A_377 = arith.constant 2504 : i32
    %add3A_378 = vector.broadcast %add3A_377 : i32 to vector<16xi32>
    %add3A_379 = arith.addi %add3A_378, %and3A_376 : vector<16xi32>
    %add3A_380 = arith.constant 48 : i32
    %add3A_381 = arith.addi %scan3A_291, %add3A_380 : i32
    %swap3A_382 = arith.index_cast %add3A_381 : i32 to index
    %swap3A_383 = tpu.vector_load %arg8[%swap3A_382] {strides = array<i32>} : memref<20224xi32, #tpu.memory_space<vmem>>, vector<16xi32>,
    tpu.vector_store %arg8[%swap3A_382], %add3A_379 {strides = array<i32>} : memref<20224xi32, #tpu.memory_space<vmem>>, vector<16xi32>,
    %mul3A_384 = arith.constant 577 : i32
    %mul3A_385 = vector.broadcast %mul3A_384 : i32 to vector<16xi32>
    %mul3A_386 = arith.muli %iota3A, %mul3A_385 : vector<16xi32>
    %add3A_387 = arith.constant 393 : i32
    %add3A_388 = vector.broadcast %add3A_387 : i32 to vector<16xi32>
    %add3A_389 = arith.addi %mul3A_386, %add3A_388 : vector<16xi32>
    %and3A_390 = arith.constant 8191 : i32
    %and3A_391 = vector.broadcast %and3A_390 : i32 to vector<16xi32>
    %and3A_392 = arith.andi %add3A_389, %and3A_391 : vector<16xi32>
    %add3A_393 = arith.constant 48 : i32
    %add3A_394 = arith.addi %scan3A_291, %add3A_393 : i32
    %swap3A_395 = arith.index_cast %add3A_394 : i32 to index
    %swap3A_396 = tpu.vector_load %arg7[%swap3A_395] {strides = array<i32>} : memref<20224xi32, #tpu.memory_space<vmem>>, vector<16xi32>,
    tpu.vector_store %arg7[%swap3A_395], %and3A_392 {strides = array<i32>} : memref<20224xi32, #tpu.memory_space<vmem>>, vector<16xi32>,
    %add3A_397 = arith.constant 64 : i32
    %add3A_398 = vector.broadcast %add3A_397 : i32 to vector<16xi32>
    %add3A_399 = arith.addi %iota3A, %add3A_398 : vector<16xi32>
    %and3A_400 = arith.constant 63 : i32
    %and3A_401 = vector.broadcast %and3A_400 : i32 to vector<16xi32>
    %and3A_402 = arith.andi %add3A_399, %and3A_401 : vector<16xi32>
    %add3A_403 = arith.constant 2504 : i32
    %add3A_404 = vector.broadcast %add3A_403 : i32 to vector<16xi32>
    %add3A_405 = arith.addi %add3A_404, %and3A_402 : vector<16xi32>
    %add3A_406 = arith.constant 64 : i32
    %add3A_407 = arith.addi %scan3A_291, %add3A_406 : i32
    %swap3A_408 = arith.index_cast %add3A_407 : i32 to index
    %swap3A_409 = tpu.vector_load %arg8[%swap3A_408] {strides = array<i32>} : memref<20224xi32, #tpu.memory_space<vmem>>, vector<16xi32>,
    tpu.vector_store %arg8[%swap3A_408], %add3A_405 {strides = array<i32>} : memref<20224xi32, #tpu.memory_space<vmem>>, vector<16xi32>,
    %mul3A_410 = arith.constant 577 : i32
    %mul3A_411 = vector.broadcast %mul3A_410 : i32 to vector<16xi32>
    %mul3A_412 = arith.muli %iota3A, %mul3A_411 : vector<16xi32>
    %add3A_413 = arith.constant 524 : i32
    %add3A_414 = vector.broadcast %add3A_413 : i32 to vector<16xi32>
    %add3A_415 = arith.addi %mul3A_412, %add3A_414 : vector<16xi32>
    %and3A_416 = arith.constant 8191 : i32
    %and3A_417 = vector.broadcast %and3A_416 : i32 to vector<16xi32>
    %and3A_418 = arith.andi %add3A_415, %and3A_417 : vector<16xi32>
    %add3A_419 = arith.constant 64 : i32
    %add3A_420 = arith.addi %scan3A_291, %add3A_419 : i32
    %swap3A_421 = arith.index_cast %add3A_420 : i32 to index
    %swap3A_422 = tpu.vector_load %arg7[%swap3A_421] {strides = array<i32>} : memref<20224xi32, #tpu.memory_space<vmem>>, vector<16xi32>,
    tpu.vector_store %arg7[%swap3A_421], %and3A_418 {strides = array<i32>} : memref<20224xi32, #tpu.memory_space<vmem>>, vector<16xi32>,
    %add3A_423 = arith.constant 80 : i32
    %add3A_424 = vector.broadcast %add3A_423 : i32 to vector<16xi32>
    %add3A_425 = arith.addi %iota3A, %add3A_424 : vector<16xi32>
    %and3A_426 = arith.constant 63 : i32
    %and3A_427 = vector.broadcast %and3A_426 : i32 to vector<16xi32>
    %and3A_428 = arith.andi %add3A_425, %and3A_427 : vector<16xi32>
    %add3A_429 = arith.constant 2504 : i32
    %add3A_430 = vector.broadcast %add3A_429 : i32 to vector<16xi32>
    %add3A_431 = arith.addi %add3A_430, %and3A_428 : vector<16xi32>
    %add3A_432 = arith.constant 80 : i32
    %add3A_433 = arith.addi %scan3A_291, %add3A_432 : i32
    %swap3A_434 = arith.index_cast %add3A_433 : i32 to index
    %swap3A_435 = tpu.vector_load %arg8[%swap3A_434] {strides = array<i32>} : memref<20224xi32, #tpu.memory_space<vmem>>, vector<16xi32>,
    tpu.vector_store %arg8[%swap3A_434], %add3A_431 {strides = array<i32>} : memref<20224xi32, #tpu.memory_space<vmem>>, vector<16xi32>,
    %mul3A_436 = arith.constant 577 : i32
    %mul3A_437 = vector.broadcast %mul3A_436 : i32 to vector<16xi32>
    %mul3A_438 = arith.muli %iota3A, %mul3A_437 : vector<16xi32>
    %add3A_439 = arith.constant 655 : i32
    %add3A_440 = vector.broadcast %add3A_439 : i32 to vector<16xi32>
    %add3A_441 = arith.addi %mul3A_438, %add3A_440 : vector<16xi32>
    %and3A_442 = arith.constant 8191 : i32
    %and3A_443 = vector.broadcast %and3A_442 : i32 to vector<16xi32>
    %and3A_444 = arith.andi %add3A_441, %and3A_443 : vector<16xi32>
    %add3A_445 = arith.constant 80 : i32
    %add3A_446 = arith.addi %scan3A_291, %add3A_445 : i32
    %swap3A_447 = arith.index_cast %add3A_446 : i32 to index
    %swap3A_448 = tpu.vector_load %arg7[%swap3A_447] {strides = array<i32>} : memref<20224xi32, #tpu.memory_space<vmem>>, vector<16xi32>,
    tpu.vector_store %arg7[%swap3A_447], %and3A_444 {strides = array<i32>} : memref<20224xi32, #tpu.memory_space<vmem>>, vector<16xi32>,
    %add3A_449 = arith.constant 96 : i32
    %add3A_450 = vector.broadcast %add3A_449 : i32 to vector<16xi32>
    %add3A_451 = arith.addi %iota3A, %add3A_450 : vector<16xi32>
    %and3A_452 = arith.constant 63 : i32
    %and3A_453 = vector.broadcast %and3A_452 : i32 to vector<16xi32>
    %and3A_454 = arith.andi %add3A_451, %and3A_453 : vector<16xi32>
    %add3A_455 = arith.constant 2504 : i32
    %add3A_456 = vector.broadcast %add3A_455 : i32 to vector<16xi32>
    %add3A_457 = arith.addi %add3A_456, %and3A_454 : vector<16xi32>
    %add3A_458 = arith.constant 96 : i32
    %add3A_459 = arith.addi %scan3A_291, %add3A_458 : i32
    %swap3A_460 = arith.index_cast %add3A_459 : i32 to index
    %swap3A_461 = tpu.vector_load %arg8[%swap3A_460] {strides = array<i32>} : memref<20224xi32, #tpu.memory_space<vmem>>, vector<16xi32>,
    tpu.vector_store %arg8[%swap3A_460], %add3A_457 {strides = array<i32>} : memref<20224xi32, #tpu.memory_space<vmem>>, vector<16xi32>,
    %mul3A_462 = arith.constant 577 : i32
    %mul3A_463 = vector.broadcast %mul3A_462 : i32 to vector<16xi32>
    %mul3A_464 = arith.muli %iota3A, %mul3A_463 : vector<16xi32>
    %add3A_465 = arith.constant 786 : i32
    %add3A_466 = vector.broadcast %add3A_465 : i32 to vector<16xi32>
    %add3A_467 = arith.addi %mul3A_464, %add3A_466 : vector<16xi32>
    %and3A_468 = arith.constant 8191 : i32
    %and3A_469 = vector.broadcast %and3A_468 : i32 to vector<16xi32>
    %and3A_470 = arith.andi %add3A_467, %and3A_469 : vector<16xi32>
    %add3A_471 = arith.constant 96 : i32
    %add3A_472 = arith.addi %scan3A_291, %add3A_471 : i32
    %swap3A_473 = arith.index_cast %add3A_472 : i32 to index
    %swap3A_474 = tpu.vector_load %arg7[%swap3A_473] {strides = array<i32>} : memref<20224xi32, #tpu.memory_space<vmem>>, vector<16xi32>,
    tpu.vector_store %arg7[%swap3A_473], %and3A_470 {strides = array<i32>} : memref<20224xi32, #tpu.memory_space<vmem>>, vector<16xi32>,
    %add3A_475 = arith.constant 112 : i32
    %add3A_476 = vector.broadcast %add3A_475 : i32 to vector<16xi32>
    %add3A_477 = arith.addi %iota3A, %add3A_476 : vector<16xi32>
    %and3A_478 = arith.constant 63 : i32
    %and3A_479 = vector.broadcast %and3A_478 : i32 to vector<16xi32>
    %and3A_480 = arith.andi %add3A_477, %and3A_479 : vector<16xi32>
    %add3A_481 = arith.constant 2504 : i32
    %add3A_482 = vector.broadcast %add3A_481 : i32 to vector<16xi32>
    %add3A_483 = arith.addi %add3A_482, %and3A_480 : vector<16xi32>
    %add3A_484 = arith.constant 112 : i32
    %add3A_485 = arith.addi %scan3A_291, %add3A_484 : i32
    %swap3A_486 = arith.index_cast %add3A_485 : i32 to index
    %swap3A_487 = tpu.vector_load %arg8[%swap3A_486] {strides = array<i32>} : memref<20224xi32, #tpu.memory_space<vmem>>, vector<16xi32>,
    tpu.vector_store %arg8[%swap3A_486], %add3A_483 {strides = array<i32>} : memref<20224xi32, #tpu.memory_space<vmem>>, vector<16xi32>,
    %mul3A_488 = arith.constant 577 : i32
    %mul3A_489 = vector.broadcast %mul3A_488 : i32 to vector<16xi32>
    %mul3A_490 = arith.muli %iota3A, %mul3A_489 : vector<16xi32>
    %add3A_491 = arith.constant 917 : i32
    %add3A_492 = vector.broadcast %add3A_491 : i32 to vector<16xi32>
    %add3A_493 = arith.addi %mul3A_490, %add3A_492 : vector<16xi32>
    %and3A_494 = arith.constant 8191 : i32
    %and3A_495 = vector.broadcast %and3A_494 : i32 to vector<16xi32>
    %and3A_496 = arith.andi %add3A_493, %and3A_495 : vector<16xi32>
    %add3A_497 = arith.constant 112 : i32
    %add3A_498 = arith.addi %scan3A_291, %add3A_497 : i32
    %swap3A_499 = arith.index_cast %add3A_498 : i32 to index
    %swap3A_500 = tpu.vector_load %arg7[%swap3A_499] {strides = array<i32>} : memref<20224xi32, #tpu.memory_space<vmem>>, vector<16xi32>,
    tpu.vector_store %arg7[%swap3A_499], %and3A_496 {strides = array<i32>} : memref<20224xi32, #tpu.memory_space<vmem>>, vector<16xi32>,
    %jit3A_501 = arith.constant 128 : i32
    %div3A_502 = arith.divsi %scan3A_291, %jit3A_501 : i32
    %sign3A_503 = arith.constant 0 : i32
    %sign3A_504 = arith.cmpi sgt, %scan3A_291, %sign3A_503 : i32
    %sign3A_505 = arith.extui %sign3A_504 : i1 to i32
    %sign3A_506 = arith.constant 0 : i32
    %sign3A_507 = arith.cmpi slt, %scan3A_291, %sign3A_506 : i32
    %sign3A_508 = arith.extui %sign3A_507 : i1 to i32
    %sign3A_509 = arith.subi %sign3A_505, %sign3A_508 : i32
    %sign3A_510 = arith.constant 0 : i32
    %sign3A_511 = arith.cmpi sgt, %jit3A_501, %sign3A_510 : i32
    %sign3A_512 = arith.extui %sign3A_511 : i1 to i32
    %sign3A_513 = arith.constant 0 : i32
    %sign3A_514 = arith.cmpi slt, %jit3A_501, %sign3A_513 : i32
    %sign3A_515 = arith.extui %sign3A_514 : i1 to i32
    %sign3A_516 = arith.subi %sign3A_512, %sign3A_515 : i32
    %ne3A_517 = arith.cmpi ne, %sign3A_509, %sign3A_516 : i32
    %rem3A_518 = arith.remsi %scan3A_291, %jit3A_501 : i32
    %ne3A_519 = arith.constant 0 : i32
    %ne3A_520 = arith.cmpi ne, %rem3A_518, %ne3A_519 : i32
    %and3A_521 = arith.andi %ne3A_517, %ne3A_520 : i1
    %sub3A_522 = arith.constant 1 : i32
    %sub3A_523 = arith.subi %div3A_502, %sub3A_522 : i32
    %select_n3A_524 = arith.select %and3A_521, %sub3A_523, %div3A_502 : i32
    %add3A_525 = arith.constant 1 : i32
    %add3A_526 = arith.addi %select_n3A_524, %add3A_525 : i32
    %barrier3A_527 = arith.constant 0 : index
    tpu.barrier barrier_id(%barrier3A_527)
    %add3A_528 = arith.constant 1 : i32
    %add3A_529 = arith.addi %add3A_526, %add3A_528 : i32
    %jit3A_530 = arith.constant 2 : i32
    %div3A_531 = arith.divsi %add3A_529, %jit3A_530 : i32
    %sign3A_532 = arith.constant 0 : i32
    %sign3A_533 = arith.cmpi sgt, %add3A_529, %sign3A_532 : i32
    %sign3A_534 = arith.extui %sign3A_533 : i1 to i32
    %sign3A_535 = arith.constant 0 : i32
    %sign3A_536 = arith.cmpi slt, %add3A_529, %sign3A_535 : i32
    %sign3A_537 = arith.extui %sign3A_536 : i1 to i32
    %sign3A_538 = arith.subi %sign3A_534, %sign3A_537 : i32
    %sign3A_539 = arith.constant 0 : i32
    %sign3A_540 = arith.cmpi sgt, %jit3A_530, %sign3A_539 : i32
    %sign3A_541 = arith.extui %sign3A_540 : i1 to i32
    %sign3A_542 = arith.constant 0 : i32
    %sign3A_543 = arith.cmpi slt, %jit3A_530, %sign3A_542 : i32
    %sign3A_544 = arith.extui %sign3A_543 : i1 to i32
    %sign3A_545 = arith.subi %sign3A_541, %sign3A_544 : i32
    %ne3A_546 = arith.cmpi ne, %sign3A_538, %sign3A_545 : i32
    %rem3A_547 = arith.remsi %add3A_529, %jit3A_530 : i32
    %ne3A_548 = arith.constant 0 : i32
    %ne3A_549 = arith.cmpi ne, %rem3A_547, %ne3A_548 : i32
    %and3A_550 = arith.andi %ne3A_546, %ne3A_549 : i1
    %sub3A_551 = arith.constant 1 : i32
    %sub3A_552 = arith.subi %div3A_531, %sub3A_551 : i32
    %select_n3A_553 = arith.select %and3A_550, %sub3A_552, %div3A_531 : i32
    %dma_start3A_554 = arith.constant 0 : i32
    %dma_start3A_555 = tpu.memref_slice %arg7[%dma_start3A_554] : memref<20224xi32, #tpu.memory_space<vmem>> -> memref<128xi32, #tpu.memory_space<vmem>>
    %dma_start3A_556 = arith.constant 0 : i32
    %dma_start3A_557 = arith.constant 0 : i32
    %dma_start3A_558 = tpu.memref_slice %arg2[%dma_start3A_556, %dma_start3A_557] : memref<20000x128xf32, #tpu.memory_space<hbm>> -> memref<20000x128xf32, #tpu.memory_space<hbm>>
    tpu.enqueue_indirect_dma source(%dma_start3A_558 : memref<20000x128xf32, #tpu.memory_space<hbm>>) target(%arg9 : memref<128x128xf32, #tpu.memory_space<vmem>>) offsets(%dma_start3A_555 : memref<128xi32, #tpu.memory_space<vmem>>) semaphore(%arg12 : memref<!tpu.dma_semaphore, #tpu.memory_space<semaphore_mem>>)
    %while3A_559 = arith.constant 0 : i32
    %while3A_560 = arith.constant 0 : i32
    %while3A_561 = arith.subi %select_n3A_553, %while3A_560 : i32
    %while3A_562 = arith.addi %while3A_560, %while3A_561 : i32
    %while3A_563 = arith.constant 1 : i32
    %while3A_564 = arith.divsi %while3A_561, %while3A_563 : i32
    %while3A_565 = arith.muli %while3A_564, %while3A_563 : i32
    %while3A_566 = arith.addi %while3A_560, %while3A_565 : i32
    %while3A_567 = arith.constant 1 : i32
    scf.for %while3A_1169 = %while3A_560 to %while3A_566 step %while3A_567  : i32 {
      %mul3A_1170 = arith.constant 2 : i32
      %mul3A_1171 = arith.muli %mul3A_1170, %while3A_1169 : i32
      %add3A_1172 = arith.constant 1 : i32
      %add3A_1173 = arith.addi %mul3A_1171, %add3A_1172 : i32
      %lt3A = arith.cmpi slt, %add3A_1173, %add3A_526 : i32
      %convert_element_type3A_1174 = arith.extui %lt3A : i1 to i32
      %cond3A_1175 = arith.constant 0 : i32
      %cond3A_1176 = arith.cmpi ne, %convert_element_type3A_1174, %cond3A_1175 : i32
      scf.if %cond3A_1176 {
        %add3A_1195 = arith.constant 1 : i32
        %add3A_1196 = arith.addi %mul3A_1171, %add3A_1195 : i32
        %mul3A_1197 = arith.constant 128 : i32
        %mul3A_1198 = arith.muli %add3A_1196, %mul3A_1197 : i32
        %dma_start3A_1199 = tpu.memref_slice %arg7[%mul3A_1198] : memref<20224xi32, #tpu.memory_space<vmem>> -> memref<128xi32, #tpu.memory_space<vmem>>
        %dma_start3A_1200 = arith.constant 0 : i32
        %dma_start3A_1201 = arith.constant 0 : i32
        %dma_start3A_1202 = tpu.memref_slice %arg2[%dma_start3A_1200, %dma_start3A_1201] : memref<20000x128xf32, #tpu.memory_space<hbm>> -> memref<20000x128xf32, #tpu.memory_space<hbm>>
        tpu.enqueue_indirect_dma source(%dma_start3A_1202 : memref<20000x128xf32, #tpu.memory_space<hbm>>) target(%arg10 : memref<128x128xf32, #tpu.memory_space<vmem>>) offsets(%dma_start3A_1199 : memref<128xi32, #tpu.memory_space<vmem>>) semaphore(%arg13 : memref<!tpu.dma_semaphore, #tpu.memory_space<semaphore_mem>>)
      } else {
      }
      %dma_wait3A = arith.constant 0 : i32
      %dma_wait3A_1177 = tpu.memref_slice %arg7[%dma_wait3A] : memref<20224xi32, #tpu.memory_space<vmem>> -> memref<128xi32, #tpu.memory_space<vmem>>
      %dma_wait3A_1178 = arith.constant 0 : i32
      %dma_wait3A_1179 = arith.constant 0 : i32
      %dma_wait3A_1180 = tpu.memref_slice %arg2[%dma_wait3A_1178, %dma_wait3A_1179] : memref<20000x128xf32, #tpu.memory_space<hbm>> -> memref<20000x128xf32, #tpu.memory_space<hbm>>
      tpu.wait_indirect_dma semaphore(%arg12 : memref<!tpu.dma_semaphore, #tpu.memory_space<semaphore_mem>>) src(%dma_wait3A_1180 : memref<20000x128xf32, #tpu.memory_space<hbm>>) dst(%arg9 : memref<128x128xf32, #tpu.memory_space<vmem>>)
      %mul3A_1181 = arith.constant 128 : i32
      %mul3A_1182 = arith.muli %mul3A_1171, %mul3A_1181 : i32
      "tpu.region"() ({
        %run_scoped3A = tpu.sem_alloc : memref<!tpu.dma_semaphore, #tpu.memory_space<semaphore_mem>>
        %dma_start3A_1195 = tpu.memref_slice %arg8[%mul3A_1182] : memref<20224xi32, #tpu.memory_space<vmem>> -> memref<128xi32, #tpu.memory_space<vmem>>
        %dma_start3A_1196 = arith.constant 0 : i32
        %dma_start3A_1197 = arith.constant 0 : i32
        %dma_start3A_1198 = tpu.memref_slice %arg11[%dma_start3A_1196, %dma_start3A_1197] : memref<2568x128xf32, #tpu.memory_space<vmem_shared>> -> memref<2568x128xf32, #tpu.memory_space<vmem_shared>>
        tpu.enqueue_indirect_dma source(%arg9 : memref<128x128xf32, #tpu.memory_space<vmem>>) target(%dma_start3A_1198 : memref<2568x128xf32, #tpu.memory_space<vmem_shared>>) offsets(%dma_start3A_1195 : memref<128xi32, #tpu.memory_space<vmem>>) semaphore(%run_scoped3A : memref<!tpu.dma_semaphore, #tpu.memory_space<semaphore_mem>>) {add = true}
        %dma_wait3A_1199 = tpu.memref_slice %arg8[%mul3A_1182] : memref<20224xi32, #tpu.memory_space<vmem>> -> memref<128xi32, #tpu.memory_space<vmem>>
        %dma_wait3A_1200 = arith.constant 0 : i32
        %dma_wait3A_1201 = arith.constant 0 : i32
        %dma_wait3A_1202 = tpu.memref_slice %arg11[%dma_wait3A_1200, %dma_wait3A_1201] : memref<2568x128xf32, #tpu.memory_space<vmem_shared>> -> memref<2568x128xf32, #tpu.memory_space<vmem_shared>>
        tpu.wait_indirect_dma semaphore(%run_scoped3A : memref<!tpu.dma_semaphore, #tpu.memory_space<semaphore_mem>>) src(%arg9 : memref<128x128xf32, #tpu.memory_space<vmem>>) dst(%dma_wait3A_1202 : memref<2568x128xf32, #tpu.memory_space<vmem_shared>>)
        tpu.yield
      }) : () -> ()
      %add3A_1183 = arith.constant 2 : i32
      %add3A_1184 = arith.addi %mul3A_1171, %add3A_1183 : i32
      %lt3A_1185 = arith.cmpi slt, %add3A_1184, %add3A_526 : i32
      %convert_element_type3A_1186 = arith.extui %lt3A_1185 : i1 to i32
      %cond3A_1187 = arith.constant 0 : i32
      %cond3A_1188 = arith.cmpi ne, %convert_element_type3A_1186, %cond3A_1187 : i32
      scf.if %cond3A_1188 {
        %add3A_1195 = arith.constant 2 : i32
        %add3A_1196 = arith.addi %mul3A_1171, %add3A_1195 : i32
        %mul3A_1197 = arith.constant 128 : i32
        %mul3A_1198 = arith.muli %add3A_1196, %mul3A_1197 : i32
        %dma_start3A_1199 = tpu.memref_slice %arg7[%mul3A_1198] : memref<20224xi32, #tpu.memory_space<vmem>> -> memref<128xi32, #tpu.memory_space<vmem>>
        %dma_start3A_1200 = arith.constant 0 : i32
        %dma_start3A_1201 = arith.constant 0 : i32
        %dma_start3A_1202 = tpu.memref_slice %arg2[%dma_start3A_1200, %dma_start3A_1201] : memref<20000x128xf32, #tpu.memory_space<hbm>> -> memref<20000x128xf32, #tpu.memory_space<hbm>>
        tpu.enqueue_indirect_dma source(%dma_start3A_1202 : memref<20000x128xf32, #tpu.memory_space<hbm>>) target(%arg9 : memref<128x128xf32, #tpu.memory_space<vmem>>) offsets(%dma_start3A_1199 : memref<128xi32, #tpu.memory_space<vmem>>) semaphore(%arg12 : memref<!tpu.dma_semaphore, #tpu.memory_space<semaphore_mem>>)
      } else {
      }
      %add3A_1189 = arith.constant 1 : i32
      %add3A_1190 = arith.addi %mul3A_1171, %add3A_1189 : i32
      %lt3A_1191 = arith.cmpi slt, %add3A_1190, %add3A_526 : i32
      %convert_element_type3A_1192 = arith.extui %lt3A_1191 : i1 to i32
      %cond3A_1193 = arith.constant 0 : i32
      %cond3A_1194 = arith.cmpi ne, %convert_element_type3A_1192, %cond3A_1193 : i32
      scf.if %cond3A_1194 {
        %dma_wait3A_1195 = arith.constant 0 : i32
        %dma_wait3A_1196 = tpu.memref_slice %arg7[%dma_wait3A_1195] : memref<20224xi32, #tpu.memory_space<vmem>> -> memref<128xi32, #tpu.memory_space<vmem>>
        %dma_wait3A_1197 = arith.constant 0 : i32
        %dma_wait3A_1198 = arith.constant 0 : i32
        %dma_wait3A_1199 = tpu.memref_slice %arg2[%dma_wait3A_1197, %dma_wait3A_1198] : memref<20000x128xf32, #tpu.memory_space<hbm>> -> memref<20000x128xf32, #tpu.memory_space<hbm>>
        tpu.wait_indirect_dma semaphore(%arg13 : memref<!tpu.dma_semaphore, #tpu.memory_space<semaphore_mem>>) src(%dma_wait3A_1199 : memref<20000x128xf32, #tpu.memory_space<hbm>>) dst(%arg10 : memref<128x128xf32, #tpu.memory_space<vmem>>)
        %add3A_1200 = arith.constant 1 : i32
        %add3A_1201 = arith.addi %mul3A_1171, %add3A_1200 : i32
        %mul3A_1202 = arith.constant 128 : i32
        %mul3A_1203 = arith.muli %add3A_1201, %mul3A_1202 : i32
        "tpu.region"() ({
          %run_scoped3A = tpu.sem_alloc : memref<!tpu.dma_semaphore, #tpu.memory_space<semaphore_mem>>
          %dma_start3A_1204 = tpu.memref_slice %arg8[%mul3A_1203] : memref<20224xi32, #tpu.memory_space<vmem>> -> memref<128xi32, #tpu.memory_space<vmem>>
          %dma_start3A_1205 = arith.constant 0 : i32
          %dma_start3A_1206 = arith.constant 0 : i32
          %dma_start3A_1207 = tpu.memref_slice %arg11[%dma_start3A_1205, %dma_start3A_1206] : memref<2568x128xf32, #tpu.memory_space<vmem_shared>> -> memref<2568x128xf32, #tpu.memory_space<vmem_shared>>
          tpu.enqueue_indirect_dma source(%arg10 : memref<128x128xf32, #tpu.memory_space<vmem>>) target(%dma_start3A_1207 : memref<2568x128xf32, #tpu.memory_space<vmem_shared>>) offsets(%dma_start3A_1204 : memref<128xi32, #tpu.memory_space<vmem>>) semaphore(%run_scoped3A : memref<!tpu.dma_semaphore, #tpu.memory_space<semaphore_mem>>) {add = true}
          %dma_wait3A_1208 = tpu.memref_slice %arg8[%mul3A_1203] : memref<20224xi32, #tpu.memory_space<vmem>> -> memref<128xi32, #tpu.memory_space<vmem>>
          %dma_wait3A_1209 = arith.constant 0 : i32
          %dma_wait3A_1210 = arith.constant 0 : i32
          %dma_wait3A_1211 = tpu.memref_slice %arg11[%dma_wait3A_1209, %dma_wait3A_1210] : memref<2568x128xf32, #tpu.memory_space<vmem_shared>> -> memref<2568x128xf32, #tpu.memory_space<vmem_shared>>
          tpu.wait_indirect_dma semaphore(%run_scoped3A : memref<!tpu.dma_semaphore, #tpu.memory_space<semaphore_mem>>) src(%arg10 : memref<128x128xf32, #tpu.memory_space<vmem>>) dst(%dma_wait3A_1211 : memref<2568x128xf32, #tpu.memory_space<vmem_shared>>)
          tpu.yield
        }) : () -> ()
      } else {
      }
    }
    %while3A_568 = arith.constant 1 : i32
    scf.for %while3A_1169 = %while3A_566 to %while3A_562 step %while3A_568  : i32 {
      %mul3A_1170 = arith.constant 2 : i32
      %mul3A_1171 = arith.muli %mul3A_1170, %while3A_1169 : i32
      %add3A_1172 = arith.constant 1 : i32
      %add3A_1173 = arith.addi %mul3A_1171, %add3A_1172 : i32
      %lt3A = arith.cmpi slt, %add3A_1173, %add3A_526 : i32
      %convert_element_type3A_1174 = arith.extui %lt3A : i1 to i32
      %cond3A_1175 = arith.constant 0 : i32
      %cond3A_1176 = arith.cmpi ne, %convert_element_type3A_1174, %cond3A_1175 : i32
      scf.if %cond3A_1176 {
        %add3A_1195 = arith.constant 1 : i32
        %add3A_1196 = arith.addi %mul3A_1171, %add3A_1195 : i32
        %mul3A_1197 = arith.constant 128 : i32
        %mul3A_1198 = arith.muli %add3A_1196, %mul3A_1197 : i32
        %dma_start3A_1199 = tpu.memref_slice %arg7[%mul3A_1198] : memref<20224xi32, #tpu.memory_space<vmem>> -> memref<128xi32, #tpu.memory_space<vmem>>
        %dma_start3A_1200 = arith.constant 0 : i32
        %dma_start3A_1201 = arith.constant 0 : i32
        %dma_start3A_1202 = tpu.memref_slice %arg2[%dma_start3A_1200, %dma_start3A_1201] : memref<20000x128xf32, #tpu.memory_space<hbm>> -> memref<20000x128xf32, #tpu.memory_space<hbm>>
        tpu.enqueue_indirect_dma source(%dma_start3A_1202 : memref<20000x128xf32, #tpu.memory_space<hbm>>) target(%arg10 : memref<128x128xf32, #tpu.memory_space<vmem>>) offsets(%dma_start3A_1199 : memref<128xi32, #tpu.memory_space<vmem>>) semaphore(%arg13 : memref<!tpu.dma_semaphore, #tpu.memory_space<semaphore_mem>>)
      } else {
      }
      %dma_wait3A = arith.constant 0 : i32
      %dma_wait3A_1177 = tpu.memref_slice %arg7[%dma_wait3A] : memref<20224xi32, #tpu.memory_space<vmem>> -> memref<128xi32, #tpu.memory_space<vmem>>
      %dma_wait3A_1178 = arith.constant 0 : i32
      %dma_wait3A_1179 = arith.constant 0 : i32
      %dma_wait3A_1180 = tpu.memref_slice %arg2[%dma_wait3A_1178, %dma_wait3A_1179] : memref<20000x128xf32, #tpu.memory_space<hbm>> -> memref<20000x128xf32, #tpu.memory_space<hbm>>
      tpu.wait_indirect_dma semaphore(%arg12 : memref<!tpu.dma_semaphore, #tpu.memory_space<semaphore_mem>>) src(%dma_wait3A_1180 : memref<20000x128xf32, #tpu.memory_space<hbm>>) dst(%arg9 : memref<128x128xf32, #tpu.memory_space<vmem>>)
      %mul3A_1181 = arith.constant 128 : i32
      %mul3A_1182 = arith.muli %mul3A_1171, %mul3A_1181 : i32
      "tpu.region"() ({
        %run_scoped3A = tpu.sem_alloc : memref<!tpu.dma_semaphore, #tpu.memory_space<semaphore_mem>>
        %dma_start3A_1195 = tpu.memref_slice %arg8[%mul3A_1182] : memref<20224xi32, #tpu.memory_space<vmem>> -> memref<128xi32, #tpu.memory_space<vmem>>
        %dma_start3A_1196 = arith.constant 0 : i32
        %dma_start3A_1197 = arith.constant 0 : i32
        %dma_start3A_1198 = tpu.memref_slice %arg11[%dma_start3A_1196, %dma_start3A_1197] : memref<2568x128xf32, #tpu.memory_space<vmem_shared>> -> memref<2568x128xf32, #tpu.memory_space<vmem_shared>>
        tpu.enqueue_indirect_dma source(%arg9 : memref<128x128xf32, #tpu.memory_space<vmem>>) target(%dma_start3A_1198 : memref<2568x128xf32, #tpu.memory_space<vmem_shared>>) offsets(%dma_start3A_1195 : memref<128xi32, #tpu.memory_space<vmem>>) semaphore(%run_scoped3A : memref<!tpu.dma_semaphore, #tpu.memory_space<semaphore_mem>>) {add = true}
        %dma_wait3A_1199 = tpu.memref_slice %arg8[%mul3A_1182] : memref<20224xi32, #tpu.memory_space<vmem>> -> memref<128xi32, #tpu.memory_space<vmem>>
        %dma_wait3A_1200 = arith.constant 0 : i32
        %dma_wait3A_1201 = arith.constant 0 : i32
        %dma_wait3A_1202 = tpu.memref_slice %arg11[%dma_wait3A_1200, %dma_wait3A_1201] : memref<2568x128xf32, #tpu.memory_space<vmem_shared>> -> memref<2568x128xf32, #tpu.memory_space<vmem_shared>>
        tpu.wait_indirect_dma semaphore(%run_scoped3A : memref<!tpu.dma_semaphore, #tpu.memory_space<semaphore_mem>>) src(%arg9 : memref<128x128xf32, #tpu.memory_space<vmem>>) dst(%dma_wait3A_1202 : memref<2568x128xf32, #tpu.memory_space<vmem_shared>>)
        tpu.yield
      }) : () -> ()
      %add3A_1183 = arith.constant 2 : i32
      %add3A_1184 = arith.addi %mul3A_1171, %add3A_1183 : i32
      %lt3A_1185 = arith.cmpi slt, %add3A_1184, %add3A_526 : i32
      %convert_element_type3A_1186 = arith.extui %lt3A_1185 : i1 to i32
      %cond3A_1187 = arith.constant 0 : i32
      %cond3A_1188 = arith.cmpi ne, %convert_element_type3A_1186, %cond3A_1187 : i32
      scf.if %cond3A_1188 {
        %add3A_1195 = arith.constant 2 : i32
        %add3A_1196 = arith.addi %mul3A_1171, %add3A_1195 : i32
        %mul3A_1197 = arith.constant 128 : i32
        %mul3A_1198 = arith.muli %add3A_1196, %mul3A_1197 : i32
        %dma_start3A_1199 = tpu.memref_slice %arg7[%mul3A_1198] : memref<20224xi32, #tpu.memory_space<vmem>> -> memref<128xi32, #tpu.memory_space<vmem>>
        %dma_start3A_1200 = arith.constant 0 : i32
        %dma_start3A_1201 = arith.constant 0 : i32
        %dma_start3A_1202 = tpu.memref_slice %arg2[%dma_start3A_1200, %dma_start3A_1201] : memref<20000x128xf32, #tpu.memory_space<hbm>> -> memref<20000x128xf32, #tpu.memory_space<hbm>>
        tpu.enqueue_indirect_dma source(%dma_start3A_1202 : memref<20000x128xf32, #tpu.memory_space<hbm>>) target(%arg9 : memref<128x128xf32, #tpu.memory_space<vmem>>) offsets(%dma_start3A_1199 : memref<128xi32, #tpu.memory_space<vmem>>) semaphore(%arg12 : memref<!tpu.dma_semaphore, #tpu.memory_space<semaphore_mem>>)
      } else {
      }
      %add3A_1189 = arith.constant 1 : i32
      %add3A_1190 = arith.addi %mul3A_1171, %add3A_1189 : i32
      %lt3A_1191 = arith.cmpi slt, %add3A_1190, %add3A_526 : i32
      %convert_element_type3A_1192 = arith.extui %lt3A_1191 : i1 to i32
      %cond3A_1193 = arith.constant 0 : i32
      %cond3A_1194 = arith.cmpi ne, %convert_element_type3A_1192, %cond3A_1193 : i32
      scf.if %cond3A_1194 {
        %dma_wait3A_1195 = arith.constant 0 : i32
        %dma_wait3A_1196 = tpu.memref_slice %arg7[%dma_wait3A_1195] : memref<20224xi32, #tpu.memory_space<vmem>> -> memref<128xi32, #tpu.memory_space<vmem>>
        %dma_wait3A_1197 = arith.constant 0 : i32
        %dma_wait3A_1198 = arith.constant 0 : i32
        %dma_wait3A_1199 = tpu.memref_slice %arg2[%dma_wait3A_1197, %dma_wait3A_1198] : memref<20000x128xf32, #tpu.memory_space<hbm>> -> memref<20000x128xf32, #tpu.memory_space<hbm>>
        tpu.wait_indirect_dma semaphore(%arg13 : memref<!tpu.dma_semaphore, #tpu.memory_space<semaphore_mem>>) src(%dma_wait3A_1199 : memref<20000x128xf32, #tpu.memory_space<hbm>>) dst(%arg10 : memref<128x128xf32, #tpu.memory_space<vmem>>)
        %add3A_1200 = arith.constant 1 : i32
        %add3A_1201 = arith.addi %mul3A_1171, %add3A_1200 : i32
        %mul3A_1202 = arith.constant 128 : i32
        %mul3A_1203 = arith.muli %add3A_1201, %mul3A_1202 : i32
        "tpu.region"() ({
          %run_scoped3A = tpu.sem_alloc : memref<!tpu.dma_semaphore, #tpu.memory_space<semaphore_mem>>
          %dma_start3A_1204 = tpu.memref_slice %arg8[%mul3A_1203] : memref<20224xi32, #tpu.memory_space<vmem>> -> memref<128xi32, #tpu.memory_space<vmem>>
          %dma_start3A_1205 = arith.constant 0 : i32
          %dma_start3A_1206 = arith.constant 0 : i32
          %dma_start3A_1207 = tpu.memref_slice %arg11[%dma_start3A_1205, %dma_start3A_1206] : memref<2568x128xf32, #tpu.memory_space<vmem_shared>> -> memref<2568x128xf32, #tpu.memory_space<vmem_shared>>
          tpu.enqueue_indirect_dma source(%arg10 : memref<128x128xf32, #tpu.memory_space<vmem>>) target(%dma_start3A_1207 : memref<2568x128xf32, #tpu.memory_space<vmem_shared>>) offsets(%dma_start3A_1204 : memref<128xi32, #tpu.memory_space<vmem>>) semaphore(%run_scoped3A : memref<!tpu.dma_semaphore, #tpu.memory_space<semaphore_mem>>) {add = true}
          %dma_wait3A_1208 = tpu.memref_slice %arg8[%mul3A_1203] : memref<20224xi32, #tpu.memory_space<vmem>> -> memref<128xi32, #tpu.memory_space<vmem>>
          %dma_wait3A_1209 = arith.constant 0 : i32
          %dma_wait3A_1210 = arith.constant 0 : i32
          %dma_wait3A_1211 = tpu.memref_slice %arg11[%dma_wait3A_1209, %dma_wait3A_1210] : memref<2568x128xf32, #tpu.memory_space<vmem_shared>> -> memref<2568x128xf32, #tpu.memory_space<vmem_shared>>
          tpu.wait_indirect_dma semaphore(%run_scoped3A : memref<!tpu.dma_semaphore, #tpu.memory_space<semaphore_mem>>) src(%arg10 : memref<128x128xf32, #tpu.memory_space<vmem>>) dst(%dma_wait3A_1211 : memref<2568x128xf32, #tpu.memory_space<vmem_shared>>)
          tpu.yield
        }) : () -> ()
      } else {
      }
    }
    %barrier3A_569 = arith.constant 0 : index
    tpu.barrier barrier_id(%barrier3A_569)
    %eq3A_570 = arith.constant 1 : i32
    %eq3A_571 = arith.cmpi eq, %arg1, %eq3A_570 : i32
    %convert_element_type3A_572 = arith.extui %eq3A_571 : i1 to i32
    %cond3A_573 = arith.constant 0 : i32
    %cond3A_574 = arith.cmpi ne, %convert_element_type3A_572, %cond3A_573 : i32
    scf.if %cond3A_574 {
      %mul3A_1169 = arith.constant 10016 : i32
      %mul3A_1170 = arith.muli %arg0, %mul3A_1169 : i32
      %add3A_1171 = arith.constant 2504 : i32
      %add3A_1172 = arith.addi %mul3A_1170, %add3A_1171 : i32
      "tpu.region"() ({
        %run_scoped3A = tpu.sem_alloc : memref<!tpu.dma_semaphore, #tpu.memory_space<semaphore_mem>>
        %dma_start3A_1173 = arith.constant 0 : i32
        %dma_start3A_1174 = tpu.memref_slice %arg6[%add3A_1172, %dma_start3A_1173] : memref<20032x128xf32, #tpu.memory_space<hbm>> -> memref<2504x128xf32, #tpu.memory_space<hbm>>
        %dma_start3A_1175 = arith.constant 0 : i32
        %dma_start3A_1176 = arith.constant 0 : i32
        %dma_start3A_1177 = tpu.memref_slice %arg11[%dma_start3A_1175, %dma_start3A_1176] : memref<2568x128xf32, #tpu.memory_space<vmem_shared>> -> memref<2504x128xf32, #tpu.memory_space<vmem_shared>>
        tpu.enqueue_dma source(%dma_start3A_1177 : memref<2504x128xf32, #tpu.memory_space<vmem_shared>>) target(%dma_start3A_1174 : memref<2504x128xf32, #tpu.memory_space<hbm>>) target_semaphore(%run_scoped3A : memref<!tpu.dma_semaphore, #tpu.memory_space<semaphore_mem>>)
        %dma_wait3A = arith.constant 0 : i32
        %dma_wait3A_1178 = tpu.memref_slice %arg6[%add3A_1172, %dma_wait3A] : memref<20032x128xf32, #tpu.memory_space<hbm>> -> memref<2504x128xf32, #tpu.memory_space<hbm>>
        %dma_wait3A_1179 = arith.constant 0 : i32
        %dma_wait3A_1180 = arith.constant 0 : i32
        %dma_wait3A_1181 = tpu.memref_slice %arg11[%dma_wait3A_1179, %dma_wait3A_1180] : memref<2568x128xf32, #tpu.memory_space<vmem_shared>> -> memref<2504x128xf32, #tpu.memory_space<vmem_shared>>
        tpu.wait_dma2 semaphore(%run_scoped3A : memref<!tpu.dma_semaphore, #tpu.memory_space<semaphore_mem>>) src(%dma_wait3A_1181 : memref<2504x128xf32, #tpu.memory_space<vmem_shared>>) dst(%dma_wait3A_1178 : memref<2504x128xf32, #tpu.memory_space<hbm>>)
        tpu.yield
      }) : () -> ()
    } else {
    }
    %barrier3A_575 = arith.constant 0 : index
    tpu.barrier barrier_id(%barrier3A_575)
    %eq3A_576 = arith.constant 0 : i32
    %eq3A_577 = arith.cmpi eq, %arg1, %eq3A_576 : i32
    %convert_element_type3A_578 = arith.extui %eq3A_577 : i1 to i32
    %cond3A_579 = arith.constant 0 : i32
    %cond3A_580 = arith.cmpi ne, %convert_element_type3A_578, %cond3A_579 : i32
    scf.if %cond3A_580 {
      "tpu.region"() ({
        %run_scoped3A = tpu.sem_alloc : memref<!tpu.dma_semaphore, #tpu.memory_space<semaphore_mem>>
        tpu.enqueue_dma source(%arg5 : memref<2568x128xf32, #tpu.memory_space<hbm>>) target(%arg11 : memref<2568x128xf32, #tpu.memory_space<vmem_shared>>) target_semaphore(%run_scoped3A : memref<!tpu.dma_semaphore, #tpu.memory_space<semaphore_mem>>)
        tpu.wait_dma2 semaphore(%run_scoped3A : memref<!tpu.dma_semaphore, #tpu.memory_space<semaphore_mem>>) src(%arg5 : memref<2568x128xf32, #tpu.memory_space<hbm>>) dst(%arg11 : memref<2568x128xf32, #tpu.memory_space<vmem_shared>>)
        tpu.yield
      }) : () -> ()
    } else {
    }
    "tpu.region"() ({
      %run_scoped3A = tpu.sem_alloc : memref<!tpu.dma_semaphore, #tpu.memory_space<semaphore_mem>>
      %dma_start3A_1169 = arith.constant 0 : i32
      %dma_start3A_1170 = tpu.memref_slice %arg7[%dma_start3A_1169] : memref<20224xi32, #tpu.memory_space<vmem>> -> memref<20096xi32, #tpu.memory_space<vmem>>
      %dma_start3A_1171 = arith.constant 0 : i32
      %dma_start3A_1172 = tpu.memref_slice %arg3[%arg1, %dma_start3A_1171] : memref<16x20096xi32, #tpu.memory_space<hbm>> -> memref<1x20096xi32, #tpu.memory_space<hbm>>
      %dma_start3A_1173 = tpu.memref_squeeze %dma_start3A_1172 : memref<1x20096xi32, #tpu.memory_space<hbm>> -> memref<20096xi32, #tpu.memory_space<hbm>>
      %dma_start3A_1174 = arith.constant 0 : i32
      %dma_start3A_1175 = tpu.memref_slice %arg7[%dma_start3A_1174] : memref<20224xi32, #tpu.memory_space<vmem>> -> memref<20096xi32, #tpu.memory_space<vmem>>
      %dma_start3A_1176 = arith.constant 0 : i32
      %dma_start3A_1177 = tpu.memref_slice %arg3[%arg1, %dma_start3A_1176] : memref<16x20096xi32, #tpu.memory_space<hbm>> -> memref<1x20096xi32, #tpu.memory_space<hbm>>
      %dma_start3A_1178 = tpu.memref_squeeze %dma_start3A_1177 : memref<1x20096xi32, #tpu.memory_space<hbm>> -> memref<20096xi32, #tpu.memory_space<hbm>>
      tpu.enqueue_dma source(%dma_start3A_1178 : memref<20096xi32, #tpu.memory_space<hbm>>) target(%dma_start3A_1175 : memref<20096xi32, #tpu.memory_space<vmem>>) target_semaphore(%run_scoped3A : memref<!tpu.dma_semaphore, #tpu.memory_space<semaphore_mem>>)
      %dma_wait3A = arith.constant 0 : i32
      %dma_wait3A_1179 = tpu.memref_slice %arg7[%dma_wait3A] : memref<20224xi32, #tpu.memory_space<vmem>> -> memref<20096xi32, #tpu.memory_space<vmem>>
      %dma_wait3A_1180 = arith.constant 0 : i32
      %dma_wait3A_1181 = tpu.memref_slice %arg3[%arg1, %dma_wait3A_1180] : memref<16x20096xi32, #tpu.memory_space<hbm>> -> memref<1x20096xi32, #tpu.memory_space<hbm>>
      %dma_wait3A_1182 = tpu.memref_squeeze %dma_wait3A_1181 : memref<1x20096xi32, #tpu.memory_space<hbm>> -> memref<20096xi32, #tpu.memory_space<hbm>>
      %dma_wait3A_1183 = arith.constant 0 : i32
      %dma_wait3A_1184 = tpu.memref_slice %arg7[%dma_wait3A_1183] : memref<20224xi32, #tpu.memory_space<vmem>> -> memref<20096xi32, #tpu.memory_space<vmem>>
      %dma_wait3A_1185 = arith.constant 0 : i32
      %dma_wait3A_1186 = tpu.memref_slice %arg3[%arg1, %dma_wait3A_1185] : memref<16x20096xi32, #tpu.memory_space<hbm>> -> memref<1x20096xi32, #tpu.memory_space<hbm>>
      %dma_wait3A_1187 = tpu.memref_squeeze %dma_wait3A_1186 : memref<1x20096xi32, #tpu.memory_space<hbm>> -> memref<20096xi32, #tpu.memory_space<hbm>>
      tpu.wait_dma2 semaphore(%run_scoped3A : memref<!tpu.dma_semaphore, #tpu.memory_space<semaphore_mem>>) src(%dma_wait3A_1187 : memref<20096xi32, #tpu.memory_space<hbm>>) dst(%dma_wait3A_1184 : memref<20096xi32, #tpu.memory_space<vmem>>)
      tpu.yield
    }) : () -> ()
    "tpu.region"() ({
      %run_scoped3A = tpu.sem_alloc : memref<!tpu.dma_semaphore, #tpu.memory_space<semaphore_mem>>
      %dma_start3A_1169 = arith.constant 0 : i32
      %dma_start3A_1170 = tpu.memref_slice %arg8[%dma_start3A_1169] : memref<20224xi32, #tpu.memory_space<vmem>> -> memref<20096xi32, #tpu.memory_space<vmem>>
      %dma_start3A_1171 = arith.constant 0 : i32
      %dma_start3A_1172 = tpu.memref_slice %arg4[%arg1, %dma_start3A_1171] : memref<16x20096xi32, #tpu.memory_space<hbm>> -> memref<1x20096xi32, #tpu.memory_space<hbm>>
      %dma_start3A_1173 = tpu.memref_squeeze %dma_start3A_1172 : memref<1x20096xi32, #tpu.memory_space<hbm>> -> memref<20096xi32, #tpu.memory_space<hbm>>
      %dma_start3A_1174 = arith.constant 0 : i32
      %dma_start3A_1175 = tpu.memref_slice %arg8[%dma_start3A_1174] : memref<20224xi32, #tpu.memory_space<vmem>> -> memref<20096xi32, #tpu.memory_space<vmem>>
      %dma_start3A_1176 = arith.constant 0 : i32
      %dma_start3A_1177 = tpu.memref_slice %arg4[%arg1, %dma_start3A_1176] : memref<16x20096xi32, #tpu.memory_space<hbm>> -> memref<1x20096xi32, #tpu.memory_space<hbm>>
      %dma_start3A_1178 = tpu.memref_squeeze %dma_start3A_1177 : memref<1x20096xi32, #tpu.memory_space<hbm>> -> memref<20096xi32, #tpu.memory_space<hbm>>
      tpu.enqueue_dma source(%dma_start3A_1178 : memref<20096xi32, #tpu.memory_space<hbm>>) target(%dma_start3A_1175 : memref<20096xi32, #tpu.memory_space<vmem>>) target_semaphore(%run_scoped3A : memref<!tpu.dma_semaphore, #tpu.memory_space<semaphore_mem>>)
      %dma_wait3A = arith.constant 0 : i32
      %dma_wait3A_1179 = tpu.memref_slice %arg8[%dma_wait3A] : memref<20224xi32, #tpu.memory_space<vmem>> -> memref<20096xi32, #tpu.memory_space<vmem>>
      %dma_wait3A_1180 = arith.constant 0 : i32
      %dma_wait3A_1181 = tpu.memref_slice %arg4[%arg1, %dma_wait3A_1180] : memref<16x20096xi32, #tpu.memory_space<hbm>> -> memref<1x20096xi32, #tpu.memory_space<hbm>>
      %dma_wait3A_1182 = tpu.memref_squeeze %dma_wait3A_1181 : memref<1x20096xi32, #tpu.memory_space<hbm>> -> memref<20096xi32, #tpu.memory_space<hbm>>
      %dma_wait3A_1183 = arith.constant 0 : i32
      %dma_wait3A_1184 = tpu.memref_slice %arg8[%dma_wait3A_1183] : memref<20224xi32, #tpu.memory_space<vmem>> -> memref<20096xi32, #tpu.memory_space<vmem>>
      %dma_wait3A_1185 = arith.constant 0 : i32
      %dma_wait3A_1186 = tpu.memref_slice %arg4[%arg1, %dma_wait3A_1185] : memref<16x20096xi32, #tpu.memory_space<hbm>> -> memref<1x20096xi32, #tpu.memory_space<hbm>>
      %dma_wait3A_1187 = tpu.memref_squeeze %dma_wait3A_1186 : memref<1x20096xi32, #tpu.memory_space<hbm>> -> memref<20096xi32, #tpu.memory_space<hbm>>
      tpu.wait_dma2 semaphore(%run_scoped3A : memref<!tpu.dma_semaphore, #tpu.memory_space<semaphore_mem>>) src(%dma_wait3A_1187 : memref<20096xi32, #tpu.memory_space<hbm>>) dst(%dma_wait3A_1184 : memref<20096xi32, #tpu.memory_space<vmem>>)
      tpu.yield
    }) : () -> ()
    %mul3A_581 = arith.constant 10000 : i32
    %mul3A_582 = arith.muli %arg0, %mul3A_581 : i32
    %scan3A_583 = arith.constant 0 : i32
    %scan3A_584 = arith.constant 0 : i32
    %scan3A_585 = arith.constant 1256 : i32
    %scan3A_586 = arith.addi %scan3A_584, %scan3A_585 : i32
    %scan3A_587 = arith.constant 1 : i32
    %scan3A_588 = scf.for %scan3A_1169 = %scan3A_584 to %scan3A_586 step %scan3A_587 iter_args(%scan3A_1170 = %scan3A_583) -> (i32)  : i32 {
      %mul3A_1171 = arith.constant 16 : i32
      %mul3A_1172 = arith.muli %scan3A_1169, %mul3A_1171 : i32
      %get3A = arith.index_cast %mul3A_1172 : i32 to index
      %get3A_1173 = tpu.vector_load %arg8[%get3A] {strides = array<i32>} : memref<20224xi32, #tpu.memory_space<vmem>>, vector<16xi32>,
      %sub3A_1174 = arith.constant 5008 : i32
      %sub3A_1175 = vector.broadcast %sub3A_1174 : i32 to vector<16xi32>
      %sub3A_1176 = arith.subi %get3A_1173, %sub3A_1175 : vector<16xi32>
      %mul3A_1177 = arith.constant 16 : i32
      %mul3A_1178 = arith.muli %scan3A_1169, %mul3A_1177 : i32
      %get3A_1179 = arith.index_cast %mul3A_1178 : i32 to index
      %get3A_1180 = tpu.vector_load %arg7[%get3A_1179] {strides = array<i32>} : memref<20224xi32, #tpu.memory_space<vmem>>, vector<16xi32>,
      %add3A_1181 = vector.broadcast %mul3A_582 : i32 to vector<16xi32>
      %add3A_1182 = arith.addi %get3A_1180, %add3A_1181 : vector<16xi32>
      %ge3A = arith.constant 0 : i32
      %ge3A_1183 = vector.broadcast %ge3A : i32 to vector<16xi32>
      %ge3A_1184 = arith.cmpi sge, %sub3A_1176, %ge3A_1183 : vector<16xi32>
      %lt3A = arith.constant 2504 : i32
      %lt3A_1185 = vector.broadcast %lt3A : i32 to vector<16xi32>
      %lt3A_1186 = arith.cmpi slt, %sub3A_1176, %lt3A_1185 : vector<16xi32>
      %and3A_1187 = arith.andi %ge3A_1184, %lt3A_1186 : vector<16xi1>
      %swap3A_1188 = arith.index_cast %scan3A_1170 : i32 to index
      %swap3A_1189 = tpu.vector_load %arg8[%swap3A_1188] masked %and3A_1187 {strides = array<i32>} : memref<20224xi32, #tpu.memory_space<vmem>>, vector<16xi32>, vector<16xi1>
      tpu.vector_store %arg8[%swap3A_1188], %sub3A_1176 masked %and3A_1187 {strides = array<i32>} : memref<20224xi32, #tpu.memory_space<vmem>>, vector<16xi32>, vector<16xi1>
      %swap3A_1190 = arith.index_cast %scan3A_1170 : i32 to index
      %swap3A_1191 = tpu.vector_load %arg7[%swap3A_1190] masked %and3A_1187 {strides = array<i32>} : memref<20224xi32, #tpu.memory_space<vmem>>, vector<16xi32>, vector<16xi1>
      tpu.vector_store %arg7[%swap3A_1190], %add3A_1182 masked %and3A_1187 {strides = array<i32>} : memref<20224xi32, #tpu.memory_space<vmem>>, vector<16xi32>, vector<16xi1>
      %all_reduce_population_count3A = tpu.all_reduce %and3A_1187 {dim = 0 : i64, kind = #tpu.reduction_kind<sum>} : vector<16xi1> -> vector<16xi32>
      %slice3A = vector.extract_strided_slice %all_reduce_population_count3A {offsets = [0], sizes = [1], strides = [1]} : vector<16xi32> to vector<1xi32>
      %squeeze3A = vector.extract %slice3A[0] : i32 from vector<1xi32>
      %add3A_1192 = arith.addi %scan3A_1170, %squeeze3A : i32
      scf.yield %add3A_1192 : i32
    }
    %scan3A_589 = arith.constant 1256 : i32
    %add3A_590 = arith.constant 0 : i32
    %add3A_591 = vector.broadcast %add3A_590 : i32 to vector<16xi32>
    %add3A_592 = arith.addi %iota3A, %add3A_591 : vector<16xi32>
    %and3A_593 = arith.constant 63 : i32
    %and3A_594 = vector.broadcast %and3A_593 : i32 to vector<16xi32>
    %and3A_595 = arith.andi %add3A_592, %and3A_594 : vector<16xi32>
    %add3A_596 = arith.constant 2504 : i32
    %add3A_597 = vector.broadcast %add3A_596 : i32 to vector<16xi32>
    %add3A_598 = arith.addi %add3A_597, %and3A_595 : vector<16xi32>
    %add3A_599 = arith.constant 0 : i32
    %add3A_600 = arith.addi %scan3A_588, %add3A_599 : i32
    %swap3A_601 = arith.index_cast %add3A_600 : i32 to index
    %swap3A_602 = tpu.vector_load %arg8[%swap3A_601] {strides = array<i32>} : memref<20224xi32, #tpu.memory_space<vmem>>, vector<16xi32>,
    tpu.vector_store %arg8[%swap3A_601], %add3A_598 {strides = array<i32>} : memref<20224xi32, #tpu.memory_space<vmem>>, vector<16xi32>,
    %mul3A_603 = arith.constant 577 : i32
    %mul3A_604 = vector.broadcast %mul3A_603 : i32 to vector<16xi32>
    %mul3A_605 = arith.muli %iota3A, %mul3A_604 : vector<16xi32>
    %add3A_606 = arith.constant 0 : i32
    %add3A_607 = vector.broadcast %add3A_606 : i32 to vector<16xi32>
    %add3A_608 = arith.addi %mul3A_605, %add3A_607 : vector<16xi32>
    %and3A_609 = arith.constant 8191 : i32
    %and3A_610 = vector.broadcast %and3A_609 : i32 to vector<16xi32>
    %and3A_611 = arith.andi %add3A_608, %and3A_610 : vector<16xi32>
    %add3A_612 = arith.constant 0 : i32
    %add3A_613 = arith.addi %scan3A_588, %add3A_612 : i32
    %swap3A_614 = arith.index_cast %add3A_613 : i32 to index
    %swap3A_615 = tpu.vector_load %arg7[%swap3A_614] {strides = array<i32>} : memref<20224xi32, #tpu.memory_space<vmem>>, vector<16xi32>,
    tpu.vector_store %arg7[%swap3A_614], %and3A_611 {strides = array<i32>} : memref<20224xi32, #tpu.memory_space<vmem>>, vector<16xi32>,
    %add3A_616 = arith.constant 16 : i32
    %add3A_617 = vector.broadcast %add3A_616 : i32 to vector<16xi32>
    %add3A_618 = arith.addi %iota3A, %add3A_617 : vector<16xi32>
    %and3A_619 = arith.constant 63 : i32
    %and3A_620 = vector.broadcast %and3A_619 : i32 to vector<16xi32>
    %and3A_621 = arith.andi %add3A_618, %and3A_620 : vector<16xi32>
    %add3A_622 = arith.constant 2504 : i32
    %add3A_623 = vector.broadcast %add3A_622 : i32 to vector<16xi32>
    %add3A_624 = arith.addi %add3A_623, %and3A_621 : vector<16xi32>
    %add3A_625 = arith.constant 16 : i32
    %add3A_626 = arith.addi %scan3A_588, %add3A_625 : i32
    %swap3A_627 = arith.index_cast %add3A_626 : i32 to index
    %swap3A_628 = tpu.vector_load %arg8[%swap3A_627] {strides = array<i32>} : memref<20224xi32, #tpu.memory_space<vmem>>, vector<16xi32>,
    tpu.vector_store %arg8[%swap3A_627], %add3A_624 {strides = array<i32>} : memref<20224xi32, #tpu.memory_space<vmem>>, vector<16xi32>,
    %mul3A_629 = arith.constant 577 : i32
    %mul3A_630 = vector.broadcast %mul3A_629 : i32 to vector<16xi32>
    %mul3A_631 = arith.muli %iota3A, %mul3A_630 : vector<16xi32>
    %add3A_632 = arith.constant 131 : i32
    %add3A_633 = vector.broadcast %add3A_632 : i32 to vector<16xi32>
    %add3A_634 = arith.addi %mul3A_631, %add3A_633 : vector<16xi32>
    %and3A_635 = arith.constant 8191 : i32
    %and3A_636 = vector.broadcast %and3A_635 : i32 to vector<16xi32>
    %and3A_637 = arith.andi %add3A_634, %and3A_636 : vector<16xi32>
    %add3A_638 = arith.constant 16 : i32
    %add3A_639 = arith.addi %scan3A_588, %add3A_638 : i32
    %swap3A_640 = arith.index_cast %add3A_639 : i32 to index
    %swap3A_641 = tpu.vector_load %arg7[%swap3A_640] {strides = array<i32>} : memref<20224xi32, #tpu.memory_space<vmem>>, vector<16xi32>,
    tpu.vector_store %arg7[%swap3A_640], %and3A_637 {strides = array<i32>} : memref<20224xi32, #tpu.memory_space<vmem>>, vector<16xi32>,
    %add3A_642 = arith.constant 32 : i32
    %add3A_643 = vector.broadcast %add3A_642 : i32 to vector<16xi32>
    %add3A_644 = arith.addi %iota3A, %add3A_643 : vector<16xi32>
    %and3A_645 = arith.constant 63 : i32
    %and3A_646 = vector.broadcast %and3A_645 : i32 to vector<16xi32>
    %and3A_647 = arith.andi %add3A_644, %and3A_646 : vector<16xi32>
    %add3A_648 = arith.constant 2504 : i32
    %add3A_649 = vector.broadcast %add3A_648 : i32 to vector<16xi32>
    %add3A_650 = arith.addi %add3A_649, %and3A_647 : vector<16xi32>
    %add3A_651 = arith.constant 32 : i32
    %add3A_652 = arith.addi %scan3A_588, %add3A_651 : i32
    %swap3A_653 = arith.index_cast %add3A_652 : i32 to index
    %swap3A_654 = tpu.vector_load %arg8[%swap3A_653] {strides = array<i32>} : memref<20224xi32, #tpu.memory_space<vmem>>, vector<16xi32>,
    tpu.vector_store %arg8[%swap3A_653], %add3A_650 {strides = array<i32>} : memref<20224xi32, #tpu.memory_space<vmem>>, vector<16xi32>,
    %mul3A_655 = arith.constant 577 : i32
    %mul3A_656 = vector.broadcast %mul3A_655 : i32 to vector<16xi32>
    %mul3A_657 = arith.muli %iota3A, %mul3A_656 : vector<16xi32>
    %add3A_658 = arith.constant 262 : i32
    %add3A_659 = vector.broadcast %add3A_658 : i32 to vector<16xi32>
    %add3A_660 = arith.addi %mul3A_657, %add3A_659 : vector<16xi32>
    %and3A_661 = arith.constant 8191 : i32
    %and3A_662 = vector.broadcast %and3A_661 : i32 to vector<16xi32>
    %and3A_663 = arith.andi %add3A_660, %and3A_662 : vector<16xi32>
    %add3A_664 = arith.constant 32 : i32
    %add3A_665 = arith.addi %scan3A_588, %add3A_664 : i32
    %swap3A_666 = arith.index_cast %add3A_665 : i32 to index
    %swap3A_667 = tpu.vector_load %arg7[%swap3A_666] {strides = array<i32>} : memref<20224xi32, #tpu.memory_space<vmem>>, vector<16xi32>,
    tpu.vector_store %arg7[%swap3A_666], %and3A_663 {strides = array<i32>} : memref<20224xi32, #tpu.memory_space<vmem>>, vector<16xi32>,
    %add3A_668 = arith.constant 48 : i32
    %add3A_669 = vector.broadcast %add3A_668 : i32 to vector<16xi32>
    %add3A_670 = arith.addi %iota3A, %add3A_669 : vector<16xi32>
    %and3A_671 = arith.constant 63 : i32
    %and3A_672 = vector.broadcast %and3A_671 : i32 to vector<16xi32>
    %and3A_673 = arith.andi %add3A_670, %and3A_672 : vector<16xi32>
    %add3A_674 = arith.constant 2504 : i32
    %add3A_675 = vector.broadcast %add3A_674 : i32 to vector<16xi32>
    %add3A_676 = arith.addi %add3A_675, %and3A_673 : vector<16xi32>
    %add3A_677 = arith.constant 48 : i32
    %add3A_678 = arith.addi %scan3A_588, %add3A_677 : i32
    %swap3A_679 = arith.index_cast %add3A_678 : i32 to index
    %swap3A_680 = tpu.vector_load %arg8[%swap3A_679] {strides = array<i32>} : memref<20224xi32, #tpu.memory_space<vmem>>, vector<16xi32>,
    tpu.vector_store %arg8[%swap3A_679], %add3A_676 {strides = array<i32>} : memref<20224xi32, #tpu.memory_space<vmem>>, vector<16xi32>,
    %mul3A_681 = arith.constant 577 : i32
    %mul3A_682 = vector.broadcast %mul3A_681 : i32 to vector<16xi32>
    %mul3A_683 = arith.muli %iota3A, %mul3A_682 : vector<16xi32>
    %add3A_684 = arith.constant 393 : i32
    %add3A_685 = vector.broadcast %add3A_684 : i32 to vector<16xi32>
    %add3A_686 = arith.addi %mul3A_683, %add3A_685 : vector<16xi32>
    %and3A_687 = arith.constant 8191 : i32
    %and3A_688 = vector.broadcast %and3A_687 : i32 to vector<16xi32>
    %and3A_689 = arith.andi %add3A_686, %and3A_688 : vector<16xi32>
    %add3A_690 = arith.constant 48 : i32
    %add3A_691 = arith.addi %scan3A_588, %add3A_690 : i32
    %swap3A_692 = arith.index_cast %add3A_691 : i32 to index
    %swap3A_693 = tpu.vector_load %arg7[%swap3A_692] {strides = array<i32>} : memref<20224xi32, #tpu.memory_space<vmem>>, vector<16xi32>,
    tpu.vector_store %arg7[%swap3A_692], %and3A_689 {strides = array<i32>} : memref<20224xi32, #tpu.memory_space<vmem>>, vector<16xi32>,
    %add3A_694 = arith.constant 64 : i32
    %add3A_695 = vector.broadcast %add3A_694 : i32 to vector<16xi32>
    %add3A_696 = arith.addi %iota3A, %add3A_695 : vector<16xi32>
    %and3A_697 = arith.constant 63 : i32
    %and3A_698 = vector.broadcast %and3A_697 : i32 to vector<16xi32>
    %and3A_699 = arith.andi %add3A_696, %and3A_698 : vector<16xi32>
    %add3A_700 = arith.constant 2504 : i32
    %add3A_701 = vector.broadcast %add3A_700 : i32 to vector<16xi32>
    %add3A_702 = arith.addi %add3A_701, %and3A_699 : vector<16xi32>
    %add3A_703 = arith.constant 64 : i32
    %add3A_704 = arith.addi %scan3A_588, %add3A_703 : i32
    %swap3A_705 = arith.index_cast %add3A_704 : i32 to index
    %swap3A_706 = tpu.vector_load %arg8[%swap3A_705] {strides = array<i32>} : memref<20224xi32, #tpu.memory_space<vmem>>, vector<16xi32>,
    tpu.vector_store %arg8[%swap3A_705], %add3A_702 {strides = array<i32>} : memref<20224xi32, #tpu.memory_space<vmem>>, vector<16xi32>,
    %mul3A_707 = arith.constant 577 : i32
    %mul3A_708 = vector.broadcast %mul3A_707 : i32 to vector<16xi32>
    %mul3A_709 = arith.muli %iota3A, %mul3A_708 : vector<16xi32>
    %add3A_710 = arith.constant 524 : i32
    %add3A_711 = vector.broadcast %add3A_710 : i32 to vector<16xi32>
    %add3A_712 = arith.addi %mul3A_709, %add3A_711 : vector<16xi32>
    %and3A_713 = arith.constant 8191 : i32
    %and3A_714 = vector.broadcast %and3A_713 : i32 to vector<16xi32>
    %and3A_715 = arith.andi %add3A_712, %and3A_714 : vector<16xi32>
    %add3A_716 = arith.constant 64 : i32
    %add3A_717 = arith.addi %scan3A_588, %add3A_716 : i32
    %swap3A_718 = arith.index_cast %add3A_717 : i32 to index
    %swap3A_719 = tpu.vector_load %arg7[%swap3A_718] {strides = array<i32>} : memref<20224xi32, #tpu.memory_space<vmem>>, vector<16xi32>,
    tpu.vector_store %arg7[%swap3A_718], %and3A_715 {strides = array<i32>} : memref<20224xi32, #tpu.memory_space<vmem>>, vector<16xi32>,
    %add3A_720 = arith.constant 80 : i32
    %add3A_721 = vector.broadcast %add3A_720 : i32 to vector<16xi32>
    %add3A_722 = arith.addi %iota3A, %add3A_721 : vector<16xi32>
    %and3A_723 = arith.constant 63 : i32
    %and3A_724 = vector.broadcast %and3A_723 : i32 to vector<16xi32>
    %and3A_725 = arith.andi %add3A_722, %and3A_724 : vector<16xi32>
    %add3A_726 = arith.constant 2504 : i32
    %add3A_727 = vector.broadcast %add3A_726 : i32 to vector<16xi32>
    %add3A_728 = arith.addi %add3A_727, %and3A_725 : vector<16xi32>
    %add3A_729 = arith.constant 80 : i32
    %add3A_730 = arith.addi %scan3A_588, %add3A_729 : i32
    %swap3A_731 = arith.index_cast %add3A_730 : i32 to index
    %swap3A_732 = tpu.vector_load %arg8[%swap3A_731] {strides = array<i32>} : memref<20224xi32, #tpu.memory_space<vmem>>, vector<16xi32>,
    tpu.vector_store %arg8[%swap3A_731], %add3A_728 {strides = array<i32>} : memref<20224xi32, #tpu.memory_space<vmem>>, vector<16xi32>,
    %mul3A_733 = arith.constant 577 : i32
    %mul3A_734 = vector.broadcast %mul3A_733 : i32 to vector<16xi32>
    %mul3A_735 = arith.muli %iota3A, %mul3A_734 : vector<16xi32>
    %add3A_736 = arith.constant 655 : i32
    %add3A_737 = vector.broadcast %add3A_736 : i32 to vector<16xi32>
    %add3A_738 = arith.addi %mul3A_735, %add3A_737 : vector<16xi32>
    %and3A_739 = arith.constant 8191 : i32
    %and3A_740 = vector.broadcast %and3A_739 : i32 to vector<16xi32>
    %and3A_741 = arith.andi %add3A_738, %and3A_740 : vector<16xi32>
    %add3A_742 = arith.constant 80 : i32
    %add3A_743 = arith.addi %scan3A_588, %add3A_742 : i32
    %swap3A_744 = arith.index_cast %add3A_743 : i32 to index
    %swap3A_745 = tpu.vector_load %arg7[%swap3A_744] {strides = array<i32>} : memref<20224xi32, #tpu.memory_space<vmem>>, vector<16xi32>,
    tpu.vector_store %arg7[%swap3A_744], %and3A_741 {strides = array<i32>} : memref<20224xi32, #tpu.memory_space<vmem>>, vector<16xi32>,
    %add3A_746 = arith.constant 96 : i32
    %add3A_747 = vector.broadcast %add3A_746 : i32 to vector<16xi32>
    %add3A_748 = arith.addi %iota3A, %add3A_747 : vector<16xi32>
    %and3A_749 = arith.constant 63 : i32
    %and3A_750 = vector.broadcast %and3A_749 : i32 to vector<16xi32>
    %and3A_751 = arith.andi %add3A_748, %and3A_750 : vector<16xi32>
    %add3A_752 = arith.constant 2504 : i32
    %add3A_753 = vector.broadcast %add3A_752 : i32 to vector<16xi32>
    %add3A_754 = arith.addi %add3A_753, %and3A_751 : vector<16xi32>
    %add3A_755 = arith.constant 96 : i32
    %add3A_756 = arith.addi %scan3A_588, %add3A_755 : i32
    %swap3A_757 = arith.index_cast %add3A_756 : i32 to index
    %swap3A_758 = tpu.vector_load %arg8[%swap3A_757] {strides = array<i32>} : memref<20224xi32, #tpu.memory_space<vmem>>, vector<16xi32>,
    tpu.vector_store %arg8[%swap3A_757], %add3A_754 {strides = array<i32>} : memref<20224xi32, #tpu.memory_space<vmem>>, vector<16xi32>,
    %mul3A_759 = arith.constant 577 : i32
    %mul3A_760 = vector.broadcast %mul3A_759 : i32 to vector<16xi32>
    %mul3A_761 = arith.muli %iota3A, %mul3A_760 : vector<16xi32>
    %add3A_762 = arith.constant 786 : i32
    %add3A_763 = vector.broadcast %add3A_762 : i32 to vector<16xi32>
    %add3A_764 = arith.addi %mul3A_761, %add3A_763 : vector<16xi32>
    %and3A_765 = arith.constant 8191 : i32
    %and3A_766 = vector.broadcast %and3A_765 : i32 to vector<16xi32>
    %and3A_767 = arith.andi %add3A_764, %and3A_766 : vector<16xi32>
    %add3A_768 = arith.constant 96 : i32
    %add3A_769 = arith.addi %scan3A_588, %add3A_768 : i32
    %swap3A_770 = arith.index_cast %add3A_769 : i32 to index
    %swap3A_771 = tpu.vector_load %arg7[%swap3A_770] {strides = array<i32>} : memref<20224xi32, #tpu.memory_space<vmem>>, vector<16xi32>,
    tpu.vector_store %arg7[%swap3A_770], %and3A_767 {strides = array<i32>} : memref<20224xi32, #tpu.memory_space<vmem>>, vector<16xi32>,
    %add3A_772 = arith.constant 112 : i32
    %add3A_773 = vector.broadcast %add3A_772 : i32 to vector<16xi32>
    %add3A_774 = arith.addi %iota3A, %add3A_773 : vector<16xi32>
    %and3A_775 = arith.constant 63 : i32
    %and3A_776 = vector.broadcast %and3A_775 : i32 to vector<16xi32>
    %and3A_777 = arith.andi %add3A_774, %and3A_776 : vector<16xi32>
    %add3A_778 = arith.constant 2504 : i32
    %add3A_779 = vector.broadcast %add3A_778 : i32 to vector<16xi32>
    %add3A_780 = arith.addi %add3A_779, %and3A_777 : vector<16xi32>
    %add3A_781 = arith.constant 112 : i32
    %add3A_782 = arith.addi %scan3A_588, %add3A_781 : i32
    %swap3A_783 = arith.index_cast %add3A_782 : i32 to index
    %swap3A_784 = tpu.vector_load %arg8[%swap3A_783] {strides = array<i32>} : memref<20224xi32, #tpu.memory_space<vmem>>, vector<16xi32>,
    tpu.vector_store %arg8[%swap3A_783], %add3A_780 {strides = array<i32>} : memref<20224xi32, #tpu.memory_space<vmem>>, vector<16xi32>,
    %mul3A_785 = arith.constant 577 : i32
    %mul3A_786 = vector.broadcast %mul3A_785 : i32 to vector<16xi32>
    %mul3A_787 = arith.muli %iota3A, %mul3A_786 : vector<16xi32>
    %add3A_788 = arith.constant 917 : i32
    %add3A_789 = vector.broadcast %add3A_788 : i32 to vector<16xi32>
    %add3A_790 = arith.addi %mul3A_787, %add3A_789 : vector<16xi32>
    %and3A_791 = arith.constant 8191 : i32
    %and3A_792 = vector.broadcast %and3A_791 : i32 to vector<16xi32>
    %and3A_793 = arith.andi %add3A_790, %and3A_792 : vector<16xi32>
    %add3A_794 = arith.constant 112 : i32
    %add3A_795 = arith.addi %scan3A_588, %add3A_794 : i32
    %swap3A_796 = arith.index_cast %add3A_795 : i32 to index
    %swap3A_797 = tpu.vector_load %arg7[%swap3A_796] {strides = array<i32>} : memref<20224xi32, #tpu.memory_space<vmem>>, vector<16xi32>,
    tpu.vector_store %arg7[%swap3A_796], %and3A_793 {strides = array<i32>} : memref<20224xi32, #tpu.memory_space<vmem>>, vector<16xi32>,
    %jit3A_798 = arith.constant 128 : i32
    %div3A_799 = arith.divsi %scan3A_588, %jit3A_798 : i32
    %sign3A_800 = arith.constant 0 : i32
    %sign3A_801 = arith.cmpi sgt, %scan3A_588, %sign3A_800 : i32
    %sign3A_802 = arith.extui %sign3A_801 : i1 to i32
    %sign3A_803 = arith.constant 0 : i32
    %sign3A_804 = arith.cmpi slt, %scan3A_588, %sign3A_803 : i32
    %sign3A_805 = arith.extui %sign3A_804 : i1 to i32
    %sign3A_806 = arith.subi %sign3A_802, %sign3A_805 : i32
    %sign3A_807 = arith.constant 0 : i32
    %sign3A_808 = arith.cmpi sgt, %jit3A_798, %sign3A_807 : i32
    %sign3A_809 = arith.extui %sign3A_808 : i1 to i32
    %sign3A_810 = arith.constant 0 : i32
    %sign3A_811 = arith.cmpi slt, %jit3A_798, %sign3A_810 : i32
    %sign3A_812 = arith.extui %sign3A_811 : i1 to i32
    %sign3A_813 = arith.subi %sign3A_809, %sign3A_812 : i32
    %ne3A_814 = arith.cmpi ne, %sign3A_806, %sign3A_813 : i32
    %rem3A_815 = arith.remsi %scan3A_588, %jit3A_798 : i32
    %ne3A_816 = arith.constant 0 : i32
    %ne3A_817 = arith.cmpi ne, %rem3A_815, %ne3A_816 : i32
    %and3A_818 = arith.andi %ne3A_814, %ne3A_817 : i1
    %sub3A_819 = arith.constant 1 : i32
    %sub3A_820 = arith.subi %div3A_799, %sub3A_819 : i32
    %select_n3A_821 = arith.select %and3A_818, %sub3A_820, %div3A_799 : i32
    %add3A_822 = arith.constant 1 : i32
    %add3A_823 = arith.addi %select_n3A_821, %add3A_822 : i32
    %barrier3A_824 = arith.constant 0 : index
    tpu.barrier barrier_id(%barrier3A_824)
    %add3A_825 = arith.constant 1 : i32
    %add3A_826 = arith.addi %add3A_823, %add3A_825 : i32
    %jit3A_827 = arith.constant 2 : i32
    %div3A_828 = arith.divsi %add3A_826, %jit3A_827 : i32
    %sign3A_829 = arith.constant 0 : i32
    %sign3A_830 = arith.cmpi sgt, %add3A_826, %sign3A_829 : i32
    %sign3A_831 = arith.extui %sign3A_830 : i1 to i32
    %sign3A_832 = arith.constant 0 : i32
    %sign3A_833 = arith.cmpi slt, %add3A_826, %sign3A_832 : i32
    %sign3A_834 = arith.extui %sign3A_833 : i1 to i32
    %sign3A_835 = arith.subi %sign3A_831, %sign3A_834 : i32
    %sign3A_836 = arith.constant 0 : i32
    %sign3A_837 = arith.cmpi sgt, %jit3A_827, %sign3A_836 : i32
    %sign3A_838 = arith.extui %sign3A_837 : i1 to i32
    %sign3A_839 = arith.constant 0 : i32
    %sign3A_840 = arith.cmpi slt, %jit3A_827, %sign3A_839 : i32
    %sign3A_841 = arith.extui %sign3A_840 : i1 to i32
    %sign3A_842 = arith.subi %sign3A_838, %sign3A_841 : i32
    %ne3A_843 = arith.cmpi ne, %sign3A_835, %sign3A_842 : i32
    %rem3A_844 = arith.remsi %add3A_826, %jit3A_827 : i32
    %ne3A_845 = arith.constant 0 : i32
    %ne3A_846 = arith.cmpi ne, %rem3A_844, %ne3A_845 : i32
    %and3A_847 = arith.andi %ne3A_843, %ne3A_846 : i1
    %sub3A_848 = arith.constant 1 : i32
    %sub3A_849 = arith.subi %div3A_828, %sub3A_848 : i32
    %select_n3A_850 = arith.select %and3A_847, %sub3A_849, %div3A_828 : i32
    %dma_start3A_851 = arith.constant 0 : i32
    %dma_start3A_852 = tpu.memref_slice %arg7[%dma_start3A_851] : memref<20224xi32, #tpu.memory_space<vmem>> -> memref<128xi32, #tpu.memory_space<vmem>>
    %dma_start3A_853 = arith.constant 0 : i32
    %dma_start3A_854 = arith.constant 0 : i32
    %dma_start3A_855 = tpu.memref_slice %arg2[%dma_start3A_853, %dma_start3A_854] : memref<20000x128xf32, #tpu.memory_space<hbm>> -> memref<20000x128xf32, #tpu.memory_space<hbm>>
    tpu.enqueue_indirect_dma source(%dma_start3A_855 : memref<20000x128xf32, #tpu.memory_space<hbm>>) target(%arg9 : memref<128x128xf32, #tpu.memory_space<vmem>>) offsets(%dma_start3A_852 : memref<128xi32, #tpu.memory_space<vmem>>) semaphore(%arg12 : memref<!tpu.dma_semaphore, #tpu.memory_space<semaphore_mem>>)
    %while3A_856 = arith.constant 0 : i32
    %while3A_857 = arith.constant 0 : i32
    %while3A_858 = arith.subi %select_n3A_850, %while3A_857 : i32
    %while3A_859 = arith.addi %while3A_857, %while3A_858 : i32
    %while3A_860 = arith.constant 1 : i32
    %while3A_861 = arith.divsi %while3A_858, %while3A_860 : i32
    %while3A_862 = arith.muli %while3A_861, %while3A_860 : i32
    %while3A_863 = arith.addi %while3A_857, %while3A_862 : i32
    %while3A_864 = arith.constant 1 : i32
    scf.for %while3A_1169 = %while3A_857 to %while3A_863 step %while3A_864  : i32 {
      %mul3A_1170 = arith.constant 2 : i32
      %mul3A_1171 = arith.muli %mul3A_1170, %while3A_1169 : i32
      %add3A_1172 = arith.constant 1 : i32
      %add3A_1173 = arith.addi %mul3A_1171, %add3A_1172 : i32
      %lt3A = arith.cmpi slt, %add3A_1173, %add3A_823 : i32
      %convert_element_type3A_1174 = arith.extui %lt3A : i1 to i32
      %cond3A_1175 = arith.constant 0 : i32
      %cond3A_1176 = arith.cmpi ne, %convert_element_type3A_1174, %cond3A_1175 : i32
      scf.if %cond3A_1176 {
        %add3A_1195 = arith.constant 1 : i32
        %add3A_1196 = arith.addi %mul3A_1171, %add3A_1195 : i32
        %mul3A_1197 = arith.constant 128 : i32
        %mul3A_1198 = arith.muli %add3A_1196, %mul3A_1197 : i32
        %dma_start3A_1199 = tpu.memref_slice %arg7[%mul3A_1198] : memref<20224xi32, #tpu.memory_space<vmem>> -> memref<128xi32, #tpu.memory_space<vmem>>
        %dma_start3A_1200 = arith.constant 0 : i32
        %dma_start3A_1201 = arith.constant 0 : i32
        %dma_start3A_1202 = tpu.memref_slice %arg2[%dma_start3A_1200, %dma_start3A_1201] : memref<20000x128xf32, #tpu.memory_space<hbm>> -> memref<20000x128xf32, #tpu.memory_space<hbm>>
        tpu.enqueue_indirect_dma source(%dma_start3A_1202 : memref<20000x128xf32, #tpu.memory_space<hbm>>) target(%arg10 : memref<128x128xf32, #tpu.memory_space<vmem>>) offsets(%dma_start3A_1199 : memref<128xi32, #tpu.memory_space<vmem>>) semaphore(%arg13 : memref<!tpu.dma_semaphore, #tpu.memory_space<semaphore_mem>>)
      } else {
      }
      %dma_wait3A = arith.constant 0 : i32
      %dma_wait3A_1177 = tpu.memref_slice %arg7[%dma_wait3A] : memref<20224xi32, #tpu.memory_space<vmem>> -> memref<128xi32, #tpu.memory_space<vmem>>
      %dma_wait3A_1178 = arith.constant 0 : i32
      %dma_wait3A_1179 = arith.constant 0 : i32
      %dma_wait3A_1180 = tpu.memref_slice %arg2[%dma_wait3A_1178, %dma_wait3A_1179] : memref<20000x128xf32, #tpu.memory_space<hbm>> -> memref<20000x128xf32, #tpu.memory_space<hbm>>
      tpu.wait_indirect_dma semaphore(%arg12 : memref<!tpu.dma_semaphore, #tpu.memory_space<semaphore_mem>>) src(%dma_wait3A_1180 : memref<20000x128xf32, #tpu.memory_space<hbm>>) dst(%arg9 : memref<128x128xf32, #tpu.memory_space<vmem>>)
      %mul3A_1181 = arith.constant 128 : i32
      %mul3A_1182 = arith.muli %mul3A_1171, %mul3A_1181 : i32
      "tpu.region"() ({
        %run_scoped3A = tpu.sem_alloc : memref<!tpu.dma_semaphore, #tpu.memory_space<semaphore_mem>>
        %dma_start3A_1195 = tpu.memref_slice %arg8[%mul3A_1182] : memref<20224xi32, #tpu.memory_space<vmem>> -> memref<128xi32, #tpu.memory_space<vmem>>
        %dma_start3A_1196 = arith.constant 0 : i32
        %dma_start3A_1197 = arith.constant 0 : i32
        %dma_start3A_1198 = tpu.memref_slice %arg11[%dma_start3A_1196, %dma_start3A_1197] : memref<2568x128xf32, #tpu.memory_space<vmem_shared>> -> memref<2568x128xf32, #tpu.memory_space<vmem_shared>>
        tpu.enqueue_indirect_dma source(%arg9 : memref<128x128xf32, #tpu.memory_space<vmem>>) target(%dma_start3A_1198 : memref<2568x128xf32, #tpu.memory_space<vmem_shared>>) offsets(%dma_start3A_1195 : memref<128xi32, #tpu.memory_space<vmem>>) semaphore(%run_scoped3A : memref<!tpu.dma_semaphore, #tpu.memory_space<semaphore_mem>>) {add = true}
        %dma_wait3A_1199 = tpu.memref_slice %arg8[%mul3A_1182] : memref<20224xi32, #tpu.memory_space<vmem>> -> memref<128xi32, #tpu.memory_space<vmem>>
        %dma_wait3A_1200 = arith.constant 0 : i32
        %dma_wait3A_1201 = arith.constant 0 : i32
        %dma_wait3A_1202 = tpu.memref_slice %arg11[%dma_wait3A_1200, %dma_wait3A_1201] : memref<2568x128xf32, #tpu.memory_space<vmem_shared>> -> memref<2568x128xf32, #tpu.memory_space<vmem_shared>>
        tpu.wait_indirect_dma semaphore(%run_scoped3A : memref<!tpu.dma_semaphore, #tpu.memory_space<semaphore_mem>>) src(%arg9 : memref<128x128xf32, #tpu.memory_space<vmem>>) dst(%dma_wait3A_1202 : memref<2568x128xf32, #tpu.memory_space<vmem_shared>>)
        tpu.yield
      }) : () -> ()
      %add3A_1183 = arith.constant 2 : i32
      %add3A_1184 = arith.addi %mul3A_1171, %add3A_1183 : i32
      %lt3A_1185 = arith.cmpi slt, %add3A_1184, %add3A_823 : i32
      %convert_element_type3A_1186 = arith.extui %lt3A_1185 : i1 to i32
      %cond3A_1187 = arith.constant 0 : i32
      %cond3A_1188 = arith.cmpi ne, %convert_element_type3A_1186, %cond3A_1187 : i32
      scf.if %cond3A_1188 {
        %add3A_1195 = arith.constant 2 : i32
        %add3A_1196 = arith.addi %mul3A_1171, %add3A_1195 : i32
        %mul3A_1197 = arith.constant 128 : i32
        %mul3A_1198 = arith.muli %add3A_1196, %mul3A_1197 : i32
        %dma_start3A_1199 = tpu.memref_slice %arg7[%mul3A_1198] : memref<20224xi32, #tpu.memory_space<vmem>> -> memref<128xi32, #tpu.memory_space<vmem>>
        %dma_start3A_1200 = arith.constant 0 : i32
        %dma_start3A_1201 = arith.constant 0 : i32
        %dma_start3A_1202 = tpu.memref_slice %arg2[%dma_start3A_1200, %dma_start3A_1201] : memref<20000x128xf32, #tpu.memory_space<hbm>> -> memref<20000x128xf32, #tpu.memory_space<hbm>>
        tpu.enqueue_indirect_dma source(%dma_start3A_1202 : memref<20000x128xf32, #tpu.memory_space<hbm>>) target(%arg9 : memref<128x128xf32, #tpu.memory_space<vmem>>) offsets(%dma_start3A_1199 : memref<128xi32, #tpu.memory_space<vmem>>) semaphore(%arg12 : memref<!tpu.dma_semaphore, #tpu.memory_space<semaphore_mem>>)
      } else {
      }
      %add3A_1189 = arith.constant 1 : i32
      %add3A_1190 = arith.addi %mul3A_1171, %add3A_1189 : i32
      %lt3A_1191 = arith.cmpi slt, %add3A_1190, %add3A_823 : i32
      %convert_element_type3A_1192 = arith.extui %lt3A_1191 : i1 to i32
      %cond3A_1193 = arith.constant 0 : i32
      %cond3A_1194 = arith.cmpi ne, %convert_element_type3A_1192, %cond3A_1193 : i32
      scf.if %cond3A_1194 {
        %dma_wait3A_1195 = arith.constant 0 : i32
        %dma_wait3A_1196 = tpu.memref_slice %arg7[%dma_wait3A_1195] : memref<20224xi32, #tpu.memory_space<vmem>> -> memref<128xi32, #tpu.memory_space<vmem>>
        %dma_wait3A_1197 = arith.constant 0 : i32
        %dma_wait3A_1198 = arith.constant 0 : i32
        %dma_wait3A_1199 = tpu.memref_slice %arg2[%dma_wait3A_1197, %dma_wait3A_1198] : memref<20000x128xf32, #tpu.memory_space<hbm>> -> memref<20000x128xf32, #tpu.memory_space<hbm>>
        tpu.wait_indirect_dma semaphore(%arg13 : memref<!tpu.dma_semaphore, #tpu.memory_space<semaphore_mem>>) src(%dma_wait3A_1199 : memref<20000x128xf32, #tpu.memory_space<hbm>>) dst(%arg10 : memref<128x128xf32, #tpu.memory_space<vmem>>)
        %add3A_1200 = arith.constant 1 : i32
        %add3A_1201 = arith.addi %mul3A_1171, %add3A_1200 : i32
        %mul3A_1202 = arith.constant 128 : i32
        %mul3A_1203 = arith.muli %add3A_1201, %mul3A_1202 : i32
        "tpu.region"() ({
          %run_scoped3A = tpu.sem_alloc : memref<!tpu.dma_semaphore, #tpu.memory_space<semaphore_mem>>
          %dma_start3A_1204 = tpu.memref_slice %arg8[%mul3A_1203] : memref<20224xi32, #tpu.memory_space<vmem>> -> memref<128xi32, #tpu.memory_space<vmem>>
          %dma_start3A_1205 = arith.constant 0 : i32
          %dma_start3A_1206 = arith.constant 0 : i32
          %dma_start3A_1207 = tpu.memref_slice %arg11[%dma_start3A_1205, %dma_start3A_1206] : memref<2568x128xf32, #tpu.memory_space<vmem_shared>> -> memref<2568x128xf32, #tpu.memory_space<vmem_shared>>
          tpu.enqueue_indirect_dma source(%arg10 : memref<128x128xf32, #tpu.memory_space<vmem>>) target(%dma_start3A_1207 : memref<2568x128xf32, #tpu.memory_space<vmem_shared>>) offsets(%dma_start3A_1204 : memref<128xi32, #tpu.memory_space<vmem>>) semaphore(%run_scoped3A : memref<!tpu.dma_semaphore, #tpu.memory_space<semaphore_mem>>) {add = true}
          %dma_wait3A_1208 = tpu.memref_slice %arg8[%mul3A_1203] : memref<20224xi32, #tpu.memory_space<vmem>> -> memref<128xi32, #tpu.memory_space<vmem>>
          %dma_wait3A_1209 = arith.constant 0 : i32
          %dma_wait3A_1210 = arith.constant 0 : i32
          %dma_wait3A_1211 = tpu.memref_slice %arg11[%dma_wait3A_1209, %dma_wait3A_1210] : memref<2568x128xf32, #tpu.memory_space<vmem_shared>> -> memref<2568x128xf32, #tpu.memory_space<vmem_shared>>
          tpu.wait_indirect_dma semaphore(%run_scoped3A : memref<!tpu.dma_semaphore, #tpu.memory_space<semaphore_mem>>) src(%arg10 : memref<128x128xf32, #tpu.memory_space<vmem>>) dst(%dma_wait3A_1211 : memref<2568x128xf32, #tpu.memory_space<vmem_shared>>)
          tpu.yield
        }) : () -> ()
      } else {
      }
    }
    %while3A_865 = arith.constant 1 : i32
    scf.for %while3A_1169 = %while3A_863 to %while3A_859 step %while3A_865  : i32 {
      %mul3A_1170 = arith.constant 2 : i32
      %mul3A_1171 = arith.muli %mul3A_1170, %while3A_1169 : i32
      %add3A_1172 = arith.constant 1 : i32
      %add3A_1173 = arith.addi %mul3A_1171, %add3A_1172 : i32
      %lt3A = arith.cmpi slt, %add3A_1173, %add3A_823 : i32
      %convert_element_type3A_1174 = arith.extui %lt3A : i1 to i32
      %cond3A_1175 = arith.constant 0 : i32
      %cond3A_1176 = arith.cmpi ne, %convert_element_type3A_1174, %cond3A_1175 : i32
      scf.if %cond3A_1176 {
        %add3A_1195 = arith.constant 1 : i32
        %add3A_1196 = arith.addi %mul3A_1171, %add3A_1195 : i32
        %mul3A_1197 = arith.constant 128 : i32
        %mul3A_1198 = arith.muli %add3A_1196, %mul3A_1197 : i32
        %dma_start3A_1199 = tpu.memref_slice %arg7[%mul3A_1198] : memref<20224xi32, #tpu.memory_space<vmem>> -> memref<128xi32, #tpu.memory_space<vmem>>
        %dma_start3A_1200 = arith.constant 0 : i32
        %dma_start3A_1201 = arith.constant 0 : i32
        %dma_start3A_1202 = tpu.memref_slice %arg2[%dma_start3A_1200, %dma_start3A_1201] : memref<20000x128xf32, #tpu.memory_space<hbm>> -> memref<20000x128xf32, #tpu.memory_space<hbm>>
        tpu.enqueue_indirect_dma source(%dma_start3A_1202 : memref<20000x128xf32, #tpu.memory_space<hbm>>) target(%arg10 : memref<128x128xf32, #tpu.memory_space<vmem>>) offsets(%dma_start3A_1199 : memref<128xi32, #tpu.memory_space<vmem>>) semaphore(%arg13 : memref<!tpu.dma_semaphore, #tpu.memory_space<semaphore_mem>>)
      } else {
      }
      %dma_wait3A = arith.constant 0 : i32
      %dma_wait3A_1177 = tpu.memref_slice %arg7[%dma_wait3A] : memref<20224xi32, #tpu.memory_space<vmem>> -> memref<128xi32, #tpu.memory_space<vmem>>
      %dma_wait3A_1178 = arith.constant 0 : i32
      %dma_wait3A_1179 = arith.constant 0 : i32
      %dma_wait3A_1180 = tpu.memref_slice %arg2[%dma_wait3A_1178, %dma_wait3A_1179] : memref<20000x128xf32, #tpu.memory_space<hbm>> -> memref<20000x128xf32, #tpu.memory_space<hbm>>
      tpu.wait_indirect_dma semaphore(%arg12 : memref<!tpu.dma_semaphore, #tpu.memory_space<semaphore_mem>>) src(%dma_wait3A_1180 : memref<20000x128xf32, #tpu.memory_space<hbm>>) dst(%arg9 : memref<128x128xf32, #tpu.memory_space<vmem>>)
      %mul3A_1181 = arith.constant 128 : i32
      %mul3A_1182 = arith.muli %mul3A_1171, %mul3A_1181 : i32
      "tpu.region"() ({
        %run_scoped3A = tpu.sem_alloc : memref<!tpu.dma_semaphore, #tpu.memory_space<semaphore_mem>>
        %dma_start3A_1195 = tpu.memref_slice %arg8[%mul3A_1182] : memref<20224xi32, #tpu.memory_space<vmem>> -> memref<128xi32, #tpu.memory_space<vmem>>
        %dma_start3A_1196 = arith.constant 0 : i32
        %dma_start3A_1197 = arith.constant 0 : i32
        %dma_start3A_1198 = tpu.memref_slice %arg11[%dma_start3A_1196, %dma_start3A_1197] : memref<2568x128xf32, #tpu.memory_space<vmem_shared>> -> memref<2568x128xf32, #tpu.memory_space<vmem_shared>>
        tpu.enqueue_indirect_dma source(%arg9 : memref<128x128xf32, #tpu.memory_space<vmem>>) target(%dma_start3A_1198 : memref<2568x128xf32, #tpu.memory_space<vmem_shared>>) offsets(%dma_start3A_1195 : memref<128xi32, #tpu.memory_space<vmem>>) semaphore(%run_scoped3A : memref<!tpu.dma_semaphore, #tpu.memory_space<semaphore_mem>>) {add = true}
        %dma_wait3A_1199 = tpu.memref_slice %arg8[%mul3A_1182] : memref<20224xi32, #tpu.memory_space<vmem>> -> memref<128xi32, #tpu.memory_space<vmem>>
        %dma_wait3A_1200 = arith.constant 0 : i32
        %dma_wait3A_1201 = arith.constant 0 : i32
        %dma_wait3A_1202 = tpu.memref_slice %arg11[%dma_wait3A_1200, %dma_wait3A_1201] : memref<2568x128xf32, #tpu.memory_space<vmem_shared>> -> memref<2568x128xf32, #tpu.memory_space<vmem_shared>>
        tpu.wait_indirect_dma semaphore(%run_scoped3A : memref<!tpu.dma_semaphore, #tpu.memory_space<semaphore_mem>>) src(%arg9 : memref<128x128xf32, #tpu.memory_space<vmem>>) dst(%dma_wait3A_1202 : memref<2568x128xf32, #tpu.memory_space<vmem_shared>>)
        tpu.yield
      }) : () -> ()
      %add3A_1183 = arith.constant 2 : i32
      %add3A_1184 = arith.addi %mul3A_1171, %add3A_1183 : i32
      %lt3A_1185 = arith.cmpi slt, %add3A_1184, %add3A_823 : i32
      %convert_element_type3A_1186 = arith.extui %lt3A_1185 : i1 to i32
      %cond3A_1187 = arith.constant 0 : i32
      %cond3A_1188 = arith.cmpi ne, %convert_element_type3A_1186, %cond3A_1187 : i32
      scf.if %cond3A_1188 {
        %add3A_1195 = arith.constant 2 : i32
        %add3A_1196 = arith.addi %mul3A_1171, %add3A_1195 : i32
        %mul3A_1197 = arith.constant 128 : i32
        %mul3A_1198 = arith.muli %add3A_1196, %mul3A_1197 : i32
        %dma_start3A_1199 = tpu.memref_slice %arg7[%mul3A_1198] : memref<20224xi32, #tpu.memory_space<vmem>> -> memref<128xi32, #tpu.memory_space<vmem>>
        %dma_start3A_1200 = arith.constant 0 : i32
        %dma_start3A_1201 = arith.constant 0 : i32
        %dma_start3A_1202 = tpu.memref_slice %arg2[%dma_start3A_1200, %dma_start3A_1201] : memref<20000x128xf32, #tpu.memory_space<hbm>> -> memref<20000x128xf32, #tpu.memory_space<hbm>>
        tpu.enqueue_indirect_dma source(%dma_start3A_1202 : memref<20000x128xf32, #tpu.memory_space<hbm>>) target(%arg9 : memref<128x128xf32, #tpu.memory_space<vmem>>) offsets(%dma_start3A_1199 : memref<128xi32, #tpu.memory_space<vmem>>) semaphore(%arg12 : memref<!tpu.dma_semaphore, #tpu.memory_space<semaphore_mem>>)
      } else {
      }
      %add3A_1189 = arith.constant 1 : i32
      %add3A_1190 = arith.addi %mul3A_1171, %add3A_1189 : i32
      %lt3A_1191 = arith.cmpi slt, %add3A_1190, %add3A_823 : i32
      %convert_element_type3A_1192 = arith.extui %lt3A_1191 : i1 to i32
      %cond3A_1193 = arith.constant 0 : i32
      %cond3A_1194 = arith.cmpi ne, %convert_element_type3A_1192, %cond3A_1193 : i32
      scf.if %cond3A_1194 {
        %dma_wait3A_1195 = arith.constant 0 : i32
        %dma_wait3A_1196 = tpu.memref_slice %arg7[%dma_wait3A_1195] : memref<20224xi32, #tpu.memory_space<vmem>> -> memref<128xi32, #tpu.memory_space<vmem>>
        %dma_wait3A_1197 = arith.constant 0 : i32
        %dma_wait3A_1198 = arith.constant 0 : i32
        %dma_wait3A_1199 = tpu.memref_slice %arg2[%dma_wait3A_1197, %dma_wait3A_1198] : memref<20000x128xf32, #tpu.memory_space<hbm>> -> memref<20000x128xf32, #tpu.memory_space<hbm>>
        tpu.wait_indirect_dma semaphore(%arg13 : memref<!tpu.dma_semaphore, #tpu.memory_space<semaphore_mem>>) src(%dma_wait3A_1199 : memref<20000x128xf32, #tpu.memory_space<hbm>>) dst(%arg10 : memref<128x128xf32, #tpu.memory_space<vmem>>)
        %add3A_1200 = arith.constant 1 : i32
        %add3A_1201 = arith.addi %mul3A_1171, %add3A_1200 : i32
        %mul3A_1202 = arith.constant 128 : i32
        %mul3A_1203 = arith.muli %add3A_1201, %mul3A_1202 : i32
        "tpu.region"() ({
          %run_scoped3A = tpu.sem_alloc : memref<!tpu.dma_semaphore, #tpu.memory_space<semaphore_mem>>
          %dma_start3A_1204 = tpu.memref_slice %arg8[%mul3A_1203] : memref<20224xi32, #tpu.memory_space<vmem>> -> memref<128xi32, #tpu.memory_space<vmem>>
          %dma_start3A_1205 = arith.constant 0 : i32
          %dma_start3A_1206 = arith.constant 0 : i32
          %dma_start3A_1207 = tpu.memref_slice %arg11[%dma_start3A_1205, %dma_start3A_1206] : memref<2568x128xf32, #tpu.memory_space<vmem_shared>> -> memref<2568x128xf32, #tpu.memory_space<vmem_shared>>
          tpu.enqueue_indirect_dma source(%arg10 : memref<128x128xf32, #tpu.memory_space<vmem>>) target(%dma_start3A_1207 : memref<2568x128xf32, #tpu.memory_space<vmem_shared>>) offsets(%dma_start3A_1204 : memref<128xi32, #tpu.memory_space<vmem>>) semaphore(%run_scoped3A : memref<!tpu.dma_semaphore, #tpu.memory_space<semaphore_mem>>) {add = true}
          %dma_wait3A_1208 = tpu.memref_slice %arg8[%mul3A_1203] : memref<20224xi32, #tpu.memory_space<vmem>> -> memref<128xi32, #tpu.memory_space<vmem>>
          %dma_wait3A_1209 = arith.constant 0 : i32
          %dma_wait3A_1210 = arith.constant 0 : i32
          %dma_wait3A_1211 = tpu.memref_slice %arg11[%dma_wait3A_1209, %dma_wait3A_1210] : memref<2568x128xf32, #tpu.memory_space<vmem_shared>> -> memref<2568x128xf32, #tpu.memory_space<vmem_shared>>
          tpu.wait_indirect_dma semaphore(%run_scoped3A : memref<!tpu.dma_semaphore, #tpu.memory_space<semaphore_mem>>) src(%arg10 : memref<128x128xf32, #tpu.memory_space<vmem>>) dst(%dma_wait3A_1211 : memref<2568x128xf32, #tpu.memory_space<vmem_shared>>)
          tpu.yield
        }) : () -> ()
      } else {
      }
    }
    %barrier3A_866 = arith.constant 0 : index
    tpu.barrier barrier_id(%barrier3A_866)
    %eq3A_867 = arith.constant 1 : i32
    %eq3A_868 = arith.cmpi eq, %arg1, %eq3A_867 : i32
    %convert_element_type3A_869 = arith.extui %eq3A_868 : i1 to i32
    %cond3A_870 = arith.constant 0 : i32
    %cond3A_871 = arith.cmpi ne, %convert_element_type3A_869, %cond3A_870 : i32
    scf.if %cond3A_871 {
      %mul3A_1169 = arith.constant 10016 : i32
      %mul3A_1170 = arith.muli %arg0, %mul3A_1169 : i32
      %add3A_1171 = arith.constant 5008 : i32
      %add3A_1172 = arith.addi %mul3A_1170, %add3A_1171 : i32
      "tpu.region"() ({
        %run_scoped3A = tpu.sem_alloc : memref<!tpu.dma_semaphore, #tpu.memory_space<semaphore_mem>>
        %dma_start3A_1173 = arith.constant 0 : i32
        %dma_start3A_1174 = tpu.memref_slice %arg6[%add3A_1172, %dma_start3A_1173] : memref<20032x128xf32, #tpu.memory_space<hbm>> -> memref<2504x128xf32, #tpu.memory_space<hbm>>
        %dma_start3A_1175 = arith.constant 0 : i32
        %dma_start3A_1176 = arith.constant 0 : i32
        %dma_start3A_1177 = tpu.memref_slice %arg11[%dma_start3A_1175, %dma_start3A_1176] : memref<2568x128xf32, #tpu.memory_space<vmem_shared>> -> memref<2504x128xf32, #tpu.memory_space<vmem_shared>>
        tpu.enqueue_dma source(%dma_start3A_1177 : memref<2504x128xf32, #tpu.memory_space<vmem_shared>>) target(%dma_start3A_1174 : memref<2504x128xf32, #tpu.memory_space<hbm>>) target_semaphore(%run_scoped3A : memref<!tpu.dma_semaphore, #tpu.memory_space<semaphore_mem>>)
        %dma_wait3A = arith.constant 0 : i32
        %dma_wait3A_1178 = tpu.memref_slice %arg6[%add3A_1172, %dma_wait3A] : memref<20032x128xf32, #tpu.memory_space<hbm>> -> memref<2504x128xf32, #tpu.memory_space<hbm>>
        %dma_wait3A_1179 = arith.constant 0 : i32
        %dma_wait3A_1180 = arith.constant 0 : i32
        %dma_wait3A_1181 = tpu.memref_slice %arg11[%dma_wait3A_1179, %dma_wait3A_1180] : memref<2568x128xf32, #tpu.memory_space<vmem_shared>> -> memref<2504x128xf32, #tpu.memory_space<vmem_shared>>
        tpu.wait_dma2 semaphore(%run_scoped3A : memref<!tpu.dma_semaphore, #tpu.memory_space<semaphore_mem>>) src(%dma_wait3A_1181 : memref<2504x128xf32, #tpu.memory_space<vmem_shared>>) dst(%dma_wait3A_1178 : memref<2504x128xf32, #tpu.memory_space<hbm>>)
        tpu.yield
      }) : () -> ()
    } else {
    }
    %barrier3A_872 = arith.constant 0 : index
    tpu.barrier barrier_id(%barrier3A_872)
    %eq3A_873 = arith.constant 0 : i32
    %eq3A_874 = arith.cmpi eq, %arg1, %eq3A_873 : i32
    %convert_element_type3A_875 = arith.extui %eq3A_874 : i1 to i32
    %cond3A_876 = arith.constant 0 : i32
    %cond3A_877 = arith.cmpi ne, %convert_element_type3A_875, %cond3A_876 : i32
    scf.if %cond3A_877 {
      "tpu.region"() ({
        %run_scoped3A = tpu.sem_alloc : memref<!tpu.dma_semaphore, #tpu.memory_space<semaphore_mem>>
        tpu.enqueue_dma source(%arg5 : memref<2568x128xf32, #tpu.memory_space<hbm>>) target(%arg11 : memref<2568x128xf32, #tpu.memory_space<vmem_shared>>) target_semaphore(%run_scoped3A : memref<!tpu.dma_semaphore, #tpu.memory_space<semaphore_mem>>)
        tpu.wait_dma2 semaphore(%run_scoped3A : memref<!tpu.dma_semaphore, #tpu.memory_space<semaphore_mem>>) src(%arg5 : memref<2568x128xf32, #tpu.memory_space<hbm>>) dst(%arg11 : memref<2568x128xf32, #tpu.memory_space<vmem_shared>>)
        tpu.yield
      }) : () -> ()
    } else {
    }
    "tpu.region"() ({
      %run_scoped3A = tpu.sem_alloc : memref<!tpu.dma_semaphore, #tpu.memory_space<semaphore_mem>>
      %dma_start3A_1169 = arith.constant 0 : i32
      %dma_start3A_1170 = tpu.memref_slice %arg7[%dma_start3A_1169] : memref<20224xi32, #tpu.memory_space<vmem>> -> memref<20096xi32, #tpu.memory_space<vmem>>
      %dma_start3A_1171 = arith.constant 0 : i32
      %dma_start3A_1172 = tpu.memref_slice %arg3[%arg1, %dma_start3A_1171] : memref<16x20096xi32, #tpu.memory_space<hbm>> -> memref<1x20096xi32, #tpu.memory_space<hbm>>
      %dma_start3A_1173 = tpu.memref_squeeze %dma_start3A_1172 : memref<1x20096xi32, #tpu.memory_space<hbm>> -> memref<20096xi32, #tpu.memory_space<hbm>>
      %dma_start3A_1174 = arith.constant 0 : i32
      %dma_start3A_1175 = tpu.memref_slice %arg7[%dma_start3A_1174] : memref<20224xi32, #tpu.memory_space<vmem>> -> memref<20096xi32, #tpu.memory_space<vmem>>
      %dma_start3A_1176 = arith.constant 0 : i32
      %dma_start3A_1177 = tpu.memref_slice %arg3[%arg1, %dma_start3A_1176] : memref<16x20096xi32, #tpu.memory_space<hbm>> -> memref<1x20096xi32, #tpu.memory_space<hbm>>
      %dma_start3A_1178 = tpu.memref_squeeze %dma_start3A_1177 : memref<1x20096xi32, #tpu.memory_space<hbm>> -> memref<20096xi32, #tpu.memory_space<hbm>>
      tpu.enqueue_dma source(%dma_start3A_1178 : memref<20096xi32, #tpu.memory_space<hbm>>) target(%dma_start3A_1175 : memref<20096xi32, #tpu.memory_space<vmem>>) target_semaphore(%run_scoped3A : memref<!tpu.dma_semaphore, #tpu.memory_space<semaphore_mem>>)
      %dma_wait3A = arith.constant 0 : i32
      %dma_wait3A_1179 = tpu.memref_slice %arg7[%dma_wait3A] : memref<20224xi32, #tpu.memory_space<vmem>> -> memref<20096xi32, #tpu.memory_space<vmem>>
      %dma_wait3A_1180 = arith.constant 0 : i32
      %dma_wait3A_1181 = tpu.memref_slice %arg3[%arg1, %dma_wait3A_1180] : memref<16x20096xi32, #tpu.memory_space<hbm>> -> memref<1x20096xi32, #tpu.memory_space<hbm>>
      %dma_wait3A_1182 = tpu.memref_squeeze %dma_wait3A_1181 : memref<1x20096xi32, #tpu.memory_space<hbm>> -> memref<20096xi32, #tpu.memory_space<hbm>>
      %dma_wait3A_1183 = arith.constant 0 : i32
      %dma_wait3A_1184 = tpu.memref_slice %arg7[%dma_wait3A_1183] : memref<20224xi32, #tpu.memory_space<vmem>> -> memref<20096xi32, #tpu.memory_space<vmem>>
      %dma_wait3A_1185 = arith.constant 0 : i32
      %dma_wait3A_1186 = tpu.memref_slice %arg3[%arg1, %dma_wait3A_1185] : memref<16x20096xi32, #tpu.memory_space<hbm>> -> memref<1x20096xi32, #tpu.memory_space<hbm>>
      %dma_wait3A_1187 = tpu.memref_squeeze %dma_wait3A_1186 : memref<1x20096xi32, #tpu.memory_space<hbm>> -> memref<20096xi32, #tpu.memory_space<hbm>>
      tpu.wait_dma2 semaphore(%run_scoped3A : memref<!tpu.dma_semaphore, #tpu.memory_space<semaphore_mem>>) src(%dma_wait3A_1187 : memref<20096xi32, #tpu.memory_space<hbm>>) dst(%dma_wait3A_1184 : memref<20096xi32, #tpu.memory_space<vmem>>)
      tpu.yield
    }) : () -> ()
    "tpu.region"() ({
      %run_scoped3A = tpu.sem_alloc : memref<!tpu.dma_semaphore, #tpu.memory_space<semaphore_mem>>
      %dma_start3A_1169 = arith.constant 0 : i32
      %dma_start3A_1170 = tpu.memref_slice %arg8[%dma_start3A_1169] : memref<20224xi32, #tpu.memory_space<vmem>> -> memref<20096xi32, #tpu.memory_space<vmem>>
      %dma_start3A_1171 = arith.constant 0 : i32
      %dma_start3A_1172 = tpu.memref_slice %arg4[%arg1, %dma_start3A_1171] : memref<16x20096xi32, #tpu.memory_space<hbm>> -> memref<1x20096xi32, #tpu.memory_space<hbm>>
      %dma_start3A_1173 = tpu.memref_squeeze %dma_start3A_1172 : memref<1x20096xi32, #tpu.memory_space<hbm>> -> memref<20096xi32, #tpu.memory_space<hbm>>
      %dma_start3A_1174 = arith.constant 0 : i32
      %dma_start3A_1175 = tpu.memref_slice %arg8[%dma_start3A_1174] : memref<20224xi32, #tpu.memory_space<vmem>> -> memref<20096xi32, #tpu.memory_space<vmem>>
      %dma_start3A_1176 = arith.constant 0 : i32
      %dma_start3A_1177 = tpu.memref_slice %arg4[%arg1, %dma_start3A_1176] : memref<16x20096xi32, #tpu.memory_space<hbm>> -> memref<1x20096xi32, #tpu.memory_space<hbm>>
      %dma_start3A_1178 = tpu.memref_squeeze %dma_start3A_1177 : memref<1x20096xi32, #tpu.memory_space<hbm>> -> memref<20096xi32, #tpu.memory_space<hbm>>
      tpu.enqueue_dma source(%dma_start3A_1178 : memref<20096xi32, #tpu.memory_space<hbm>>) target(%dma_start3A_1175 : memref<20096xi32, #tpu.memory_space<vmem>>) target_semaphore(%run_scoped3A : memref<!tpu.dma_semaphore, #tpu.memory_space<semaphore_mem>>)
      %dma_wait3A = arith.constant 0 : i32
      %dma_wait3A_1179 = tpu.memref_slice %arg8[%dma_wait3A] : memref<20224xi32, #tpu.memory_space<vmem>> -> memref<20096xi32, #tpu.memory_space<vmem>>
      %dma_wait3A_1180 = arith.constant 0 : i32
      %dma_wait3A_1181 = tpu.memref_slice %arg4[%arg1, %dma_wait3A_1180] : memref<16x20096xi32, #tpu.memory_space<hbm>> -> memref<1x20096xi32, #tpu.memory_space<hbm>>
      %dma_wait3A_1182 = tpu.memref_squeeze %dma_wait3A_1181 : memref<1x20096xi32, #tpu.memory_space<hbm>> -> memref<20096xi32, #tpu.memory_space<hbm>>
      %dma_wait3A_1183 = arith.constant 0 : i32
      %dma_wait3A_1184 = tpu.memref_slice %arg8[%dma_wait3A_1183] : memref<20224xi32, #tpu.memory_space<vmem>> -> memref<20096xi32, #tpu.memory_space<vmem>>
      %dma_wait3A_1185 = arith.constant 0 : i32
      %dma_wait3A_1186 = tpu.memref_slice %arg4[%arg1, %dma_wait3A_1185] : memref<16x20096xi32, #tpu.memory_space<hbm>> -> memref<1x20096xi32, #tpu.memory_space<hbm>>
      %dma_wait3A_1187 = tpu.memref_squeeze %dma_wait3A_1186 : memref<1x20096xi32, #tpu.memory_space<hbm>> -> memref<20096xi32, #tpu.memory_space<hbm>>
      tpu.wait_dma2 semaphore(%run_scoped3A : memref<!tpu.dma_semaphore, #tpu.memory_space<semaphore_mem>>) src(%dma_wait3A_1187 : memref<20096xi32, #tpu.memory_space<hbm>>) dst(%dma_wait3A_1184 : memref<20096xi32, #tpu.memory_space<vmem>>)
      tpu.yield
    }) : () -> ()
    %mul3A_878 = arith.constant 10000 : i32
    %mul3A_879 = arith.muli %arg0, %mul3A_878 : i32
    %scan3A_880 = arith.constant 0 : i32
    %scan3A_881 = arith.constant 0 : i32
    %scan3A_882 = arith.constant 1256 : i32
    %scan3A_883 = arith.addi %scan3A_881, %scan3A_882 : i32
    %scan3A_884 = arith.constant 1 : i32
    %scan3A_885 = scf.for %scan3A_1169 = %scan3A_881 to %scan3A_883 step %scan3A_884 iter_args(%scan3A_1170 = %scan3A_880) -> (i32)  : i32 {
      %mul3A_1171 = arith.constant 16 : i32
      %mul3A_1172 = arith.muli %scan3A_1169, %mul3A_1171 : i32
      %get3A = arith.index_cast %mul3A_1172 : i32 to index
      %get3A_1173 = tpu.vector_load %arg8[%get3A] {strides = array<i32>} : memref<20224xi32, #tpu.memory_space<vmem>>, vector<16xi32>,
      %sub3A_1174 = arith.constant 7512 : i32
      %sub3A_1175 = vector.broadcast %sub3A_1174 : i32 to vector<16xi32>
      %sub3A_1176 = arith.subi %get3A_1173, %sub3A_1175 : vector<16xi32>
      %mul3A_1177 = arith.constant 16 : i32
      %mul3A_1178 = arith.muli %scan3A_1169, %mul3A_1177 : i32
      %get3A_1179 = arith.index_cast %mul3A_1178 : i32 to index
      %get3A_1180 = tpu.vector_load %arg7[%get3A_1179] {strides = array<i32>} : memref<20224xi32, #tpu.memory_space<vmem>>, vector<16xi32>,
      %add3A_1181 = vector.broadcast %mul3A_879 : i32 to vector<16xi32>
      %add3A_1182 = arith.addi %get3A_1180, %add3A_1181 : vector<16xi32>
      %ge3A = arith.constant 0 : i32
      %ge3A_1183 = vector.broadcast %ge3A : i32 to vector<16xi32>
      %ge3A_1184 = arith.cmpi sge, %sub3A_1176, %ge3A_1183 : vector<16xi32>
      %lt3A = arith.constant 2504 : i32
      %lt3A_1185 = vector.broadcast %lt3A : i32 to vector<16xi32>
      %lt3A_1186 = arith.cmpi slt, %sub3A_1176, %lt3A_1185 : vector<16xi32>
      %and3A_1187 = arith.andi %ge3A_1184, %lt3A_1186 : vector<16xi1>
      %swap3A_1188 = arith.index_cast %scan3A_1170 : i32 to index
      %swap3A_1189 = tpu.vector_load %arg8[%swap3A_1188] masked %and3A_1187 {strides = array<i32>} : memref<20224xi32, #tpu.memory_space<vmem>>, vector<16xi32>, vector<16xi1>
      tpu.vector_store %arg8[%swap3A_1188], %sub3A_1176 masked %and3A_1187 {strides = array<i32>} : memref<20224xi32, #tpu.memory_space<vmem>>, vector<16xi32>, vector<16xi1>
      %swap3A_1190 = arith.index_cast %scan3A_1170 : i32 to index
      %swap3A_1191 = tpu.vector_load %arg7[%swap3A_1190] masked %and3A_1187 {strides = array<i32>} : memref<20224xi32, #tpu.memory_space<vmem>>, vector<16xi32>, vector<16xi1>
      tpu.vector_store %arg7[%swap3A_1190], %add3A_1182 masked %and3A_1187 {strides = array<i32>} : memref<20224xi32, #tpu.memory_space<vmem>>, vector<16xi32>, vector<16xi1>
      %all_reduce_population_count3A = tpu.all_reduce %and3A_1187 {dim = 0 : i64, kind = #tpu.reduction_kind<sum>} : vector<16xi1> -> vector<16xi32>
      %slice3A = vector.extract_strided_slice %all_reduce_population_count3A {offsets = [0], sizes = [1], strides = [1]} : vector<16xi32> to vector<1xi32>
      %squeeze3A = vector.extract %slice3A[0] : i32 from vector<1xi32>
      %add3A_1192 = arith.addi %scan3A_1170, %squeeze3A : i32
      scf.yield %add3A_1192 : i32
    }
    %scan3A_886 = arith.constant 1256 : i32
    %add3A_887 = arith.constant 0 : i32
    %add3A_888 = vector.broadcast %add3A_887 : i32 to vector<16xi32>
    %add3A_889 = arith.addi %iota3A, %add3A_888 : vector<16xi32>
    %and3A_890 = arith.constant 63 : i32
    %and3A_891 = vector.broadcast %and3A_890 : i32 to vector<16xi32>
    %and3A_892 = arith.andi %add3A_889, %and3A_891 : vector<16xi32>
    %add3A_893 = arith.constant 2504 : i32
    %add3A_894 = vector.broadcast %add3A_893 : i32 to vector<16xi32>
    %add3A_895 = arith.addi %add3A_894, %and3A_892 : vector<16xi32>
    %add3A_896 = arith.constant 0 : i32
    %add3A_897 = arith.addi %scan3A_885, %add3A_896 : i32
    %swap3A_898 = arith.index_cast %add3A_897 : i32 to index
    %swap3A_899 = tpu.vector_load %arg8[%swap3A_898] {strides = array<i32>} : memref<20224xi32, #tpu.memory_space<vmem>>, vector<16xi32>,
    tpu.vector_store %arg8[%swap3A_898], %add3A_895 {strides = array<i32>} : memref<20224xi32, #tpu.memory_space<vmem>>, vector<16xi32>,
    %mul3A_900 = arith.constant 577 : i32
    %mul3A_901 = vector.broadcast %mul3A_900 : i32 to vector<16xi32>
    %mul3A_902 = arith.muli %iota3A, %mul3A_901 : vector<16xi32>
    %add3A_903 = arith.constant 0 : i32
    %add3A_904 = vector.broadcast %add3A_903 : i32 to vector<16xi32>
    %add3A_905 = arith.addi %mul3A_902, %add3A_904 : vector<16xi32>
    %and3A_906 = arith.constant 8191 : i32
    %and3A_907 = vector.broadcast %and3A_906 : i32 to vector<16xi32>
    %and3A_908 = arith.andi %add3A_905, %and3A_907 : vector<16xi32>
    %add3A_909 = arith.constant 0 : i32
    %add3A_910 = arith.addi %scan3A_885, %add3A_909 : i32
    %swap3A_911 = arith.index_cast %add3A_910 : i32 to index
    %swap3A_912 = tpu.vector_load %arg7[%swap3A_911] {strides = array<i32>} : memref<20224xi32, #tpu.memory_space<vmem>>, vector<16xi32>,
    tpu.vector_store %arg7[%swap3A_911], %and3A_908 {strides = array<i32>} : memref<20224xi32, #tpu.memory_space<vmem>>, vector<16xi32>,
    %add3A_913 = arith.constant 16 : i32
    %add3A_914 = vector.broadcast %add3A_913 : i32 to vector<16xi32>
    %add3A_915 = arith.addi %iota3A, %add3A_914 : vector<16xi32>
    %and3A_916 = arith.constant 63 : i32
    %and3A_917 = vector.broadcast %and3A_916 : i32 to vector<16xi32>
    %and3A_918 = arith.andi %add3A_915, %and3A_917 : vector<16xi32>
    %add3A_919 = arith.constant 2504 : i32
    %add3A_920 = vector.broadcast %add3A_919 : i32 to vector<16xi32>
    %add3A_921 = arith.addi %add3A_920, %and3A_918 : vector<16xi32>
    %add3A_922 = arith.constant 16 : i32
    %add3A_923 = arith.addi %scan3A_885, %add3A_922 : i32
    %swap3A_924 = arith.index_cast %add3A_923 : i32 to index
    %swap3A_925 = tpu.vector_load %arg8[%swap3A_924] {strides = array<i32>} : memref<20224xi32, #tpu.memory_space<vmem>>, vector<16xi32>,
    tpu.vector_store %arg8[%swap3A_924], %add3A_921 {strides = array<i32>} : memref<20224xi32, #tpu.memory_space<vmem>>, vector<16xi32>,
    %mul3A_926 = arith.constant 577 : i32
    %mul3A_927 = vector.broadcast %mul3A_926 : i32 to vector<16xi32>
    %mul3A_928 = arith.muli %iota3A, %mul3A_927 : vector<16xi32>
    %add3A_929 = arith.constant 131 : i32
    %add3A_930 = vector.broadcast %add3A_929 : i32 to vector<16xi32>
    %add3A_931 = arith.addi %mul3A_928, %add3A_930 : vector<16xi32>
    %and3A_932 = arith.constant 8191 : i32
    %and3A_933 = vector.broadcast %and3A_932 : i32 to vector<16xi32>
    %and3A_934 = arith.andi %add3A_931, %and3A_933 : vector<16xi32>
    %add3A_935 = arith.constant 16 : i32
    %add3A_936 = arith.addi %scan3A_885, %add3A_935 : i32
    %swap3A_937 = arith.index_cast %add3A_936 : i32 to index
    %swap3A_938 = tpu.vector_load %arg7[%swap3A_937] {strides = array<i32>} : memref<20224xi32, #tpu.memory_space<vmem>>, vector<16xi32>,
    tpu.vector_store %arg7[%swap3A_937], %and3A_934 {strides = array<i32>} : memref<20224xi32, #tpu.memory_space<vmem>>, vector<16xi32>,
    %add3A_939 = arith.constant 32 : i32
    %add3A_940 = vector.broadcast %add3A_939 : i32 to vector<16xi32>
    %add3A_941 = arith.addi %iota3A, %add3A_940 : vector<16xi32>
    %and3A_942 = arith.constant 63 : i32
    %and3A_943 = vector.broadcast %and3A_942 : i32 to vector<16xi32>
    %and3A_944 = arith.andi %add3A_941, %and3A_943 : vector<16xi32>
    %add3A_945 = arith.constant 2504 : i32
    %add3A_946 = vector.broadcast %add3A_945 : i32 to vector<16xi32>
    %add3A_947 = arith.addi %add3A_946, %and3A_944 : vector<16xi32>
    %add3A_948 = arith.constant 32 : i32
    %add3A_949 = arith.addi %scan3A_885, %add3A_948 : i32
    %swap3A_950 = arith.index_cast %add3A_949 : i32 to index
    %swap3A_951 = tpu.vector_load %arg8[%swap3A_950] {strides = array<i32>} : memref<20224xi32, #tpu.memory_space<vmem>>, vector<16xi32>,
    tpu.vector_store %arg8[%swap3A_950], %add3A_947 {strides = array<i32>} : memref<20224xi32, #tpu.memory_space<vmem>>, vector<16xi32>,
    %mul3A_952 = arith.constant 577 : i32
    %mul3A_953 = vector.broadcast %mul3A_952 : i32 to vector<16xi32>
    %mul3A_954 = arith.muli %iota3A, %mul3A_953 : vector<16xi32>
    %add3A_955 = arith.constant 262 : i32
    %add3A_956 = vector.broadcast %add3A_955 : i32 to vector<16xi32>
    %add3A_957 = arith.addi %mul3A_954, %add3A_956 : vector<16xi32>
    %and3A_958 = arith.constant 8191 : i32
    %and3A_959 = vector.broadcast %and3A_958 : i32 to vector<16xi32>
    %and3A_960 = arith.andi %add3A_957, %and3A_959 : vector<16xi32>
    %add3A_961 = arith.constant 32 : i32
    %add3A_962 = arith.addi %scan3A_885, %add3A_961 : i32
    %swap3A_963 = arith.index_cast %add3A_962 : i32 to index
    %swap3A_964 = tpu.vector_load %arg7[%swap3A_963] {strides = array<i32>} : memref<20224xi32, #tpu.memory_space<vmem>>, vector<16xi32>,
    tpu.vector_store %arg7[%swap3A_963], %and3A_960 {strides = array<i32>} : memref<20224xi32, #tpu.memory_space<vmem>>, vector<16xi32>,
    %add3A_965 = arith.constant 48 : i32
    %add3A_966 = vector.broadcast %add3A_965 : i32 to vector<16xi32>
    %add3A_967 = arith.addi %iota3A, %add3A_966 : vector<16xi32>
    %and3A_968 = arith.constant 63 : i32
    %and3A_969 = vector.broadcast %and3A_968 : i32 to vector<16xi32>
    %and3A_970 = arith.andi %add3A_967, %and3A_969 : vector<16xi32>
    %add3A_971 = arith.constant 2504 : i32
    %add3A_972 = vector.broadcast %add3A_971 : i32 to vector<16xi32>
    %add3A_973 = arith.addi %add3A_972, %and3A_970 : vector<16xi32>
    %add3A_974 = arith.constant 48 : i32
    %add3A_975 = arith.addi %scan3A_885, %add3A_974 : i32
    %swap3A_976 = arith.index_cast %add3A_975 : i32 to index
    %swap3A_977 = tpu.vector_load %arg8[%swap3A_976] {strides = array<i32>} : memref<20224xi32, #tpu.memory_space<vmem>>, vector<16xi32>,
    tpu.vector_store %arg8[%swap3A_976], %add3A_973 {strides = array<i32>} : memref<20224xi32, #tpu.memory_space<vmem>>, vector<16xi32>,
    %mul3A_978 = arith.constant 577 : i32
    %mul3A_979 = vector.broadcast %mul3A_978 : i32 to vector<16xi32>
    %mul3A_980 = arith.muli %iota3A, %mul3A_979 : vector<16xi32>
    %add3A_981 = arith.constant 393 : i32
    %add3A_982 = vector.broadcast %add3A_981 : i32 to vector<16xi32>
    %add3A_983 = arith.addi %mul3A_980, %add3A_982 : vector<16xi32>
    %and3A_984 = arith.constant 8191 : i32
    %and3A_985 = vector.broadcast %and3A_984 : i32 to vector<16xi32>
    %and3A_986 = arith.andi %add3A_983, %and3A_985 : vector<16xi32>
    %add3A_987 = arith.constant 48 : i32
    %add3A_988 = arith.addi %scan3A_885, %add3A_987 : i32
    %swap3A_989 = arith.index_cast %add3A_988 : i32 to index
    %swap3A_990 = tpu.vector_load %arg7[%swap3A_989] {strides = array<i32>} : memref<20224xi32, #tpu.memory_space<vmem>>, vector<16xi32>,
    tpu.vector_store %arg7[%swap3A_989], %and3A_986 {strides = array<i32>} : memref<20224xi32, #tpu.memory_space<vmem>>, vector<16xi32>,
    %add3A_991 = arith.constant 64 : i32
    %add3A_992 = vector.broadcast %add3A_991 : i32 to vector<16xi32>
    %add3A_993 = arith.addi %iota3A, %add3A_992 : vector<16xi32>
    %and3A_994 = arith.constant 63 : i32
    %and3A_995 = vector.broadcast %and3A_994 : i32 to vector<16xi32>
    %and3A_996 = arith.andi %add3A_993, %and3A_995 : vector<16xi32>
    %add3A_997 = arith.constant 2504 : i32
    %add3A_998 = vector.broadcast %add3A_997 : i32 to vector<16xi32>
    %add3A_999 = arith.addi %add3A_998, %and3A_996 : vector<16xi32>
    %add3A_1000 = arith.constant 64 : i32
    %add3A_1001 = arith.addi %scan3A_885, %add3A_1000 : i32
    %swap3A_1002 = arith.index_cast %add3A_1001 : i32 to index
    %swap3A_1003 = tpu.vector_load %arg8[%swap3A_1002] {strides = array<i32>} : memref<20224xi32, #tpu.memory_space<vmem>>, vector<16xi32>,
    tpu.vector_store %arg8[%swap3A_1002], %add3A_999 {strides = array<i32>} : memref<20224xi32, #tpu.memory_space<vmem>>, vector<16xi32>,
    %mul3A_1004 = arith.constant 577 : i32
    %mul3A_1005 = vector.broadcast %mul3A_1004 : i32 to vector<16xi32>
    %mul3A_1006 = arith.muli %iota3A, %mul3A_1005 : vector<16xi32>
    %add3A_1007 = arith.constant 524 : i32
    %add3A_1008 = vector.broadcast %add3A_1007 : i32 to vector<16xi32>
    %add3A_1009 = arith.addi %mul3A_1006, %add3A_1008 : vector<16xi32>
    %and3A_1010 = arith.constant 8191 : i32
    %and3A_1011 = vector.broadcast %and3A_1010 : i32 to vector<16xi32>
    %and3A_1012 = arith.andi %add3A_1009, %and3A_1011 : vector<16xi32>
    %add3A_1013 = arith.constant 64 : i32
    %add3A_1014 = arith.addi %scan3A_885, %add3A_1013 : i32
    %swap3A_1015 = arith.index_cast %add3A_1014 : i32 to index
    %swap3A_1016 = tpu.vector_load %arg7[%swap3A_1015] {strides = array<i32>} : memref<20224xi32, #tpu.memory_space<vmem>>, vector<16xi32>,
    tpu.vector_store %arg7[%swap3A_1015], %and3A_1012 {strides = array<i32>} : memref<20224xi32, #tpu.memory_space<vmem>>, vector<16xi32>,
    %add3A_1017 = arith.constant 80 : i32
    %add3A_1018 = vector.broadcast %add3A_1017 : i32 to vector<16xi32>
    %add3A_1019 = arith.addi %iota3A, %add3A_1018 : vector<16xi32>
    %and3A_1020 = arith.constant 63 : i32
    %and3A_1021 = vector.broadcast %and3A_1020 : i32 to vector<16xi32>
    %and3A_1022 = arith.andi %add3A_1019, %and3A_1021 : vector<16xi32>
    %add3A_1023 = arith.constant 2504 : i32
    %add3A_1024 = vector.broadcast %add3A_1023 : i32 to vector<16xi32>
    %add3A_1025 = arith.addi %add3A_1024, %and3A_1022 : vector<16xi32>
    %add3A_1026 = arith.constant 80 : i32
    %add3A_1027 = arith.addi %scan3A_885, %add3A_1026 : i32
    %swap3A_1028 = arith.index_cast %add3A_1027 : i32 to index
    %swap3A_1029 = tpu.vector_load %arg8[%swap3A_1028] {strides = array<i32>} : memref<20224xi32, #tpu.memory_space<vmem>>, vector<16xi32>,
    tpu.vector_store %arg8[%swap3A_1028], %add3A_1025 {strides = array<i32>} : memref<20224xi32, #tpu.memory_space<vmem>>, vector<16xi32>,
    %mul3A_1030 = arith.constant 577 : i32
    %mul3A_1031 = vector.broadcast %mul3A_1030 : i32 to vector<16xi32>
    %mul3A_1032 = arith.muli %iota3A, %mul3A_1031 : vector<16xi32>
    %add3A_1033 = arith.constant 655 : i32
    %add3A_1034 = vector.broadcast %add3A_1033 : i32 to vector<16xi32>
    %add3A_1035 = arith.addi %mul3A_1032, %add3A_1034 : vector<16xi32>
    %and3A_1036 = arith.constant 8191 : i32
    %and3A_1037 = vector.broadcast %and3A_1036 : i32 to vector<16xi32>
    %and3A_1038 = arith.andi %add3A_1035, %and3A_1037 : vector<16xi32>
    %add3A_1039 = arith.constant 80 : i32
    %add3A_1040 = arith.addi %scan3A_885, %add3A_1039 : i32
    %swap3A_1041 = arith.index_cast %add3A_1040 : i32 to index
    %swap3A_1042 = tpu.vector_load %arg7[%swap3A_1041] {strides = array<i32>} : memref<20224xi32, #tpu.memory_space<vmem>>, vector<16xi32>,
    tpu.vector_store %arg7[%swap3A_1041], %and3A_1038 {strides = array<i32>} : memref<20224xi32, #tpu.memory_space<vmem>>, vector<16xi32>,
    %add3A_1043 = arith.constant 96 : i32
    %add3A_1044 = vector.broadcast %add3A_1043 : i32 to vector<16xi32>
    %add3A_1045 = arith.addi %iota3A, %add3A_1044 : vector<16xi32>
    %and3A_1046 = arith.constant 63 : i32
    %and3A_1047 = vector.broadcast %and3A_1046 : i32 to vector<16xi32>
    %and3A_1048 = arith.andi %add3A_1045, %and3A_1047 : vector<16xi32>
    %add3A_1049 = arith.constant 2504 : i32
    %add3A_1050 = vector.broadcast %add3A_1049 : i32 to vector<16xi32>
    %add3A_1051 = arith.addi %add3A_1050, %and3A_1048 : vector<16xi32>
    %add3A_1052 = arith.constant 96 : i32
    %add3A_1053 = arith.addi %scan3A_885, %add3A_1052 : i32
    %swap3A_1054 = arith.index_cast %add3A_1053 : i32 to index
    %swap3A_1055 = tpu.vector_load %arg8[%swap3A_1054] {strides = array<i32>} : memref<20224xi32, #tpu.memory_space<vmem>>, vector<16xi32>,
    tpu.vector_store %arg8[%swap3A_1054], %add3A_1051 {strides = array<i32>} : memref<20224xi32, #tpu.memory_space<vmem>>, vector<16xi32>,
    %mul3A_1056 = arith.constant 577 : i32
    %mul3A_1057 = vector.broadcast %mul3A_1056 : i32 to vector<16xi32>
    %mul3A_1058 = arith.muli %iota3A, %mul3A_1057 : vector<16xi32>
    %add3A_1059 = arith.constant 786 : i32
    %add3A_1060 = vector.broadcast %add3A_1059 : i32 to vector<16xi32>
    %add3A_1061 = arith.addi %mul3A_1058, %add3A_1060 : vector<16xi32>
    %and3A_1062 = arith.constant 8191 : i32
    %and3A_1063 = vector.broadcast %and3A_1062 : i32 to vector<16xi32>
    %and3A_1064 = arith.andi %add3A_1061, %and3A_1063 : vector<16xi32>
    %add3A_1065 = arith.constant 96 : i32
    %add3A_1066 = arith.addi %scan3A_885, %add3A_1065 : i32
    %swap3A_1067 = arith.index_cast %add3A_1066 : i32 to index
    %swap3A_1068 = tpu.vector_load %arg7[%swap3A_1067] {strides = array<i32>} : memref<20224xi32, #tpu.memory_space<vmem>>, vector<16xi32>,
    tpu.vector_store %arg7[%swap3A_1067], %and3A_1064 {strides = array<i32>} : memref<20224xi32, #tpu.memory_space<vmem>>, vector<16xi32>,
    %add3A_1069 = arith.constant 112 : i32
    %add3A_1070 = vector.broadcast %add3A_1069 : i32 to vector<16xi32>
    %add3A_1071 = arith.addi %iota3A, %add3A_1070 : vector<16xi32>
    %and3A_1072 = arith.constant 63 : i32
    %and3A_1073 = vector.broadcast %and3A_1072 : i32 to vector<16xi32>
    %and3A_1074 = arith.andi %add3A_1071, %and3A_1073 : vector<16xi32>
    %add3A_1075 = arith.constant 2504 : i32
    %add3A_1076 = vector.broadcast %add3A_1075 : i32 to vector<16xi32>
    %add3A_1077 = arith.addi %add3A_1076, %and3A_1074 : vector<16xi32>
    %add3A_1078 = arith.constant 112 : i32
    %add3A_1079 = arith.addi %scan3A_885, %add3A_1078 : i32
    %swap3A_1080 = arith.index_cast %add3A_1079 : i32 to index
    %swap3A_1081 = tpu.vector_load %arg8[%swap3A_1080] {strides = array<i32>} : memref<20224xi32, #tpu.memory_space<vmem>>, vector<16xi32>,
    tpu.vector_store %arg8[%swap3A_1080], %add3A_1077 {strides = array<i32>} : memref<20224xi32, #tpu.memory_space<vmem>>, vector<16xi32>,
    %mul3A_1082 = arith.constant 577 : i32
    %mul3A_1083 = vector.broadcast %mul3A_1082 : i32 to vector<16xi32>
    %mul3A_1084 = arith.muli %iota3A, %mul3A_1083 : vector<16xi32>
    %add3A_1085 = arith.constant 917 : i32
    %add3A_1086 = vector.broadcast %add3A_1085 : i32 to vector<16xi32>
    %add3A_1087 = arith.addi %mul3A_1084, %add3A_1086 : vector<16xi32>
    %and3A_1088 = arith.constant 8191 : i32
    %and3A_1089 = vector.broadcast %and3A_1088 : i32 to vector<16xi32>
    %and3A_1090 = arith.andi %add3A_1087, %and3A_1089 : vector<16xi32>
    %add3A_1091 = arith.constant 112 : i32
    %add3A_1092 = arith.addi %scan3A_885, %add3A_1091 : i32
    %swap3A_1093 = arith.index_cast %add3A_1092 : i32 to index
    %swap3A_1094 = tpu.vector_load %arg7[%swap3A_1093] {strides = array<i32>} : memref<20224xi32, #tpu.memory_space<vmem>>, vector<16xi32>,
    tpu.vector_store %arg7[%swap3A_1093], %and3A_1090 {strides = array<i32>} : memref<20224xi32, #tpu.memory_space<vmem>>, vector<16xi32>,
    %jit3A_1095 = arith.constant 128 : i32
    %div3A_1096 = arith.divsi %scan3A_885, %jit3A_1095 : i32
    %sign3A_1097 = arith.constant 0 : i32
    %sign3A_1098 = arith.cmpi sgt, %scan3A_885, %sign3A_1097 : i32
    %sign3A_1099 = arith.extui %sign3A_1098 : i1 to i32
    %sign3A_1100 = arith.constant 0 : i32
    %sign3A_1101 = arith.cmpi slt, %scan3A_885, %sign3A_1100 : i32
    %sign3A_1102 = arith.extui %sign3A_1101 : i1 to i32
    %sign3A_1103 = arith.subi %sign3A_1099, %sign3A_1102 : i32
    %sign3A_1104 = arith.constant 0 : i32
    %sign3A_1105 = arith.cmpi sgt, %jit3A_1095, %sign3A_1104 : i32
    %sign3A_1106 = arith.extui %sign3A_1105 : i1 to i32
    %sign3A_1107 = arith.constant 0 : i32
    %sign3A_1108 = arith.cmpi slt, %jit3A_1095, %sign3A_1107 : i32
    %sign3A_1109 = arith.extui %sign3A_1108 : i1 to i32
    %sign3A_1110 = arith.subi %sign3A_1106, %sign3A_1109 : i32
    %ne3A_1111 = arith.cmpi ne, %sign3A_1103, %sign3A_1110 : i32
    %rem3A_1112 = arith.remsi %scan3A_885, %jit3A_1095 : i32
    %ne3A_1113 = arith.constant 0 : i32
    %ne3A_1114 = arith.cmpi ne, %rem3A_1112, %ne3A_1113 : i32
    %and3A_1115 = arith.andi %ne3A_1111, %ne3A_1114 : i1
    %sub3A_1116 = arith.constant 1 : i32
    %sub3A_1117 = arith.subi %div3A_1096, %sub3A_1116 : i32
    %select_n3A_1118 = arith.select %and3A_1115, %sub3A_1117, %div3A_1096 : i32
    %add3A_1119 = arith.constant 1 : i32
    %add3A_1120 = arith.addi %select_n3A_1118, %add3A_1119 : i32
    %barrier3A_1121 = arith.constant 0 : index
    tpu.barrier barrier_id(%barrier3A_1121)
    %add3A_1122 = arith.constant 1 : i32
    %add3A_1123 = arith.addi %add3A_1120, %add3A_1122 : i32
    %jit3A_1124 = arith.constant 2 : i32
    %div3A_1125 = arith.divsi %add3A_1123, %jit3A_1124 : i32
    %sign3A_1126 = arith.constant 0 : i32
    %sign3A_1127 = arith.cmpi sgt, %add3A_1123, %sign3A_1126 : i32
    %sign3A_1128 = arith.extui %sign3A_1127 : i1 to i32
    %sign3A_1129 = arith.constant 0 : i32
    %sign3A_1130 = arith.cmpi slt, %add3A_1123, %sign3A_1129 : i32
    %sign3A_1131 = arith.extui %sign3A_1130 : i1 to i32
    %sign3A_1132 = arith.subi %sign3A_1128, %sign3A_1131 : i32
    %sign3A_1133 = arith.constant 0 : i32
    %sign3A_1134 = arith.cmpi sgt, %jit3A_1124, %sign3A_1133 : i32
    %sign3A_1135 = arith.extui %sign3A_1134 : i1 to i32
    %sign3A_1136 = arith.constant 0 : i32
    %sign3A_1137 = arith.cmpi slt, %jit3A_1124, %sign3A_1136 : i32
    %sign3A_1138 = arith.extui %sign3A_1137 : i1 to i32
    %sign3A_1139 = arith.subi %sign3A_1135, %sign3A_1138 : i32
    %ne3A_1140 = arith.cmpi ne, %sign3A_1132, %sign3A_1139 : i32
    %rem3A_1141 = arith.remsi %add3A_1123, %jit3A_1124 : i32
    %ne3A_1142 = arith.constant 0 : i32
    %ne3A_1143 = arith.cmpi ne, %rem3A_1141, %ne3A_1142 : i32
    %and3A_1144 = arith.andi %ne3A_1140, %ne3A_1143 : i1
    %sub3A_1145 = arith.constant 1 : i32
    %sub3A_1146 = arith.subi %div3A_1125, %sub3A_1145 : i32
    %select_n3A_1147 = arith.select %and3A_1144, %sub3A_1146, %div3A_1125 : i32
    %dma_start3A_1148 = arith.constant 0 : i32
    %dma_start3A_1149 = tpu.memref_slice %arg7[%dma_start3A_1148] : memref<20224xi32, #tpu.memory_space<vmem>> -> memref<128xi32, #tpu.memory_space<vmem>>
    %dma_start3A_1150 = arith.constant 0 : i32
    %dma_start3A_1151 = arith.constant 0 : i32
    %dma_start3A_1152 = tpu.memref_slice %arg2[%dma_start3A_1150, %dma_start3A_1151] : memref<20000x128xf32, #tpu.memory_space<hbm>> -> memref<20000x128xf32, #tpu.memory_space<hbm>>
    tpu.enqueue_indirect_dma source(%dma_start3A_1152 : memref<20000x128xf32, #tpu.memory_space<hbm>>) target(%arg9 : memref<128x128xf32, #tpu.memory_space<vmem>>) offsets(%dma_start3A_1149 : memref<128xi32, #tpu.memory_space<vmem>>) semaphore(%arg12 : memref<!tpu.dma_semaphore, #tpu.memory_space<semaphore_mem>>)
    %while3A_1153 = arith.constant 0 : i32
    %while3A_1154 = arith.constant 0 : i32
    %while3A_1155 = arith.subi %select_n3A_1147, %while3A_1154 : i32
    %while3A_1156 = arith.addi %while3A_1154, %while3A_1155 : i32
    %while3A_1157 = arith.constant 1 : i32
    %while3A_1158 = arith.divsi %while3A_1155, %while3A_1157 : i32
    %while3A_1159 = arith.muli %while3A_1158, %while3A_1157 : i32
    %while3A_1160 = arith.addi %while3A_1154, %while3A_1159 : i32
    %while3A_1161 = arith.constant 1 : i32
    scf.for %while3A_1169 = %while3A_1154 to %while3A_1160 step %while3A_1161  : i32 {
      %mul3A_1170 = arith.constant 2 : i32
      %mul3A_1171 = arith.muli %mul3A_1170, %while3A_1169 : i32
      %add3A_1172 = arith.constant 1 : i32
      %add3A_1173 = arith.addi %mul3A_1171, %add3A_1172 : i32
      %lt3A = arith.cmpi slt, %add3A_1173, %add3A_1120 : i32
      %convert_element_type3A_1174 = arith.extui %lt3A : i1 to i32
      %cond3A_1175 = arith.constant 0 : i32
      %cond3A_1176 = arith.cmpi ne, %convert_element_type3A_1174, %cond3A_1175 : i32
      scf.if %cond3A_1176 {
        %add3A_1195 = arith.constant 1 : i32
        %add3A_1196 = arith.addi %mul3A_1171, %add3A_1195 : i32
        %mul3A_1197 = arith.constant 128 : i32
        %mul3A_1198 = arith.muli %add3A_1196, %mul3A_1197 : i32
        %dma_start3A_1199 = tpu.memref_slice %arg7[%mul3A_1198] : memref<20224xi32, #tpu.memory_space<vmem>> -> memref<128xi32, #tpu.memory_space<vmem>>
        %dma_start3A_1200 = arith.constant 0 : i32
        %dma_start3A_1201 = arith.constant 0 : i32
        %dma_start3A_1202 = tpu.memref_slice %arg2[%dma_start3A_1200, %dma_start3A_1201] : memref<20000x128xf32, #tpu.memory_space<hbm>> -> memref<20000x128xf32, #tpu.memory_space<hbm>>
        tpu.enqueue_indirect_dma source(%dma_start3A_1202 : memref<20000x128xf32, #tpu.memory_space<hbm>>) target(%arg10 : memref<128x128xf32, #tpu.memory_space<vmem>>) offsets(%dma_start3A_1199 : memref<128xi32, #tpu.memory_space<vmem>>) semaphore(%arg13 : memref<!tpu.dma_semaphore, #tpu.memory_space<semaphore_mem>>)
      } else {
      }
      %dma_wait3A = arith.constant 0 : i32
      %dma_wait3A_1177 = tpu.memref_slice %arg7[%dma_wait3A] : memref<20224xi32, #tpu.memory_space<vmem>> -> memref<128xi32, #tpu.memory_space<vmem>>
      %dma_wait3A_1178 = arith.constant 0 : i32
      %dma_wait3A_1179 = arith.constant 0 : i32
      %dma_wait3A_1180 = tpu.memref_slice %arg2[%dma_wait3A_1178, %dma_wait3A_1179] : memref<20000x128xf32, #tpu.memory_space<hbm>> -> memref<20000x128xf32, #tpu.memory_space<hbm>>
      tpu.wait_indirect_dma semaphore(%arg12 : memref<!tpu.dma_semaphore, #tpu.memory_space<semaphore_mem>>) src(%dma_wait3A_1180 : memref<20000x128xf32, #tpu.memory_space<hbm>>) dst(%arg9 : memref<128x128xf32, #tpu.memory_space<vmem>>)
      %mul3A_1181 = arith.constant 128 : i32
      %mul3A_1182 = arith.muli %mul3A_1171, %mul3A_1181 : i32
      "tpu.region"() ({
        %run_scoped3A = tpu.sem_alloc : memref<!tpu.dma_semaphore, #tpu.memory_space<semaphore_mem>>
        %dma_start3A_1195 = tpu.memref_slice %arg8[%mul3A_1182] : memref<20224xi32, #tpu.memory_space<vmem>> -> memref<128xi32, #tpu.memory_space<vmem>>
        %dma_start3A_1196 = arith.constant 0 : i32
        %dma_start3A_1197 = arith.constant 0 : i32
        %dma_start3A_1198 = tpu.memref_slice %arg11[%dma_start3A_1196, %dma_start3A_1197] : memref<2568x128xf32, #tpu.memory_space<vmem_shared>> -> memref<2568x128xf32, #tpu.memory_space<vmem_shared>>
        tpu.enqueue_indirect_dma source(%arg9 : memref<128x128xf32, #tpu.memory_space<vmem>>) target(%dma_start3A_1198 : memref<2568x128xf32, #tpu.memory_space<vmem_shared>>) offsets(%dma_start3A_1195 : memref<128xi32, #tpu.memory_space<vmem>>) semaphore(%run_scoped3A : memref<!tpu.dma_semaphore, #tpu.memory_space<semaphore_mem>>) {add = true}
        %dma_wait3A_1199 = tpu.memref_slice %arg8[%mul3A_1182] : memref<20224xi32, #tpu.memory_space<vmem>> -> memref<128xi32, #tpu.memory_space<vmem>>
        %dma_wait3A_1200 = arith.constant 0 : i32
        %dma_wait3A_1201 = arith.constant 0 : i32
        %dma_wait3A_1202 = tpu.memref_slice %arg11[%dma_wait3A_1200, %dma_wait3A_1201] : memref<2568x128xf32, #tpu.memory_space<vmem_shared>> -> memref<2568x128xf32, #tpu.memory_space<vmem_shared>>
        tpu.wait_indirect_dma semaphore(%run_scoped3A : memref<!tpu.dma_semaphore, #tpu.memory_space<semaphore_mem>>) src(%arg9 : memref<128x128xf32, #tpu.memory_space<vmem>>) dst(%dma_wait3A_1202 : memref<2568x128xf32, #tpu.memory_space<vmem_shared>>)
        tpu.yield
      }) : () -> ()
      %add3A_1183 = arith.constant 2 : i32
      %add3A_1184 = arith.addi %mul3A_1171, %add3A_1183 : i32
      %lt3A_1185 = arith.cmpi slt, %add3A_1184, %add3A_1120 : i32
      %convert_element_type3A_1186 = arith.extui %lt3A_1185 : i1 to i32
      %cond3A_1187 = arith.constant 0 : i32
      %cond3A_1188 = arith.cmpi ne, %convert_element_type3A_1186, %cond3A_1187 : i32
      scf.if %cond3A_1188 {
        %add3A_1195 = arith.constant 2 : i32
        %add3A_1196 = arith.addi %mul3A_1171, %add3A_1195 : i32
        %mul3A_1197 = arith.constant 128 : i32
        %mul3A_1198 = arith.muli %add3A_1196, %mul3A_1197 : i32
        %dma_start3A_1199 = tpu.memref_slice %arg7[%mul3A_1198] : memref<20224xi32, #tpu.memory_space<vmem>> -> memref<128xi32, #tpu.memory_space<vmem>>
        %dma_start3A_1200 = arith.constant 0 : i32
        %dma_start3A_1201 = arith.constant 0 : i32
        %dma_start3A_1202 = tpu.memref_slice %arg2[%dma_start3A_1200, %dma_start3A_1201] : memref<20000x128xf32, #tpu.memory_space<hbm>> -> memref<20000x128xf32, #tpu.memory_space<hbm>>
        tpu.enqueue_indirect_dma source(%dma_start3A_1202 : memref<20000x128xf32, #tpu.memory_space<hbm>>) target(%arg9 : memref<128x128xf32, #tpu.memory_space<vmem>>) offsets(%dma_start3A_1199 : memref<128xi32, #tpu.memory_space<vmem>>) semaphore(%arg12 : memref<!tpu.dma_semaphore, #tpu.memory_space<semaphore_mem>>)
      } else {
      }
      %add3A_1189 = arith.constant 1 : i32
      %add3A_1190 = arith.addi %mul3A_1171, %add3A_1189 : i32
      %lt3A_1191 = arith.cmpi slt, %add3A_1190, %add3A_1120 : i32
      %convert_element_type3A_1192 = arith.extui %lt3A_1191 : i1 to i32
      %cond3A_1193 = arith.constant 0 : i32
      %cond3A_1194 = arith.cmpi ne, %convert_element_type3A_1192, %cond3A_1193 : i32
      scf.if %cond3A_1194 {
        %dma_wait3A_1195 = arith.constant 0 : i32
        %dma_wait3A_1196 = tpu.memref_slice %arg7[%dma_wait3A_1195] : memref<20224xi32, #tpu.memory_space<vmem>> -> memref<128xi32, #tpu.memory_space<vmem>>
        %dma_wait3A_1197 = arith.constant 0 : i32
        %dma_wait3A_1198 = arith.constant 0 : i32
        %dma_wait3A_1199 = tpu.memref_slice %arg2[%dma_wait3A_1197, %dma_wait3A_1198] : memref<20000x128xf32, #tpu.memory_space<hbm>> -> memref<20000x128xf32, #tpu.memory_space<hbm>>
        tpu.wait_indirect_dma semaphore(%arg13 : memref<!tpu.dma_semaphore, #tpu.memory_space<semaphore_mem>>) src(%dma_wait3A_1199 : memref<20000x128xf32, #tpu.memory_space<hbm>>) dst(%arg10 : memref<128x128xf32, #tpu.memory_space<vmem>>)
        %add3A_1200 = arith.constant 1 : i32
        %add3A_1201 = arith.addi %mul3A_1171, %add3A_1200 : i32
        %mul3A_1202 = arith.constant 128 : i32
        %mul3A_1203 = arith.muli %add3A_1201, %mul3A_1202 : i32
        "tpu.region"() ({
          %run_scoped3A = tpu.sem_alloc : memref<!tpu.dma_semaphore, #tpu.memory_space<semaphore_mem>>
          %dma_start3A_1204 = tpu.memref_slice %arg8[%mul3A_1203] : memref<20224xi32, #tpu.memory_space<vmem>> -> memref<128xi32, #tpu.memory_space<vmem>>
          %dma_start3A_1205 = arith.constant 0 : i32
          %dma_start3A_1206 = arith.constant 0 : i32
          %dma_start3A_1207 = tpu.memref_slice %arg11[%dma_start3A_1205, %dma_start3A_1206] : memref<2568x128xf32, #tpu.memory_space<vmem_shared>> -> memref<2568x128xf32, #tpu.memory_space<vmem_shared>>
          tpu.enqueue_indirect_dma source(%arg10 : memref<128x128xf32, #tpu.memory_space<vmem>>) target(%dma_start3A_1207 : memref<2568x128xf32, #tpu.memory_space<vmem_shared>>) offsets(%dma_start3A_1204 : memref<128xi32, #tpu.memory_space<vmem>>) semaphore(%run_scoped3A : memref<!tpu.dma_semaphore, #tpu.memory_space<semaphore_mem>>) {add = true}
          %dma_wait3A_1208 = tpu.memref_slice %arg8[%mul3A_1203] : memref<20224xi32, #tpu.memory_space<vmem>> -> memref<128xi32, #tpu.memory_space<vmem>>
          %dma_wait3A_1209 = arith.constant 0 : i32
          %dma_wait3A_1210 = arith.constant 0 : i32
          %dma_wait3A_1211 = tpu.memref_slice %arg11[%dma_wait3A_1209, %dma_wait3A_1210] : memref<2568x128xf32, #tpu.memory_space<vmem_shared>> -> memref<2568x128xf32, #tpu.memory_space<vmem_shared>>
          tpu.wait_indirect_dma semaphore(%run_scoped3A : memref<!tpu.dma_semaphore, #tpu.memory_space<semaphore_mem>>) src(%arg10 : memref<128x128xf32, #tpu.memory_space<vmem>>) dst(%dma_wait3A_1211 : memref<2568x128xf32, #tpu.memory_space<vmem_shared>>)
          tpu.yield
        }) : () -> ()
      } else {
      }
    }
    %while3A_1162 = arith.constant 1 : i32
    scf.for %while3A_1169 = %while3A_1160 to %while3A_1156 step %while3A_1162  : i32 {
      %mul3A_1170 = arith.constant 2 : i32
      %mul3A_1171 = arith.muli %mul3A_1170, %while3A_1169 : i32
      %add3A_1172 = arith.constant 1 : i32
      %add3A_1173 = arith.addi %mul3A_1171, %add3A_1172 : i32
      %lt3A = arith.cmpi slt, %add3A_1173, %add3A_1120 : i32
      %convert_element_type3A_1174 = arith.extui %lt3A : i1 to i32
      %cond3A_1175 = arith.constant 0 : i32
      %cond3A_1176 = arith.cmpi ne, %convert_element_type3A_1174, %cond3A_1175 : i32
      scf.if %cond3A_1176 {
        %add3A_1195 = arith.constant 1 : i32
        %add3A_1196 = arith.addi %mul3A_1171, %add3A_1195 : i32
        %mul3A_1197 = arith.constant 128 : i32
        %mul3A_1198 = arith.muli %add3A_1196, %mul3A_1197 : i32
        %dma_start3A_1199 = tpu.memref_slice %arg7[%mul3A_1198] : memref<20224xi32, #tpu.memory_space<vmem>> -> memref<128xi32, #tpu.memory_space<vmem>>
        %dma_start3A_1200 = arith.constant 0 : i32
        %dma_start3A_1201 = arith.constant 0 : i32
        %dma_start3A_1202 = tpu.memref_slice %arg2[%dma_start3A_1200, %dma_start3A_1201] : memref<20000x128xf32, #tpu.memory_space<hbm>> -> memref<20000x128xf32, #tpu.memory_space<hbm>>
        tpu.enqueue_indirect_dma source(%dma_start3A_1202 : memref<20000x128xf32, #tpu.memory_space<hbm>>) target(%arg10 : memref<128x128xf32, #tpu.memory_space<vmem>>) offsets(%dma_start3A_1199 : memref<128xi32, #tpu.memory_space<vmem>>) semaphore(%arg13 : memref<!tpu.dma_semaphore, #tpu.memory_space<semaphore_mem>>)
      } else {
      }
      %dma_wait3A = arith.constant 0 : i32
      %dma_wait3A_1177 = tpu.memref_slice %arg7[%dma_wait3A] : memref<20224xi32, #tpu.memory_space<vmem>> -> memref<128xi32, #tpu.memory_space<vmem>>
      %dma_wait3A_1178 = arith.constant 0 : i32
      %dma_wait3A_1179 = arith.constant 0 : i32
      %dma_wait3A_1180 = tpu.memref_slice %arg2[%dma_wait3A_1178, %dma_wait3A_1179] : memref<20000x128xf32, #tpu.memory_space<hbm>> -> memref<20000x128xf32, #tpu.memory_space<hbm>>
      tpu.wait_indirect_dma semaphore(%arg12 : memref<!tpu.dma_semaphore, #tpu.memory_space<semaphore_mem>>) src(%dma_wait3A_1180 : memref<20000x128xf32, #tpu.memory_space<hbm>>) dst(%arg9 : memref<128x128xf32, #tpu.memory_space<vmem>>)
      %mul3A_1181 = arith.constant 128 : i32
      %mul3A_1182 = arith.muli %mul3A_1171, %mul3A_1181 : i32
      "tpu.region"() ({
        %run_scoped3A = tpu.sem_alloc : memref<!tpu.dma_semaphore, #tpu.memory_space<semaphore_mem>>
        %dma_start3A_1195 = tpu.memref_slice %arg8[%mul3A_1182] : memref<20224xi32, #tpu.memory_space<vmem>> -> memref<128xi32, #tpu.memory_space<vmem>>
        %dma_start3A_1196 = arith.constant 0 : i32
        %dma_start3A_1197 = arith.constant 0 : i32
        %dma_start3A_1198 = tpu.memref_slice %arg11[%dma_start3A_1196, %dma_start3A_1197] : memref<2568x128xf32, #tpu.memory_space<vmem_shared>> -> memref<2568x128xf32, #tpu.memory_space<vmem_shared>>
        tpu.enqueue_indirect_dma source(%arg9 : memref<128x128xf32, #tpu.memory_space<vmem>>) target(%dma_start3A_1198 : memref<2568x128xf32, #tpu.memory_space<vmem_shared>>) offsets(%dma_start3A_1195 : memref<128xi32, #tpu.memory_space<vmem>>) semaphore(%run_scoped3A : memref<!tpu.dma_semaphore, #tpu.memory_space<semaphore_mem>>) {add = true}
        %dma_wait3A_1199 = tpu.memref_slice %arg8[%mul3A_1182] : memref<20224xi32, #tpu.memory_space<vmem>> -> memref<128xi32, #tpu.memory_space<vmem>>
        %dma_wait3A_1200 = arith.constant 0 : i32
        %dma_wait3A_1201 = arith.constant 0 : i32
        %dma_wait3A_1202 = tpu.memref_slice %arg11[%dma_wait3A_1200, %dma_wait3A_1201] : memref<2568x128xf32, #tpu.memory_space<vmem_shared>> -> memref<2568x128xf32, #tpu.memory_space<vmem_shared>>
        tpu.wait_indirect_dma semaphore(%run_scoped3A : memref<!tpu.dma_semaphore, #tpu.memory_space<semaphore_mem>>) src(%arg9 : memref<128x128xf32, #tpu.memory_space<vmem>>) dst(%dma_wait3A_1202 : memref<2568x128xf32, #tpu.memory_space<vmem_shared>>)
        tpu.yield
      }) : () -> ()
      %add3A_1183 = arith.constant 2 : i32
      %add3A_1184 = arith.addi %mul3A_1171, %add3A_1183 : i32
      %lt3A_1185 = arith.cmpi slt, %add3A_1184, %add3A_1120 : i32
      %convert_element_type3A_1186 = arith.extui %lt3A_1185 : i1 to i32
      %cond3A_1187 = arith.constant 0 : i32
      %cond3A_1188 = arith.cmpi ne, %convert_element_type3A_1186, %cond3A_1187 : i32
      scf.if %cond3A_1188 {
        %add3A_1195 = arith.constant 2 : i32
        %add3A_1196 = arith.addi %mul3A_1171, %add3A_1195 : i32
        %mul3A_1197 = arith.constant 128 : i32
        %mul3A_1198 = arith.muli %add3A_1196, %mul3A_1197 : i32
        %dma_start3A_1199 = tpu.memref_slice %arg7[%mul3A_1198] : memref<20224xi32, #tpu.memory_space<vmem>> -> memref<128xi32, #tpu.memory_space<vmem>>
        %dma_start3A_1200 = arith.constant 0 : i32
        %dma_start3A_1201 = arith.constant 0 : i32
        %dma_start3A_1202 = tpu.memref_slice %arg2[%dma_start3A_1200, %dma_start3A_1201] : memref<20000x128xf32, #tpu.memory_space<hbm>> -> memref<20000x128xf32, #tpu.memory_space<hbm>>
        tpu.enqueue_indirect_dma source(%dma_start3A_1202 : memref<20000x128xf32, #tpu.memory_space<hbm>>) target(%arg9 : memref<128x128xf32, #tpu.memory_space<vmem>>) offsets(%dma_start3A_1199 : memref<128xi32, #tpu.memory_space<vmem>>) semaphore(%arg12 : memref<!tpu.dma_semaphore, #tpu.memory_space<semaphore_mem>>)
      } else {
      }
      %add3A_1189 = arith.constant 1 : i32
      %add3A_1190 = arith.addi %mul3A_1171, %add3A_1189 : i32
      %lt3A_1191 = arith.cmpi slt, %add3A_1190, %add3A_1120 : i32
      %convert_element_type3A_1192 = arith.extui %lt3A_1191 : i1 to i32
      %cond3A_1193 = arith.constant 0 : i32
      %cond3A_1194 = arith.cmpi ne, %convert_element_type3A_1192, %cond3A_1193 : i32
      scf.if %cond3A_1194 {
        %dma_wait3A_1195 = arith.constant 0 : i32
        %dma_wait3A_1196 = tpu.memref_slice %arg7[%dma_wait3A_1195] : memref<20224xi32, #tpu.memory_space<vmem>> -> memref<128xi32, #tpu.memory_space<vmem>>
        %dma_wait3A_1197 = arith.constant 0 : i32
        %dma_wait3A_1198 = arith.constant 0 : i32
        %dma_wait3A_1199 = tpu.memref_slice %arg2[%dma_wait3A_1197, %dma_wait3A_1198] : memref<20000x128xf32, #tpu.memory_space<hbm>> -> memref<20000x128xf32, #tpu.memory_space<hbm>>
        tpu.wait_indirect_dma semaphore(%arg13 : memref<!tpu.dma_semaphore, #tpu.memory_space<semaphore_mem>>) src(%dma_wait3A_1199 : memref<20000x128xf32, #tpu.memory_space<hbm>>) dst(%arg10 : memref<128x128xf32, #tpu.memory_space<vmem>>)
        %add3A_1200 = arith.constant 1 : i32
        %add3A_1201 = arith.addi %mul3A_1171, %add3A_1200 : i32
        %mul3A_1202 = arith.constant 128 : i32
        %mul3A_1203 = arith.muli %add3A_1201, %mul3A_1202 : i32
        "tpu.region"() ({
          %run_scoped3A = tpu.sem_alloc : memref<!tpu.dma_semaphore, #tpu.memory_space<semaphore_mem>>
          %dma_start3A_1204 = tpu.memref_slice %arg8[%mul3A_1203] : memref<20224xi32, #tpu.memory_space<vmem>> -> memref<128xi32, #tpu.memory_space<vmem>>
          %dma_start3A_1205 = arith.constant 0 : i32
          %dma_start3A_1206 = arith.constant 0 : i32
          %dma_start3A_1207 = tpu.memref_slice %arg11[%dma_start3A_1205, %dma_start3A_1206] : memref<2568x128xf32, #tpu.memory_space<vmem_shared>> -> memref<2568x128xf32, #tpu.memory_space<vmem_shared>>
          tpu.enqueue_indirect_dma source(%arg10 : memref<128x128xf32, #tpu.memory_space<vmem>>) target(%dma_start3A_1207 : memref<2568x128xf32, #tpu.memory_space<vmem_shared>>) offsets(%dma_start3A_1204 : memref<128xi32, #tpu.memory_space<vmem>>) semaphore(%run_scoped3A : memref<!tpu.dma_semaphore, #tpu.memory_space<semaphore_mem>>) {add = true}
          %dma_wait3A_1208 = tpu.memref_slice %arg8[%mul3A_1203] : memref<20224xi32, #tpu.memory_space<vmem>> -> memref<128xi32, #tpu.memory_space<vmem>>
          %dma_wait3A_1209 = arith.constant 0 : i32
          %dma_wait3A_1210 = arith.constant 0 : i32
          %dma_wait3A_1211 = tpu.memref_slice %arg11[%dma_wait3A_1209, %dma_wait3A_1210] : memref<2568x128xf32, #tpu.memory_space<vmem_shared>> -> memref<2568x128xf32, #tpu.memory_space<vmem_shared>>
          tpu.wait_indirect_dma semaphore(%run_scoped3A : memref<!tpu.dma_semaphore, #tpu.memory_space<semaphore_mem>>) src(%arg10 : memref<128x128xf32, #tpu.memory_space<vmem>>) dst(%dma_wait3A_1211 : memref<2568x128xf32, #tpu.memory_space<vmem_shared>>)
          tpu.yield
        }) : () -> ()
      } else {
      }
    }
    %barrier3A_1163 = arith.constant 0 : index
    tpu.barrier barrier_id(%barrier3A_1163)
    %eq3A_1164 = arith.constant 1 : i32
    %eq3A_1165 = arith.cmpi eq, %arg1, %eq3A_1164 : i32
    %convert_element_type3A_1166 = arith.extui %eq3A_1165 : i1 to i32
    %cond3A_1167 = arith.constant 0 : i32
    %cond3A_1168 = arith.cmpi ne, %convert_element_type3A_1166, %cond3A_1167 : i32
    scf.if %cond3A_1168 {
      %mul3A_1169 = arith.constant 10016 : i32
      %mul3A_1170 = arith.muli %arg0, %mul3A_1169 : i32
      %add3A_1171 = arith.constant 7512 : i32
      %add3A_1172 = arith.addi %mul3A_1170, %add3A_1171 : i32
      "tpu.region"() ({
        %run_scoped3A = tpu.sem_alloc : memref<!tpu.dma_semaphore, #tpu.memory_space<semaphore_mem>>
        %dma_start3A_1173 = arith.constant 0 : i32
        %dma_start3A_1174 = tpu.memref_slice %arg6[%add3A_1172, %dma_start3A_1173] : memref<20032x128xf32, #tpu.memory_space<hbm>> -> memref<2504x128xf32, #tpu.memory_space<hbm>>
        %dma_start3A_1175 = arith.constant 0 : i32
        %dma_start3A_1176 = arith.constant 0 : i32
        %dma_start3A_1177 = tpu.memref_slice %arg11[%dma_start3A_1175, %dma_start3A_1176] : memref<2568x128xf32, #tpu.memory_space<vmem_shared>> -> memref<2504x128xf32, #tpu.memory_space<vmem_shared>>
        tpu.enqueue_dma source(%dma_start3A_1177 : memref<2504x128xf32, #tpu.memory_space<vmem_shared>>) target(%dma_start3A_1174 : memref<2504x128xf32, #tpu.memory_space<hbm>>) target_semaphore(%run_scoped3A : memref<!tpu.dma_semaphore, #tpu.memory_space<semaphore_mem>>)
        %dma_wait3A = arith.constant 0 : i32
        %dma_wait3A_1178 = tpu.memref_slice %arg6[%add3A_1172, %dma_wait3A] : memref<20032x128xf32, #tpu.memory_space<hbm>> -> memref<2504x128xf32, #tpu.memory_space<hbm>>
        %dma_wait3A_1179 = arith.constant 0 : i32
        %dma_wait3A_1180 = arith.constant 0 : i32
        %dma_wait3A_1181 = tpu.memref_slice %arg11[%dma_wait3A_1179, %dma_wait3A_1180] : memref<2568x128xf32, #tpu.memory_space<vmem_shared>> -> memref<2504x128xf32, #tpu.memory_space<vmem_shared>>
        tpu.wait_dma2 semaphore(%run_scoped3A : memref<!tpu.dma_semaphore, #tpu.memory_space<semaphore_mem>>) src(%dma_wait3A_1181 : memref<2504x128xf32, #tpu.memory_space<vmem_shared>>) dst(%dma_wait3A_1178 : memref<2504x128xf32, #tpu.memory_space<hbm>>)
        tpu.yield
      }) : () -> ()
    } else {
    }
    return
  }
}

#map = affine_map<(d0, d1) -> (0, 0)>
module attributes {stable_mosaic.version = 14 : i64} {
  func.func @agg_kernel(%arg0: i32, %arg1: i32, %arg2: memref<10000x128xf32, #tpu.memory_space<hbm>>, %arg3: memref<16x20096xi32, #tpu.memory_space<hbm>>, %arg4: memref<16x20096xi32, #tpu.memory_space<hbm>>, %arg5: memref<2568x128xf32, #tpu.memory_space<hbm>>, %arg6: memref<10016x128xf32, #tpu.memory_space<hbm>>, %arg7: memref<20224xi32, #tpu.memory_space<vmem>>, %arg8: memref<20224xi32, #tpu.memory_space<vmem>>, %arg9: memref<128x128xf32, #tpu.memory_space<vmem>>, %arg10: memref<128x128xf32, #tpu.memory_space<vmem>>, %arg11: memref<2568x128xf32, #tpu.memory_space<vmem_shared>>, %arg12: memref<!tpu.dma_semaphore, #tpu.memory_space<semaphore_mem>>, %arg13: memref<!tpu.dma_semaphore, #tpu.memory_space<semaphore_mem>>) attributes {dimension_semantics = [#tpu.dimension_semantics<core_parallel>, #tpu.dimension_semantics<subcore_parallel>], iteration_bounds = array<i64: 2, 16>, scalar_prefetch = 0 : i64, scratch_operands = 7 : i64, tpu.core_type = #tpu.core_type<sc_vector_subcore>, window_params = [{transform_indices = #map}, {transform_indices = #map}, {transform_indices = #map}, {transform_indices = #map}, {transform_indices = #map}]} {
    %iota3A = tpu.iota {dimensions = array<i32: 0>} : vector<16xi32>
    %eq3A = arith.constant 0 : i32
    %eq3A_0 = arith.cmpi eq, %arg1, %eq3A : i32
    %convert_element_type3A = arith.extui %eq3A_0 : i1 to i32
    %cond3A = arith.constant 0 : i32
    %cond3A_1 = arith.cmpi ne, %convert_element_type3A, %cond3A : i32
    scf.if %cond3A_1 {
      "tpu.region"() ({
        %run_scoped3A = tpu.sem_alloc : memref<!tpu.dma_semaphore, #tpu.memory_space<semaphore_mem>>
        tpu.enqueue_dma source(%arg5 : memref<2568x128xf32, #tpu.memory_space<hbm>>) target(%arg11 : memref<2568x128xf32, #tpu.memory_space<vmem_shared>>) target_semaphore(%run_scoped3A : memref<!tpu.dma_semaphore, #tpu.memory_space<semaphore_mem>>)
        tpu.wait_dma2 semaphore(%run_scoped3A : memref<!tpu.dma_semaphore, #tpu.memory_space<semaphore_mem>>) src(%arg5 : memref<2568x128xf32, #tpu.memory_space<hbm>>) dst(%arg11 : memref<2568x128xf32, #tpu.memory_space<vmem_shared>>)
        tpu.yield
      }) : () -> ()
    } else {
    }
    "tpu.region"() ({
      %run_scoped3A = tpu.sem_alloc : memref<!tpu.dma_semaphore, #tpu.memory_space<semaphore_mem>>
      %dma_start3A_583 = arith.constant 0 : i32
      %dma_start3A_584 = tpu.memref_slice %arg7[%dma_start3A_583] : memref<20224xi32, #tpu.memory_space<vmem>> -> memref<20096xi32, #tpu.memory_space<vmem>>
      %dma_start3A_585 = arith.constant 0 : i32
      %dma_start3A_586 = tpu.memref_slice %arg3[%arg1, %dma_start3A_585] : memref<16x20096xi32, #tpu.memory_space<hbm>> -> memref<1x20096xi32, #tpu.memory_space<hbm>>
      %dma_start3A_587 = tpu.memref_squeeze %dma_start3A_586 : memref<1x20096xi32, #tpu.memory_space<hbm>> -> memref<20096xi32, #tpu.memory_space<hbm>>
      %dma_start3A_588 = arith.constant 0 : i32
      %dma_start3A_589 = tpu.memref_slice %arg7[%dma_start3A_588] : memref<20224xi32, #tpu.memory_space<vmem>> -> memref<20096xi32, #tpu.memory_space<vmem>>
      %dma_start3A_590 = arith.constant 0 : i32
      %dma_start3A_591 = tpu.memref_slice %arg3[%arg1, %dma_start3A_590] : memref<16x20096xi32, #tpu.memory_space<hbm>> -> memref<1x20096xi32, #tpu.memory_space<hbm>>
      %dma_start3A_592 = tpu.memref_squeeze %dma_start3A_591 : memref<1x20096xi32, #tpu.memory_space<hbm>> -> memref<20096xi32, #tpu.memory_space<hbm>>
      tpu.enqueue_dma source(%dma_start3A_592 : memref<20096xi32, #tpu.memory_space<hbm>>) target(%dma_start3A_589 : memref<20096xi32, #tpu.memory_space<vmem>>) target_semaphore(%run_scoped3A : memref<!tpu.dma_semaphore, #tpu.memory_space<semaphore_mem>>)
      %dma_wait3A = arith.constant 0 : i32
      %dma_wait3A_593 = tpu.memref_slice %arg7[%dma_wait3A] : memref<20224xi32, #tpu.memory_space<vmem>> -> memref<20096xi32, #tpu.memory_space<vmem>>
      %dma_wait3A_594 = arith.constant 0 : i32
      %dma_wait3A_595 = tpu.memref_slice %arg3[%arg1, %dma_wait3A_594] : memref<16x20096xi32, #tpu.memory_space<hbm>> -> memref<1x20096xi32, #tpu.memory_space<hbm>>
      %dma_wait3A_596 = tpu.memref_squeeze %dma_wait3A_595 : memref<1x20096xi32, #tpu.memory_space<hbm>> -> memref<20096xi32, #tpu.memory_space<hbm>>
      %dma_wait3A_597 = arith.constant 0 : i32
      %dma_wait3A_598 = tpu.memref_slice %arg7[%dma_wait3A_597] : memref<20224xi32, #tpu.memory_space<vmem>> -> memref<20096xi32, #tpu.memory_space<vmem>>
      %dma_wait3A_599 = arith.constant 0 : i32
      %dma_wait3A_600 = tpu.memref_slice %arg3[%arg1, %dma_wait3A_599] : memref<16x20096xi32, #tpu.memory_space<hbm>> -> memref<1x20096xi32, #tpu.memory_space<hbm>>
      %dma_wait3A_601 = tpu.memref_squeeze %dma_wait3A_600 : memref<1x20096xi32, #tpu.memory_space<hbm>> -> memref<20096xi32, #tpu.memory_space<hbm>>
      tpu.wait_dma2 semaphore(%run_scoped3A : memref<!tpu.dma_semaphore, #tpu.memory_space<semaphore_mem>>) src(%dma_wait3A_601 : memref<20096xi32, #tpu.memory_space<hbm>>) dst(%dma_wait3A_598 : memref<20096xi32, #tpu.memory_space<vmem>>)
      tpu.yield
    }) : () -> ()
    "tpu.region"() ({
      %run_scoped3A = tpu.sem_alloc : memref<!tpu.dma_semaphore, #tpu.memory_space<semaphore_mem>>
      %dma_start3A_583 = arith.constant 0 : i32
      %dma_start3A_584 = tpu.memref_slice %arg8[%dma_start3A_583] : memref<20224xi32, #tpu.memory_space<vmem>> -> memref<20096xi32, #tpu.memory_space<vmem>>
      %dma_start3A_585 = arith.constant 0 : i32
      %dma_start3A_586 = tpu.memref_slice %arg4[%arg1, %dma_start3A_585] : memref<16x20096xi32, #tpu.memory_space<hbm>> -> memref<1x20096xi32, #tpu.memory_space<hbm>>
      %dma_start3A_587 = tpu.memref_squeeze %dma_start3A_586 : memref<1x20096xi32, #tpu.memory_space<hbm>> -> memref<20096xi32, #tpu.memory_space<hbm>>
      %dma_start3A_588 = arith.constant 0 : i32
      %dma_start3A_589 = tpu.memref_slice %arg8[%dma_start3A_588] : memref<20224xi32, #tpu.memory_space<vmem>> -> memref<20096xi32, #tpu.memory_space<vmem>>
      %dma_start3A_590 = arith.constant 0 : i32
      %dma_start3A_591 = tpu.memref_slice %arg4[%arg1, %dma_start3A_590] : memref<16x20096xi32, #tpu.memory_space<hbm>> -> memref<1x20096xi32, #tpu.memory_space<hbm>>
      %dma_start3A_592 = tpu.memref_squeeze %dma_start3A_591 : memref<1x20096xi32, #tpu.memory_space<hbm>> -> memref<20096xi32, #tpu.memory_space<hbm>>
      tpu.enqueue_dma source(%dma_start3A_592 : memref<20096xi32, #tpu.memory_space<hbm>>) target(%dma_start3A_589 : memref<20096xi32, #tpu.memory_space<vmem>>) target_semaphore(%run_scoped3A : memref<!tpu.dma_semaphore, #tpu.memory_space<semaphore_mem>>)
      %dma_wait3A = arith.constant 0 : i32
      %dma_wait3A_593 = tpu.memref_slice %arg8[%dma_wait3A] : memref<20224xi32, #tpu.memory_space<vmem>> -> memref<20096xi32, #tpu.memory_space<vmem>>
      %dma_wait3A_594 = arith.constant 0 : i32
      %dma_wait3A_595 = tpu.memref_slice %arg4[%arg1, %dma_wait3A_594] : memref<16x20096xi32, #tpu.memory_space<hbm>> -> memref<1x20096xi32, #tpu.memory_space<hbm>>
      %dma_wait3A_596 = tpu.memref_squeeze %dma_wait3A_595 : memref<1x20096xi32, #tpu.memory_space<hbm>> -> memref<20096xi32, #tpu.memory_space<hbm>>
      %dma_wait3A_597 = arith.constant 0 : i32
      %dma_wait3A_598 = tpu.memref_slice %arg8[%dma_wait3A_597] : memref<20224xi32, #tpu.memory_space<vmem>> -> memref<20096xi32, #tpu.memory_space<vmem>>
      %dma_wait3A_599 = arith.constant 0 : i32
      %dma_wait3A_600 = tpu.memref_slice %arg4[%arg1, %dma_wait3A_599] : memref<16x20096xi32, #tpu.memory_space<hbm>> -> memref<1x20096xi32, #tpu.memory_space<hbm>>
      %dma_wait3A_601 = tpu.memref_squeeze %dma_wait3A_600 : memref<1x20096xi32, #tpu.memory_space<hbm>> -> memref<20096xi32, #tpu.memory_space<hbm>>
      tpu.wait_dma2 semaphore(%run_scoped3A : memref<!tpu.dma_semaphore, #tpu.memory_space<semaphore_mem>>) src(%dma_wait3A_601 : memref<20096xi32, #tpu.memory_space<hbm>>) dst(%dma_wait3A_598 : memref<20096xi32, #tpu.memory_space<vmem>>)
      tpu.yield
    }) : () -> ()
    %mul3A = arith.constant 2 : i32
    %mul3A_2 = arith.muli %arg0, %mul3A : i32
    %add3A = arith.constant 0 : i32
    %add3A_3 = arith.addi %mul3A_2, %add3A : i32
    %mul3A_4 = arith.constant 2504 : i32
    %mul3A_5 = arith.muli %add3A_3, %mul3A_4 : i32
    %scan3A = arith.constant 0 : i32
    %scan3A_6 = arith.constant 0 : i32
    %scan3A_7 = arith.constant 1256 : i32
    %scan3A_8 = arith.addi %scan3A_6, %scan3A_7 : i32
    %scan3A_9 = arith.constant 1 : i32
    %scan3A_10 = scf.for %scan3A_583 = %scan3A_6 to %scan3A_8 step %scan3A_9 iter_args(%scan3A_584 = %scan3A) -> (i32)  : i32 {
      %mul3A_585 = arith.constant 16 : i32
      %mul3A_586 = arith.muli %scan3A_583, %mul3A_585 : i32
      %get3A = arith.index_cast %mul3A_586 : i32 to index
      %get3A_587 = tpu.vector_load %arg8[%get3A] {strides = array<i32>} : memref<20224xi32, #tpu.memory_space<vmem>>, vector<16xi32>,
      %sub3A_588 = vector.broadcast %mul3A_5 : i32 to vector<16xi32>
      %sub3A_589 = arith.subi %get3A_587, %sub3A_588 : vector<16xi32>
      %mul3A_590 = arith.constant 16 : i32
      %mul3A_591 = arith.muli %scan3A_583, %mul3A_590 : i32
      %get3A_592 = arith.index_cast %mul3A_591 : i32 to index
      %get3A_593 = tpu.vector_load %arg7[%get3A_592] {strides = array<i32>} : memref<20224xi32, #tpu.memory_space<vmem>>, vector<16xi32>,
      %add3A_594 = arith.constant 0 : i32
      %add3A_595 = vector.broadcast %add3A_594 : i32 to vector<16xi32>
      %add3A_596 = arith.addi %get3A_593, %add3A_595 : vector<16xi32>
      %ge3A = arith.constant 0 : i32
      %ge3A_597 = vector.broadcast %ge3A : i32 to vector<16xi32>
      %ge3A_598 = arith.cmpi sge, %sub3A_589, %ge3A_597 : vector<16xi32>
      %lt3A = arith.constant 2504 : i32
      %lt3A_599 = vector.broadcast %lt3A : i32 to vector<16xi32>
      %lt3A_600 = arith.cmpi slt, %sub3A_589, %lt3A_599 : vector<16xi32>
      %and3A_601 = arith.andi %ge3A_598, %lt3A_600 : vector<16xi1>
      %swap3A_602 = arith.index_cast %scan3A_584 : i32 to index
      %swap3A_603 = tpu.vector_load %arg8[%swap3A_602] masked %and3A_601 {strides = array<i32>} : memref<20224xi32, #tpu.memory_space<vmem>>, vector<16xi32>, vector<16xi1>
      tpu.vector_store %arg8[%swap3A_602], %sub3A_589 masked %and3A_601 {strides = array<i32>} : memref<20224xi32, #tpu.memory_space<vmem>>, vector<16xi32>, vector<16xi1>
      %swap3A_604 = arith.index_cast %scan3A_584 : i32 to index
      %swap3A_605 = tpu.vector_load %arg7[%swap3A_604] masked %and3A_601 {strides = array<i32>} : memref<20224xi32, #tpu.memory_space<vmem>>, vector<16xi32>, vector<16xi1>
      tpu.vector_store %arg7[%swap3A_604], %add3A_596 masked %and3A_601 {strides = array<i32>} : memref<20224xi32, #tpu.memory_space<vmem>>, vector<16xi32>, vector<16xi1>
      %all_reduce_population_count3A = tpu.all_reduce %and3A_601 {dim = 0 : i64, kind = #tpu.reduction_kind<sum>} : vector<16xi1> -> vector<16xi32>
      %slice3A = vector.extract_strided_slice %all_reduce_population_count3A {offsets = [0], sizes = [1], strides = [1]} : vector<16xi32> to vector<1xi32>
      %squeeze3A = vector.extract %slice3A[0] : i32 from vector<1xi32>
      %add3A_606 = arith.addi %scan3A_584, %squeeze3A : i32
      scf.yield %add3A_606 : i32
    }
    %scan3A_11 = arith.constant 1256 : i32
    %add3A_12 = arith.constant 0 : i32
    %add3A_13 = vector.broadcast %add3A_12 : i32 to vector<16xi32>
    %add3A_14 = arith.addi %iota3A, %add3A_13 : vector<16xi32>
    %and3A = arith.constant 63 : i32
    %and3A_15 = vector.broadcast %and3A : i32 to vector<16xi32>
    %and3A_16 = arith.andi %add3A_14, %and3A_15 : vector<16xi32>
    %add3A_17 = arith.constant 2504 : i32
    %add3A_18 = vector.broadcast %add3A_17 : i32 to vector<16xi32>
    %add3A_19 = arith.addi %add3A_18, %and3A_16 : vector<16xi32>
    %add3A_20 = arith.constant 0 : i32
    %add3A_21 = arith.addi %scan3A_10, %add3A_20 : i32
    %swap3A = arith.index_cast %add3A_21 : i32 to index
    %swap3A_22 = tpu.vector_load %arg8[%swap3A] {strides = array<i32>} : memref<20224xi32, #tpu.memory_space<vmem>>, vector<16xi32>,
    tpu.vector_store %arg8[%swap3A], %add3A_19 {strides = array<i32>} : memref<20224xi32, #tpu.memory_space<vmem>>, vector<16xi32>,
    %mul3A_23 = arith.constant 577 : i32
    %mul3A_24 = vector.broadcast %mul3A_23 : i32 to vector<16xi32>
    %mul3A_25 = arith.muli %iota3A, %mul3A_24 : vector<16xi32>
    %add3A_26 = arith.constant 0 : i32
    %add3A_27 = vector.broadcast %add3A_26 : i32 to vector<16xi32>
    %add3A_28 = arith.addi %mul3A_25, %add3A_27 : vector<16xi32>
    %and3A_29 = arith.constant 8191 : i32
    %and3A_30 = vector.broadcast %and3A_29 : i32 to vector<16xi32>
    %and3A_31 = arith.andi %add3A_28, %and3A_30 : vector<16xi32>
    %add3A_32 = arith.constant 0 : i32
    %add3A_33 = arith.addi %scan3A_10, %add3A_32 : i32
    %swap3A_34 = arith.index_cast %add3A_33 : i32 to index
    %swap3A_35 = tpu.vector_load %arg7[%swap3A_34] {strides = array<i32>} : memref<20224xi32, #tpu.memory_space<vmem>>, vector<16xi32>,
    tpu.vector_store %arg7[%swap3A_34], %and3A_31 {strides = array<i32>} : memref<20224xi32, #tpu.memory_space<vmem>>, vector<16xi32>,
    %add3A_36 = arith.constant 16 : i32
    %add3A_37 = vector.broadcast %add3A_36 : i32 to vector<16xi32>
    %add3A_38 = arith.addi %iota3A, %add3A_37 : vector<16xi32>
    %and3A_39 = arith.constant 63 : i32
    %and3A_40 = vector.broadcast %and3A_39 : i32 to vector<16xi32>
    %and3A_41 = arith.andi %add3A_38, %and3A_40 : vector<16xi32>
    %add3A_42 = arith.constant 2504 : i32
    %add3A_43 = vector.broadcast %add3A_42 : i32 to vector<16xi32>
    %add3A_44 = arith.addi %add3A_43, %and3A_41 : vector<16xi32>
    %add3A_45 = arith.constant 16 : i32
    %add3A_46 = arith.addi %scan3A_10, %add3A_45 : i32
    %swap3A_47 = arith.index_cast %add3A_46 : i32 to index
    %swap3A_48 = tpu.vector_load %arg8[%swap3A_47] {strides = array<i32>} : memref<20224xi32, #tpu.memory_space<vmem>>, vector<16xi32>,
    tpu.vector_store %arg8[%swap3A_47], %add3A_44 {strides = array<i32>} : memref<20224xi32, #tpu.memory_space<vmem>>, vector<16xi32>,
    %mul3A_49 = arith.constant 577 : i32
    %mul3A_50 = vector.broadcast %mul3A_49 : i32 to vector<16xi32>
    %mul3A_51 = arith.muli %iota3A, %mul3A_50 : vector<16xi32>
    %add3A_52 = arith.constant 131 : i32
    %add3A_53 = vector.broadcast %add3A_52 : i32 to vector<16xi32>
    %add3A_54 = arith.addi %mul3A_51, %add3A_53 : vector<16xi32>
    %and3A_55 = arith.constant 8191 : i32
    %and3A_56 = vector.broadcast %and3A_55 : i32 to vector<16xi32>
    %and3A_57 = arith.andi %add3A_54, %and3A_56 : vector<16xi32>
    %add3A_58 = arith.constant 16 : i32
    %add3A_59 = arith.addi %scan3A_10, %add3A_58 : i32
    %swap3A_60 = arith.index_cast %add3A_59 : i32 to index
    %swap3A_61 = tpu.vector_load %arg7[%swap3A_60] {strides = array<i32>} : memref<20224xi32, #tpu.memory_space<vmem>>, vector<16xi32>,
    tpu.vector_store %arg7[%swap3A_60], %and3A_57 {strides = array<i32>} : memref<20224xi32, #tpu.memory_space<vmem>>, vector<16xi32>,
    %add3A_62 = arith.constant 32 : i32
    %add3A_63 = vector.broadcast %add3A_62 : i32 to vector<16xi32>
    %add3A_64 = arith.addi %iota3A, %add3A_63 : vector<16xi32>
    %and3A_65 = arith.constant 63 : i32
    %and3A_66 = vector.broadcast %and3A_65 : i32 to vector<16xi32>
    %and3A_67 = arith.andi %add3A_64, %and3A_66 : vector<16xi32>
    %add3A_68 = arith.constant 2504 : i32
    %add3A_69 = vector.broadcast %add3A_68 : i32 to vector<16xi32>
    %add3A_70 = arith.addi %add3A_69, %and3A_67 : vector<16xi32>
    %add3A_71 = arith.constant 32 : i32
    %add3A_72 = arith.addi %scan3A_10, %add3A_71 : i32
    %swap3A_73 = arith.index_cast %add3A_72 : i32 to index
    %swap3A_74 = tpu.vector_load %arg8[%swap3A_73] {strides = array<i32>} : memref<20224xi32, #tpu.memory_space<vmem>>, vector<16xi32>,
    tpu.vector_store %arg8[%swap3A_73], %add3A_70 {strides = array<i32>} : memref<20224xi32, #tpu.memory_space<vmem>>, vector<16xi32>,
    %mul3A_75 = arith.constant 577 : i32
    %mul3A_76 = vector.broadcast %mul3A_75 : i32 to vector<16xi32>
    %mul3A_77 = arith.muli %iota3A, %mul3A_76 : vector<16xi32>
    %add3A_78 = arith.constant 262 : i32
    %add3A_79 = vector.broadcast %add3A_78 : i32 to vector<16xi32>
    %add3A_80 = arith.addi %mul3A_77, %add3A_79 : vector<16xi32>
    %and3A_81 = arith.constant 8191 : i32
    %and3A_82 = vector.broadcast %and3A_81 : i32 to vector<16xi32>
    %and3A_83 = arith.andi %add3A_80, %and3A_82 : vector<16xi32>
    %add3A_84 = arith.constant 32 : i32
    %add3A_85 = arith.addi %scan3A_10, %add3A_84 : i32
    %swap3A_86 = arith.index_cast %add3A_85 : i32 to index
    %swap3A_87 = tpu.vector_load %arg7[%swap3A_86] {strides = array<i32>} : memref<20224xi32, #tpu.memory_space<vmem>>, vector<16xi32>,
    tpu.vector_store %arg7[%swap3A_86], %and3A_83 {strides = array<i32>} : memref<20224xi32, #tpu.memory_space<vmem>>, vector<16xi32>,
    %add3A_88 = arith.constant 48 : i32
    %add3A_89 = vector.broadcast %add3A_88 : i32 to vector<16xi32>
    %add3A_90 = arith.addi %iota3A, %add3A_89 : vector<16xi32>
    %and3A_91 = arith.constant 63 : i32
    %and3A_92 = vector.broadcast %and3A_91 : i32 to vector<16xi32>
    %and3A_93 = arith.andi %add3A_90, %and3A_92 : vector<16xi32>
    %add3A_94 = arith.constant 2504 : i32
    %add3A_95 = vector.broadcast %add3A_94 : i32 to vector<16xi32>
    %add3A_96 = arith.addi %add3A_95, %and3A_93 : vector<16xi32>
    %add3A_97 = arith.constant 48 : i32
    %add3A_98 = arith.addi %scan3A_10, %add3A_97 : i32
    %swap3A_99 = arith.index_cast %add3A_98 : i32 to index
    %swap3A_100 = tpu.vector_load %arg8[%swap3A_99] {strides = array<i32>} : memref<20224xi32, #tpu.memory_space<vmem>>, vector<16xi32>,
    tpu.vector_store %arg8[%swap3A_99], %add3A_96 {strides = array<i32>} : memref<20224xi32, #tpu.memory_space<vmem>>, vector<16xi32>,
    %mul3A_101 = arith.constant 577 : i32
    %mul3A_102 = vector.broadcast %mul3A_101 : i32 to vector<16xi32>
    %mul3A_103 = arith.muli %iota3A, %mul3A_102 : vector<16xi32>
    %add3A_104 = arith.constant 393 : i32
    %add3A_105 = vector.broadcast %add3A_104 : i32 to vector<16xi32>
    %add3A_106 = arith.addi %mul3A_103, %add3A_105 : vector<16xi32>
    %and3A_107 = arith.constant 8191 : i32
    %and3A_108 = vector.broadcast %and3A_107 : i32 to vector<16xi32>
    %and3A_109 = arith.andi %add3A_106, %and3A_108 : vector<16xi32>
    %add3A_110 = arith.constant 48 : i32
    %add3A_111 = arith.addi %scan3A_10, %add3A_110 : i32
    %swap3A_112 = arith.index_cast %add3A_111 : i32 to index
    %swap3A_113 = tpu.vector_load %arg7[%swap3A_112] {strides = array<i32>} : memref<20224xi32, #tpu.memory_space<vmem>>, vector<16xi32>,
    tpu.vector_store %arg7[%swap3A_112], %and3A_109 {strides = array<i32>} : memref<20224xi32, #tpu.memory_space<vmem>>, vector<16xi32>,
    %add3A_114 = arith.constant 64 : i32
    %add3A_115 = vector.broadcast %add3A_114 : i32 to vector<16xi32>
    %add3A_116 = arith.addi %iota3A, %add3A_115 : vector<16xi32>
    %and3A_117 = arith.constant 63 : i32
    %and3A_118 = vector.broadcast %and3A_117 : i32 to vector<16xi32>
    %and3A_119 = arith.andi %add3A_116, %and3A_118 : vector<16xi32>
    %add3A_120 = arith.constant 2504 : i32
    %add3A_121 = vector.broadcast %add3A_120 : i32 to vector<16xi32>
    %add3A_122 = arith.addi %add3A_121, %and3A_119 : vector<16xi32>
    %add3A_123 = arith.constant 64 : i32
    %add3A_124 = arith.addi %scan3A_10, %add3A_123 : i32
    %swap3A_125 = arith.index_cast %add3A_124 : i32 to index
    %swap3A_126 = tpu.vector_load %arg8[%swap3A_125] {strides = array<i32>} : memref<20224xi32, #tpu.memory_space<vmem>>, vector<16xi32>,
    tpu.vector_store %arg8[%swap3A_125], %add3A_122 {strides = array<i32>} : memref<20224xi32, #tpu.memory_space<vmem>>, vector<16xi32>,
    %mul3A_127 = arith.constant 577 : i32
    %mul3A_128 = vector.broadcast %mul3A_127 : i32 to vector<16xi32>
    %mul3A_129 = arith.muli %iota3A, %mul3A_128 : vector<16xi32>
    %add3A_130 = arith.constant 524 : i32
    %add3A_131 = vector.broadcast %add3A_130 : i32 to vector<16xi32>
    %add3A_132 = arith.addi %mul3A_129, %add3A_131 : vector<16xi32>
    %and3A_133 = arith.constant 8191 : i32
    %and3A_134 = vector.broadcast %and3A_133 : i32 to vector<16xi32>
    %and3A_135 = arith.andi %add3A_132, %and3A_134 : vector<16xi32>
    %add3A_136 = arith.constant 64 : i32
    %add3A_137 = arith.addi %scan3A_10, %add3A_136 : i32
    %swap3A_138 = arith.index_cast %add3A_137 : i32 to index
    %swap3A_139 = tpu.vector_load %arg7[%swap3A_138] {strides = array<i32>} : memref<20224xi32, #tpu.memory_space<vmem>>, vector<16xi32>,
    tpu.vector_store %arg7[%swap3A_138], %and3A_135 {strides = array<i32>} : memref<20224xi32, #tpu.memory_space<vmem>>, vector<16xi32>,
    %add3A_140 = arith.constant 80 : i32
    %add3A_141 = vector.broadcast %add3A_140 : i32 to vector<16xi32>
    %add3A_142 = arith.addi %iota3A, %add3A_141 : vector<16xi32>
    %and3A_143 = arith.constant 63 : i32
    %and3A_144 = vector.broadcast %and3A_143 : i32 to vector<16xi32>
    %and3A_145 = arith.andi %add3A_142, %and3A_144 : vector<16xi32>
    %add3A_146 = arith.constant 2504 : i32
    %add3A_147 = vector.broadcast %add3A_146 : i32 to vector<16xi32>
    %add3A_148 = arith.addi %add3A_147, %and3A_145 : vector<16xi32>
    %add3A_149 = arith.constant 80 : i32
    %add3A_150 = arith.addi %scan3A_10, %add3A_149 : i32
    %swap3A_151 = arith.index_cast %add3A_150 : i32 to index
    %swap3A_152 = tpu.vector_load %arg8[%swap3A_151] {strides = array<i32>} : memref<20224xi32, #tpu.memory_space<vmem>>, vector<16xi32>,
    tpu.vector_store %arg8[%swap3A_151], %add3A_148 {strides = array<i32>} : memref<20224xi32, #tpu.memory_space<vmem>>, vector<16xi32>,
    %mul3A_153 = arith.constant 577 : i32
    %mul3A_154 = vector.broadcast %mul3A_153 : i32 to vector<16xi32>
    %mul3A_155 = arith.muli %iota3A, %mul3A_154 : vector<16xi32>
    %add3A_156 = arith.constant 655 : i32
    %add3A_157 = vector.broadcast %add3A_156 : i32 to vector<16xi32>
    %add3A_158 = arith.addi %mul3A_155, %add3A_157 : vector<16xi32>
    %and3A_159 = arith.constant 8191 : i32
    %and3A_160 = vector.broadcast %and3A_159 : i32 to vector<16xi32>
    %and3A_161 = arith.andi %add3A_158, %and3A_160 : vector<16xi32>
    %add3A_162 = arith.constant 80 : i32
    %add3A_163 = arith.addi %scan3A_10, %add3A_162 : i32
    %swap3A_164 = arith.index_cast %add3A_163 : i32 to index
    %swap3A_165 = tpu.vector_load %arg7[%swap3A_164] {strides = array<i32>} : memref<20224xi32, #tpu.memory_space<vmem>>, vector<16xi32>,
    tpu.vector_store %arg7[%swap3A_164], %and3A_161 {strides = array<i32>} : memref<20224xi32, #tpu.memory_space<vmem>>, vector<16xi32>,
    %add3A_166 = arith.constant 96 : i32
    %add3A_167 = vector.broadcast %add3A_166 : i32 to vector<16xi32>
    %add3A_168 = arith.addi %iota3A, %add3A_167 : vector<16xi32>
    %and3A_169 = arith.constant 63 : i32
    %and3A_170 = vector.broadcast %and3A_169 : i32 to vector<16xi32>
    %and3A_171 = arith.andi %add3A_168, %and3A_170 : vector<16xi32>
    %add3A_172 = arith.constant 2504 : i32
    %add3A_173 = vector.broadcast %add3A_172 : i32 to vector<16xi32>
    %add3A_174 = arith.addi %add3A_173, %and3A_171 : vector<16xi32>
    %add3A_175 = arith.constant 96 : i32
    %add3A_176 = arith.addi %scan3A_10, %add3A_175 : i32
    %swap3A_177 = arith.index_cast %add3A_176 : i32 to index
    %swap3A_178 = tpu.vector_load %arg8[%swap3A_177] {strides = array<i32>} : memref<20224xi32, #tpu.memory_space<vmem>>, vector<16xi32>,
    tpu.vector_store %arg8[%swap3A_177], %add3A_174 {strides = array<i32>} : memref<20224xi32, #tpu.memory_space<vmem>>, vector<16xi32>,
    %mul3A_179 = arith.constant 577 : i32
    %mul3A_180 = vector.broadcast %mul3A_179 : i32 to vector<16xi32>
    %mul3A_181 = arith.muli %iota3A, %mul3A_180 : vector<16xi32>
    %add3A_182 = arith.constant 786 : i32
    %add3A_183 = vector.broadcast %add3A_182 : i32 to vector<16xi32>
    %add3A_184 = arith.addi %mul3A_181, %add3A_183 : vector<16xi32>
    %and3A_185 = arith.constant 8191 : i32
    %and3A_186 = vector.broadcast %and3A_185 : i32 to vector<16xi32>
    %and3A_187 = arith.andi %add3A_184, %and3A_186 : vector<16xi32>
    %add3A_188 = arith.constant 96 : i32
    %add3A_189 = arith.addi %scan3A_10, %add3A_188 : i32
    %swap3A_190 = arith.index_cast %add3A_189 : i32 to index
    %swap3A_191 = tpu.vector_load %arg7[%swap3A_190] {strides = array<i32>} : memref<20224xi32, #tpu.memory_space<vmem>>, vector<16xi32>,
    tpu.vector_store %arg7[%swap3A_190], %and3A_187 {strides = array<i32>} : memref<20224xi32, #tpu.memory_space<vmem>>, vector<16xi32>,
    %add3A_192 = arith.constant 112 : i32
    %add3A_193 = vector.broadcast %add3A_192 : i32 to vector<16xi32>
    %add3A_194 = arith.addi %iota3A, %add3A_193 : vector<16xi32>
    %and3A_195 = arith.constant 63 : i32
    %and3A_196 = vector.broadcast %and3A_195 : i32 to vector<16xi32>
    %and3A_197 = arith.andi %add3A_194, %and3A_196 : vector<16xi32>
    %add3A_198 = arith.constant 2504 : i32
    %add3A_199 = vector.broadcast %add3A_198 : i32 to vector<16xi32>
    %add3A_200 = arith.addi %add3A_199, %and3A_197 : vector<16xi32>
    %add3A_201 = arith.constant 112 : i32
    %add3A_202 = arith.addi %scan3A_10, %add3A_201 : i32
    %swap3A_203 = arith.index_cast %add3A_202 : i32 to index
    %swap3A_204 = tpu.vector_load %arg8[%swap3A_203] {strides = array<i32>} : memref<20224xi32, #tpu.memory_space<vmem>>, vector<16xi32>,
    tpu.vector_store %arg8[%swap3A_203], %add3A_200 {strides = array<i32>} : memref<20224xi32, #tpu.memory_space<vmem>>, vector<16xi32>,
    %mul3A_205 = arith.constant 577 : i32
    %mul3A_206 = vector.broadcast %mul3A_205 : i32 to vector<16xi32>
    %mul3A_207 = arith.muli %iota3A, %mul3A_206 : vector<16xi32>
    %add3A_208 = arith.constant 917 : i32
    %add3A_209 = vector.broadcast %add3A_208 : i32 to vector<16xi32>
    %add3A_210 = arith.addi %mul3A_207, %add3A_209 : vector<16xi32>
    %and3A_211 = arith.constant 8191 : i32
    %and3A_212 = vector.broadcast %and3A_211 : i32 to vector<16xi32>
    %and3A_213 = arith.andi %add3A_210, %and3A_212 : vector<16xi32>
    %add3A_214 = arith.constant 112 : i32
    %add3A_215 = arith.addi %scan3A_10, %add3A_214 : i32
    %swap3A_216 = arith.index_cast %add3A_215 : i32 to index
    %swap3A_217 = tpu.vector_load %arg7[%swap3A_216] {strides = array<i32>} : memref<20224xi32, #tpu.memory_space<vmem>>, vector<16xi32>,
    tpu.vector_store %arg7[%swap3A_216], %and3A_213 {strides = array<i32>} : memref<20224xi32, #tpu.memory_space<vmem>>, vector<16xi32>,
    %jit3A = arith.constant 128 : i32
    %div3A = arith.divsi %scan3A_10, %jit3A : i32
    %sign3A = arith.constant 0 : i32
    %sign3A_218 = arith.cmpi sgt, %scan3A_10, %sign3A : i32
    %sign3A_219 = arith.extui %sign3A_218 : i1 to i32
    %sign3A_220 = arith.constant 0 : i32
    %sign3A_221 = arith.cmpi slt, %scan3A_10, %sign3A_220 : i32
    %sign3A_222 = arith.extui %sign3A_221 : i1 to i32
    %sign3A_223 = arith.subi %sign3A_219, %sign3A_222 : i32
    %sign3A_224 = arith.constant 0 : i32
    %sign3A_225 = arith.cmpi sgt, %jit3A, %sign3A_224 : i32
    %sign3A_226 = arith.extui %sign3A_225 : i1 to i32
    %sign3A_227 = arith.constant 0 : i32
    %sign3A_228 = arith.cmpi slt, %jit3A, %sign3A_227 : i32
    %sign3A_229 = arith.extui %sign3A_228 : i1 to i32
    %sign3A_230 = arith.subi %sign3A_226, %sign3A_229 : i32
    %ne3A = arith.cmpi ne, %sign3A_223, %sign3A_230 : i32
    %rem3A = arith.remsi %scan3A_10, %jit3A : i32
    %ne3A_231 = arith.constant 0 : i32
    %ne3A_232 = arith.cmpi ne, %rem3A, %ne3A_231 : i32
    %and3A_233 = arith.andi %ne3A, %ne3A_232 : i1
    %sub3A = arith.constant 1 : i32
    %sub3A_234 = arith.subi %div3A, %sub3A : i32
    %select_n3A = arith.select %and3A_233, %sub3A_234, %div3A : i32
    %add3A_235 = arith.constant 1 : i32
    %add3A_236 = arith.addi %select_n3A, %add3A_235 : i32
    %barrier3A = arith.constant 0 : index
    tpu.barrier barrier_id(%barrier3A)
    %add3A_237 = arith.constant 1 : i32
    %add3A_238 = arith.addi %add3A_236, %add3A_237 : i32
    %jit3A_239 = arith.constant 2 : i32
    %div3A_240 = arith.divsi %add3A_238, %jit3A_239 : i32
    %sign3A_241 = arith.constant 0 : i32
    %sign3A_242 = arith.cmpi sgt, %add3A_238, %sign3A_241 : i32
    %sign3A_243 = arith.extui %sign3A_242 : i1 to i32
    %sign3A_244 = arith.constant 0 : i32
    %sign3A_245 = arith.cmpi slt, %add3A_238, %sign3A_244 : i32
    %sign3A_246 = arith.extui %sign3A_245 : i1 to i32
    %sign3A_247 = arith.subi %sign3A_243, %sign3A_246 : i32
    %sign3A_248 = arith.constant 0 : i32
    %sign3A_249 = arith.cmpi sgt, %jit3A_239, %sign3A_248 : i32
    %sign3A_250 = arith.extui %sign3A_249 : i1 to i32
    %sign3A_251 = arith.constant 0 : i32
    %sign3A_252 = arith.cmpi slt, %jit3A_239, %sign3A_251 : i32
    %sign3A_253 = arith.extui %sign3A_252 : i1 to i32
    %sign3A_254 = arith.subi %sign3A_250, %sign3A_253 : i32
    %ne3A_255 = arith.cmpi ne, %sign3A_247, %sign3A_254 : i32
    %rem3A_256 = arith.remsi %add3A_238, %jit3A_239 : i32
    %ne3A_257 = arith.constant 0 : i32
    %ne3A_258 = arith.cmpi ne, %rem3A_256, %ne3A_257 : i32
    %and3A_259 = arith.andi %ne3A_255, %ne3A_258 : i1
    %sub3A_260 = arith.constant 1 : i32
    %sub3A_261 = arith.subi %div3A_240, %sub3A_260 : i32
    %select_n3A_262 = arith.select %and3A_259, %sub3A_261, %div3A_240 : i32
    %dma_start3A = arith.constant 0 : i32
    %dma_start3A_263 = tpu.memref_slice %arg7[%dma_start3A] : memref<20224xi32, #tpu.memory_space<vmem>> -> memref<128xi32, #tpu.memory_space<vmem>>
    %dma_start3A_264 = arith.constant 0 : i32
    %dma_start3A_265 = arith.constant 0 : i32
    %dma_start3A_266 = tpu.memref_slice %arg2[%dma_start3A_264, %dma_start3A_265] : memref<10000x128xf32, #tpu.memory_space<hbm>> -> memref<10000x128xf32, #tpu.memory_space<hbm>>
    tpu.enqueue_indirect_dma source(%dma_start3A_266 : memref<10000x128xf32, #tpu.memory_space<hbm>>) target(%arg9 : memref<128x128xf32, #tpu.memory_space<vmem>>) offsets(%dma_start3A_263 : memref<128xi32, #tpu.memory_space<vmem>>) semaphore(%arg12 : memref<!tpu.dma_semaphore, #tpu.memory_space<semaphore_mem>>)
    %while3A = arith.constant 0 : i32
    %while3A_267 = arith.constant 0 : i32
    %while3A_268 = arith.subi %select_n3A_262, %while3A_267 : i32
    %while3A_269 = arith.addi %while3A_267, %while3A_268 : i32
    %while3A_270 = arith.constant 1 : i32
    %while3A_271 = arith.divsi %while3A_268, %while3A_270 : i32
    %while3A_272 = arith.muli %while3A_271, %while3A_270 : i32
    %while3A_273 = arith.addi %while3A_267, %while3A_272 : i32
    %while3A_274 = arith.constant 1 : i32
    scf.for %while3A_583 = %while3A_267 to %while3A_273 step %while3A_274  : i32 {
      %mul3A_584 = arith.constant 2 : i32
      %mul3A_585 = arith.muli %mul3A_584, %while3A_583 : i32
      %add3A_586 = arith.constant 1 : i32
      %add3A_587 = arith.addi %mul3A_585, %add3A_586 : i32
      %lt3A = arith.cmpi slt, %add3A_587, %add3A_236 : i32
      %convert_element_type3A_588 = arith.extui %lt3A : i1 to i32
      %cond3A_589 = arith.constant 0 : i32
      %cond3A_590 = arith.cmpi ne, %convert_element_type3A_588, %cond3A_589 : i32
      scf.if %cond3A_590 {
        %add3A_609 = arith.constant 1 : i32
        %add3A_610 = arith.addi %mul3A_585, %add3A_609 : i32
        %mul3A_611 = arith.constant 128 : i32
        %mul3A_612 = arith.muli %add3A_610, %mul3A_611 : i32
        %dma_start3A_613 = tpu.memref_slice %arg7[%mul3A_612] : memref<20224xi32, #tpu.memory_space<vmem>> -> memref<128xi32, #tpu.memory_space<vmem>>
        %dma_start3A_614 = arith.constant 0 : i32
        %dma_start3A_615 = arith.constant 0 : i32
        %dma_start3A_616 = tpu.memref_slice %arg2[%dma_start3A_614, %dma_start3A_615] : memref<10000x128xf32, #tpu.memory_space<hbm>> -> memref<10000x128xf32, #tpu.memory_space<hbm>>
        tpu.enqueue_indirect_dma source(%dma_start3A_616 : memref<10000x128xf32, #tpu.memory_space<hbm>>) target(%arg10 : memref<128x128xf32, #tpu.memory_space<vmem>>) offsets(%dma_start3A_613 : memref<128xi32, #tpu.memory_space<vmem>>) semaphore(%arg13 : memref<!tpu.dma_semaphore, #tpu.memory_space<semaphore_mem>>)
      } else {
      }
      %dma_wait3A = arith.constant 0 : i32
      %dma_wait3A_591 = tpu.memref_slice %arg7[%dma_wait3A] : memref<20224xi32, #tpu.memory_space<vmem>> -> memref<128xi32, #tpu.memory_space<vmem>>
      %dma_wait3A_592 = arith.constant 0 : i32
      %dma_wait3A_593 = arith.constant 0 : i32
      %dma_wait3A_594 = tpu.memref_slice %arg2[%dma_wait3A_592, %dma_wait3A_593] : memref<10000x128xf32, #tpu.memory_space<hbm>> -> memref<10000x128xf32, #tpu.memory_space<hbm>>
      tpu.wait_indirect_dma semaphore(%arg12 : memref<!tpu.dma_semaphore, #tpu.memory_space<semaphore_mem>>) src(%dma_wait3A_594 : memref<10000x128xf32, #tpu.memory_space<hbm>>) dst(%arg9 : memref<128x128xf32, #tpu.memory_space<vmem>>)
      %mul3A_595 = arith.constant 128 : i32
      %mul3A_596 = arith.muli %mul3A_585, %mul3A_595 : i32
      "tpu.region"() ({
        %run_scoped3A = tpu.sem_alloc : memref<!tpu.dma_semaphore, #tpu.memory_space<semaphore_mem>>
        %dma_start3A_609 = tpu.memref_slice %arg8[%mul3A_596] : memref<20224xi32, #tpu.memory_space<vmem>> -> memref<128xi32, #tpu.memory_space<vmem>>
        %dma_start3A_610 = arith.constant 0 : i32
        %dma_start3A_611 = arith.constant 0 : i32
        %dma_start3A_612 = tpu.memref_slice %arg11[%dma_start3A_610, %dma_start3A_611] : memref<2568x128xf32, #tpu.memory_space<vmem_shared>> -> memref<2568x128xf32, #tpu.memory_space<vmem_shared>>
        tpu.enqueue_indirect_dma source(%arg9 : memref<128x128xf32, #tpu.memory_space<vmem>>) target(%dma_start3A_612 : memref<2568x128xf32, #tpu.memory_space<vmem_shared>>) offsets(%dma_start3A_609 : memref<128xi32, #tpu.memory_space<vmem>>) semaphore(%run_scoped3A : memref<!tpu.dma_semaphore, #tpu.memory_space<semaphore_mem>>) {add = true}
        %dma_wait3A_613 = tpu.memref_slice %arg8[%mul3A_596] : memref<20224xi32, #tpu.memory_space<vmem>> -> memref<128xi32, #tpu.memory_space<vmem>>
        %dma_wait3A_614 = arith.constant 0 : i32
        %dma_wait3A_615 = arith.constant 0 : i32
        %dma_wait3A_616 = tpu.memref_slice %arg11[%dma_wait3A_614, %dma_wait3A_615] : memref<2568x128xf32, #tpu.memory_space<vmem_shared>> -> memref<2568x128xf32, #tpu.memory_space<vmem_shared>>
        tpu.wait_indirect_dma semaphore(%run_scoped3A : memref<!tpu.dma_semaphore, #tpu.memory_space<semaphore_mem>>) src(%arg9 : memref<128x128xf32, #tpu.memory_space<vmem>>) dst(%dma_wait3A_616 : memref<2568x128xf32, #tpu.memory_space<vmem_shared>>)
        tpu.yield
      }) : () -> ()
      %add3A_597 = arith.constant 2 : i32
      %add3A_598 = arith.addi %mul3A_585, %add3A_597 : i32
      %lt3A_599 = arith.cmpi slt, %add3A_598, %add3A_236 : i32
      %convert_element_type3A_600 = arith.extui %lt3A_599 : i1 to i32
      %cond3A_601 = arith.constant 0 : i32
      %cond3A_602 = arith.cmpi ne, %convert_element_type3A_600, %cond3A_601 : i32
      scf.if %cond3A_602 {
        %add3A_609 = arith.constant 2 : i32
        %add3A_610 = arith.addi %mul3A_585, %add3A_609 : i32
        %mul3A_611 = arith.constant 128 : i32
        %mul3A_612 = arith.muli %add3A_610, %mul3A_611 : i32
        %dma_start3A_613 = tpu.memref_slice %arg7[%mul3A_612] : memref<20224xi32, #tpu.memory_space<vmem>> -> memref<128xi32, #tpu.memory_space<vmem>>
        %dma_start3A_614 = arith.constant 0 : i32
        %dma_start3A_615 = arith.constant 0 : i32
        %dma_start3A_616 = tpu.memref_slice %arg2[%dma_start3A_614, %dma_start3A_615] : memref<10000x128xf32, #tpu.memory_space<hbm>> -> memref<10000x128xf32, #tpu.memory_space<hbm>>
        tpu.enqueue_indirect_dma source(%dma_start3A_616 : memref<10000x128xf32, #tpu.memory_space<hbm>>) target(%arg9 : memref<128x128xf32, #tpu.memory_space<vmem>>) offsets(%dma_start3A_613 : memref<128xi32, #tpu.memory_space<vmem>>) semaphore(%arg12 : memref<!tpu.dma_semaphore, #tpu.memory_space<semaphore_mem>>)
      } else {
      }
      %add3A_603 = arith.constant 1 : i32
      %add3A_604 = arith.addi %mul3A_585, %add3A_603 : i32
      %lt3A_605 = arith.cmpi slt, %add3A_604, %add3A_236 : i32
      %convert_element_type3A_606 = arith.extui %lt3A_605 : i1 to i32
      %cond3A_607 = arith.constant 0 : i32
      %cond3A_608 = arith.cmpi ne, %convert_element_type3A_606, %cond3A_607 : i32
      scf.if %cond3A_608 {
        %dma_wait3A_609 = arith.constant 0 : i32
        %dma_wait3A_610 = tpu.memref_slice %arg7[%dma_wait3A_609] : memref<20224xi32, #tpu.memory_space<vmem>> -> memref<128xi32, #tpu.memory_space<vmem>>
        %dma_wait3A_611 = arith.constant 0 : i32
        %dma_wait3A_612 = arith.constant 0 : i32
        %dma_wait3A_613 = tpu.memref_slice %arg2[%dma_wait3A_611, %dma_wait3A_612] : memref<10000x128xf32, #tpu.memory_space<hbm>> -> memref<10000x128xf32, #tpu.memory_space<hbm>>
        tpu.wait_indirect_dma semaphore(%arg13 : memref<!tpu.dma_semaphore, #tpu.memory_space<semaphore_mem>>) src(%dma_wait3A_613 : memref<10000x128xf32, #tpu.memory_space<hbm>>) dst(%arg10 : memref<128x128xf32, #tpu.memory_space<vmem>>)
        %add3A_614 = arith.constant 1 : i32
        %add3A_615 = arith.addi %mul3A_585, %add3A_614 : i32
        %mul3A_616 = arith.constant 128 : i32
        %mul3A_617 = arith.muli %add3A_615, %mul3A_616 : i32
        "tpu.region"() ({
          %run_scoped3A = tpu.sem_alloc : memref<!tpu.dma_semaphore, #tpu.memory_space<semaphore_mem>>
          %dma_start3A_618 = tpu.memref_slice %arg8[%mul3A_617] : memref<20224xi32, #tpu.memory_space<vmem>> -> memref<128xi32, #tpu.memory_space<vmem>>
          %dma_start3A_619 = arith.constant 0 : i32
          %dma_start3A_620 = arith.constant 0 : i32
          %dma_start3A_621 = tpu.memref_slice %arg11[%dma_start3A_619, %dma_start3A_620] : memref<2568x128xf32, #tpu.memory_space<vmem_shared>> -> memref<2568x128xf32, #tpu.memory_space<vmem_shared>>
          tpu.enqueue_indirect_dma source(%arg10 : memref<128x128xf32, #tpu.memory_space<vmem>>) target(%dma_start3A_621 : memref<2568x128xf32, #tpu.memory_space<vmem_shared>>) offsets(%dma_start3A_618 : memref<128xi32, #tpu.memory_space<vmem>>) semaphore(%run_scoped3A : memref<!tpu.dma_semaphore, #tpu.memory_space<semaphore_mem>>) {add = true}
          %dma_wait3A_622 = tpu.memref_slice %arg8[%mul3A_617] : memref<20224xi32, #tpu.memory_space<vmem>> -> memref<128xi32, #tpu.memory_space<vmem>>
          %dma_wait3A_623 = arith.constant 0 : i32
          %dma_wait3A_624 = arith.constant 0 : i32
          %dma_wait3A_625 = tpu.memref_slice %arg11[%dma_wait3A_623, %dma_wait3A_624] : memref<2568x128xf32, #tpu.memory_space<vmem_shared>> -> memref<2568x128xf32, #tpu.memory_space<vmem_shared>>
          tpu.wait_indirect_dma semaphore(%run_scoped3A : memref<!tpu.dma_semaphore, #tpu.memory_space<semaphore_mem>>) src(%arg10 : memref<128x128xf32, #tpu.memory_space<vmem>>) dst(%dma_wait3A_625 : memref<2568x128xf32, #tpu.memory_space<vmem_shared>>)
          tpu.yield
        }) : () -> ()
      } else {
      }
    }
    %while3A_275 = arith.constant 1 : i32
    scf.for %while3A_583 = %while3A_273 to %while3A_269 step %while3A_275  : i32 {
      %mul3A_584 = arith.constant 2 : i32
      %mul3A_585 = arith.muli %mul3A_584, %while3A_583 : i32
      %add3A_586 = arith.constant 1 : i32
      %add3A_587 = arith.addi %mul3A_585, %add3A_586 : i32
      %lt3A = arith.cmpi slt, %add3A_587, %add3A_236 : i32
      %convert_element_type3A_588 = arith.extui %lt3A : i1 to i32
      %cond3A_589 = arith.constant 0 : i32
      %cond3A_590 = arith.cmpi ne, %convert_element_type3A_588, %cond3A_589 : i32
      scf.if %cond3A_590 {
        %add3A_609 = arith.constant 1 : i32
        %add3A_610 = arith.addi %mul3A_585, %add3A_609 : i32
        %mul3A_611 = arith.constant 128 : i32
        %mul3A_612 = arith.muli %add3A_610, %mul3A_611 : i32
        %dma_start3A_613 = tpu.memref_slice %arg7[%mul3A_612] : memref<20224xi32, #tpu.memory_space<vmem>> -> memref<128xi32, #tpu.memory_space<vmem>>
        %dma_start3A_614 = arith.constant 0 : i32
        %dma_start3A_615 = arith.constant 0 : i32
        %dma_start3A_616 = tpu.memref_slice %arg2[%dma_start3A_614, %dma_start3A_615] : memref<10000x128xf32, #tpu.memory_space<hbm>> -> memref<10000x128xf32, #tpu.memory_space<hbm>>
        tpu.enqueue_indirect_dma source(%dma_start3A_616 : memref<10000x128xf32, #tpu.memory_space<hbm>>) target(%arg10 : memref<128x128xf32, #tpu.memory_space<vmem>>) offsets(%dma_start3A_613 : memref<128xi32, #tpu.memory_space<vmem>>) semaphore(%arg13 : memref<!tpu.dma_semaphore, #tpu.memory_space<semaphore_mem>>)
      } else {
      }
      %dma_wait3A = arith.constant 0 : i32
      %dma_wait3A_591 = tpu.memref_slice %arg7[%dma_wait3A] : memref<20224xi32, #tpu.memory_space<vmem>> -> memref<128xi32, #tpu.memory_space<vmem>>
      %dma_wait3A_592 = arith.constant 0 : i32
      %dma_wait3A_593 = arith.constant 0 : i32
      %dma_wait3A_594 = tpu.memref_slice %arg2[%dma_wait3A_592, %dma_wait3A_593] : memref<10000x128xf32, #tpu.memory_space<hbm>> -> memref<10000x128xf32, #tpu.memory_space<hbm>>
      tpu.wait_indirect_dma semaphore(%arg12 : memref<!tpu.dma_semaphore, #tpu.memory_space<semaphore_mem>>) src(%dma_wait3A_594 : memref<10000x128xf32, #tpu.memory_space<hbm>>) dst(%arg9 : memref<128x128xf32, #tpu.memory_space<vmem>>)
      %mul3A_595 = arith.constant 128 : i32
      %mul3A_596 = arith.muli %mul3A_585, %mul3A_595 : i32
      "tpu.region"() ({
        %run_scoped3A = tpu.sem_alloc : memref<!tpu.dma_semaphore, #tpu.memory_space<semaphore_mem>>
        %dma_start3A_609 = tpu.memref_slice %arg8[%mul3A_596] : memref<20224xi32, #tpu.memory_space<vmem>> -> memref<128xi32, #tpu.memory_space<vmem>>
        %dma_start3A_610 = arith.constant 0 : i32
        %dma_start3A_611 = arith.constant 0 : i32
        %dma_start3A_612 = tpu.memref_slice %arg11[%dma_start3A_610, %dma_start3A_611] : memref<2568x128xf32, #tpu.memory_space<vmem_shared>> -> memref<2568x128xf32, #tpu.memory_space<vmem_shared>>
        tpu.enqueue_indirect_dma source(%arg9 : memref<128x128xf32, #tpu.memory_space<vmem>>) target(%dma_start3A_612 : memref<2568x128xf32, #tpu.memory_space<vmem_shared>>) offsets(%dma_start3A_609 : memref<128xi32, #tpu.memory_space<vmem>>) semaphore(%run_scoped3A : memref<!tpu.dma_semaphore, #tpu.memory_space<semaphore_mem>>) {add = true}
        %dma_wait3A_613 = tpu.memref_slice %arg8[%mul3A_596] : memref<20224xi32, #tpu.memory_space<vmem>> -> memref<128xi32, #tpu.memory_space<vmem>>
        %dma_wait3A_614 = arith.constant 0 : i32
        %dma_wait3A_615 = arith.constant 0 : i32
        %dma_wait3A_616 = tpu.memref_slice %arg11[%dma_wait3A_614, %dma_wait3A_615] : memref<2568x128xf32, #tpu.memory_space<vmem_shared>> -> memref<2568x128xf32, #tpu.memory_space<vmem_shared>>
        tpu.wait_indirect_dma semaphore(%run_scoped3A : memref<!tpu.dma_semaphore, #tpu.memory_space<semaphore_mem>>) src(%arg9 : memref<128x128xf32, #tpu.memory_space<vmem>>) dst(%dma_wait3A_616 : memref<2568x128xf32, #tpu.memory_space<vmem_shared>>)
        tpu.yield
      }) : () -> ()
      %add3A_597 = arith.constant 2 : i32
      %add3A_598 = arith.addi %mul3A_585, %add3A_597 : i32
      %lt3A_599 = arith.cmpi slt, %add3A_598, %add3A_236 : i32
      %convert_element_type3A_600 = arith.extui %lt3A_599 : i1 to i32
      %cond3A_601 = arith.constant 0 : i32
      %cond3A_602 = arith.cmpi ne, %convert_element_type3A_600, %cond3A_601 : i32
      scf.if %cond3A_602 {
        %add3A_609 = arith.constant 2 : i32
        %add3A_610 = arith.addi %mul3A_585, %add3A_609 : i32
        %mul3A_611 = arith.constant 128 : i32
        %mul3A_612 = arith.muli %add3A_610, %mul3A_611 : i32
        %dma_start3A_613 = tpu.memref_slice %arg7[%mul3A_612] : memref<20224xi32, #tpu.memory_space<vmem>> -> memref<128xi32, #tpu.memory_space<vmem>>
        %dma_start3A_614 = arith.constant 0 : i32
        %dma_start3A_615 = arith.constant 0 : i32
        %dma_start3A_616 = tpu.memref_slice %arg2[%dma_start3A_614, %dma_start3A_615] : memref<10000x128xf32, #tpu.memory_space<hbm>> -> memref<10000x128xf32, #tpu.memory_space<hbm>>
        tpu.enqueue_indirect_dma source(%dma_start3A_616 : memref<10000x128xf32, #tpu.memory_space<hbm>>) target(%arg9 : memref<128x128xf32, #tpu.memory_space<vmem>>) offsets(%dma_start3A_613 : memref<128xi32, #tpu.memory_space<vmem>>) semaphore(%arg12 : memref<!tpu.dma_semaphore, #tpu.memory_space<semaphore_mem>>)
      } else {
      }
      %add3A_603 = arith.constant 1 : i32
      %add3A_604 = arith.addi %mul3A_585, %add3A_603 : i32
      %lt3A_605 = arith.cmpi slt, %add3A_604, %add3A_236 : i32
      %convert_element_type3A_606 = arith.extui %lt3A_605 : i1 to i32
      %cond3A_607 = arith.constant 0 : i32
      %cond3A_608 = arith.cmpi ne, %convert_element_type3A_606, %cond3A_607 : i32
      scf.if %cond3A_608 {
        %dma_wait3A_609 = arith.constant 0 : i32
        %dma_wait3A_610 = tpu.memref_slice %arg7[%dma_wait3A_609] : memref<20224xi32, #tpu.memory_space<vmem>> -> memref<128xi32, #tpu.memory_space<vmem>>
        %dma_wait3A_611 = arith.constant 0 : i32
        %dma_wait3A_612 = arith.constant 0 : i32
        %dma_wait3A_613 = tpu.memref_slice %arg2[%dma_wait3A_611, %dma_wait3A_612] : memref<10000x128xf32, #tpu.memory_space<hbm>> -> memref<10000x128xf32, #tpu.memory_space<hbm>>
        tpu.wait_indirect_dma semaphore(%arg13 : memref<!tpu.dma_semaphore, #tpu.memory_space<semaphore_mem>>) src(%dma_wait3A_613 : memref<10000x128xf32, #tpu.memory_space<hbm>>) dst(%arg10 : memref<128x128xf32, #tpu.memory_space<vmem>>)
        %add3A_614 = arith.constant 1 : i32
        %add3A_615 = arith.addi %mul3A_585, %add3A_614 : i32
        %mul3A_616 = arith.constant 128 : i32
        %mul3A_617 = arith.muli %add3A_615, %mul3A_616 : i32
        "tpu.region"() ({
          %run_scoped3A = tpu.sem_alloc : memref<!tpu.dma_semaphore, #tpu.memory_space<semaphore_mem>>
          %dma_start3A_618 = tpu.memref_slice %arg8[%mul3A_617] : memref<20224xi32, #tpu.memory_space<vmem>> -> memref<128xi32, #tpu.memory_space<vmem>>
          %dma_start3A_619 = arith.constant 0 : i32
          %dma_start3A_620 = arith.constant 0 : i32
          %dma_start3A_621 = tpu.memref_slice %arg11[%dma_start3A_619, %dma_start3A_620] : memref<2568x128xf32, #tpu.memory_space<vmem_shared>> -> memref<2568x128xf32, #tpu.memory_space<vmem_shared>>
          tpu.enqueue_indirect_dma source(%arg10 : memref<128x128xf32, #tpu.memory_space<vmem>>) target(%dma_start3A_621 : memref<2568x128xf32, #tpu.memory_space<vmem_shared>>) offsets(%dma_start3A_618 : memref<128xi32, #tpu.memory_space<vmem>>) semaphore(%run_scoped3A : memref<!tpu.dma_semaphore, #tpu.memory_space<semaphore_mem>>) {add = true}
          %dma_wait3A_622 = tpu.memref_slice %arg8[%mul3A_617] : memref<20224xi32, #tpu.memory_space<vmem>> -> memref<128xi32, #tpu.memory_space<vmem>>
          %dma_wait3A_623 = arith.constant 0 : i32
          %dma_wait3A_624 = arith.constant 0 : i32
          %dma_wait3A_625 = tpu.memref_slice %arg11[%dma_wait3A_623, %dma_wait3A_624] : memref<2568x128xf32, #tpu.memory_space<vmem_shared>> -> memref<2568x128xf32, #tpu.memory_space<vmem_shared>>
          tpu.wait_indirect_dma semaphore(%run_scoped3A : memref<!tpu.dma_semaphore, #tpu.memory_space<semaphore_mem>>) src(%arg10 : memref<128x128xf32, #tpu.memory_space<vmem>>) dst(%dma_wait3A_625 : memref<2568x128xf32, #tpu.memory_space<vmem_shared>>)
          tpu.yield
        }) : () -> ()
      } else {
      }
    }
    %barrier3A_276 = arith.constant 0 : index
    tpu.barrier barrier_id(%barrier3A_276)
    %eq3A_277 = arith.constant 1 : i32
    %eq3A_278 = arith.cmpi eq, %arg1, %eq3A_277 : i32
    %convert_element_type3A_279 = arith.extui %eq3A_278 : i1 to i32
    %cond3A_280 = arith.constant 0 : i32
    %cond3A_281 = arith.cmpi ne, %convert_element_type3A_279, %cond3A_280 : i32
    scf.if %cond3A_281 {
      %mul3A_583 = arith.constant 5008 : i32
      %mul3A_584 = arith.muli %arg0, %mul3A_583 : i32
      %add3A_585 = arith.constant 0 : i32
      %add3A_586 = arith.addi %mul3A_584, %add3A_585 : i32
      "tpu.region"() ({
        %run_scoped3A = tpu.sem_alloc : memref<!tpu.dma_semaphore, #tpu.memory_space<semaphore_mem>>
        %dma_start3A_587 = arith.constant 0 : i32
        %dma_start3A_588 = tpu.memref_slice %arg6[%add3A_586, %dma_start3A_587] : memref<10016x128xf32, #tpu.memory_space<hbm>> -> memref<2504x128xf32, #tpu.memory_space<hbm>>
        %dma_start3A_589 = arith.constant 0 : i32
        %dma_start3A_590 = arith.constant 0 : i32
        %dma_start3A_591 = tpu.memref_slice %arg11[%dma_start3A_589, %dma_start3A_590] : memref<2568x128xf32, #tpu.memory_space<vmem_shared>> -> memref<2504x128xf32, #tpu.memory_space<vmem_shared>>
        tpu.enqueue_dma source(%dma_start3A_591 : memref<2504x128xf32, #tpu.memory_space<vmem_shared>>) target(%dma_start3A_588 : memref<2504x128xf32, #tpu.memory_space<hbm>>) target_semaphore(%run_scoped3A : memref<!tpu.dma_semaphore, #tpu.memory_space<semaphore_mem>>)
        %dma_wait3A = arith.constant 0 : i32
        %dma_wait3A_592 = tpu.memref_slice %arg6[%add3A_586, %dma_wait3A] : memref<10016x128xf32, #tpu.memory_space<hbm>> -> memref<2504x128xf32, #tpu.memory_space<hbm>>
        %dma_wait3A_593 = arith.constant 0 : i32
        %dma_wait3A_594 = arith.constant 0 : i32
        %dma_wait3A_595 = tpu.memref_slice %arg11[%dma_wait3A_593, %dma_wait3A_594] : memref<2568x128xf32, #tpu.memory_space<vmem_shared>> -> memref<2504x128xf32, #tpu.memory_space<vmem_shared>>
        tpu.wait_dma2 semaphore(%run_scoped3A : memref<!tpu.dma_semaphore, #tpu.memory_space<semaphore_mem>>) src(%dma_wait3A_595 : memref<2504x128xf32, #tpu.memory_space<vmem_shared>>) dst(%dma_wait3A_592 : memref<2504x128xf32, #tpu.memory_space<hbm>>)
        tpu.yield
      }) : () -> ()
    } else {
    }
    %barrier3A_282 = arith.constant 0 : index
    tpu.barrier barrier_id(%barrier3A_282)
    %eq3A_283 = arith.constant 0 : i32
    %eq3A_284 = arith.cmpi eq, %arg1, %eq3A_283 : i32
    %convert_element_type3A_285 = arith.extui %eq3A_284 : i1 to i32
    %cond3A_286 = arith.constant 0 : i32
    %cond3A_287 = arith.cmpi ne, %convert_element_type3A_285, %cond3A_286 : i32
    scf.if %cond3A_287 {
      "tpu.region"() ({
        %run_scoped3A = tpu.sem_alloc : memref<!tpu.dma_semaphore, #tpu.memory_space<semaphore_mem>>
        tpu.enqueue_dma source(%arg5 : memref<2568x128xf32, #tpu.memory_space<hbm>>) target(%arg11 : memref<2568x128xf32, #tpu.memory_space<vmem_shared>>) target_semaphore(%run_scoped3A : memref<!tpu.dma_semaphore, #tpu.memory_space<semaphore_mem>>)
        tpu.wait_dma2 semaphore(%run_scoped3A : memref<!tpu.dma_semaphore, #tpu.memory_space<semaphore_mem>>) src(%arg5 : memref<2568x128xf32, #tpu.memory_space<hbm>>) dst(%arg11 : memref<2568x128xf32, #tpu.memory_space<vmem_shared>>)
        tpu.yield
      }) : () -> ()
    } else {
    }
    "tpu.region"() ({
      %run_scoped3A = tpu.sem_alloc : memref<!tpu.dma_semaphore, #tpu.memory_space<semaphore_mem>>
      %dma_start3A_583 = arith.constant 0 : i32
      %dma_start3A_584 = tpu.memref_slice %arg7[%dma_start3A_583] : memref<20224xi32, #tpu.memory_space<vmem>> -> memref<20096xi32, #tpu.memory_space<vmem>>
      %dma_start3A_585 = arith.constant 0 : i32
      %dma_start3A_586 = tpu.memref_slice %arg3[%arg1, %dma_start3A_585] : memref<16x20096xi32, #tpu.memory_space<hbm>> -> memref<1x20096xi32, #tpu.memory_space<hbm>>
      %dma_start3A_587 = tpu.memref_squeeze %dma_start3A_586 : memref<1x20096xi32, #tpu.memory_space<hbm>> -> memref<20096xi32, #tpu.memory_space<hbm>>
      %dma_start3A_588 = arith.constant 0 : i32
      %dma_start3A_589 = tpu.memref_slice %arg7[%dma_start3A_588] : memref<20224xi32, #tpu.memory_space<vmem>> -> memref<20096xi32, #tpu.memory_space<vmem>>
      %dma_start3A_590 = arith.constant 0 : i32
      %dma_start3A_591 = tpu.memref_slice %arg3[%arg1, %dma_start3A_590] : memref<16x20096xi32, #tpu.memory_space<hbm>> -> memref<1x20096xi32, #tpu.memory_space<hbm>>
      %dma_start3A_592 = tpu.memref_squeeze %dma_start3A_591 : memref<1x20096xi32, #tpu.memory_space<hbm>> -> memref<20096xi32, #tpu.memory_space<hbm>>
      tpu.enqueue_dma source(%dma_start3A_592 : memref<20096xi32, #tpu.memory_space<hbm>>) target(%dma_start3A_589 : memref<20096xi32, #tpu.memory_space<vmem>>) target_semaphore(%run_scoped3A : memref<!tpu.dma_semaphore, #tpu.memory_space<semaphore_mem>>)
      %dma_wait3A = arith.constant 0 : i32
      %dma_wait3A_593 = tpu.memref_slice %arg7[%dma_wait3A] : memref<20224xi32, #tpu.memory_space<vmem>> -> memref<20096xi32, #tpu.memory_space<vmem>>
      %dma_wait3A_594 = arith.constant 0 : i32
      %dma_wait3A_595 = tpu.memref_slice %arg3[%arg1, %dma_wait3A_594] : memref<16x20096xi32, #tpu.memory_space<hbm>> -> memref<1x20096xi32, #tpu.memory_space<hbm>>
      %dma_wait3A_596 = tpu.memref_squeeze %dma_wait3A_595 : memref<1x20096xi32, #tpu.memory_space<hbm>> -> memref<20096xi32, #tpu.memory_space<hbm>>
      %dma_wait3A_597 = arith.constant 0 : i32
      %dma_wait3A_598 = tpu.memref_slice %arg7[%dma_wait3A_597] : memref<20224xi32, #tpu.memory_space<vmem>> -> memref<20096xi32, #tpu.memory_space<vmem>>
      %dma_wait3A_599 = arith.constant 0 : i32
      %dma_wait3A_600 = tpu.memref_slice %arg3[%arg1, %dma_wait3A_599] : memref<16x20096xi32, #tpu.memory_space<hbm>> -> memref<1x20096xi32, #tpu.memory_space<hbm>>
      %dma_wait3A_601 = tpu.memref_squeeze %dma_wait3A_600 : memref<1x20096xi32, #tpu.memory_space<hbm>> -> memref<20096xi32, #tpu.memory_space<hbm>>
      tpu.wait_dma2 semaphore(%run_scoped3A : memref<!tpu.dma_semaphore, #tpu.memory_space<semaphore_mem>>) src(%dma_wait3A_601 : memref<20096xi32, #tpu.memory_space<hbm>>) dst(%dma_wait3A_598 : memref<20096xi32, #tpu.memory_space<vmem>>)
      tpu.yield
    }) : () -> ()
    "tpu.region"() ({
      %run_scoped3A = tpu.sem_alloc : memref<!tpu.dma_semaphore, #tpu.memory_space<semaphore_mem>>
      %dma_start3A_583 = arith.constant 0 : i32
      %dma_start3A_584 = tpu.memref_slice %arg8[%dma_start3A_583] : memref<20224xi32, #tpu.memory_space<vmem>> -> memref<20096xi32, #tpu.memory_space<vmem>>
      %dma_start3A_585 = arith.constant 0 : i32
      %dma_start3A_586 = tpu.memref_slice %arg4[%arg1, %dma_start3A_585] : memref<16x20096xi32, #tpu.memory_space<hbm>> -> memref<1x20096xi32, #tpu.memory_space<hbm>>
      %dma_start3A_587 = tpu.memref_squeeze %dma_start3A_586 : memref<1x20096xi32, #tpu.memory_space<hbm>> -> memref<20096xi32, #tpu.memory_space<hbm>>
      %dma_start3A_588 = arith.constant 0 : i32
      %dma_start3A_589 = tpu.memref_slice %arg8[%dma_start3A_588] : memref<20224xi32, #tpu.memory_space<vmem>> -> memref<20096xi32, #tpu.memory_space<vmem>>
      %dma_start3A_590 = arith.constant 0 : i32
      %dma_start3A_591 = tpu.memref_slice %arg4[%arg1, %dma_start3A_590] : memref<16x20096xi32, #tpu.memory_space<hbm>> -> memref<1x20096xi32, #tpu.memory_space<hbm>>
      %dma_start3A_592 = tpu.memref_squeeze %dma_start3A_591 : memref<1x20096xi32, #tpu.memory_space<hbm>> -> memref<20096xi32, #tpu.memory_space<hbm>>
      tpu.enqueue_dma source(%dma_start3A_592 : memref<20096xi32, #tpu.memory_space<hbm>>) target(%dma_start3A_589 : memref<20096xi32, #tpu.memory_space<vmem>>) target_semaphore(%run_scoped3A : memref<!tpu.dma_semaphore, #tpu.memory_space<semaphore_mem>>)
      %dma_wait3A = arith.constant 0 : i32
      %dma_wait3A_593 = tpu.memref_slice %arg8[%dma_wait3A] : memref<20224xi32, #tpu.memory_space<vmem>> -> memref<20096xi32, #tpu.memory_space<vmem>>
      %dma_wait3A_594 = arith.constant 0 : i32
      %dma_wait3A_595 = tpu.memref_slice %arg4[%arg1, %dma_wait3A_594] : memref<16x20096xi32, #tpu.memory_space<hbm>> -> memref<1x20096xi32, #tpu.memory_space<hbm>>
      %dma_wait3A_596 = tpu.memref_squeeze %dma_wait3A_595 : memref<1x20096xi32, #tpu.memory_space<hbm>> -> memref<20096xi32, #tpu.memory_space<hbm>>
      %dma_wait3A_597 = arith.constant 0 : i32
      %dma_wait3A_598 = tpu.memref_slice %arg8[%dma_wait3A_597] : memref<20224xi32, #tpu.memory_space<vmem>> -> memref<20096xi32, #tpu.memory_space<vmem>>
      %dma_wait3A_599 = arith.constant 0 : i32
      %dma_wait3A_600 = tpu.memref_slice %arg4[%arg1, %dma_wait3A_599] : memref<16x20096xi32, #tpu.memory_space<hbm>> -> memref<1x20096xi32, #tpu.memory_space<hbm>>
      %dma_wait3A_601 = tpu.memref_squeeze %dma_wait3A_600 : memref<1x20096xi32, #tpu.memory_space<hbm>> -> memref<20096xi32, #tpu.memory_space<hbm>>
      tpu.wait_dma2 semaphore(%run_scoped3A : memref<!tpu.dma_semaphore, #tpu.memory_space<semaphore_mem>>) src(%dma_wait3A_601 : memref<20096xi32, #tpu.memory_space<hbm>>) dst(%dma_wait3A_598 : memref<20096xi32, #tpu.memory_space<vmem>>)
      tpu.yield
    }) : () -> ()
    %mul3A_288 = arith.constant 2 : i32
    %mul3A_289 = arith.muli %arg0, %mul3A_288 : i32
    %add3A_290 = arith.constant 1 : i32
    %add3A_291 = arith.addi %mul3A_289, %add3A_290 : i32
    %mul3A_292 = arith.constant 2504 : i32
    %mul3A_293 = arith.muli %add3A_291, %mul3A_292 : i32
    %scan3A_294 = arith.constant 0 : i32
    %scan3A_295 = arith.constant 0 : i32
    %scan3A_296 = arith.constant 1256 : i32
    %scan3A_297 = arith.addi %scan3A_295, %scan3A_296 : i32
    %scan3A_298 = arith.constant 1 : i32
    %scan3A_299 = scf.for %scan3A_583 = %scan3A_295 to %scan3A_297 step %scan3A_298 iter_args(%scan3A_584 = %scan3A_294) -> (i32)  : i32 {
      %mul3A_585 = arith.constant 16 : i32
      %mul3A_586 = arith.muli %scan3A_583, %mul3A_585 : i32
      %get3A = arith.index_cast %mul3A_586 : i32 to index
      %get3A_587 = tpu.vector_load %arg8[%get3A] {strides = array<i32>} : memref<20224xi32, #tpu.memory_space<vmem>>, vector<16xi32>,
      %sub3A_588 = vector.broadcast %mul3A_293 : i32 to vector<16xi32>
      %sub3A_589 = arith.subi %get3A_587, %sub3A_588 : vector<16xi32>
      %mul3A_590 = arith.constant 16 : i32
      %mul3A_591 = arith.muli %scan3A_583, %mul3A_590 : i32
      %get3A_592 = arith.index_cast %mul3A_591 : i32 to index
      %get3A_593 = tpu.vector_load %arg7[%get3A_592] {strides = array<i32>} : memref<20224xi32, #tpu.memory_space<vmem>>, vector<16xi32>,
      %add3A_594 = arith.constant 0 : i32
      %add3A_595 = vector.broadcast %add3A_594 : i32 to vector<16xi32>
      %add3A_596 = arith.addi %get3A_593, %add3A_595 : vector<16xi32>
      %ge3A = arith.constant 0 : i32
      %ge3A_597 = vector.broadcast %ge3A : i32 to vector<16xi32>
      %ge3A_598 = arith.cmpi sge, %sub3A_589, %ge3A_597 : vector<16xi32>
      %lt3A = arith.constant 2504 : i32
      %lt3A_599 = vector.broadcast %lt3A : i32 to vector<16xi32>
      %lt3A_600 = arith.cmpi slt, %sub3A_589, %lt3A_599 : vector<16xi32>
      %and3A_601 = arith.andi %ge3A_598, %lt3A_600 : vector<16xi1>
      %swap3A_602 = arith.index_cast %scan3A_584 : i32 to index
      %swap3A_603 = tpu.vector_load %arg8[%swap3A_602] masked %and3A_601 {strides = array<i32>} : memref<20224xi32, #tpu.memory_space<vmem>>, vector<16xi32>, vector<16xi1>
      tpu.vector_store %arg8[%swap3A_602], %sub3A_589 masked %and3A_601 {strides = array<i32>} : memref<20224xi32, #tpu.memory_space<vmem>>, vector<16xi32>, vector<16xi1>
      %swap3A_604 = arith.index_cast %scan3A_584 : i32 to index
      %swap3A_605 = tpu.vector_load %arg7[%swap3A_604] masked %and3A_601 {strides = array<i32>} : memref<20224xi32, #tpu.memory_space<vmem>>, vector<16xi32>, vector<16xi1>
      tpu.vector_store %arg7[%swap3A_604], %add3A_596 masked %and3A_601 {strides = array<i32>} : memref<20224xi32, #tpu.memory_space<vmem>>, vector<16xi32>, vector<16xi1>
      %all_reduce_population_count3A = tpu.all_reduce %and3A_601 {dim = 0 : i64, kind = #tpu.reduction_kind<sum>} : vector<16xi1> -> vector<16xi32>
      %slice3A = vector.extract_strided_slice %all_reduce_population_count3A {offsets = [0], sizes = [1], strides = [1]} : vector<16xi32> to vector<1xi32>
      %squeeze3A = vector.extract %slice3A[0] : i32 from vector<1xi32>
      %add3A_606 = arith.addi %scan3A_584, %squeeze3A : i32
      scf.yield %add3A_606 : i32
    }
    %scan3A_300 = arith.constant 1256 : i32
    %add3A_301 = arith.constant 0 : i32
    %add3A_302 = vector.broadcast %add3A_301 : i32 to vector<16xi32>
    %add3A_303 = arith.addi %iota3A, %add3A_302 : vector<16xi32>
    %and3A_304 = arith.constant 63 : i32
    %and3A_305 = vector.broadcast %and3A_304 : i32 to vector<16xi32>
    %and3A_306 = arith.andi %add3A_303, %and3A_305 : vector<16xi32>
    %add3A_307 = arith.constant 2504 : i32
    %add3A_308 = vector.broadcast %add3A_307 : i32 to vector<16xi32>
    %add3A_309 = arith.addi %add3A_308, %and3A_306 : vector<16xi32>
    %add3A_310 = arith.constant 0 : i32
    %add3A_311 = arith.addi %scan3A_299, %add3A_310 : i32
    %swap3A_312 = arith.index_cast %add3A_311 : i32 to index
    %swap3A_313 = tpu.vector_load %arg8[%swap3A_312] {strides = array<i32>} : memref<20224xi32, #tpu.memory_space<vmem>>, vector<16xi32>,
    tpu.vector_store %arg8[%swap3A_312], %add3A_309 {strides = array<i32>} : memref<20224xi32, #tpu.memory_space<vmem>>, vector<16xi32>,
    %mul3A_314 = arith.constant 577 : i32
    %mul3A_315 = vector.broadcast %mul3A_314 : i32 to vector<16xi32>
    %mul3A_316 = arith.muli %iota3A, %mul3A_315 : vector<16xi32>
    %add3A_317 = arith.constant 0 : i32
    %add3A_318 = vector.broadcast %add3A_317 : i32 to vector<16xi32>
    %add3A_319 = arith.addi %mul3A_316, %add3A_318 : vector<16xi32>
    %and3A_320 = arith.constant 8191 : i32
    %and3A_321 = vector.broadcast %and3A_320 : i32 to vector<16xi32>
    %and3A_322 = arith.andi %add3A_319, %and3A_321 : vector<16xi32>
    %add3A_323 = arith.constant 0 : i32
    %add3A_324 = arith.addi %scan3A_299, %add3A_323 : i32
    %swap3A_325 = arith.index_cast %add3A_324 : i32 to index
    %swap3A_326 = tpu.vector_load %arg7[%swap3A_325] {strides = array<i32>} : memref<20224xi32, #tpu.memory_space<vmem>>, vector<16xi32>,
    tpu.vector_store %arg7[%swap3A_325], %and3A_322 {strides = array<i32>} : memref<20224xi32, #tpu.memory_space<vmem>>, vector<16xi32>,
    %add3A_327 = arith.constant 16 : i32
    %add3A_328 = vector.broadcast %add3A_327 : i32 to vector<16xi32>
    %add3A_329 = arith.addi %iota3A, %add3A_328 : vector<16xi32>
    %and3A_330 = arith.constant 63 : i32
    %and3A_331 = vector.broadcast %and3A_330 : i32 to vector<16xi32>
    %and3A_332 = arith.andi %add3A_329, %and3A_331 : vector<16xi32>
    %add3A_333 = arith.constant 2504 : i32
    %add3A_334 = vector.broadcast %add3A_333 : i32 to vector<16xi32>
    %add3A_335 = arith.addi %add3A_334, %and3A_332 : vector<16xi32>
    %add3A_336 = arith.constant 16 : i32
    %add3A_337 = arith.addi %scan3A_299, %add3A_336 : i32
    %swap3A_338 = arith.index_cast %add3A_337 : i32 to index
    %swap3A_339 = tpu.vector_load %arg8[%swap3A_338] {strides = array<i32>} : memref<20224xi32, #tpu.memory_space<vmem>>, vector<16xi32>,
    tpu.vector_store %arg8[%swap3A_338], %add3A_335 {strides = array<i32>} : memref<20224xi32, #tpu.memory_space<vmem>>, vector<16xi32>,
    %mul3A_340 = arith.constant 577 : i32
    %mul3A_341 = vector.broadcast %mul3A_340 : i32 to vector<16xi32>
    %mul3A_342 = arith.muli %iota3A, %mul3A_341 : vector<16xi32>
    %add3A_343 = arith.constant 131 : i32
    %add3A_344 = vector.broadcast %add3A_343 : i32 to vector<16xi32>
    %add3A_345 = arith.addi %mul3A_342, %add3A_344 : vector<16xi32>
    %and3A_346 = arith.constant 8191 : i32
    %and3A_347 = vector.broadcast %and3A_346 : i32 to vector<16xi32>
    %and3A_348 = arith.andi %add3A_345, %and3A_347 : vector<16xi32>
    %add3A_349 = arith.constant 16 : i32
    %add3A_350 = arith.addi %scan3A_299, %add3A_349 : i32
    %swap3A_351 = arith.index_cast %add3A_350 : i32 to index
    %swap3A_352 = tpu.vector_load %arg7[%swap3A_351] {strides = array<i32>} : memref<20224xi32, #tpu.memory_space<vmem>>, vector<16xi32>,
    tpu.vector_store %arg7[%swap3A_351], %and3A_348 {strides = array<i32>} : memref<20224xi32, #tpu.memory_space<vmem>>, vector<16xi32>,
    %add3A_353 = arith.constant 32 : i32
    %add3A_354 = vector.broadcast %add3A_353 : i32 to vector<16xi32>
    %add3A_355 = arith.addi %iota3A, %add3A_354 : vector<16xi32>
    %and3A_356 = arith.constant 63 : i32
    %and3A_357 = vector.broadcast %and3A_356 : i32 to vector<16xi32>
    %and3A_358 = arith.andi %add3A_355, %and3A_357 : vector<16xi32>
    %add3A_359 = arith.constant 2504 : i32
    %add3A_360 = vector.broadcast %add3A_359 : i32 to vector<16xi32>
    %add3A_361 = arith.addi %add3A_360, %and3A_358 : vector<16xi32>
    %add3A_362 = arith.constant 32 : i32
    %add3A_363 = arith.addi %scan3A_299, %add3A_362 : i32
    %swap3A_364 = arith.index_cast %add3A_363 : i32 to index
    %swap3A_365 = tpu.vector_load %arg8[%swap3A_364] {strides = array<i32>} : memref<20224xi32, #tpu.memory_space<vmem>>, vector<16xi32>,
    tpu.vector_store %arg8[%swap3A_364], %add3A_361 {strides = array<i32>} : memref<20224xi32, #tpu.memory_space<vmem>>, vector<16xi32>,
    %mul3A_366 = arith.constant 577 : i32
    %mul3A_367 = vector.broadcast %mul3A_366 : i32 to vector<16xi32>
    %mul3A_368 = arith.muli %iota3A, %mul3A_367 : vector<16xi32>
    %add3A_369 = arith.constant 262 : i32
    %add3A_370 = vector.broadcast %add3A_369 : i32 to vector<16xi32>
    %add3A_371 = arith.addi %mul3A_368, %add3A_370 : vector<16xi32>
    %and3A_372 = arith.constant 8191 : i32
    %and3A_373 = vector.broadcast %and3A_372 : i32 to vector<16xi32>
    %and3A_374 = arith.andi %add3A_371, %and3A_373 : vector<16xi32>
    %add3A_375 = arith.constant 32 : i32
    %add3A_376 = arith.addi %scan3A_299, %add3A_375 : i32
    %swap3A_377 = arith.index_cast %add3A_376 : i32 to index
    %swap3A_378 = tpu.vector_load %arg7[%swap3A_377] {strides = array<i32>} : memref<20224xi32, #tpu.memory_space<vmem>>, vector<16xi32>,
    tpu.vector_store %arg7[%swap3A_377], %and3A_374 {strides = array<i32>} : memref<20224xi32, #tpu.memory_space<vmem>>, vector<16xi32>,
    %add3A_379 = arith.constant 48 : i32
    %add3A_380 = vector.broadcast %add3A_379 : i32 to vector<16xi32>
    %add3A_381 = arith.addi %iota3A, %add3A_380 : vector<16xi32>
    %and3A_382 = arith.constant 63 : i32
    %and3A_383 = vector.broadcast %and3A_382 : i32 to vector<16xi32>
    %and3A_384 = arith.andi %add3A_381, %and3A_383 : vector<16xi32>
    %add3A_385 = arith.constant 2504 : i32
    %add3A_386 = vector.broadcast %add3A_385 : i32 to vector<16xi32>
    %add3A_387 = arith.addi %add3A_386, %and3A_384 : vector<16xi32>
    %add3A_388 = arith.constant 48 : i32
    %add3A_389 = arith.addi %scan3A_299, %add3A_388 : i32
    %swap3A_390 = arith.index_cast %add3A_389 : i32 to index
    %swap3A_391 = tpu.vector_load %arg8[%swap3A_390] {strides = array<i32>} : memref<20224xi32, #tpu.memory_space<vmem>>, vector<16xi32>,
    tpu.vector_store %arg8[%swap3A_390], %add3A_387 {strides = array<i32>} : memref<20224xi32, #tpu.memory_space<vmem>>, vector<16xi32>,
    %mul3A_392 = arith.constant 577 : i32
    %mul3A_393 = vector.broadcast %mul3A_392 : i32 to vector<16xi32>
    %mul3A_394 = arith.muli %iota3A, %mul3A_393 : vector<16xi32>
    %add3A_395 = arith.constant 393 : i32
    %add3A_396 = vector.broadcast %add3A_395 : i32 to vector<16xi32>
    %add3A_397 = arith.addi %mul3A_394, %add3A_396 : vector<16xi32>
    %and3A_398 = arith.constant 8191 : i32
    %and3A_399 = vector.broadcast %and3A_398 : i32 to vector<16xi32>
    %and3A_400 = arith.andi %add3A_397, %and3A_399 : vector<16xi32>
    %add3A_401 = arith.constant 48 : i32
    %add3A_402 = arith.addi %scan3A_299, %add3A_401 : i32
    %swap3A_403 = arith.index_cast %add3A_402 : i32 to index
    %swap3A_404 = tpu.vector_load %arg7[%swap3A_403] {strides = array<i32>} : memref<20224xi32, #tpu.memory_space<vmem>>, vector<16xi32>,
    tpu.vector_store %arg7[%swap3A_403], %and3A_400 {strides = array<i32>} : memref<20224xi32, #tpu.memory_space<vmem>>, vector<16xi32>,
    %add3A_405 = arith.constant 64 : i32
    %add3A_406 = vector.broadcast %add3A_405 : i32 to vector<16xi32>
    %add3A_407 = arith.addi %iota3A, %add3A_406 : vector<16xi32>
    %and3A_408 = arith.constant 63 : i32
    %and3A_409 = vector.broadcast %and3A_408 : i32 to vector<16xi32>
    %and3A_410 = arith.andi %add3A_407, %and3A_409 : vector<16xi32>
    %add3A_411 = arith.constant 2504 : i32
    %add3A_412 = vector.broadcast %add3A_411 : i32 to vector<16xi32>
    %add3A_413 = arith.addi %add3A_412, %and3A_410 : vector<16xi32>
    %add3A_414 = arith.constant 64 : i32
    %add3A_415 = arith.addi %scan3A_299, %add3A_414 : i32
    %swap3A_416 = arith.index_cast %add3A_415 : i32 to index
    %swap3A_417 = tpu.vector_load %arg8[%swap3A_416] {strides = array<i32>} : memref<20224xi32, #tpu.memory_space<vmem>>, vector<16xi32>,
    tpu.vector_store %arg8[%swap3A_416], %add3A_413 {strides = array<i32>} : memref<20224xi32, #tpu.memory_space<vmem>>, vector<16xi32>,
    %mul3A_418 = arith.constant 577 : i32
    %mul3A_419 = vector.broadcast %mul3A_418 : i32 to vector<16xi32>
    %mul3A_420 = arith.muli %iota3A, %mul3A_419 : vector<16xi32>
    %add3A_421 = arith.constant 524 : i32
    %add3A_422 = vector.broadcast %add3A_421 : i32 to vector<16xi32>
    %add3A_423 = arith.addi %mul3A_420, %add3A_422 : vector<16xi32>
    %and3A_424 = arith.constant 8191 : i32
    %and3A_425 = vector.broadcast %and3A_424 : i32 to vector<16xi32>
    %and3A_426 = arith.andi %add3A_423, %and3A_425 : vector<16xi32>
    %add3A_427 = arith.constant 64 : i32
    %add3A_428 = arith.addi %scan3A_299, %add3A_427 : i32
    %swap3A_429 = arith.index_cast %add3A_428 : i32 to index
    %swap3A_430 = tpu.vector_load %arg7[%swap3A_429] {strides = array<i32>} : memref<20224xi32, #tpu.memory_space<vmem>>, vector<16xi32>,
    tpu.vector_store %arg7[%swap3A_429], %and3A_426 {strides = array<i32>} : memref<20224xi32, #tpu.memory_space<vmem>>, vector<16xi32>,
    %add3A_431 = arith.constant 80 : i32
    %add3A_432 = vector.broadcast %add3A_431 : i32 to vector<16xi32>
    %add3A_433 = arith.addi %iota3A, %add3A_432 : vector<16xi32>
    %and3A_434 = arith.constant 63 : i32
    %and3A_435 = vector.broadcast %and3A_434 : i32 to vector<16xi32>
    %and3A_436 = arith.andi %add3A_433, %and3A_435 : vector<16xi32>
    %add3A_437 = arith.constant 2504 : i32
    %add3A_438 = vector.broadcast %add3A_437 : i32 to vector<16xi32>
    %add3A_439 = arith.addi %add3A_438, %and3A_436 : vector<16xi32>
    %add3A_440 = arith.constant 80 : i32
    %add3A_441 = arith.addi %scan3A_299, %add3A_440 : i32
    %swap3A_442 = arith.index_cast %add3A_441 : i32 to index
    %swap3A_443 = tpu.vector_load %arg8[%swap3A_442] {strides = array<i32>} : memref<20224xi32, #tpu.memory_space<vmem>>, vector<16xi32>,
    tpu.vector_store %arg8[%swap3A_442], %add3A_439 {strides = array<i32>} : memref<20224xi32, #tpu.memory_space<vmem>>, vector<16xi32>,
    %mul3A_444 = arith.constant 577 : i32
    %mul3A_445 = vector.broadcast %mul3A_444 : i32 to vector<16xi32>
    %mul3A_446 = arith.muli %iota3A, %mul3A_445 : vector<16xi32>
    %add3A_447 = arith.constant 655 : i32
    %add3A_448 = vector.broadcast %add3A_447 : i32 to vector<16xi32>
    %add3A_449 = arith.addi %mul3A_446, %add3A_448 : vector<16xi32>
    %and3A_450 = arith.constant 8191 : i32
    %and3A_451 = vector.broadcast %and3A_450 : i32 to vector<16xi32>
    %and3A_452 = arith.andi %add3A_449, %and3A_451 : vector<16xi32>
    %add3A_453 = arith.constant 80 : i32
    %add3A_454 = arith.addi %scan3A_299, %add3A_453 : i32
    %swap3A_455 = arith.index_cast %add3A_454 : i32 to index
    %swap3A_456 = tpu.vector_load %arg7[%swap3A_455] {strides = array<i32>} : memref<20224xi32, #tpu.memory_space<vmem>>, vector<16xi32>,
    tpu.vector_store %arg7[%swap3A_455], %and3A_452 {strides = array<i32>} : memref<20224xi32, #tpu.memory_space<vmem>>, vector<16xi32>,
    %add3A_457 = arith.constant 96 : i32
    %add3A_458 = vector.broadcast %add3A_457 : i32 to vector<16xi32>
    %add3A_459 = arith.addi %iota3A, %add3A_458 : vector<16xi32>
    %and3A_460 = arith.constant 63 : i32
    %and3A_461 = vector.broadcast %and3A_460 : i32 to vector<16xi32>
    %and3A_462 = arith.andi %add3A_459, %and3A_461 : vector<16xi32>
    %add3A_463 = arith.constant 2504 : i32
    %add3A_464 = vector.broadcast %add3A_463 : i32 to vector<16xi32>
    %add3A_465 = arith.addi %add3A_464, %and3A_462 : vector<16xi32>
    %add3A_466 = arith.constant 96 : i32
    %add3A_467 = arith.addi %scan3A_299, %add3A_466 : i32
    %swap3A_468 = arith.index_cast %add3A_467 : i32 to index
    %swap3A_469 = tpu.vector_load %arg8[%swap3A_468] {strides = array<i32>} : memref<20224xi32, #tpu.memory_space<vmem>>, vector<16xi32>,
    tpu.vector_store %arg8[%swap3A_468], %add3A_465 {strides = array<i32>} : memref<20224xi32, #tpu.memory_space<vmem>>, vector<16xi32>,
    %mul3A_470 = arith.constant 577 : i32
    %mul3A_471 = vector.broadcast %mul3A_470 : i32 to vector<16xi32>
    %mul3A_472 = arith.muli %iota3A, %mul3A_471 : vector<16xi32>
    %add3A_473 = arith.constant 786 : i32
    %add3A_474 = vector.broadcast %add3A_473 : i32 to vector<16xi32>
    %add3A_475 = arith.addi %mul3A_472, %add3A_474 : vector<16xi32>
    %and3A_476 = arith.constant 8191 : i32
    %and3A_477 = vector.broadcast %and3A_476 : i32 to vector<16xi32>
    %and3A_478 = arith.andi %add3A_475, %and3A_477 : vector<16xi32>
    %add3A_479 = arith.constant 96 : i32
    %add3A_480 = arith.addi %scan3A_299, %add3A_479 : i32
    %swap3A_481 = arith.index_cast %add3A_480 : i32 to index
    %swap3A_482 = tpu.vector_load %arg7[%swap3A_481] {strides = array<i32>} : memref<20224xi32, #tpu.memory_space<vmem>>, vector<16xi32>,
    tpu.vector_store %arg7[%swap3A_481], %and3A_478 {strides = array<i32>} : memref<20224xi32, #tpu.memory_space<vmem>>, vector<16xi32>,
    %add3A_483 = arith.constant 112 : i32
    %add3A_484 = vector.broadcast %add3A_483 : i32 to vector<16xi32>
    %add3A_485 = arith.addi %iota3A, %add3A_484 : vector<16xi32>
    %and3A_486 = arith.constant 63 : i32
    %and3A_487 = vector.broadcast %and3A_486 : i32 to vector<16xi32>
    %and3A_488 = arith.andi %add3A_485, %and3A_487 : vector<16xi32>
    %add3A_489 = arith.constant 2504 : i32
    %add3A_490 = vector.broadcast %add3A_489 : i32 to vector<16xi32>
    %add3A_491 = arith.addi %add3A_490, %and3A_488 : vector<16xi32>
    %add3A_492 = arith.constant 112 : i32
    %add3A_493 = arith.addi %scan3A_299, %add3A_492 : i32
    %swap3A_494 = arith.index_cast %add3A_493 : i32 to index
    %swap3A_495 = tpu.vector_load %arg8[%swap3A_494] {strides = array<i32>} : memref<20224xi32, #tpu.memory_space<vmem>>, vector<16xi32>,
    tpu.vector_store %arg8[%swap3A_494], %add3A_491 {strides = array<i32>} : memref<20224xi32, #tpu.memory_space<vmem>>, vector<16xi32>,
    %mul3A_496 = arith.constant 577 : i32
    %mul3A_497 = vector.broadcast %mul3A_496 : i32 to vector<16xi32>
    %mul3A_498 = arith.muli %iota3A, %mul3A_497 : vector<16xi32>
    %add3A_499 = arith.constant 917 : i32
    %add3A_500 = vector.broadcast %add3A_499 : i32 to vector<16xi32>
    %add3A_501 = arith.addi %mul3A_498, %add3A_500 : vector<16xi32>
    %and3A_502 = arith.constant 8191 : i32
    %and3A_503 = vector.broadcast %and3A_502 : i32 to vector<16xi32>
    %and3A_504 = arith.andi %add3A_501, %and3A_503 : vector<16xi32>
    %add3A_505 = arith.constant 112 : i32
    %add3A_506 = arith.addi %scan3A_299, %add3A_505 : i32
    %swap3A_507 = arith.index_cast %add3A_506 : i32 to index
    %swap3A_508 = tpu.vector_load %arg7[%swap3A_507] {strides = array<i32>} : memref<20224xi32, #tpu.memory_space<vmem>>, vector<16xi32>,
    tpu.vector_store %arg7[%swap3A_507], %and3A_504 {strides = array<i32>} : memref<20224xi32, #tpu.memory_space<vmem>>, vector<16xi32>,
    %jit3A_509 = arith.constant 128 : i32
    %div3A_510 = arith.divsi %scan3A_299, %jit3A_509 : i32
    %sign3A_511 = arith.constant 0 : i32
    %sign3A_512 = arith.cmpi sgt, %scan3A_299, %sign3A_511 : i32
    %sign3A_513 = arith.extui %sign3A_512 : i1 to i32
    %sign3A_514 = arith.constant 0 : i32
    %sign3A_515 = arith.cmpi slt, %scan3A_299, %sign3A_514 : i32
    %sign3A_516 = arith.extui %sign3A_515 : i1 to i32
    %sign3A_517 = arith.subi %sign3A_513, %sign3A_516 : i32
    %sign3A_518 = arith.constant 0 : i32
    %sign3A_519 = arith.cmpi sgt, %jit3A_509, %sign3A_518 : i32
    %sign3A_520 = arith.extui %sign3A_519 : i1 to i32
    %sign3A_521 = arith.constant 0 : i32
    %sign3A_522 = arith.cmpi slt, %jit3A_509, %sign3A_521 : i32
    %sign3A_523 = arith.extui %sign3A_522 : i1 to i32
    %sign3A_524 = arith.subi %sign3A_520, %sign3A_523 : i32
    %ne3A_525 = arith.cmpi ne, %sign3A_517, %sign3A_524 : i32
    %rem3A_526 = arith.remsi %scan3A_299, %jit3A_509 : i32
    %ne3A_527 = arith.constant 0 : i32
    %ne3A_528 = arith.cmpi ne, %rem3A_526, %ne3A_527 : i32
    %and3A_529 = arith.andi %ne3A_525, %ne3A_528 : i1
    %sub3A_530 = arith.constant 1 : i32
    %sub3A_531 = arith.subi %div3A_510, %sub3A_530 : i32
    %select_n3A_532 = arith.select %and3A_529, %sub3A_531, %div3A_510 : i32
    %add3A_533 = arith.constant 1 : i32
    %add3A_534 = arith.addi %select_n3A_532, %add3A_533 : i32
    %barrier3A_535 = arith.constant 0 : index
    tpu.barrier barrier_id(%barrier3A_535)
    %add3A_536 = arith.constant 1 : i32
    %add3A_537 = arith.addi %add3A_534, %add3A_536 : i32
    %jit3A_538 = arith.constant 2 : i32
    %div3A_539 = arith.divsi %add3A_537, %jit3A_538 : i32
    %sign3A_540 = arith.constant 0 : i32
    %sign3A_541 = arith.cmpi sgt, %add3A_537, %sign3A_540 : i32
    %sign3A_542 = arith.extui %sign3A_541 : i1 to i32
    %sign3A_543 = arith.constant 0 : i32
    %sign3A_544 = arith.cmpi slt, %add3A_537, %sign3A_543 : i32
    %sign3A_545 = arith.extui %sign3A_544 : i1 to i32
    %sign3A_546 = arith.subi %sign3A_542, %sign3A_545 : i32
    %sign3A_547 = arith.constant 0 : i32
    %sign3A_548 = arith.cmpi sgt, %jit3A_538, %sign3A_547 : i32
    %sign3A_549 = arith.extui %sign3A_548 : i1 to i32
    %sign3A_550 = arith.constant 0 : i32
    %sign3A_551 = arith.cmpi slt, %jit3A_538, %sign3A_550 : i32
    %sign3A_552 = arith.extui %sign3A_551 : i1 to i32
    %sign3A_553 = arith.subi %sign3A_549, %sign3A_552 : i32
    %ne3A_554 = arith.cmpi ne, %sign3A_546, %sign3A_553 : i32
    %rem3A_555 = arith.remsi %add3A_537, %jit3A_538 : i32
    %ne3A_556 = arith.constant 0 : i32
    %ne3A_557 = arith.cmpi ne, %rem3A_555, %ne3A_556 : i32
    %and3A_558 = arith.andi %ne3A_554, %ne3A_557 : i1
    %sub3A_559 = arith.constant 1 : i32
    %sub3A_560 = arith.subi %div3A_539, %sub3A_559 : i32
    %select_n3A_561 = arith.select %and3A_558, %sub3A_560, %div3A_539 : i32
    %dma_start3A_562 = arith.constant 0 : i32
    %dma_start3A_563 = tpu.memref_slice %arg7[%dma_start3A_562] : memref<20224xi32, #tpu.memory_space<vmem>> -> memref<128xi32, #tpu.memory_space<vmem>>
    %dma_start3A_564 = arith.constant 0 : i32
    %dma_start3A_565 = arith.constant 0 : i32
    %dma_start3A_566 = tpu.memref_slice %arg2[%dma_start3A_564, %dma_start3A_565] : memref<10000x128xf32, #tpu.memory_space<hbm>> -> memref<10000x128xf32, #tpu.memory_space<hbm>>
    tpu.enqueue_indirect_dma source(%dma_start3A_566 : memref<10000x128xf32, #tpu.memory_space<hbm>>) target(%arg9 : memref<128x128xf32, #tpu.memory_space<vmem>>) offsets(%dma_start3A_563 : memref<128xi32, #tpu.memory_space<vmem>>) semaphore(%arg12 : memref<!tpu.dma_semaphore, #tpu.memory_space<semaphore_mem>>)
    %while3A_567 = arith.constant 0 : i32
    %while3A_568 = arith.constant 0 : i32
    %while3A_569 = arith.subi %select_n3A_561, %while3A_568 : i32
    %while3A_570 = arith.addi %while3A_568, %while3A_569 : i32
    %while3A_571 = arith.constant 1 : i32
    %while3A_572 = arith.divsi %while3A_569, %while3A_571 : i32
    %while3A_573 = arith.muli %while3A_572, %while3A_571 : i32
    %while3A_574 = arith.addi %while3A_568, %while3A_573 : i32
    %while3A_575 = arith.constant 1 : i32
    scf.for %while3A_583 = %while3A_568 to %while3A_574 step %while3A_575  : i32 {
      %mul3A_584 = arith.constant 2 : i32
      %mul3A_585 = arith.muli %mul3A_584, %while3A_583 : i32
      %add3A_586 = arith.constant 1 : i32
      %add3A_587 = arith.addi %mul3A_585, %add3A_586 : i32
      %lt3A = arith.cmpi slt, %add3A_587, %add3A_534 : i32
      %convert_element_type3A_588 = arith.extui %lt3A : i1 to i32
      %cond3A_589 = arith.constant 0 : i32
      %cond3A_590 = arith.cmpi ne, %convert_element_type3A_588, %cond3A_589 : i32
      scf.if %cond3A_590 {
        %add3A_609 = arith.constant 1 : i32
        %add3A_610 = arith.addi %mul3A_585, %add3A_609 : i32
        %mul3A_611 = arith.constant 128 : i32
        %mul3A_612 = arith.muli %add3A_610, %mul3A_611 : i32
        %dma_start3A_613 = tpu.memref_slice %arg7[%mul3A_612] : memref<20224xi32, #tpu.memory_space<vmem>> -> memref<128xi32, #tpu.memory_space<vmem>>
        %dma_start3A_614 = arith.constant 0 : i32
        %dma_start3A_615 = arith.constant 0 : i32
        %dma_start3A_616 = tpu.memref_slice %arg2[%dma_start3A_614, %dma_start3A_615] : memref<10000x128xf32, #tpu.memory_space<hbm>> -> memref<10000x128xf32, #tpu.memory_space<hbm>>
        tpu.enqueue_indirect_dma source(%dma_start3A_616 : memref<10000x128xf32, #tpu.memory_space<hbm>>) target(%arg10 : memref<128x128xf32, #tpu.memory_space<vmem>>) offsets(%dma_start3A_613 : memref<128xi32, #tpu.memory_space<vmem>>) semaphore(%arg13 : memref<!tpu.dma_semaphore, #tpu.memory_space<semaphore_mem>>)
      } else {
      }
      %dma_wait3A = arith.constant 0 : i32
      %dma_wait3A_591 = tpu.memref_slice %arg7[%dma_wait3A] : memref<20224xi32, #tpu.memory_space<vmem>> -> memref<128xi32, #tpu.memory_space<vmem>>
      %dma_wait3A_592 = arith.constant 0 : i32
      %dma_wait3A_593 = arith.constant 0 : i32
      %dma_wait3A_594 = tpu.memref_slice %arg2[%dma_wait3A_592, %dma_wait3A_593] : memref<10000x128xf32, #tpu.memory_space<hbm>> -> memref<10000x128xf32, #tpu.memory_space<hbm>>
      tpu.wait_indirect_dma semaphore(%arg12 : memref<!tpu.dma_semaphore, #tpu.memory_space<semaphore_mem>>) src(%dma_wait3A_594 : memref<10000x128xf32, #tpu.memory_space<hbm>>) dst(%arg9 : memref<128x128xf32, #tpu.memory_space<vmem>>)
      %mul3A_595 = arith.constant 128 : i32
      %mul3A_596 = arith.muli %mul3A_585, %mul3A_595 : i32
      "tpu.region"() ({
        %run_scoped3A = tpu.sem_alloc : memref<!tpu.dma_semaphore, #tpu.memory_space<semaphore_mem>>
        %dma_start3A_609 = tpu.memref_slice %arg8[%mul3A_596] : memref<20224xi32, #tpu.memory_space<vmem>> -> memref<128xi32, #tpu.memory_space<vmem>>
        %dma_start3A_610 = arith.constant 0 : i32
        %dma_start3A_611 = arith.constant 0 : i32
        %dma_start3A_612 = tpu.memref_slice %arg11[%dma_start3A_610, %dma_start3A_611] : memref<2568x128xf32, #tpu.memory_space<vmem_shared>> -> memref<2568x128xf32, #tpu.memory_space<vmem_shared>>
        tpu.enqueue_indirect_dma source(%arg9 : memref<128x128xf32, #tpu.memory_space<vmem>>) target(%dma_start3A_612 : memref<2568x128xf32, #tpu.memory_space<vmem_shared>>) offsets(%dma_start3A_609 : memref<128xi32, #tpu.memory_space<vmem>>) semaphore(%run_scoped3A : memref<!tpu.dma_semaphore, #tpu.memory_space<semaphore_mem>>) {add = true}
        %dma_wait3A_613 = tpu.memref_slice %arg8[%mul3A_596] : memref<20224xi32, #tpu.memory_space<vmem>> -> memref<128xi32, #tpu.memory_space<vmem>>
        %dma_wait3A_614 = arith.constant 0 : i32
        %dma_wait3A_615 = arith.constant 0 : i32
        %dma_wait3A_616 = tpu.memref_slice %arg11[%dma_wait3A_614, %dma_wait3A_615] : memref<2568x128xf32, #tpu.memory_space<vmem_shared>> -> memref<2568x128xf32, #tpu.memory_space<vmem_shared>>
        tpu.wait_indirect_dma semaphore(%run_scoped3A : memref<!tpu.dma_semaphore, #tpu.memory_space<semaphore_mem>>) src(%arg9 : memref<128x128xf32, #tpu.memory_space<vmem>>) dst(%dma_wait3A_616 : memref<2568x128xf32, #tpu.memory_space<vmem_shared>>)
        tpu.yield
      }) : () -> ()
      %add3A_597 = arith.constant 2 : i32
      %add3A_598 = arith.addi %mul3A_585, %add3A_597 : i32
      %lt3A_599 = arith.cmpi slt, %add3A_598, %add3A_534 : i32
      %convert_element_type3A_600 = arith.extui %lt3A_599 : i1 to i32
      %cond3A_601 = arith.constant 0 : i32
      %cond3A_602 = arith.cmpi ne, %convert_element_type3A_600, %cond3A_601 : i32
      scf.if %cond3A_602 {
        %add3A_609 = arith.constant 2 : i32
        %add3A_610 = arith.addi %mul3A_585, %add3A_609 : i32
        %mul3A_611 = arith.constant 128 : i32
        %mul3A_612 = arith.muli %add3A_610, %mul3A_611 : i32
        %dma_start3A_613 = tpu.memref_slice %arg7[%mul3A_612] : memref<20224xi32, #tpu.memory_space<vmem>> -> memref<128xi32, #tpu.memory_space<vmem>>
        %dma_start3A_614 = arith.constant 0 : i32
        %dma_start3A_615 = arith.constant 0 : i32
        %dma_start3A_616 = tpu.memref_slice %arg2[%dma_start3A_614, %dma_start3A_615] : memref<10000x128xf32, #tpu.memory_space<hbm>> -> memref<10000x128xf32, #tpu.memory_space<hbm>>
        tpu.enqueue_indirect_dma source(%dma_start3A_616 : memref<10000x128xf32, #tpu.memory_space<hbm>>) target(%arg9 : memref<128x128xf32, #tpu.memory_space<vmem>>) offsets(%dma_start3A_613 : memref<128xi32, #tpu.memory_space<vmem>>) semaphore(%arg12 : memref<!tpu.dma_semaphore, #tpu.memory_space<semaphore_mem>>)
      } else {
      }
      %add3A_603 = arith.constant 1 : i32
      %add3A_604 = arith.addi %mul3A_585, %add3A_603 : i32
      %lt3A_605 = arith.cmpi slt, %add3A_604, %add3A_534 : i32
      %convert_element_type3A_606 = arith.extui %lt3A_605 : i1 to i32
      %cond3A_607 = arith.constant 0 : i32
      %cond3A_608 = arith.cmpi ne, %convert_element_type3A_606, %cond3A_607 : i32
      scf.if %cond3A_608 {
        %dma_wait3A_609 = arith.constant 0 : i32
        %dma_wait3A_610 = tpu.memref_slice %arg7[%dma_wait3A_609] : memref<20224xi32, #tpu.memory_space<vmem>> -> memref<128xi32, #tpu.memory_space<vmem>>
        %dma_wait3A_611 = arith.constant 0 : i32
        %dma_wait3A_612 = arith.constant 0 : i32
        %dma_wait3A_613 = tpu.memref_slice %arg2[%dma_wait3A_611, %dma_wait3A_612] : memref<10000x128xf32, #tpu.memory_space<hbm>> -> memref<10000x128xf32, #tpu.memory_space<hbm>>
        tpu.wait_indirect_dma semaphore(%arg13 : memref<!tpu.dma_semaphore, #tpu.memory_space<semaphore_mem>>) src(%dma_wait3A_613 : memref<10000x128xf32, #tpu.memory_space<hbm>>) dst(%arg10 : memref<128x128xf32, #tpu.memory_space<vmem>>)
        %add3A_614 = arith.constant 1 : i32
        %add3A_615 = arith.addi %mul3A_585, %add3A_614 : i32
        %mul3A_616 = arith.constant 128 : i32
        %mul3A_617 = arith.muli %add3A_615, %mul3A_616 : i32
        "tpu.region"() ({
          %run_scoped3A = tpu.sem_alloc : memref<!tpu.dma_semaphore, #tpu.memory_space<semaphore_mem>>
          %dma_start3A_618 = tpu.memref_slice %arg8[%mul3A_617] : memref<20224xi32, #tpu.memory_space<vmem>> -> memref<128xi32, #tpu.memory_space<vmem>>
          %dma_start3A_619 = arith.constant 0 : i32
          %dma_start3A_620 = arith.constant 0 : i32
          %dma_start3A_621 = tpu.memref_slice %arg11[%dma_start3A_619, %dma_start3A_620] : memref<2568x128xf32, #tpu.memory_space<vmem_shared>> -> memref<2568x128xf32, #tpu.memory_space<vmem_shared>>
          tpu.enqueue_indirect_dma source(%arg10 : memref<128x128xf32, #tpu.memory_space<vmem>>) target(%dma_start3A_621 : memref<2568x128xf32, #tpu.memory_space<vmem_shared>>) offsets(%dma_start3A_618 : memref<128xi32, #tpu.memory_space<vmem>>) semaphore(%run_scoped3A : memref<!tpu.dma_semaphore, #tpu.memory_space<semaphore_mem>>) {add = true}
          %dma_wait3A_622 = tpu.memref_slice %arg8[%mul3A_617] : memref<20224xi32, #tpu.memory_space<vmem>> -> memref<128xi32, #tpu.memory_space<vmem>>
          %dma_wait3A_623 = arith.constant 0 : i32
          %dma_wait3A_624 = arith.constant 0 : i32
          %dma_wait3A_625 = tpu.memref_slice %arg11[%dma_wait3A_623, %dma_wait3A_624] : memref<2568x128xf32, #tpu.memory_space<vmem_shared>> -> memref<2568x128xf32, #tpu.memory_space<vmem_shared>>
          tpu.wait_indirect_dma semaphore(%run_scoped3A : memref<!tpu.dma_semaphore, #tpu.memory_space<semaphore_mem>>) src(%arg10 : memref<128x128xf32, #tpu.memory_space<vmem>>) dst(%dma_wait3A_625 : memref<2568x128xf32, #tpu.memory_space<vmem_shared>>)
          tpu.yield
        }) : () -> ()
      } else {
      }
    }
    %while3A_576 = arith.constant 1 : i32
    scf.for %while3A_583 = %while3A_574 to %while3A_570 step %while3A_576  : i32 {
      %mul3A_584 = arith.constant 2 : i32
      %mul3A_585 = arith.muli %mul3A_584, %while3A_583 : i32
      %add3A_586 = arith.constant 1 : i32
      %add3A_587 = arith.addi %mul3A_585, %add3A_586 : i32
      %lt3A = arith.cmpi slt, %add3A_587, %add3A_534 : i32
      %convert_element_type3A_588 = arith.extui %lt3A : i1 to i32
      %cond3A_589 = arith.constant 0 : i32
      %cond3A_590 = arith.cmpi ne, %convert_element_type3A_588, %cond3A_589 : i32
      scf.if %cond3A_590 {
        %add3A_609 = arith.constant 1 : i32
        %add3A_610 = arith.addi %mul3A_585, %add3A_609 : i32
        %mul3A_611 = arith.constant 128 : i32
        %mul3A_612 = arith.muli %add3A_610, %mul3A_611 : i32
        %dma_start3A_613 = tpu.memref_slice %arg7[%mul3A_612] : memref<20224xi32, #tpu.memory_space<vmem>> -> memref<128xi32, #tpu.memory_space<vmem>>
        %dma_start3A_614 = arith.constant 0 : i32
        %dma_start3A_615 = arith.constant 0 : i32
        %dma_start3A_616 = tpu.memref_slice %arg2[%dma_start3A_614, %dma_start3A_615] : memref<10000x128xf32, #tpu.memory_space<hbm>> -> memref<10000x128xf32, #tpu.memory_space<hbm>>
        tpu.enqueue_indirect_dma source(%dma_start3A_616 : memref<10000x128xf32, #tpu.memory_space<hbm>>) target(%arg10 : memref<128x128xf32, #tpu.memory_space<vmem>>) offsets(%dma_start3A_613 : memref<128xi32, #tpu.memory_space<vmem>>) semaphore(%arg13 : memref<!tpu.dma_semaphore, #tpu.memory_space<semaphore_mem>>)
      } else {
      }
      %dma_wait3A = arith.constant 0 : i32
      %dma_wait3A_591 = tpu.memref_slice %arg7[%dma_wait3A] : memref<20224xi32, #tpu.memory_space<vmem>> -> memref<128xi32, #tpu.memory_space<vmem>>
      %dma_wait3A_592 = arith.constant 0 : i32
      %dma_wait3A_593 = arith.constant 0 : i32
      %dma_wait3A_594 = tpu.memref_slice %arg2[%dma_wait3A_592, %dma_wait3A_593] : memref<10000x128xf32, #tpu.memory_space<hbm>> -> memref<10000x128xf32, #tpu.memory_space<hbm>>
      tpu.wait_indirect_dma semaphore(%arg12 : memref<!tpu.dma_semaphore, #tpu.memory_space<semaphore_mem>>) src(%dma_wait3A_594 : memref<10000x128xf32, #tpu.memory_space<hbm>>) dst(%arg9 : memref<128x128xf32, #tpu.memory_space<vmem>>)
      %mul3A_595 = arith.constant 128 : i32
      %mul3A_596 = arith.muli %mul3A_585, %mul3A_595 : i32
      "tpu.region"() ({
        %run_scoped3A = tpu.sem_alloc : memref<!tpu.dma_semaphore, #tpu.memory_space<semaphore_mem>>
        %dma_start3A_609 = tpu.memref_slice %arg8[%mul3A_596] : memref<20224xi32, #tpu.memory_space<vmem>> -> memref<128xi32, #tpu.memory_space<vmem>>
        %dma_start3A_610 = arith.constant 0 : i32
        %dma_start3A_611 = arith.constant 0 : i32
        %dma_start3A_612 = tpu.memref_slice %arg11[%dma_start3A_610, %dma_start3A_611] : memref<2568x128xf32, #tpu.memory_space<vmem_shared>> -> memref<2568x128xf32, #tpu.memory_space<vmem_shared>>
        tpu.enqueue_indirect_dma source(%arg9 : memref<128x128xf32, #tpu.memory_space<vmem>>) target(%dma_start3A_612 : memref<2568x128xf32, #tpu.memory_space<vmem_shared>>) offsets(%dma_start3A_609 : memref<128xi32, #tpu.memory_space<vmem>>) semaphore(%run_scoped3A : memref<!tpu.dma_semaphore, #tpu.memory_space<semaphore_mem>>) {add = true}
        %dma_wait3A_613 = tpu.memref_slice %arg8[%mul3A_596] : memref<20224xi32, #tpu.memory_space<vmem>> -> memref<128xi32, #tpu.memory_space<vmem>>
        %dma_wait3A_614 = arith.constant 0 : i32
        %dma_wait3A_615 = arith.constant 0 : i32
        %dma_wait3A_616 = tpu.memref_slice %arg11[%dma_wait3A_614, %dma_wait3A_615] : memref<2568x128xf32, #tpu.memory_space<vmem_shared>> -> memref<2568x128xf32, #tpu.memory_space<vmem_shared>>
        tpu.wait_indirect_dma semaphore(%run_scoped3A : memref<!tpu.dma_semaphore, #tpu.memory_space<semaphore_mem>>) src(%arg9 : memref<128x128xf32, #tpu.memory_space<vmem>>) dst(%dma_wait3A_616 : memref<2568x128xf32, #tpu.memory_space<vmem_shared>>)
        tpu.yield
      }) : () -> ()
      %add3A_597 = arith.constant 2 : i32
      %add3A_598 = arith.addi %mul3A_585, %add3A_597 : i32
      %lt3A_599 = arith.cmpi slt, %add3A_598, %add3A_534 : i32
      %convert_element_type3A_600 = arith.extui %lt3A_599 : i1 to i32
      %cond3A_601 = arith.constant 0 : i32
      %cond3A_602 = arith.cmpi ne, %convert_element_type3A_600, %cond3A_601 : i32
      scf.if %cond3A_602 {
        %add3A_609 = arith.constant 2 : i32
        %add3A_610 = arith.addi %mul3A_585, %add3A_609 : i32
        %mul3A_611 = arith.constant 128 : i32
        %mul3A_612 = arith.muli %add3A_610, %mul3A_611 : i32
        %dma_start3A_613 = tpu.memref_slice %arg7[%mul3A_612] : memref<20224xi32, #tpu.memory_space<vmem>> -> memref<128xi32, #tpu.memory_space<vmem>>
        %dma_start3A_614 = arith.constant 0 : i32
        %dma_start3A_615 = arith.constant 0 : i32
        %dma_start3A_616 = tpu.memref_slice %arg2[%dma_start3A_614, %dma_start3A_615] : memref<10000x128xf32, #tpu.memory_space<hbm>> -> memref<10000x128xf32, #tpu.memory_space<hbm>>
        tpu.enqueue_indirect_dma source(%dma_start3A_616 : memref<10000x128xf32, #tpu.memory_space<hbm>>) target(%arg9 : memref<128x128xf32, #tpu.memory_space<vmem>>) offsets(%dma_start3A_613 : memref<128xi32, #tpu.memory_space<vmem>>) semaphore(%arg12 : memref<!tpu.dma_semaphore, #tpu.memory_space<semaphore_mem>>)
      } else {
      }
      %add3A_603 = arith.constant 1 : i32
      %add3A_604 = arith.addi %mul3A_585, %add3A_603 : i32
      %lt3A_605 = arith.cmpi slt, %add3A_604, %add3A_534 : i32
      %convert_element_type3A_606 = arith.extui %lt3A_605 : i1 to i32
      %cond3A_607 = arith.constant 0 : i32
      %cond3A_608 = arith.cmpi ne, %convert_element_type3A_606, %cond3A_607 : i32
      scf.if %cond3A_608 {
        %dma_wait3A_609 = arith.constant 0 : i32
        %dma_wait3A_610 = tpu.memref_slice %arg7[%dma_wait3A_609] : memref<20224xi32, #tpu.memory_space<vmem>> -> memref<128xi32, #tpu.memory_space<vmem>>
        %dma_wait3A_611 = arith.constant 0 : i32
        %dma_wait3A_612 = arith.constant 0 : i32
        %dma_wait3A_613 = tpu.memref_slice %arg2[%dma_wait3A_611, %dma_wait3A_612] : memref<10000x128xf32, #tpu.memory_space<hbm>> -> memref<10000x128xf32, #tpu.memory_space<hbm>>
        tpu.wait_indirect_dma semaphore(%arg13 : memref<!tpu.dma_semaphore, #tpu.memory_space<semaphore_mem>>) src(%dma_wait3A_613 : memref<10000x128xf32, #tpu.memory_space<hbm>>) dst(%arg10 : memref<128x128xf32, #tpu.memory_space<vmem>>)
        %add3A_614 = arith.constant 1 : i32
        %add3A_615 = arith.addi %mul3A_585, %add3A_614 : i32
        %mul3A_616 = arith.constant 128 : i32
        %mul3A_617 = arith.muli %add3A_615, %mul3A_616 : i32
        "tpu.region"() ({
          %run_scoped3A = tpu.sem_alloc : memref<!tpu.dma_semaphore, #tpu.memory_space<semaphore_mem>>
          %dma_start3A_618 = tpu.memref_slice %arg8[%mul3A_617] : memref<20224xi32, #tpu.memory_space<vmem>> -> memref<128xi32, #tpu.memory_space<vmem>>
          %dma_start3A_619 = arith.constant 0 : i32
          %dma_start3A_620 = arith.constant 0 : i32
          %dma_start3A_621 = tpu.memref_slice %arg11[%dma_start3A_619, %dma_start3A_620] : memref<2568x128xf32, #tpu.memory_space<vmem_shared>> -> memref<2568x128xf32, #tpu.memory_space<vmem_shared>>
          tpu.enqueue_indirect_dma source(%arg10 : memref<128x128xf32, #tpu.memory_space<vmem>>) target(%dma_start3A_621 : memref<2568x128xf32, #tpu.memory_space<vmem_shared>>) offsets(%dma_start3A_618 : memref<128xi32, #tpu.memory_space<vmem>>) semaphore(%run_scoped3A : memref<!tpu.dma_semaphore, #tpu.memory_space<semaphore_mem>>) {add = true}
          %dma_wait3A_622 = tpu.memref_slice %arg8[%mul3A_617] : memref<20224xi32, #tpu.memory_space<vmem>> -> memref<128xi32, #tpu.memory_space<vmem>>
          %dma_wait3A_623 = arith.constant 0 : i32
          %dma_wait3A_624 = arith.constant 0 : i32
          %dma_wait3A_625 = tpu.memref_slice %arg11[%dma_wait3A_623, %dma_wait3A_624] : memref<2568x128xf32, #tpu.memory_space<vmem_shared>> -> memref<2568x128xf32, #tpu.memory_space<vmem_shared>>
          tpu.wait_indirect_dma semaphore(%run_scoped3A : memref<!tpu.dma_semaphore, #tpu.memory_space<semaphore_mem>>) src(%arg10 : memref<128x128xf32, #tpu.memory_space<vmem>>) dst(%dma_wait3A_625 : memref<2568x128xf32, #tpu.memory_space<vmem_shared>>)
          tpu.yield
        }) : () -> ()
      } else {
      }
    }
    %barrier3A_577 = arith.constant 0 : index
    tpu.barrier barrier_id(%barrier3A_577)
    %eq3A_578 = arith.constant 1 : i32
    %eq3A_579 = arith.cmpi eq, %arg1, %eq3A_578 : i32
    %convert_element_type3A_580 = arith.extui %eq3A_579 : i1 to i32
    %cond3A_581 = arith.constant 0 : i32
    %cond3A_582 = arith.cmpi ne, %convert_element_type3A_580, %cond3A_581 : i32
    scf.if %cond3A_582 {
      %mul3A_583 = arith.constant 5008 : i32
      %mul3A_584 = arith.muli %arg0, %mul3A_583 : i32
      %add3A_585 = arith.constant 2504 : i32
      %add3A_586 = arith.addi %mul3A_584, %add3A_585 : i32
      "tpu.region"() ({
        %run_scoped3A = tpu.sem_alloc : memref<!tpu.dma_semaphore, #tpu.memory_space<semaphore_mem>>
        %dma_start3A_587 = arith.constant 0 : i32
        %dma_start3A_588 = tpu.memref_slice %arg6[%add3A_586, %dma_start3A_587] : memref<10016x128xf32, #tpu.memory_space<hbm>> -> memref<2504x128xf32, #tpu.memory_space<hbm>>
        %dma_start3A_589 = arith.constant 0 : i32
        %dma_start3A_590 = arith.constant 0 : i32
        %dma_start3A_591 = tpu.memref_slice %arg11[%dma_start3A_589, %dma_start3A_590] : memref<2568x128xf32, #tpu.memory_space<vmem_shared>> -> memref<2504x128xf32, #tpu.memory_space<vmem_shared>>
        tpu.enqueue_dma source(%dma_start3A_591 : memref<2504x128xf32, #tpu.memory_space<vmem_shared>>) target(%dma_start3A_588 : memref<2504x128xf32, #tpu.memory_space<hbm>>) target_semaphore(%run_scoped3A : memref<!tpu.dma_semaphore, #tpu.memory_space<semaphore_mem>>)
        %dma_wait3A = arith.constant 0 : i32
        %dma_wait3A_592 = tpu.memref_slice %arg6[%add3A_586, %dma_wait3A] : memref<10016x128xf32, #tpu.memory_space<hbm>> -> memref<2504x128xf32, #tpu.memory_space<hbm>>
        %dma_wait3A_593 = arith.constant 0 : i32
        %dma_wait3A_594 = arith.constant 0 : i32
        %dma_wait3A_595 = tpu.memref_slice %arg11[%dma_wait3A_593, %dma_wait3A_594] : memref<2568x128xf32, #tpu.memory_space<vmem_shared>> -> memref<2504x128xf32, #tpu.memory_space<vmem_shared>>
        tpu.wait_dma2 semaphore(%run_scoped3A : memref<!tpu.dma_semaphore, #tpu.memory_space<semaphore_mem>>) src(%dma_wait3A_595 : memref<2504x128xf32, #tpu.memory_space<vmem_shared>>) dst(%dma_wait3A_592 : memref<2504x128xf32, #tpu.memory_space<hbm>>)
        tpu.yield
      }) : () -> ()
    } else {
    }
    return
  }
}

module attributes {stable_mosaic.version = 14 : i64} {
  func.func @body(%arg0: i32, %arg1: memref<32x1000x16xf32, #tpu.memory_space<vmem>>, %arg2: memref<1000x128xf32, #tpu.memory_space<vmem>>, %arg3: memref<1000x128xf32, #tpu.memory_space<vmem>>, %arg4: memref<1000x8xf32, #tpu.memory_space<vmem>>) attributes {dimension_semantics = [#tpu.dimension_semantics<arbitrary>], iteration_bounds = array<i64: 10>, scalar_prefetch = 0 : i64, scratch_operands = 0 : i64, tpu.core_type = #tpu.core_type<tc>, window_params = [{transform_indices = @transform_0, window_bounds = array<i64: 32, 1000, 16>}, {transform_indices = @transform_1, window_bounds = array<i64: 1000, 128>}, {transform_indices = @transform_2, window_bounds = array<i64: 1000, 128>}, {transform_indices = @transform_3, window_bounds = array<i64: 1000, 8>}]} {
    %get3A = arith.constant 0 : index
    %get3A_0 = arith.constant 0 : index
    %get3A_1 = arith.constant 0 : index
    %get3A_2 = vector.load %arg1[%get3A, %get3A_0, %get3A_1] : memref<32x1000x16xf32, #tpu.memory_space<vmem>>, vector<32x1000x16xf32>
    %reduce_sum3A = arith.constant dense<0.000000e+00> : vector<1000xf32>
    %reduce_sum3A_3 = vector.multi_reduction <add>, %get3A_2, %reduce_sum3A [0, 2] : vector<32x1000x16xf32> to vector<1000xf32>
    %add3A = arith.constant 1.000000e+00 : f32
    %add3A_4 = vector.broadcast %add3A : f32 to vector<1000xf32>
    %add3A_5 = arith.addf %reduce_sum3A_3, %add3A_4 : vector<1000xf32>
    %max3A = arith.constant 1.000000e+00 : f32
    %max3A_6 = vector.broadcast %max3A : f32 to vector<1000xf32>
    %max3A_7 = arith.maximumf %add3A_5, %max3A_6 : vector<1000xf32>
    %rsqrt3A = math.rsqrt %max3A_7 : vector<1000xf32>
    %get3A_8 = arith.constant 0 : index
    %get3A_9 = arith.constant 0 : index
    %get3A_10 = vector.load %arg2[%get3A_8, %get3A_9] : memref<1000x128xf32, #tpu.memory_space<vmem>>, vector<1000x128xf32>
    %broadcast_in_dim3A = vector.shape_cast %rsqrt3A : vector<1000xf32> to vector<1000x1xf32>
    %mul3A = vector.broadcast %broadcast_in_dim3A : vector<1000x1xf32> to vector<1000x128xf32>
    %mul3A_11 = arith.mulf %get3A_10, %mul3A : vector<1000x128xf32>
    %swap3A = arith.constant 0 : index
    %swap3A_12 = arith.constant 0 : index
    %swap3A_13 = vector.load %arg3[%swap3A, %swap3A_12] : memref<1000x128xf32, #tpu.memory_space<vmem>>, vector<1000x128xf32>
    tpu.vector_store %arg3[%swap3A, %swap3A_12], %mul3A_11 {strides = array<i32>} : memref<1000x128xf32, #tpu.memory_space<vmem>>, vector<1000x128xf32>,
    %broadcast_in_dim3A_14 = vector.shape_cast %rsqrt3A : vector<1000xf32> to vector<1000x1xf32>
    %broadcast_in_dim3A_15 = vector.shape_cast %broadcast_in_dim3A_14 : vector<1000x1xf32> to vector<1000x1xf32>
    %broadcast_in_dim3A_16 = vector.broadcast %broadcast_in_dim3A_15 : vector<1000x1xf32> to vector<1000x8xf32>
    %swap3A_17 = arith.constant 0 : index
    %swap3A_18 = arith.constant 0 : index
    %swap3A_19 = vector.load %arg4[%swap3A_17, %swap3A_18] : memref<1000x8xf32, #tpu.memory_space<vmem>>, vector<1000x8xf32>
    tpu.vector_store %arg4[%swap3A_17, %swap3A_18], %broadcast_in_dim3A_16 {strides = array<i32>} : memref<1000x8xf32, #tpu.memory_space<vmem>>, vector<1000x8xf32>,
    return
  }
  func.func @transform_0(%arg0: i32) -> (i32, i32, i32) {
    %c0_i32 = arith.constant 0 : i32
    %c0_i32_0 = arith.constant 0 : i32
    %c0_i32_1 = arith.constant 0 : i32
    return %c0_i32, %arg0, %c0_i32_0 : i32, i32, i32
  }
  func.func @transform_1(%arg0: i32) -> (i32, i32) {
    %c0_i32 = arith.constant 0 : i32
    %c0_i32_0 = arith.constant 0 : i32
    return %arg0, %c0_i32 : i32, i32
  }
  func.func @transform_2(%arg0: i32) -> (i32, i32) {
    %c0_i32 = arith.constant 0 : i32
    %c0_i32_0 = arith.constant 0 : i32
    return %arg0, %c0_i32 : i32, i32
  }
  func.func @transform_3(%arg0: i32) -> (i32, i32) {
    %c0_i32 = arith.constant 0 : i32
    %c0_i32_0 = arith.constant 0 : i32
    return %arg0, %c0_i32 : i32, i32
  }
}

module attributes {stable_mosaic.version = 14 : i64} {
  func.func @body(%arg0: i32, %arg1: i32, %arg2: memref<1000x8xf32, #tpu.memory_space<vmem>>, %arg3: memref<1000x128xf32, #tpu.memory_space<vmem>>, %arg4: memref<1000x128xf32, #tpu.memory_space<vmem>>, %arg5: memref<1x128x128xf32, #tpu.memory_space<vmem>>, %arg6: memref<1x1x128xf32, #tpu.memory_space<vmem>>, %arg7: memref<1x1000x128xf32, #tpu.memory_space<vmem>>) attributes {dimension_semantics = [#tpu.dimension_semantics<arbitrary>, #tpu.dimension_semantics<arbitrary>], iteration_bounds = array<i64: 10, 2>, scalar_prefetch = 0 : i64, scratch_operands = 0 : i64, tpu.core_type = #tpu.core_type<tc>, window_params = [{transform_indices = @transform_0, window_bounds = array<i64: 1000, 8>}, {transform_indices = @transform_1, window_bounds = array<i64: 1000, 128>}, {transform_indices = @transform_2, window_bounds = array<i64: 1000, 128>}, {transform_indices = @transform_3, window_bounds = array<i64: 1, 128, 128>}, {transform_indices = @transform_4, window_bounds = array<i64: 1, 1, 128>}, {transform_indices = @transform_5, window_bounds = array<i64: 1, 1000, 128>}]} {
    %get3A = arith.constant 0 : index
    %get3A_0 = arith.constant 0 : index
    %get3A_1 = vector.load %arg2[%get3A, %get3A_0] : memref<1000x8xf32, #tpu.memory_space<vmem>>, vector<1000x1xf32>
    %get3A_2 = vector.shape_cast %get3A_1 : vector<1000x1xf32> to vector<1000xf32>
    %get3A_3 = arith.constant 0 : index
    %get3A_4 = arith.constant 0 : index
    %get3A_5 = vector.load %arg4[%get3A_3, %get3A_4] : memref<1000x128xf32, #tpu.memory_space<vmem>>, vector<1000x128xf32>
    %get3A_6 = arith.constant 0 : index
    %get3A_7 = arith.constant 0 : index
    %get3A_8 = vector.load %arg3[%get3A_6, %get3A_7] : memref<1000x128xf32, #tpu.memory_space<vmem>>, vector<1000x128xf32>
    %add3A = arith.addf %get3A_5, %get3A_8 : vector<1000x128xf32>
    %get3A_9 = arith.constant 0 : index
    %get3A_10 = arith.constant 0 : index
    %get3A_11 = arith.constant 0 : index
    %get3A_12 = vector.load %arg5[%get3A_9, %get3A_10, %get3A_11] : memref<1x128x128xf32, #tpu.memory_space<vmem>>, vector<1x128x128xf32>
    %get3A_13 = vector.shape_cast %get3A_12 : vector<1x128x128xf32> to vector<128x128xf32>
    %dot_general3A = arith.constant dense<0.000000e+00> : vector<1000x128xf32>
    %dot_general3A_14 = tpu.matmul %add3A, %get3A_13, %dot_general3A {dimension_numbers = #tpu.dot_dimension_numbers<[1], [0], [0], [1], [0, 0, 1, 1], [], []>, transpose_lhs_hint = false} : vector<1000x128xf32>, vector<128x128xf32>, vector<1000x128xf32> -> vector<1000x128xf32>
    %broadcast_in_dim3A = vector.shape_cast %get3A_2 : vector<1000xf32> to vector<1000x1xf32>
    %mul3A = vector.broadcast %broadcast_in_dim3A : vector<1000x1xf32> to vector<1000x128xf32>
    %mul3A_15 = arith.mulf %dot_general3A_14, %mul3A : vector<1000x128xf32>
    %get3A_16 = arith.constant 0 : index
    %get3A_17 = arith.constant 0 : index
    %get3A_18 = arith.constant 0 : index
    %get3A_19 = vector.load %arg6[%get3A_16, %get3A_17, %get3A_18] : memref<1x1x128xf32, #tpu.memory_space<vmem>>, vector<1x1x128xf32>
    %get3A_20 = vector.shape_cast %get3A_19 : vector<1x1x128xf32> to vector<128xf32>
    %broadcast_in_dim3A_21 = vector.shape_cast %get3A_20 : vector<128xf32> to vector<1x128xf32>
    %add3A_22 = vector.broadcast %broadcast_in_dim3A_21 : vector<1x128xf32> to vector<1000x128xf32>
    %add3A_23 = arith.addf %mul3A_15, %add3A_22 : vector<1000x128xf32>
    %max3A = arith.constant 0.000000e+00 : f32
    %max3A_24 = vector.broadcast %max3A : f32 to vector<1000x128xf32>
    %max3A_25 = arith.maximumf %add3A_23, %max3A_24 : vector<1000x128xf32>
    %broadcast_in_dim3A_26 = vector.shape_cast %get3A_2 : vector<1000xf32> to vector<1000x1xf32>
    %mul3A_27 = vector.broadcast %broadcast_in_dim3A_26 : vector<1000x1xf32> to vector<1000x128xf32>
    %mul3A_28 = arith.mulf %max3A_25, %mul3A_27 : vector<1000x128xf32>
    %swap3A = arith.constant 0 : index
    %swap3A_29 = arith.constant 0 : index
    %swap3A_30 = arith.constant 0 : index
    %swap3A_31 = vector.load %arg7[%swap3A, %swap3A_29, %swap3A_30] : memref<1x1000x128xf32, #tpu.memory_space<vmem>>, vector<1x1000x128xf32>
    %swap3A_32 = vector.shape_cast %swap3A_31 : vector<1x1000x128xf32> to vector<1000x128xf32>
    %swap3A_33 = vector.shape_cast %mul3A_28 : vector<1000x128xf32> to vector<1x1000x128xf32>
    tpu.vector_store %arg7[%swap3A, %swap3A_29, %swap3A_30], %swap3A_33 {strides = array<i32>} : memref<1x1000x128xf32, #tpu.memory_space<vmem>>, vector<1x1000x128xf32>,
    return
  }
  func.func @transform_0(%arg0: i32, %arg1: i32) -> (i32, i32) {
    %c0_i32 = arith.constant 0 : i32
    %c0_i32_0 = arith.constant 0 : i32
    return %arg0, %c0_i32 : i32, i32
  }
  func.func @transform_1(%arg0: i32, %arg1: i32) -> (i32, i32) {
    %c0_i32 = arith.constant 0 : i32
    %c0_i32_0 = arith.constant 0 : i32
    return %arg0, %c0_i32 : i32, i32
  }
  func.func @transform_2(%arg0: i32, %arg1: i32) -> (i32, i32) {
    %c0_i32 = arith.constant 0 : i32
    %c0_i32_0 = arith.constant 0 : i32
    return %arg0, %c0_i32 : i32, i32
  }
  func.func @transform_3(%arg0: i32, %arg1: i32) -> (i32, i32, i32) {
    %c0_i32 = arith.constant 0 : i32
    %c0_i32_0 = arith.constant 0 : i32
    %c0_i32_1 = arith.constant 0 : i32
    return %arg1, %c0_i32, %c0_i32_0 : i32, i32, i32
  }
  func.func @transform_4(%arg0: i32, %arg1: i32) -> (i32, i32, i32) {
    %c0_i32 = arith.constant 0 : i32
    %c0_i32_0 = arith.constant 0 : i32
    %c0_i32_1 = arith.constant 0 : i32
    return %arg1, %c0_i32, %c0_i32_0 : i32, i32, i32
  }
  func.func @transform_5(%arg0: i32, %arg1: i32) -> (i32, i32, i32) {
    %c0_i32 = arith.constant 0 : i32
    %c0_i32_0 = arith.constant 0 : i32
    return %arg1, %arg0, %c0_i32 : i32, i32, i32
  }
}

module attributes {stable_mosaic.version = 14 : i64} {
  func.func @body(%arg0: i32, %arg1: memref<1000x8xf32, #tpu.memory_space<vmem>>, %arg2: memref<2x1000x128xf32, #tpu.memory_space<vmem>>, %arg3: memref<2x1000x128xf32, #tpu.memory_space<vmem>>, %arg4: memref<2x128x256xf32, #tpu.memory_space<vmem>>, %arg5: memref<1x256xf32, #tpu.memory_space<vmem>>, %arg6: memref<256x16xf32, #tpu.memory_space<vmem>>, %arg7: memref<1x16xf32, #tpu.memory_space<vmem>>, %arg8: memref<1x1x1000xi32, #tpu.memory_space<vmem>>, %arg9: memref<64x16xf32, #tpu.memory_space<vmem>>, %arg10: memref<64x256xf32, #tpu.memory_space<vmem>>, %arg11: memref<64x8xf32, #tpu.memory_space<vmem>>) attributes {dimension_semantics = [#tpu.dimension_semantics<arbitrary>], iteration_bounds = array<i64: 10>, scalar_prefetch = 0 : i64, scratch_operands = 2 : i64, tpu.core_type = #tpu.core_type<tc>, window_params = [{transform_indices = @transform_0, window_bounds = array<i64: 1000, 8>}, {transform_indices = @transform_1, window_bounds = array<i64: 2, 1000, 128>}, {transform_indices = @transform_2, window_bounds = array<i64: 2, 1000, 128>}, {pipeline_mode = #tpu.pipeline_mode<synchronous>, transform_indices = @transform_3, window_bounds = array<i64: 2, 128, 256>}, {pipeline_mode = #tpu.pipeline_mode<synchronous>, transform_indices = @transform_4, window_bounds = array<i64: 1, 256>}, {pipeline_mode = #tpu.pipeline_mode<synchronous>, transform_indices = @transform_5, window_bounds = array<i64: 256, 16>}, {pipeline_mode = #tpu.pipeline_mode<synchronous>, transform_indices = @transform_6, window_bounds = array<i64: 1, 16>}, {transform_indices = @transform_7, window_bounds = array<i64: 1, 1, 1000>}, {pipeline_mode = #tpu.pipeline_mode<synchronous>, transform_indices = @transform_8, window_bounds = array<i64: 64, 16>}]} {
    %eq3A = arith.constant 0 : i32
    %eq3A_0 = arith.cmpi eq, %arg0, %eq3A : i32
    %convert_element_type3A = arith.extui %eq3A_0 : i1 to i32
    %cond3A = arith.constant 0 : i32
    %cond3A_1 = arith.cmpi ne, %convert_element_type3A, %cond3A : i32
    scf.if %cond3A_1 {
      %broadcast_in_dim3A_104 = arith.constant 0.000000e+00 : f32
      %broadcast_in_dim3A_105 = vector.broadcast %broadcast_in_dim3A_104 : f32 to vector<64x256xf32>
      %swap3A_106 = arith.constant 0 : index
      %swap3A_107 = arith.constant 0 : index
      %swap3A_108 = vector.load %arg10[%swap3A_106, %swap3A_107] : memref<64x256xf32, #tpu.memory_space<vmem>>, vector<64x256xf32>
      tpu.vector_store %arg10[%swap3A_106, %swap3A_107], %broadcast_in_dim3A_105 {strides = array<i32>} : memref<64x256xf32, #tpu.memory_space<vmem>>, vector<64x256xf32>,
      %broadcast_in_dim3A_109 = arith.constant 0.000000e+00 : f32
      %broadcast_in_dim3A_110 = vector.broadcast %broadcast_in_dim3A_109 : f32 to vector<64x8xf32>
      %swap3A_111 = arith.constant 0 : index
      %swap3A_112 = arith.constant 0 : index
      %swap3A_113 = vector.load %arg11[%swap3A_111, %swap3A_112] : memref<64x8xf32, #tpu.memory_space<vmem>>, vector<64x8xf32>
      tpu.vector_store %arg11[%swap3A_111, %swap3A_112], %broadcast_in_dim3A_110 {strides = array<i32>} : memref<64x8xf32, #tpu.memory_space<vmem>>, vector<64x8xf32>,
    } else {
    }
    %get3A = arith.constant 0 : index
    %get3A_2 = arith.constant 0 : index
    %get3A_3 = vector.load %arg1[%get3A, %get3A_2] : memref<1000x8xf32, #tpu.memory_space<vmem>>, vector<1000x1xf32>
    %get3A_4 = vector.shape_cast %get3A_3 : vector<1000x1xf32> to vector<1000xf32>
    %get3A_5 = arith.constant 0 : index
    %get3A_6 = arith.constant 0 : index
    %get3A_7 = arith.constant 0 : index
    %get3A_8 = vector.load %arg3[%get3A_5, %get3A_6, %get3A_7] : memref<2x1000x128xf32, #tpu.memory_space<vmem>>, vector<1x1000x128xf32>
    %get3A_9 = vector.shape_cast %get3A_8 : vector<1x1000x128xf32> to vector<1000x128xf32>
    %get3A_10 = arith.constant 0 : index
    %get3A_11 = arith.constant 0 : index
    %get3A_12 = arith.constant 0 : index
    %get3A_13 = vector.load %arg2[%get3A_10, %get3A_11, %get3A_12] : memref<2x1000x128xf32, #tpu.memory_space<vmem>>, vector<1x1000x128xf32>
    %get3A_14 = vector.shape_cast %get3A_13 : vector<1x1000x128xf32> to vector<1000x128xf32>
    %add3A = arith.addf %get3A_9, %get3A_14 : vector<1000x128xf32>
    %get3A_15 = arith.constant 1 : index
    %get3A_16 = arith.constant 0 : index
    %get3A_17 = arith.constant 0 : index
    %get3A_18 = vector.load %arg3[%get3A_15, %get3A_16, %get3A_17] : memref<2x1000x128xf32, #tpu.memory_space<vmem>>, vector<1x1000x128xf32>
    %get3A_19 = vector.shape_cast %get3A_18 : vector<1x1000x128xf32> to vector<1000x128xf32>
    %get3A_20 = arith.constant 1 : index
    %get3A_21 = arith.constant 0 : index
    %get3A_22 = arith.constant 0 : index
    %get3A_23 = vector.load %arg2[%get3A_20, %get3A_21, %get3A_22] : memref<2x1000x128xf32, #tpu.memory_space<vmem>>, vector<1x1000x128xf32>
    %get3A_24 = vector.shape_cast %get3A_23 : vector<1x1000x128xf32> to vector<1000x128xf32>
    %add3A_25 = arith.addf %get3A_19, %get3A_24 : vector<1000x128xf32>
    %get3A_26 = arith.constant 0 : index
    %get3A_27 = arith.constant 0 : index
    %get3A_28 = arith.constant 0 : index
    %get3A_29 = vector.load %arg4[%get3A_26, %get3A_27, %get3A_28] : memref<2x128x256xf32, #tpu.memory_space<vmem>>, vector<1x128x256xf32>
    %get3A_30 = vector.shape_cast %get3A_29 : vector<1x128x256xf32> to vector<128x256xf32>
    %dot_general3A = arith.constant dense<0.000000e+00> : vector<1000x256xf32>
    %dot_general3A_31 = tpu.matmul %add3A, %get3A_30, %dot_general3A {dimension_numbers = #tpu.dot_dimension_numbers<[1], [0], [0], [1], [0, 0, 1, 1], [], []>, transpose_lhs_hint = false} : vector<1000x128xf32>, vector<128x256xf32>, vector<1000x256xf32> -> vector<1000x256xf32>
    %get3A_32 = arith.constant 1 : index
    %get3A_33 = arith.constant 0 : index
    %get3A_34 = arith.constant 0 : index
    %get3A_35 = vector.load %arg4[%get3A_32, %get3A_33, %get3A_34] : memref<2x128x256xf32, #tpu.memory_space<vmem>>, vector<1x128x256xf32>
    %get3A_36 = vector.shape_cast %get3A_35 : vector<1x128x256xf32> to vector<128x256xf32>
    %dot_general3A_37 = arith.constant dense<0.000000e+00> : vector<1000x256xf32>
    %dot_general3A_38 = tpu.matmul %add3A_25, %get3A_36, %dot_general3A_37 {dimension_numbers = #tpu.dot_dimension_numbers<[1], [0], [0], [1], [0, 0, 1, 1], [], []>, transpose_lhs_hint = false} : vector<1000x128xf32>, vector<128x256xf32>, vector<1000x256xf32> -> vector<1000x256xf32>
    %add3A_39 = arith.addf %dot_general3A_31, %dot_general3A_38 : vector<1000x256xf32>
    %broadcast_in_dim3A = vector.shape_cast %get3A_4 : vector<1000xf32> to vector<1000x1xf32>
    %mul3A = vector.broadcast %broadcast_in_dim3A : vector<1000x1xf32> to vector<1000x256xf32>
    %mul3A_40 = arith.mulf %add3A_39, %mul3A : vector<1000x256xf32>
    %get3A_41 = arith.constant 0 : index
    %get3A_42 = arith.constant 0 : index
    %get3A_43 = vector.load %arg5[%get3A_41, %get3A_42] : memref<1x256xf32, #tpu.memory_space<vmem>>, vector<1x256xf32>
    %get3A_44 = vector.shape_cast %get3A_43 : vector<1x256xf32> to vector<256xf32>
    %broadcast_in_dim3A_45 = vector.shape_cast %get3A_44 : vector<256xf32> to vector<1x256xf32>
    %add3A_46 = vector.broadcast %broadcast_in_dim3A_45 : vector<1x256xf32> to vector<1000x256xf32>
    %add3A_47 = arith.addf %mul3A_40, %add3A_46 : vector<1000x256xf32>
    %max3A = arith.constant 0.000000e+00 : f32
    %max3A_48 = vector.broadcast %max3A : f32 to vector<1000x256xf32>
    %max3A_49 = arith.maximumf %add3A_47, %max3A_48 : vector<1000x256xf32>
    %get3A_50 = arith.constant 0 : index
    %get3A_51 = arith.constant 0 : index
    %get3A_52 = arith.constant 0 : index
    %get3A_53 = vector.load %arg8[%get3A_50, %get3A_51, %get3A_52] : memref<1x1x1000xi32, #tpu.memory_space<vmem>>, vector<1x1x1000xi32>
    %get3A_54 = vector.shape_cast %get3A_53 : vector<1x1x1000xi32> to vector<1x1000xi32>
    %iota3A = tpu.iota {dimensions = array<i32: 0>} : vector<64x1xi32>
    %eq3A_55 = vector.broadcast %iota3A : vector<64x1xi32> to vector<64x1000xi32>
    %eq3A_56 = vector.broadcast %get3A_54 : vector<1x1000xi32> to vector<64x1000xi32>
    %eq3A_57 = arith.cmpi eq, %eq3A_55, %eq3A_56 : vector<64x1000xi32>
    %convert_element_type3A_58 = arith.extui %eq3A_57 : vector<64x1000xi1> to vector<64x1000xi32>
    %convert_element_type3A_59 = arith.sitofp %convert_element_type3A_58 : vector<64x1000xi32> to vector<64x1000xf32>
    %get3A_60 = arith.constant 0 : index
    %get3A_61 = arith.constant 0 : index
    %get3A_62 = vector.load %arg10[%get3A_60, %get3A_61] : memref<64x256xf32, #tpu.memory_space<vmem>>, vector<64x256xf32>
    %dot_general3A_63 = arith.constant dense<0.000000e+00> : vector<64x256xf32>
    %dot_general3A_64 = tpu.matmul %convert_element_type3A_59, %max3A_49, %dot_general3A_63 {dimension_numbers = #tpu.dot_dimension_numbers<[1], [0], [0], [1], [0, 0, 1, 1], [], []>, transpose_lhs_hint = false} : vector<64x1000xf32>, vector<1000x256xf32>, vector<64x256xf32> -> vector<64x256xf32>
    %add3A_65 = arith.addf %get3A_62, %dot_general3A_64 : vector<64x256xf32>
    %swap3A = arith.constant 0 : index
    %swap3A_66 = arith.constant 0 : index
    %swap3A_67 = vector.load %arg10[%swap3A, %swap3A_66] : memref<64x256xf32, #tpu.memory_space<vmem>>, vector<64x256xf32>
    tpu.vector_store %arg10[%swap3A, %swap3A_66], %add3A_65 {strides = array<i32>} : memref<64x256xf32, #tpu.memory_space<vmem>>, vector<64x256xf32>,
    %get3A_68 = arith.constant 0 : index
    %get3A_69 = arith.constant 0 : index
    %get3A_70 = vector.load %arg11[%get3A_68, %get3A_69] : memref<64x8xf32, #tpu.memory_space<vmem>>, vector<64x8xf32>
    %broadcast_in_dim3A_71 = arith.constant 1.000000e+00 : f32
    %broadcast_in_dim3A_72 = vector.broadcast %broadcast_in_dim3A_71 : f32 to vector<1000x8xf32>
    %dot_general3A_73 = arith.constant dense<0.000000e+00> : vector<64x8xf32>
    %dot_general3A_74 = tpu.matmul %convert_element_type3A_59, %broadcast_in_dim3A_72, %dot_general3A_73 {dimension_numbers = #tpu.dot_dimension_numbers<[1], [0], [0], [1], [0, 0, 1, 1], [], []>, transpose_lhs_hint = false} : vector<64x1000xf32>, vector<1000x8xf32>, vector<64x8xf32> -> vector<64x8xf32>
    %add3A_75 = arith.addf %get3A_70, %dot_general3A_74 : vector<64x8xf32>
    %swap3A_76 = arith.constant 0 : index
    %swap3A_77 = arith.constant 0 : index
    %swap3A_78 = vector.load %arg11[%swap3A_76, %swap3A_77] : memref<64x8xf32, #tpu.memory_space<vmem>>, vector<64x8xf32>
    tpu.vector_store %arg11[%swap3A_76, %swap3A_77], %add3A_75 {strides = array<i32>} : memref<64x8xf32, #tpu.memory_space<vmem>>, vector<64x8xf32>,
    %get3A_79 = arith.constant 0 : index
    %get3A_80 = arith.constant 0 : index
    %get3A_81 = vector.load %arg10[%get3A_79, %get3A_80] : memref<64x256xf32, #tpu.memory_space<vmem>>, vector<64x256xf32>
    %get3A_82 = arith.constant 0 : index
    %get3A_83 = arith.constant 0 : index
    %get3A_84 = vector.load %arg11[%get3A_82, %get3A_83] : memref<64x8xf32, #tpu.memory_space<vmem>>, vector<64x8xf32>
    %slice3A = vector.extract_strided_slice %get3A_84 {offsets = [0, 0], sizes = [64, 1], strides = [1, 1]} : vector<64x8xf32> to vector<64x1xf32>
    %max3A_85 = arith.constant 1.000000e+00 : f32
    %max3A_86 = vector.broadcast %max3A_85 : f32 to vector<64x1xf32>
    %max3A_87 = arith.maximumf %slice3A, %max3A_86 : vector<64x1xf32>
    %div3A = vector.broadcast %max3A_87 : vector<64x1xf32> to vector<64x256xf32>
    %div3A_88 = arith.divf %get3A_81, %div3A : vector<64x256xf32>
    %get3A_89 = arith.constant 0 : index
    %get3A_90 = arith.constant 0 : index
    %get3A_91 = vector.load %arg6[%get3A_89, %get3A_90] : memref<256x16xf32, #tpu.memory_space<vmem>>, vector<256x16xf32>
    %dot_general3A_92 = arith.constant dense<0.000000e+00> : vector<64x16xf32>
    %dot_general3A_93 = tpu.matmul %div3A_88, %get3A_91, %dot_general3A_92 {dimension_numbers = #tpu.dot_dimension_numbers<[1], [0], [0], [1], [0, 0, 1, 1], [], []>, transpose_lhs_hint = false} : vector<64x256xf32>, vector<256x16xf32>, vector<64x16xf32> -> vector<64x16xf32>
    %get3A_94 = arith.constant 0 : index
    %get3A_95 = arith.constant 0 : index
    %get3A_96 = vector.load %arg7[%get3A_94, %get3A_95] : memref<1x16xf32, #tpu.memory_space<vmem>>, vector<1x16xf32>
    %get3A_97 = vector.shape_cast %get3A_96 : vector<1x16xf32> to vector<16xf32>
    %broadcast_in_dim3A_98 = vector.shape_cast %get3A_97 : vector<16xf32> to vector<1x16xf32>
    %add3A_99 = vector.broadcast %broadcast_in_dim3A_98 : vector<1x16xf32> to vector<64x16xf32>
    %add3A_100 = arith.addf %dot_general3A_93, %add3A_99 : vector<64x16xf32>
    %swap3A_101 = arith.constant 0 : index
    %swap3A_102 = arith.constant 0 : index
    %swap3A_103 = vector.load %arg9[%swap3A_101, %swap3A_102] : memref<64x16xf32, #tpu.memory_space<vmem>>, vector<64x16xf32>
    tpu.vector_store %arg9[%swap3A_101, %swap3A_102], %add3A_100 {strides = array<i32>} : memref<64x16xf32, #tpu.memory_space<vmem>>, vector<64x16xf32>,
    return
  }
  func.func @transform_0(%arg0: i32) -> (i32, i32) {
    %c0_i32 = arith.constant 0 : i32
    %c0_i32_0 = arith.constant 0 : i32
    return %arg0, %c0_i32 : i32, i32
  }
  func.func @transform_1(%arg0: i32) -> (i32, i32, i32) {
    %c0_i32 = arith.constant 0 : i32
    %c0_i32_0 = arith.constant 0 : i32
    %c0_i32_1 = arith.constant 0 : i32
    return %c0_i32, %arg0, %c0_i32_0 : i32, i32, i32
  }
  func.func @transform_2(%arg0: i32) -> (i32, i32, i32) {
    %c0_i32 = arith.constant 0 : i32
    %c0_i32_0 = arith.constant 0 : i32
    %c0_i32_1 = arith.constant 0 : i32
    return %c0_i32, %arg0, %c0_i32_0 : i32, i32, i32
  }
  func.func @transform_3(%arg0: i32) -> (i32, i32, i32) {
    %c0_i32 = arith.constant 0 : i32
    %c0_i32_0 = arith.constant 0 : i32
    %c0_i32_1 = arith.constant 0 : i32
    %c0_i32_2 = arith.constant 0 : i32
    return %c0_i32, %c0_i32_0, %c0_i32_1 : i32, i32, i32
  }
  func.func @transform_4(%arg0: i32) -> (i32, i32) {
    %c0_i32 = arith.constant 0 : i32
    %c0_i32_0 = arith.constant 0 : i32
    %c0_i32_1 = arith.constant 0 : i32
    return %c0_i32, %c0_i32_0 : i32, i32
  }
  func.func @transform_5(%arg0: i32) -> (i32, i32) {
    %c0_i32 = arith.constant 0 : i32
    %c0_i32_0 = arith.constant 0 : i32
    %c0_i32_1 = arith.constant 0 : i32
    return %c0_i32, %c0_i32_0 : i32, i32
  }
  func.func @transform_6(%arg0: i32) -> (i32, i32) {
    %c0_i32 = arith.constant 0 : i32
    %c0_i32_0 = arith.constant 0 : i32
    %c0_i32_1 = arith.constant 0 : i32
    return %c0_i32, %c0_i32_0 : i32, i32
  }
  func.func @transform_7(%arg0: i32) -> (i32, i32, i32) {
    %c0_i32 = arith.constant 0 : i32
    %c0_i32_0 = arith.constant 0 : i32
    %c0_i32_1 = arith.constant 0 : i32
    return %arg0, %c0_i32, %c0_i32_0 : i32, i32, i32
  }
  func.func @transform_8(%arg0: i32) -> (i32, i32) {
    %c0_i32 = arith.constant 0 : i32
    %c0_i32_0 = arith.constant 0 : i32
    %c0_i32_1 = arith.constant 0 : i32
    return %c0_i32, %c0_i32_0 : i32, i32
  }
}

</mosaic_0001>

<sc_bundles>
// kernel: kernel.11.cloned.1.call-start
scs
__scs_entry_jumppad:
0x0: {  	(pc) =	sbr.rel $0x88, $3  }
0x1: {  	(tag) =	ssettag $0x0;
	lr =	simm.s32 $0x1  }
0x2: {  	[smem:$0x3F98] =	sst lr;
	_ =	strace $0xD0000000  }
0x3: {  	_ = 	snop  }
0x4: {  	_ = 	snop  }
0x5: {  	_ = 	snop  }
0x6: {  	_ = 	snop  }
0x7: {  	_ = 	snop  }
__scs_overlays_trampoline_lowered:
0x8: {  	[smem:$0x3FA7] =	sst s0  }
0x9: {  	[smem:$0x3FA8] =	sst s1  }
0xa: {  	[smem:$0x3FA9] =	sst s2  }
0xb: {  	[smem:$0x3FAA] =	sst s3  }
0xc: {  	[smem:$0x3FAB] =	sst s4  }
0xd: {  	[smem:$0x3FAC] =	sst s5  }
0xe: {  	[smem:$0x3FAD] =	sst s6  }
0xf: {  	[smem:$0x3FAE] =	sst s7  }
0x10: {  	[smem:$0x3FAF] =	sst s8  }
0x11: {  	[smem:$0x3FB0] =	sst s9;
	s0 =	simm.s32 @!p0 $0x0  }
0x12: {  	s1 =	sld [smem:$0x3F96];
	s0 =	simm.s32 @p0 $0x1  }
0x13: {  	[smem:$0x3FB1] =	sst s0;
	s0 =	simm.s32 @!p1 $0x0  }
0x14: {  	s2 =	sld [smem:$0x3F95];
	s0 =	simm.s32 @p1 $0x1  }
0x15: {  	[smem:$0x3FB2] =	sst s0;
	s0 =	simm.s32 @!p2 $0x0  }
0x16: {  	s3 =	sld [smem:$0x3FDB];
	s0 =	simm.s32 @p2 $0x1  }
0x17: {  	s4 =	simm.s32 $0x1BF5;
	[smem:$0x3FB4] =	sst s0  }
0x18: {  	s0 =	sld [smem:$0x3F97];
	_ =	swait.ge [sflag:s4], $0x0  }
0x19: {  	s7 =	sld [smem:$0x3F98]  }
0x1a: {  	s8 =	sadd.s32 $0xFFFFE003, lr  }
0x1b: {  	s9 =	sadd.s32 $0xFFFFFEF7, lr;
	s5 =	simm.s32 $0xFFFFFFFF;
	p2 =	slt.u32 s8, $0xFFFFF086  }
0x1c: {  	p1 =	slt.u32 s9, $0xF7A;
	s5 =	simm.s32 @!p2 $0x0  }
0x1d: {  	s5 =	simm.s32 @p1 $0x1;
	p0 =	seq.s32 s7, s2  }
0x1e: {  	s7 =	smul.u32 @!p0 $0xF7A, s2;
	p2 =	seq.s32 @!p0 s5, $0x0  }
0x1f: {  	s9 =	smul.u32 $0xF7A, s1;
	s8 =	simm.s32 @!p0 $0x1BF5;
	p2 =	por !p2, p0  }
0x20: {  	[sflag:s8] =	ssyncset.s32 @!p0 $0xFFFFF086;
	s6 =	sadd.s32 @!p0 s3, s7;
	s7 =	simm.s32 @!p0 $0x108  }
0x21: {  	s3 =	sadd.s32 s3, s9;
	s6 =	sadd.s32 @!p0 $0x88, s6;
	s7 =	simm.s32 @p2 $0x1082  }
0x22: {  	[simem:s7], [sflag:s8] =	dma.local @!p0 [hbm:s6], $0xF7A  }
0x23: {  	s9 =	sor.u32 $0xD0000000, s2;
	s6 =	simm.s32 $0x108;
	_ =	swait.ge @!p0 [sflag:s8], $0x0  }
0x24: {  	s3 =	sadd.s32 $0x88, s3;
	s6 =	simm.s32 @!p1 $0x1082;
	[sflag:s4] =	ssyncset.s32 $0xFFFFF086  }
0x25: {  	[simem:s6], [sflag:s4] =	dma.local [hbm:s3], $0xF7A  }
0x26: {  	[smem:$0x3F98] =	sst s1;
	(tag) =	ssettag s2;
	_ =	strace s9  }
0x27: {  	s1 =	sld [smem:$0x3FA8]  }
0x28: {  	s2 =	sld [smem:$0x3FA9]  }
0x29: {  	s4 =	sld [smem:$0x3FAB]  }
0x2a: {  	p0 =	seq.s32 s5, $0x0;
	s5 =	sld [smem:$0x3FAC]  }
0x2b: {  	s6 =	sld [smem:$0x3FAD]  }
0x2c: {  	s7 =	sld [smem:$0x3FAE]  }
0x2d: {  	s3 =	simm.s32 $0x108;
	s8 =	sld [smem:$0x3FAF]  }
0x2e: {  	s3 =	simm.s32 @!p0 $0x1082;
	s9 =	sld [smem:$0x3FB0]  }
0x2f: {  	lr =	sadd.s32 s0, s3;
	s0 =	sld [smem:$0x3FA7]  }
0x30: {  	s3 =	sld [smem:$0x3FAA]  }
0x31: {  	[smem:$0x3FB3] =	sst s10  }
0x32: {  	s10 =	sld [smem:$0x3FB1];
	_ =	sdelay $0x3  }
0x33: {  	p0 =	seq.s32 s10, $0x1;
	s10 =	sld [smem:$0x3FB3];
	_ =	sdelay $0x3  }
0x34: {  	[smem:$0x3FB3] =	sst s10  }
0x35: {  	s10 =	sld [smem:$0x3FB2];
	_ =	sdelay $0x3  }
0x36: {  	p1 =	seq.s32 s10, $0x1;
	s10 =	sld [smem:$0x3FB3];
	_ =	sdelay $0x3  }
0x37: {  	[smem:$0x3FB3] =	sst s10  }
0x38: {  	s10 =	sld [smem:$0x3FB4]  }
0x39: {  	_ = 	snop;
	(pc) =	sbr.ind lr, $3  }
0x3a: {  	_ = 	snop  }
0x3b: {  	_ = 	snop  }
0x3c: {  	p2 =	seq.s32 s10, $0x1;
	s10 =	sld [smem:$0x3FB3]  }
0x3d: {  	_ =	shalt  }
0x3e: {  	_ =	shalt  }
0x3f: {  	_ =	shalt  }
0x40: {  	_ =	shalt  }
0x41: {  	_ =	shalt  }
0x42: {  	_ =	shalt  }
0x43: {  	_ =	shalt  }
0x44: {  	_ =	shalt  }
0x45: {  	_ =	shalt  }
0x46: {  	_ =	shalt  }
0x47: {  	_ =	shalt  }
0x48: {  	_ =	shalt  }
0x49: {  	_ =	shalt  }
0x4a: {  	_ =	shalt  }
0x4b: {  	_ =	shalt  }
0x4c: {  	_ =	shalt  }
0x4d: {  	_ =	shalt  }
0x4e: {  	_ =	shalt  }
0x4f: {  	_ =	shalt  }
0x50: {  	_ =	shalt  }
0x51: {  	_ =	shalt  }
0x52: {  	_ =	shalt  }
0x53: {  	_ =	shalt  }
0x54: {  	_ =	shalt  }
0x55: {  	_ =	shalt  }
0x56: {  	_ =	shalt  }
0x57: {  	_ =	shalt  }
0x58: {  	_ =	shalt  }
0x59: {  	_ =	shalt  }
0x5a: {  	_ =	shalt  }
0x5b: {  	_ =	shalt  }
0x5c: {  	_ =	shalt  }
0x5d: {  	_ =	shalt  }
0x5e: {  	_ =	shalt  }
0x5f: {  	_ =	shalt  }
0x60: {  	_ =	shalt  }
0x61: {  	_ =	shalt  }
0x62: {  	_ =	shalt  }
0x63: {  	_ =	shalt  }
0x64: {  	_ =	shalt  }
0x65: {  	_ =	shalt  }
0x66: {  	_ =	shalt  }
0x67: {  	_ =	shalt  }
0x68: {  	_ =	shalt  }
0x69: {  	_ =	shalt  }
0x6a: {  	_ =	shalt  }
0x6b: {  	_ =	shalt  }
0x6c: {  	_ =	shalt  }
0x6d: {  	_ =	shalt  }
0x6e: {  	_ =	shalt  }
0x6f: {  	_ =	shalt  }
0x70: {  	_ =	shalt  }
0x71: {  	_ =	shalt  }
0x72: {  	_ =	shalt  }
0x73: {  	_ =	shalt  }
0x74: {  	_ =	shalt  }
0x75: {  	_ =	shalt  }
0x76: {  	_ =	shalt  }
0x77: {  	_ =	shalt  }
0x78: {  	_ =	shalt  }
0x79: {  	_ =	shalt  }
0x7a: {  	_ =	shalt  }
0x7b: {  	_ =	shalt  }
0x7c: {  	_ =	shalt  }
0x7d: {  	_ =	shalt  }
0x7e: {  	_ =	shalt  }
0x7f: {  	_ =	shalt  }
0x80: {  	_ =	shalt  }
0x81: {  	_ =	shalt  }
0x82: {  	_ =	shalt  }
0x83: {  	_ =	shalt  }
0x84: {  	_ =	shalt  }
0x85: {  	_ =	shalt  }
0x86: {  	_ =	shalt  }
0x87: {  	_ =	shalt  }
.Lfunc_end0:
.L_simem_size_0:
called_computation.1_lowered:
.L_overlay_start_0:
0x88: {  	s2 =	sld [smem:$0x3FD9]  }
0x89: {  	s3 =	sld [smem:$0x3FFE];
	_ =	sdelay $0x1  }
0x8a: {  	s1 =	srdreg.scid  }
0x8b: {  	s0 =	sand.u32 $0x1, s1  }
0x8c: {  	s16 =	sshll.u32 s0, $0xA;
	s2 =	sadd.s32 s3, s2  }
0x8d: {  	s2 =	sadd.s32 s2, s16  }
0x8e: {  	[smem:$0x3FBF] =	sst s2  }
0x8f: {  	_ = 	snop  }
0x90: {  	(tm) =	ssettm $0x1  }
0x91: {  	s17 =	sld [smem:$0x3FFB];
	_ =	sdelay $0x3  }
0x92: {  	_ =	strace s17  }
0x93: {  	s2 =	sld [smem:$0x3FFC];
	_ =	sdelay $0x3  }
0x94: {  	_ =	strace s2  }
0x95: {  	s2 =	sld [smem:$0x3FFD];
	_ =	sdelay $0x3  }
0x96: {  	_ =	strace s2  }
0x97: {  	_ =	strace $0x8FFFFFFF  }
0x98: {  	s18 =	sld [smem:$0x3FDB];
	_ =	sdelay $0x1  }
0x99: {  	s19 =	simm.s32 $_scs_section_size  }
0x9a: {  	s4 =	simm.s32 $_size__tile_overlayer_lowered;
	s5 =	simm.s32 $_tile_overlayer_lowered  }
0x9b: {  	s22 =	simm.s32 $0x1BFF;
	s21 =	sshll.u32 s5, $0x1;
	s2 =	sadd.s32 s19, s18  }
0x9c: {  	s6 =	simm.s32 $0x0;
	s20 =	sshll.u32 s4, $0x1;
	s4 =	sadd.s32 s21, s2  }
0x9d: {  	[timem:s6], [sflag:s22] =	dma.local [hbm:s4], s20  }
0x9e: {  	_ =	swait.ge [sflag:s22], s20  }
0x9f: {  	s3 =	ssub.s32 $0x0, s20;
	[sflag:s22] =	ssyncset.done $0x0  }
0xa0: {  	[sflag:s22] =	ssyncadd.s32 s3;
	_ =	sdelay $0x1  }
0xa1: {  	s23 =	simm.s32 $0x1B8B  }
0xa2: {  	_ =	swait.ge [sflag:s23], $0x1  }
0xa3: {  	[sflag:s23] =	ssyncset.done $0x0  }
0xa4: {  	s25 =	simm.s32 $0x1B8E;
	s24 =	sld [smem:$0x3FFE];
	[sflag:s23] =	ssyncadd.s32 $0xFFFFFFFF  }
0xa5: {  	s26 =	simm.s32 $execute0_lowered;
	[smem:$0x3FD2] =	sst s25  }
0xa6: {  	s4 =	sshll.u32 s26, $0x1;
	_ =	strace $0x80000049;
	[dreg:$0x1] =	wrdreg $0xFFFFFFFF  }
0xa7: {  	s28 =	simm.s32 $_size_execute0_lowered;
	s2 =	sadd.s32 s2, s4;
	[dreg:$0x0] =	wrdreg $0x0  }
0xa8: {  	s4 =	sshll.u32 s28, $0x1;
	[dreg:$0x2] =	wrdreg s2  }
0xa9: {  	[dreg:$0x3] =	wrdreg s4  }
0xaa: {  	[dreg:$0x4] =	wrdreg $0xC0  }
0xab: {  	_ =	task [dreg:s6], $0x5FFFF  }
0xac: {  	[dreg:$0x1] =	wrdreg $0xFFFFFFFF  }
0xad: {  	[dreg:$0x0] =	wrdreg $0x60  }
0xae: {  	[dreg:$0x2] =	wrdreg s24  }
0xaf: {  	[dreg:$0x3] =	wrdreg $0x11E000  }
0xb0: {  	[dreg:$0x4] =	wrdreg $0x9  }
0xb1: {  	_ =	task.clear_ibuf [dreg:s6], $0x5FFFF;
	_ =	strace $0x90000049  }
0xb2: {  	s29 =	simm.s32 $0x9;
	_ =	strace $0x8000004B  }
0xb3: {  	_ =	swait.ge [sflag:s29], $0x1  }
0xb4: {  	[sflag:s29] =	ssyncadd.s32 $0xFFFFFFFF  }
0xb5: {  	_ =	strace $0x9000004B  }
0xb6: {  	_ =	sfence  }
0xb7: {  	s30 =	sld [smem:$0x0];
	_ =	sdelay $0x2  }
0xb8: {  	s31 =	sshll.u32 s1, $0xD;
	s1 =	sshrl.u32 s1, $0x2  }
0xb9: {  	s3 =	sand.u32 $0x4000, s31;
	s1 =	sadd.s32 s1, s30  }
0xba: {  	s0 =	sor.u32 s3, s0;
	s1 =	sshll.u32 s1, $0x11  }
0xbb: {  	s0 =	sor.u32 s1, s0  }
0xbc: {  	s0 =	sadd.s32 $0x8F2B, s0  }
0xbd: {  	[sflag:s0] =	ssyncadd.remote.s32 $0x1  }
0xbe: {  	_ =	sfence.sel $0xFFFF  }
0xbf: {  	[dreg:$0x0] =	wrdreg $0xFFFFFFFF;
	(pc) =	sbr.abs _section_cstart, $3  }
0xc0: {  	[dreg:$0x1] =	wrdreg $0xFFFFFFFF  }
0xc1: {  	_ =	task.clear_ibuf [dreg:s6], $0x2FFFF;
	_ =	strace $0x9FFFFFFF  }
0xc2: {  	(tm) =	ssettm $0x7FFFFFFF  }
0xc3: {  	_ =	shalt  }
tec
execute0_lowered:
.L_overlay_start_1:
0x0: {  	(tag) =	ssettag $0x1  }
0x1: {  	v8 =	vlaneseq.u32;
	v3 =	vimm.s32 $0x1CF;
	vm14 =	vcmask $0x300  }
0x2: {  	vm13 =	vcmask $0x704;
	v4 =	vimm.s32 $0x252;
	vm12 =	vcmask $0xB08  }
0x3: {  	vm11 =	vcmask $0xF0C;
	vm10 =	vcmask $0x1310;
	vm9 =	vcmask $0x1714  }
0x4: {  	vm8 =	vcmask $0x1B18;
	vm7 =	vcmask $0x1F1C;
	vm6 =	vcmask $0x2320  }
0x5: {  	vm5 =	vcmask $0x2724;
	vm4 =	vcmask $0x2B28;
	vm3 =	vcmask $0x2F2C  }
0x6: {  	vm2 =	vcmask $0x3330;
	vm1 =	vcmask $0x3734;
	vm0 =	vcmask $0x3B38  }
0x7: {  	v7 =	vimm.s32 $0x2D5;
	v9 =	vimm.s32 $0x358;
	v10 =	vimm.s32 $0x3DB  }
0x8: {  	v11 =	vimm.s32 $0x45E;
	v12 =	vimm.s32 $0x4E1;
	v13 =	vimm.s32 $0x564  }
0x9: {  	v2 =	vadd.s32 $0x9C8, v8;
	v3 =	vsel vm14, $0x0, v3;
	v4 =	vsel vm14, $0x83, v4  }
0xa: {  	v6 =	vadd.s32 $0x9E8, v8;
	v7 =	vsel vm14, $0x106, v7;
	v9 =	vsel vm14, $0x189, v9  }
0xb: {  	v10 =	vsel vm14, $0x20C, v10;
	v11 =	vsel vm14, $0x28F, v11;
	v12 =	vsel vm14, $0x312, v12  }
0xc: {  	v13 =	vsel vm14, $0x395, v13;
	v3 =	vsel vm13, $0x241, v3;
	v4 =	vsel vm13, $0x2C4, v4  }
0xd: {  	s0 =	srdreg.scid;
	v7 =	vsel vm13, $0x347, v7;
	v9 =	vsel vm13, $0x3CA, v9;
	v10 =	vsel vm13, $0x44D, v10  }
0xe: {  	s5 =	sand.u32 $0x1, s0;
	v11 =	vsel vm13, $0x4D0, v11;
	v12 =	vsel vm13, $0x553, v12;
	v13 =	vsel vm13, $0x5D6, v13  }
0xf: {  	s0 =	smul.u32 $0xFFFFEC70, s5;
	v3 =	vsel vm12, $0x482, v3;
	v4 =	vsel vm12, $0x505, v4;
	v7 =	vsel vm12, $0x588, v7  }
0x10: {  	v9 =	vsel vm12, $0x60B, v9;
	v10 =	vsel vm12, $0x68E, v10;
	v11 =	vsel vm12, $0x711, v11  }
0x11: {  	v12 =	vsel vm12, $0x794, v12;
	v13 =	vsel vm12, $0x817, v13;
	v0 =	vmov s0  }
0x12: {  	v3 =	vsel vm11, $0x6C3, v3;
	v4 =	vsel vm11, $0x746, v4;
	v7 =	vsel vm11, $0x7C9, v7  }
0x13: {  	s1 =	sadd.s32 $0xFFFFF638, s0;
	v9 =	vsel vm11, $0x84C, v9;
	v10 =	vsel vm11, $0x8CF, v10;
	v11 =	vsel vm11, $0x952, v11  }
0x14: {  	v12 =	vsel vm11, $0x9D5, v12;
	v13 =	vsel vm11, $0xA58, v13;
	v1 =	vmov s1  }
0x15: {  	v3 =	vsel vm10, $0x904, v3;
	v4 =	vsel vm10, $0x987, v4;
	v7 =	vsel vm10, $0xA0A, v7  }
0x16: {  	v9 =	vsel vm10, $0xA8D, v9;
	v10 =	vsel vm10, $0xB10, v10;
	v11 =	vsel vm10, $0xB93, v11  }
0x17: {  	v12 =	vsel vm10, $0xC16, v12;
	v13 =	vsel vm10, $0xC99, v13;
	v3 =	vsel vm9, $0xB45, v3  }
0x18: {  	v4 =	vsel vm9, $0xBC8, v4;
	v7 =	vsel vm9, $0xC4B, v7;
	v9 =	vsel vm9, $0xCCE, v9  }
0x19: {  	v10 =	vsel vm9, $0xD51, v10;
	v11 =	vsel vm9, $0xDD4, v11;
	v12 =	vsel vm9, $0xE57, v12  }
0x1a: {  	v13 =	vsel vm9, $0xEDA, v13;
	v3 =	vsel vm8, $0xD86, v3;
	v4 =	vsel vm8, $0xE09, v4  }
0x1b: {  	v7 =	vsel vm8, $0xE8C, v7;
	v9 =	vsel vm8, $0xF0F, v9;
	v10 =	vsel vm8, $0xF92, v10  }
0x1c: {  	v11 =	vsel vm8, $0x1015, v11;
	v12 =	vsel vm8, $0x1098, v12;
	v13 =	vsel vm8, $0x111B, v13  }
0x1d: {  	v3 =	vsel vm7, $0xFC7, v3;
	v4 =	vsel vm7, $0x104A, v4;
	v7 =	vsel vm7, $0x10CD, v7  }
0x1e: {  	v9 =	vsel vm7, $0x1150, v9;
	v10 =	vsel vm7, $0x11D3, v10;
	v11 =	vsel vm7, $0x1256, v11  }
0x1f: {  	v12 =	vsel vm7, $0x12D9, v12;
	v13 =	vsel vm7, $0x135C, v13;
	v3 =	vsel vm6, $0x1208, v3  }
0x20: {  	v4 =	vsel vm6, $0x128B, v4;
	v7 =	vsel vm6, $0x130E, v7;
	v9 =	vsel vm6, $0x1391, v9  }
0x21: {  	v10 =	vsel vm6, $0x1414, v10;
	v11 =	vsel vm6, $0x1497, v11;
	v12 =	vsel vm6, $0x151A, v12  }
0x22: {  	v13 =	vsel vm6, $0x159D, v13;
	v3 =	vsel vm5, $0x1449, v3;
	v4 =	vsel vm5, $0x14CC, v4  }
0x23: {  	v7 =	vsel vm5, $0x154F, v7;
	v9 =	vsel vm5, $0x15D2, v9;
	v10 =	vsel vm5, $0x1655, v10  }
0x24: {  	s17 =	stileid.u32;
	v11 =	vsel vm5, $0x16D8, v11;
	v12 =	vsel vm5, $0x175B, v12;
	v13 =	vsel vm5, $0x17DE, v13  }
0x25: {  	s6 =	rddreg [dreg:$0x0];
	s2 =	simm.s32 $0x0;
	s13 =	simm.s32 $0x3;
	v3 =	vsel vm4, $0x168A, v3;
	v4 =	vsel vm4, $0x170D, v4;
	v7 =	vsel vm4, $0x1790, v7  }
0x26: {  	s14 =	simm.s32 $0x4F00;
	s15 =	simm.s32 $0x1;
	s16 =	simm.s32 $0x9E00;
	v9 =	vsel vm4, $0x1813, v9;
	v10 =	vsel vm4, $0x1896, v10;
	v11 =	vsel vm4, $0x1919, v11  }
0x27: {  	s18 =	simm.s32 $0x0;
	s28 =	sshrl.u32 s17, $0x3;
	s29 =	sshll.u32 s17, $0x7;
	v12 =	vsel vm4, $0x199C, v12;
	v13 =	vsel vm4, $0x1A1F, v13;
	v3 =	vsel vm3, $0x18CB, v3  }
0x28: {  	[smem:$0x7FF] =	sst s2;
	s10 =	sadd.s32 $0x34600, s6;
	s3 =	smul.u32 $0x27400, s28;
	v4 =	vsel vm3, $0x194E, v4;
	v7 =	vsel vm3, $0x19D1, v7;
	v9 =	vsel vm3, $0x1A54, v9  }
0x29: {  	p0 =	sne.s32 s17, $0x0;
	p1 =	sne.s32 s17, $0x1;
	s9 =	smul.u32 $0x9C800, s5;
	v10 =	vsel vm3, $0x1AD7, v10;
	v11 =	vsel vm3, $0x1B5A, v11;
	v12 =	vsel vm3, $0x1BDD, v12  }
0x2a: {  	s4 =	sand.u32 $0x380, s29;
	s8 =	ssub.s32 $0x2, s5;
	s11 =	smul.u32 $0x13900, s5;
	v13 =	vsel vm3, $0x1C60, v13;
	v3 =	vsel vm2, $0x1B0C, v3;
	v5 =	vsel vm2, $0x1B8F, v4  }
0x2b: {  	p2 =	sne.s32 @p1 s17, $0x0;
	s17 =	simm.s32 $0x4;
	s30 =	sshrl.u32 s8, $0x1;
	v4 =	vadd.s32 $0x9D8, v8;
	v7 =	vsel vm2, $0x1C12, v7;
	v9 =	vsel vm2, $0x1C95, v9  }
0x2c: {  	p2 =	por p2, !p1;
	s0 =	rddreg [dreg:$0x2];
	s3 =	sor.u32 s4, s3;
	v10 =	vsel vm2, $0x1D18, v10;
	v8 =	vadd.s32 $0x9F8, v8;
	v11 =	vsel vm2, $0x1D9B, v11  }
0x2d: {  	s12 =	ssub.s32 s8, s30;
	s31 =	sshrl.u32 s9, $0x3;
	s1 =	rddreg [dreg:$0x1];
	v12 =	vsel vm2, $0x1E1E, v12;
	v13 =	vsel vm2, $0x1EA1, v13;
	v3 =	vsel vm1, $0x1D4D, v3  }
.Ltmp0:
0x2e: {  	s4 =	sshrl.u32 s3, $0x3;
	_ =	strace $0x8000004A;
	v5 =	vsel vm1, $0x1DD0, v5;
	v7 =	vsel vm1, $0x1E53, v7;
	v9 =	vsel vm1, $0x1ED6, v9;
	(pc) =	sbr.rel .LBB2_1-.Ltmp0, $4  }
0x2f: {  	s3 =	sadd.s32 $0x3200, s6;
	s8 =	sadd.s32 s10, s31;
	s9 =	smax.u32 s12, $0x1;
	v10 =	vsel vm1, $0x1F59, v10;
	v11 =	vsel vm1, $0x1FDC, v11;
	v12 =	vsel vm1, $0x5F, v12  }
0x30: {  	s12 =	simm.s32 $0x400;
	s7 =	sadd.s32 s4, s6;
	s4 =	sadd.s32 $0x2A400, s6;
	v13 =	vsel vm1, $0xE2, v13;
	v3 =	vsel vm0, $0x1F8E, v3;
	v5 =	vsel vm0, $0x11, v5  }
0x31: {  	s8 =	sadd.s32 $0x9C80, s8;
	s5 =	sadd.s32 $0xBBC00, s7;
	s6 =	sadd.s32 $0xB1E00, s7;
	v7 =	vsel vm0, $0x94, v7;
	v9 =	vsel vm0, $0x117, v9;
	v10 =	vsel vm0, $0x19A, v10  }
0x32: {  	s7 =	sadd.s32 s10, s11;
	s10 =	sshrl.u32 @!p0 s1, $0x3;
	s11 =	simm.s32 $0x80;
	v11 =	vsel vm0, $0x21D, v11;
	v12 =	vsel vm0, $0x2A0, v12;
	v13 =	vsel vm0, $0x323, v13  }
.LBB2_13:
0x33: {  	_ = 	snop  }
.LBB2_16:
0x34: {  	p3 =	por p3, !p4  }
0x35: {  	s24 =	simm.s32 @!p6 $0x80;
	[sflag:s25] =	ssyncset.done @!p3 $0x0  }
0x36: {  	s26 =	simm.s32 @!p6 $0xDE00;
	[sflag:s25] =	ssyncadd.s32 @!p3 $0xFFFFC000;
	p3 =	por p6, p6  }
0x37: {  	[tilespmem:s26], [sflag:$0x2] =	stream.indirect.gather @!p3 [hbm4b:s3+s24], $0x80, s22, s24, $0xb8;
	[tilespmem:$0x16E40] =	vst v63  }
0x38: {  	_ =	swait.ge [sflag:s15], $0x4000  }
0x39: {  	[sflag:s15] =	ssyncset.done $0x0  }
0x3a: {  	s23 =	sadd.s32 $0x2, s23;
	[sflag:s15] =	ssyncadd.s32 $0xFFFFC000  }
0x3b: {  	[spmem:s1] =	stream.indirect.scatter.add.f32 [tilespmem:s16], [sflag:$0x4], $0x80, s21, s11, $0xb8;
	[tilespmem:$0x16E40] =	vst v63  }
0x3c: {  	p4 =	sgt.s32 s23, s20;
	_ =	swait.ge [sflag:s17], $0x4000  }
0x3d: {  	s20 =	sadd.s32 @!p4 $0x80, s22;
	s23 =	simm.s32 @!p4 $0x80;
	[sflag:s17] =	ssyncset.done $0x0  }
0x3e: {  	s25 =	simm.s32 @!p4 $0x9E00;
	s22 =	simm.s32 @!p3 $0x2;
	[sflag:s17] =	ssyncadd.s32 $0xFFFFC000  }
0x3f: {  	[tilespmem:s25], [sflag:$0x1] =	stream.indirect.gather @!p4 [hbm4b:s3+s23], $0x80, s20, s23, $0xb8;
	[tilespmem:$0x16E40] =	vst v63  }
0x40: {  	_ =	swait.ge @!p3 [sflag:s22], $0x4000  }
0x41: {  	[sflag:s22] =	ssyncset.done @!p3 $0x0  }
0x42: {  	s20 =	sadd.s32 @!p3 $0x80, s21;
	s21 =	simm.s32 @!p3 $0x3;
	[sflag:s22] =	ssyncadd.s32 @!p3 $0xFFFFC000  }
0x43: {  	[spmem:s1] =	stream.indirect.scatter.add.f32 @!p3 [tilespmem:s26], [sflag:$0x3], $0x80, s20, s24, $0xb8;
	[tilespmem:$0x16E40] =	vst v63  }
0x44: {  	_ =	swait.ge @!p3 [sflag:s21], $0x4000  }
0x45: {  	[sflag:s21] =	ssyncset.done @!p3 $0x0  }
0x46: {  	[sflag:s21] =	ssyncadd.s32 @!p3 $0xFFFFC000  }
.LBB2_17:
0x47: {  	[bflag:$0x0] =	sbarrier.arrive $0xFFFF;
	s20 =	simm.s32 @!p1 $0x1C43;
	s18 =	sadd.s32 $0x1, s18  }
0x48: {  	[hbm:s8], [sflag:s20] =	dma.local @!p1 [spmem:s19], $0x9C80  }
0x49: {  	p3 =	sne.s32 s18, s9  }
.Ltmp1:
0x4a: {  	_ = 	snop;
	(pc) =	sbr.rel @!p3 .LBB2_18-.Ltmp1, $4  }
0x4b: {  	s19 =	simm.s32 @!p1 $0x3  }
0x4c: {  	_ =	swait.ge @!p1 [sflag:s19], $0x9C80  }
0x4d: {  	[sflag:s19] =	ssyncset.done @!p1 $0x0  }
0x4e: {  	[sflag:s19] =	ssyncadd.s32 @!p1 $0xFFFF6380  }
.LBB2_1:
0x4f: {  	s19 =	simm.s32 @!p0 $0x1C03  }
0x50: {  	[spmem:s10], [sflag:s19] =	dma.local @!p0 [hbm:s4], $0xA080  }
0x51: {  	s19 =	simm.s32 @!p0 $0x3  }
0x52: {  	_ =	swait.ge @!p0 [sflag:s19], $0xA080  }
0x53: {  	[sflag:s19] =	ssyncset.done @!p0 $0x0  }
0x54: {  	[sflag:s19] =	ssyncadd.s32 @!p0 $0xFFFF5F80  }
0x55: {  	[tilespmem:s2], [sflag:$0x3] =	stream.strided.gather [hbm4b:s5+s11], $0x4E80, s12, s11, $0x38;
	[tilespmem:$0x16E40] =	vst v63  }
0x56: {  	_ =	swait.ge [sflag:s13], $0x4E80  }
0x57: {  	[sflag:s13] =	ssyncset.done $0x0  }
0x58: {  	[sflag:s13] =	ssyncadd.s32 $0xFFFFB180  }
0x59: {  	[tilespmem:s14], [sflag:$0x3] =	stream.strided.gather [hbm4b:s6+s11], $0x4E80, s12, s11, $0x38;
	[tilespmem:$0x16E40] =	vst v63  }
0x5a: {  	_ =	swait.ge [sflag:s13], $0x4E80  }
0x5b: {  	[sflag:s13] =	ssyncset.done $0x0  }
0x5c: {  	s31 =	simm.s32 $0x0;
	[sflag:s13] =	ssyncadd.s32 $0xFFFFB180  }
0x5d: {  	v14 =	vld [tilespmem:s31+$0x4F00];
	_ =	sdelay $0x4  }
0x5e: {  	v14 =	vadd.s32 v0, v14  }
0x5f: {  	vm0 =	vlt.u32 v14, $0x9C8  }
0x60: {  	v16 =	vmpcnt.ones.xlane vm0;
	_ =	sdelay $0x1  }
0x61: {  	(v2sf) =	vpush v16, $0x0  }
0x62: {  	v15 =	vld [tilespmem:s31+$0x0];
	_ =	sdelay $0x3  }
0x63: {  	[tilespmem:s2+$0x4F00] =	vst.msk vm0, v14  }
0x64: {  	s21 =	simm.s32 $0x10;
	s20 =	simm.s32 $0x80;
	s19 =	simm.s32 $0x0;
	[tilespmem:s2+$0x0] =	vst.msk vm0, v15  }
.LBB2_2:
0x65: {  	p3 =	sne.s32 s20, $0x139C0;
	v14 =	vld [tilespmem:s21+$0x4F00];
	_ =	sdelay $0x4  }
0x66: {  	v14 =	vadd.s32 v0, v14  }
0x67: {  	v15 =	vld [tilespmem:s21+$0x0];
	vm0 =	vlt.u32 v14, $0x9C8  }
0x68: {  	v16 =	vmpcnt.ones.xlane vm0  }
0x69: {  	s21 =	spop (v2sf)  }
0x6a: {  	(v2sf) =	vpush v16, $0x0;
	s19 =	sadd.s32 s19, s21  }
0x6b: {  	[tilespmem:s19+$0x4F00] =	vst.msk vm0, v14  }
.Ltmp2:
0x6c: {  	[tilespmem:s19+$0x0] =	vst.msk vm0, v15;
	(pc) =	sbr.rel @p3 .LBB2_2-.Ltmp2, $2  }
0x6d: {  	_ =	sdelay $0x2  }
0x6e: {  	s21 =	sshra.s32 s20, $0x2;
	s20 =	sadd.s32 $0x40, s20  }
0x6f: {  	v14 =	vld [tilespmem:s21+$0x4F00];
	_ =	sdelay $0x4  }
0x70: {  	v14 =	vadd.s32 v0, v14  }
0x71: {  	vm0 =	vlt.u32 v14, $0x9C8  }
0x72: {  	v15 =	vmpcnt.ones.xlane vm0;
	_ =	sdelay $0x1  }
0x73: {  	(v2sf) =	vpush v15, $0x0;
	_ =	sdelay $0xa  }
0x74: {  	v15 =	vld [tilespmem:s21+$0x0];
	_ =	sdelay $0x1  }
0x75: {  	s20 =	spop (v2sf)  }
0x76: {  	s19 =	sadd.s32 s19, s20  }
0x77: {  	[tilespmem:s19+$0x4F00] =	vst.msk vm0, v14;
	s26 =	spop (v2sf)  }
0x78: {  	[tilespmem:s19+$0x0] =	vst.msk vm0, v15;
	s20 =	sadd.s32 s19, s26  }
0x79: {  	[tilespmem:s20+$0x4F00] =	vst v2  }
0x7a: {  	[tilespmem:s20+$0x0] =	vst v3  }
0x7b: {  	[tilespmem:s20+$0x4F10] =	vst v4  }
0x7c: {  	[tilespmem:s20+$0x10] =	vst v5  }
0x7d: {  	[tilespmem:s20+$0x4F20] =	vst v6  }
0x7e: {  	[tilespmem:s20+$0x20] =	vst v7;
	s19 =	sand.u32 $0x7F, s20  }
0x7f: {  	[tilespmem:s20+$0x4F30] =	vst v8;
	s28 =	sshra.s32 s20, $0x1F;
	p3 =	slt.s32 s20, $0x1;
	p4 =	sne.s32 s19, $0x0  }
0x80: {  	[tilespmem:s20+$0x30] =	vst v9;
	s29 =	sshrl.u32 s28, $0x19;
	p3 =	por !p3, !p4  }
0x81: {  	s21 =	simm.s32 $0x1;
	[tilespmem:s20+$0x4F40] =	vst v2;
	s19 =	sadd.s32 s29, s20;
	p3 =	por !p3, !p3  }
0x82: {  	[tilespmem:s20+$0x40] =	vst v10;
	s19 =	sshra.s32 s19, $0x7;
	s21 =	simm.s32 @!p3 $0x0  }
0x83: {  	[tilespmem:s20+$0x4F50] =	vst v4;
	s19 =	ssub.s32 s19, s21  }
0x84: {  	[tilespmem:s20+$0x50] =	vst v11;
	s21 =	sand.u32 $0x1, s19  }
0x85: {  	[tilespmem:s20+$0x4F60] =	vst v6;
	s22 =	sadd.s32 $0x2, s19;
	p5 =	slt.s32 s19, $0xFFFFFFFF;
	p6 =	seq.s32 s21, $0x1  }
0x86: {  	[tilespmem:s20+$0x60] =	vst v12;
	s30 =	sshrl.u32 s22, $0x1F;
	p3 =	por !p5, !p6  }
0x87: {  	[tilespmem:s20+$0x4F70] =	vst v8;
	s21 =	simm.s32 $0x1;
	s31 =	sadd.s32 s30, s22;
	p3 =	por !p3, !p3  }
0x88: {  	[tilespmem:s20+$0x70] =	vst v13;
	s20 =	sshra.s32 s31, $0x1;
	s21 =	simm.s32 @!p3 $0x0  }
0x89: {  	s23 =	ssub.s32 s20, s21  }
0x8a: {  	p3 =	slt.s32 s23, $0x1  }
.Ltmp3:
0x8b: {  	_ = 	snop;
	(pc) =	sbr.rel @p3 .LBB2_9-.Ltmp3, $4  }
0x8c: {  	_ = 	snop  }
0x8d: {  	[bflag:$0x0] =	sbarrier.arrive $0xFFFF  }
0x8e: {  	s22 =	simm.s32 $0x0;
	s21 =	simm.s32 $0x80;
	s20 =	simm.s32 $0x4F00  }
0x8f: {  	[tilespmem:s16], [sflag:$0x1] =	stream.indirect.gather [hbm4b:s3+s21], $0x80, s22, s21, $0xb8;
	[tilespmem:$0x16E40] =	vst v63  }
0x90: {  	s23 =	sadd.s32 $0xFFFFFFFF, s23  }
0x91: {  	p3 =	sne.s32 s23, $0x0  }
.Ltmp4:
0x92: {  	_ = 	snop;
	(pc) =	sbr.rel @!p3 .LBB2_5-.Ltmp4, $2  }
0x93: {  	_ =	sdelay $0x2  }
0x94: {  	p6 =	sle.s32 s19, $0x0;
	p4 =	por $0x0, $0x0  }
0x95: {  	s24 =	simm.s32 @!p6 $0x80;
	s25 =	simm.s32 @!p6 $0xDE00;
	p3 =	por p6, p6  }
0x96: {  	[tilespmem:s25], [sflag:$0x2] =	stream.indirect.gather @!p3 [hbm4b:s3+s24], $0x80, s21, s24, $0xb8;
	[tilespmem:$0x16E40] =	vst v63  }
0x97: {  	_ =	swait.ge [sflag:s15], $0x4000  }
0x98: {  	[sflag:s15] =	ssyncset.done $0x0  }
0x99: {  	[sflag:s15] =	ssyncadd.s32 $0xFFFFC000  }
0x9a: {  	[spmem:s1] =	stream.indirect.scatter.add.f32 [tilespmem:s16], [sflag:$0x4], $0x80, s20, s11, $0xb8;
	[tilespmem:$0x16E40] =	vst v63  }
0x9b: {  	p4 =	slt.s32 s19, $0x2;
	s23 =	sadd.s32 $0xFFFFFFFF, s23;
	_ =	swait.ge [sflag:s17], $0x4000  }
0x9c: {  	s21 =	simm.s32 @!p3 $0x2;
	s22 =	simm.s32 @!p4 $0x80;
	[sflag:s17] =	ssyncset.done $0x0  }
0x9d: {  	s26 =	simm.s32 @!p4 $0x9E00;
	s20 =	simm.s32 @!p4 $0x100;
	[sflag:s17] =	ssyncadd.s32 $0xFFFFC000  }
0x9e: {  	[tilespmem:s26], [sflag:$0x1] =	stream.indirect.gather @!p4 [hbm4b:s3+s22], $0x80, s20, s22, $0xb8;
	[tilespmem:$0x16E40] =	vst v63  }
0x9f: {  	p5 =	sne.s32 s23, $0x0;
	_ =	swait.ge @!p3 [sflag:s21], $0x4000  }
.Ltmp5:
0xa0: {  	[sflag:s21] =	ssyncset.done @!p3 $0x0;
	(pc) =	sbr.rel @!p5 .LBB2_8-.Ltmp5, $4  }
0xa1: {  	p6 =	sle.s32 s19, $0x2;
	s20 =	simm.s32 @!p3 $0x4F80;
	[sflag:s21] =	ssyncadd.s32 @!p3 $0xFFFFC000  }
0xa2: {  	[spmem:s1] =	stream.indirect.scatter.add.f32 @!p3 [tilespmem:s25], [sflag:$0x3], $0x80, s20, s24, $0xb8;
	[tilespmem:$0x16E40] =	vst v63  }
0xa3: {  	s22 =	simm.s32 $0x2;
	p4 =	por $0x1, $0x1;
	s24 =	simm.s32 @!p3 $0x3  }
0xa4: {  	s21 =	simm.s32 $0x180;
	s20 =	simm.s32 $0x5000;
	_ =	swait.ge @!p3 [sflag:s24], $0x4000  }
.LBB2_7:
0xa5: {  	s25 =	simm.s32 @!p6 $0x80;
	s26 =	simm.s32 @!p6 $0xDE00;
	[sflag:s24] =	ssyncset.done @!p3 $0x0  }
0xa6: {  	s23 =	sadd.s32 $0xFFFFFFFF, s23;
	[sflag:s24] =	ssyncadd.s32 @!p3 $0xFFFFC000;
	p3 =	por p6, p6  }
0xa7: {  	[tilespmem:s26], [sflag:$0x2] =	stream.indirect.gather @!p3 [hbm4b:s3+s25], $0x80, s21, s25, $0xb8;
	[tilespmem:$0x16E40] =	vst v63  }
0xa8: {  	p5 =	sne.s32 s23, $0x0;
	_ =	swait.ge [sflag:s15], $0x4000  }
0xa9: {  	[sflag:s15] =	ssyncset.done $0x0  }
0xaa: {  	s22 =	sadd.s32 $0x2, s22;
	[sflag:s15] =	ssyncadd.s32 $0xFFFFC000  }
0xab: {  	[spmem:s1] =	stream.indirect.scatter.add.f32 [tilespmem:s16], [sflag:$0x4], $0x80, s20, s11, $0xb8;
	[tilespmem:$0x16E40] =	vst v63  }
0xac: {  	p6 =	sgt.s32 s22, s19;
	_ =	swait.ge [sflag:s17], $0x4000  }
0xad: {  	s24 =	sadd.s32 @!p6 $0x80, s21;
	s28 =	simm.s32 @!p3 $0x2;
	[sflag:s17] =	ssyncset.done $0x0  }
0xae: {  	s29 =	simm.s32 @!p6 $0x80;
	s30 =	simm.s32 @!p6 $0x9E00;
	[sflag:s17] =	ssyncadd.s32 $0xFFFFC000  }
0xaf: {  	[tilespmem:s30], [sflag:$0x1] =	stream.indirect.gather @!p6 [hbm4b:s3+s29], $0x80, s24, s29, $0xb8;
	[tilespmem:$0x16E40] =	vst v63  }
.Ltmp6:
0xb0: {  	_ =	swait.ge @!p3 [sflag:s28], $0x4000;
	(pc) =	sbr.rel @p5 .LBB2_7-.Ltmp6, $4  }
0xb1: {  	s29 =	sadd.s32 @!p3 $0x80, s20;
	s24 =	simm.s32 @!p3 $0x3;
	[sflag:s28] =	ssyncset.done @!p3 $0x0  }
0xb2: {  	s21 =	sadd.s32 $0x100, s21;
	[sflag:s28] =	ssyncadd.s32 @!p3 $0xFFFFC000  }
0xb3: {  	[spmem:s1] =	stream.indirect.scatter.add.f32 @!p3 [tilespmem:s26], [sflag:$0x3], $0x80, s29, s25, $0xb8;
	[tilespmem:$0x16E40] =	vst v63  }
0xb4: {  	p6 =	sge.s32 s22, s19;
	s20 =	sadd.s32 $0x100, s20;
	_ =	swait.ge @!p3 [sflag:s24], $0x4000  }
.LBB2_8:
0xb5: {  	p3 =	por p3, !p4  }
0xb6: {  	s23 =	simm.s32 @!p6 $0x80;
	[sflag:s24] =	ssyncset.done @!p3 $0x0  }
0xb7: {  	s25 =	simm.s32 @!p6 $0xDE00;
	[sflag:s24] =	ssyncadd.s32 @!p3 $0xFFFFC000;
	p3 =	por p6, p6  }
0xb8: {  	[tilespmem:s25], [sflag:$0x2] =	stream.indirect.gather @!p3 [hbm4b:s3+s23], $0x80, s21, s23, $0xb8;
	[tilespmem:$0x16E40] =	vst v63  }
0xb9: {  	_ =	swait.ge [sflag:s15], $0x4000  }
0xba: {  	[sflag:s15] =	ssyncset.done $0x0  }
0xbb: {  	s22 =	sadd.s32 $0x2, s22;
	[sflag:s15] =	ssyncadd.s32 $0xFFFFC000  }
0xbc: {  	[spmem:s1] =	stream.indirect.scatter.add.f32 [tilespmem:s16], [sflag:$0x4], $0x80, s20, s11, $0xb8;
	[tilespmem:$0x16E40] =	vst v63  }
0xbd: {  	p4 =	sgt.s32 s22, s19;
	_ =	swait.ge [sflag:s17], $0x4000  }
0xbe: {  	s19 =	sadd.s32 @!p4 $0x80, s21;
	s22 =	simm.s32 @!p4 $0x80;
	[sflag:s17] =	ssyncset.done $0x0  }
0xbf: {  	s24 =	simm.s32 @!p4 $0x9E00;
	s21 =	simm.s32 @!p3 $0x2;
	[sflag:s17] =	ssyncadd.s32 $0xFFFFC000  }
0xc0: {  	[tilespmem:s24], [sflag:$0x1] =	stream.indirect.gather @!p4 [hbm4b:s3+s22], $0x80, s19, s22, $0xb8;
	[tilespmem:$0x16E40] =	vst v63  }
0xc1: {  	_ =	swait.ge @!p3 [sflag:s21], $0x4000  }
0xc2: {  	[sflag:s21] =	ssyncset.done @!p3 $0x0  }
0xc3: {  	s19 =	sadd.s32 @!p3 $0x80, s20;
	s20 =	simm.s32 @!p3 $0x3;
	[sflag:s21] =	ssyncadd.s32 @!p3 $0xFFFFC000  }
0xc4: {  	[spmem:s1] =	stream.indirect.scatter.add.f32 @!p3 [tilespmem:s25], [sflag:$0x3], $0x80, s19, s23, $0xb8;
	[tilespmem:$0x16E40] =	vst v63  }
0xc5: {  	_ =	swait.ge @!p3 [sflag:s20], $0x4000  }
0xc6: {  	[sflag:s20] =	ssyncset.done @!p3 $0x0  }
0xc7: {  	[sflag:s20] =	ssyncadd.s32 @!p3 $0xFFFFC000  }
.LBB2_9:
0xc8: {  	[bflag:$0x0] =	sbarrier.arrive $0xFFFF  }
0xc9: {  	s19 =	sshrl.u32 @!p2 s1, $0x3;
	s20 =	simm.s32 @!p2 $0x1C03;
	[bflag:$0x0] =	sbarrier.arrive @p1 $0xFFFF  }
0xca: {  	[spmem:s19], [sflag:s20] =	dma.local @!p2 [hbm:s4], $0xA080  }
0xcb: {  	s19 =	simm.s32 @!p2 $0x3  }
0xcc: {  	_ =	swait.ge @!p2 [sflag:s19], $0xA080  }
0xcd: {  	[sflag:s19] =	ssyncset.done @!p2 $0x0  }
0xce: {  	s20 =	simm.s32 @!p1 $0x1C43;
	[sflag:s19] =	ssyncadd.s32 @!p2 $0xFFFF5F80;
	s19 =	sshrl.u32 @!p1 s1, $0x3  }
0xcf: {  	[hbm:s7], [sflag:s20] =	dma.local @!p1 [spmem:s19], $0x9C80  }
0xd0: {  	s20 =	simm.s32 @!p1 $0x3  }
0xd1: {  	_ =	swait.ge @!p1 [sflag:s20], $0x9C80  }
0xd2: {  	[sflag:s20] =	ssyncset.done @!p1 $0x0  }
0xd3: {  	[sflag:s20] =	ssyncadd.s32 @!p1 $0xFFFF6380  }
0xd4: {  	s20 =	simm.s32 $0x0;
	[bflag:$0x0] =	sbarrier.arrive @!p1 $0xFFFF  }
0xd5: {  	[tilespmem:s20], [sflag:$0x3] =	stream.strided.gather [hbm4b:s5+s11], $0x4E80, s12, s11, $0x38;
	[tilespmem:$0x16E40] =	vst v63  }
0xd6: {  	_ =	swait.ge [sflag:s13], $0x4E80  }
0xd7: {  	[sflag:s13] =	ssyncset.done $0x0  }
0xd8: {  	[sflag:s13] =	ssyncadd.s32 $0xFFFFB180  }
0xd9: {  	[tilespmem:s14], [sflag:$0x3] =	stream.strided.gather [hbm4b:s6+s11], $0x4E80, s12, s11, $0x38;
	[tilespmem:$0x16E40] =	vst v63  }
0xda: {  	_ =	swait.ge [sflag:s13], $0x4E80  }
0xdb: {  	[sflag:s13] =	ssyncset.done $0x0  }
0xdc: {  	s21 =	simm.s32 $0x0;
	[sflag:s13] =	ssyncadd.s32 $0xFFFFB180  }
0xdd: {  	v14 =	vld [tilespmem:s21+$0x4F00];
	_ =	sdelay $0x4  }
0xde: {  	v14 =	vadd.s32 v1, v14  }
0xdf: {  	vm0 =	vlt.u32 v14, $0x9C8  }
0xe0: {  	v16 =	vmpcnt.ones.xlane vm0;
	_ =	sdelay $0x1  }
0xe1: {  	(v2sf) =	vpush v16, $0x0  }
0xe2: {  	v15 =	vld [tilespmem:s21+$0x0];
	_ =	sdelay $0x3  }
0xe3: {  	[tilespmem:s20+$0x4F00] =	vst.msk vm0, v14  }
0xe4: {  	s22 =	simm.s32 $0x10;
	s21 =	simm.s32 $0x80;
	[tilespmem:s20+$0x0] =	vst.msk vm0, v15  }
.LBB2_10:
0xe5: {  	p3 =	sne.s32 s21, $0x139C0;
	v14 =	vld [tilespmem:s22+$0x4F00];
	_ =	sdelay $0x4  }
0xe6: {  	v14 =	vadd.s32 v1, v14  }
0xe7: {  	v15 =	vld [tilespmem:s22+$0x0];
	vm0 =	vlt.u32 v14, $0x9C8  }
0xe8: {  	v16 =	vmpcnt.ones.xlane vm0  }
0xe9: {  	s22 =	spop (v2sf)  }
0xea: {  	(v2sf) =	vpush v16, $0x0;
	s20 =	sadd.s32 s20, s22  }
0xeb: {  	[tilespmem:s20+$0x4F00] =	vst.msk vm0, v14  }
.Ltmp7:
0xec: {  	[tilespmem:s20+$0x0] =	vst.msk vm0, v15;
	(pc) =	sbr.rel @p3 .LBB2_10-.Ltmp7, $2  }
0xed: {  	_ =	sdelay $0x2  }
0xee: {  	s22 =	sshra.s32 s21, $0x2;
	s21 =	sadd.s32 $0x40, s21  }
0xef: {  	v14 =	vld [tilespmem:s22+$0x4F00];
	_ =	sdelay $0x4  }
0xf0: {  	v14 =	vadd.s32 v1, v14  }
0xf1: {  	vm0 =	vlt.u32 v14, $0x9C8  }
0xf2: {  	v15 =	vmpcnt.ones.xlane vm0;
	_ =	sdelay $0x1  }
0xf3: {  	(v2sf) =	vpush v15, $0x0;
	_ =	sdelay $0xa  }
0xf4: {  	v15 =	vld [tilespmem:s22+$0x0];
	_ =	sdelay $0x1  }
0xf5: {  	s21 =	spop (v2sf)  }
0xf6: {  	s20 =	sadd.s32 s20, s21  }
0xf7: {  	[tilespmem:s20+$0x4F00] =	vst.msk vm0, v14;
	s26 =	spop (v2sf)  }
0xf8: {  	[tilespmem:s20+$0x0] =	vst.msk vm0, v15;
	s21 =	sadd.s32 s20, s26  }
0xf9: {  	[tilespmem:s21+$0x4F00] =	vst v2  }
0xfa: {  	[tilespmem:s21+$0x0] =	vst v3  }
0xfb: {  	[tilespmem:s21+$0x4F10] =	vst v4  }
0xfc: {  	[tilespmem:s21+$0x10] =	vst v5  }
0xfd: {  	[tilespmem:s21+$0x4F20] =	vst v6  }
0xfe: {  	[tilespmem:s21+$0x20] =	vst v7;
	s20 =	sand.u32 $0x7F, s21  }
0xff: {  	[tilespmem:s21+$0x4F30] =	vst v8;
	s28 =	sshra.s32 s21, $0x1F;
	p3 =	slt.s32 s21, $0x1;
	p4 =	sne.s32 s20, $0x0  }
0x100: {  	[tilespmem:s21+$0x30] =	vst v9;
	s29 =	sshrl.u32 s28, $0x19;
	p3 =	por !p3, !p4  }
0x101: {  	s22 =	simm.s32 $0x1;
	[tilespmem:s21+$0x4F40] =	vst v2;
	s20 =	sadd.s32 s29, s21;
	p3 =	por !p3, !p3  }
0x102: {  	[tilespmem:s21+$0x40] =	vst v10;
	s20 =	sshra.s32 s20, $0x7;
	s22 =	simm.s32 @!p3 $0x0  }
0x103: {  	[tilespmem:s21+$0x4F50] =	vst v4;
	s20 =	ssub.s32 s20, s22  }
0x104: {  	[tilespmem:s21+$0x50] =	vst v11;
	s22 =	sand.u32 $0x1, s20  }
0x105: {  	[tilespmem:s21+$0x4F60] =	vst v6;
	s23 =	sadd.s32 $0x2, s20;
	p5 =	slt.s32 s20, $0xFFFFFFFF;
	p6 =	seq.s32 s22, $0x1  }
0x106: {  	[tilespmem:s21+$0x60] =	vst v12;
	s30 =	sshrl.u32 s23, $0x1F;
	p3 =	por !p5, !p6  }
0x107: {  	[tilespmem:s21+$0x4F70] =	vst v8;
	s22 =	simm.s32 $0x1;
	s31 =	sadd.s32 s30, s23;
	p3 =	por !p3, !p3  }
0x108: {  	[tilespmem:s21+$0x70] =	vst v13;
	s21 =	sshra.s32 s31, $0x1;
	s22 =	simm.s32 @!p3 $0x0  }
0x109: {  	s24 =	ssub.s32 s21, s22  }
0x10a: {  	p3 =	slt.s32 s24, $0x1  }
.Ltmp8:
0x10b: {  	_ = 	snop;
	(pc) =	sbr.rel @p3 .LBB2_17-.Ltmp8, $4  }
0x10c: {  	_ = 	snop  }
0x10d: {  	[bflag:$0x0] =	sbarrier.arrive $0xFFFF  }
0x10e: {  	s23 =	simm.s32 $0x0;
	s22 =	simm.s32 $0x80;
	s21 =	simm.s32 $0x4F00  }
0x10f: {  	[tilespmem:s16], [sflag:$0x1] =	stream.indirect.gather [hbm4b:s3+s22], $0x80, s23, s22, $0xb8;
	[tilespmem:$0x16E40] =	vst v63  }
0x110: {  	s24 =	sadd.s32 $0xFFFFFFFF, s24  }
0x111: {  	p3 =	sne.s32 s24, $0x0  }
.Ltmp9:
0x112: {  	_ = 	snop;
	(pc) =	sbr.rel @!p3 .LBB2_13-.Ltmp9, $2  }
0x113: {  	_ =	sdelay $0x2  }
0x114: {  	p6 =	sle.s32 s20, $0x0;
	p4 =	por $0x0, $0x0  }
0x115: {  	s25 =	simm.s32 @!p6 $0x80;
	s26 =	simm.s32 @!p6 $0xDE00;
	p3 =	por p6, p6  }
0x116: {  	[tilespmem:s26], [sflag:$0x2] =	stream.indirect.gather @!p3 [hbm4b:s3+s25], $0x80, s22, s25, $0xb8;
	[tilespmem:$0x16E40] =	vst v63  }
0x117: {  	_ =	swait.ge [sflag:s15], $0x4000  }
0x118: {  	[sflag:s15] =	ssyncset.done $0x0  }
0x119: {  	[sflag:s15] =	ssyncadd.s32 $0xFFFFC000  }
0x11a: {  	[spmem:s1] =	stream.indirect.scatter.add.f32 [tilespmem:s16], [sflag:$0x4], $0x80, s21, s11, $0xb8;
	[tilespmem:$0x16E40] =	vst v63  }
0x11b: {  	p4 =	slt.s32 s20, $0x2;
	s24 =	sadd.s32 $0xFFFFFFFF, s24;
	_ =	swait.ge [sflag:s17], $0x4000  }
0x11c: {  	s22 =	simm.s32 @!p3 $0x2;
	s23 =	simm.s32 @!p4 $0x80;
	[sflag:s17] =	ssyncset.done $0x0  }
0x11d: {  	s28 =	simm.s32 @!p4 $0x9E00;
	s21 =	simm.s32 @!p4 $0x100;
	[sflag:s17] =	ssyncadd.s32 $0xFFFFC000  }
0x11e: {  	[tilespmem:s28], [sflag:$0x1] =	stream.indirect.gather @!p4 [hbm4b:s3+s23], $0x80, s21, s23, $0xb8;
	[tilespmem:$0x16E40] =	vst v63  }
0x11f: {  	p5 =	sne.s32 s24, $0x0;
	_ =	swait.ge @!p3 [sflag:s22], $0x4000  }
.Ltmp10:
0x120: {  	[sflag:s22] =	ssyncset.done @!p3 $0x0;
	(pc) =	sbr.rel @!p5 .LBB2_16-.Ltmp10, $4  }
0x121: {  	p6 =	sle.s32 s20, $0x2;
	s21 =	simm.s32 @!p3 $0x4F80;
	[sflag:s22] =	ssyncadd.s32 @!p3 $0xFFFFC000  }
0x122: {  	[spmem:s1] =	stream.indirect.scatter.add.f32 @!p3 [tilespmem:s26], [sflag:$0x3], $0x80, s21, s25, $0xb8;
	[tilespmem:$0x16E40] =	vst v63  }
0x123: {  	s23 =	simm.s32 $0x2;
	p4 =	por $0x1, $0x1;
	s25 =	simm.s32 @!p3 $0x3  }
0x124: {  	s22 =	simm.s32 $0x180;
	s21 =	simm.s32 $0x5000;
	_ =	swait.ge @!p3 [sflag:s25], $0x4000  }
.LBB2_15:
0x125: {  	s26 =	simm.s32 @!p6 $0x80;
	s28 =	simm.s32 @!p6 $0xDE00;
	[sflag:s25] =	ssyncset.done @!p3 $0x0  }
0x126: {  	s24 =	sadd.s32 $0xFFFFFFFF, s24;
	[sflag:s25] =	ssyncadd.s32 @!p3 $0xFFFFC000;
	p3 =	por p6, p6  }
0x127: {  	[tilespmem:s28], [sflag:$0x2] =	stream.indirect.gather @!p3 [hbm4b:s3+s26], $0x80, s22, s26, $0xb8;
	[tilespmem:$0x16E40] =	vst v63  }
0x128: {  	p5 =	sne.s32 s24, $0x0;
	_ =	swait.ge [sflag:s15], $0x4000  }
0x129: {  	[sflag:s15] =	ssyncset.done $0x0  }
0x12a: {  	s23 =	sadd.s32 $0x2, s23;
	[sflag:s15] =	ssyncadd.s32 $0xFFFFC000  }
0x12b: {  	[spmem:s1] =	stream.indirect.scatter.add.f32 [tilespmem:s16], [sflag:$0x4], $0x80, s21, s11, $0xb8;
	[tilespmem:$0x16E40] =	vst v63  }
0x12c: {  	p6 =	sgt.s32 s23, s20;
	_ =	swait.ge [sflag:s17], $0x4000  }
0x12d: {  	s25 =	sadd.s32 @!p6 $0x80, s22;
	s29 =	simm.s32 @!p3 $0x2;
	[sflag:s17] =	ssyncset.done $0x0  }
0x12e: {  	s30 =	simm.s32 @!p6 $0x80;
	s31 =	simm.s32 @!p6 $0x9E00;
	[sflag:s17] =	ssyncadd.s32 $0xFFFFC000  }
0x12f: {  	[tilespmem:s31], [sflag:$0x1] =	stream.indirect.gather @!p6 [hbm4b:s3+s30], $0x80, s25, s30, $0xb8;
	[tilespmem:$0x16E40] =	vst v63  }
.Ltmp11:
0x130: {  	_ =	swait.ge @!p3 [sflag:s29], $0x4000;
	(pc) =	sbr.rel @p5 .LBB2_15-.Ltmp11, $4  }
0x131: {  	s30 =	sadd.s32 @!p3 $0x80, s21;
	s25 =	simm.s32 @!p3 $0x3;
	[sflag:s29] =	ssyncset.done @!p3 $0x0  }
0x132: {  	s22 =	sadd.s32 $0x100, s22;
	[sflag:s29] =	ssyncadd.s32 @!p3 $0xFFFFC000  }
0x133: {  	[spmem:s1] =	stream.indirect.scatter.add.f32 @!p3 [tilespmem:s28], [sflag:$0x3], $0x80, s30, s26, $0xb8;
	[tilespmem:$0x16E40] =	vst v63  }
0x134: {  	p6 =	sge.s32 s23, s20;
	s21 =	sadd.s32 $0x100, s21;
	_ =	swait.ge @!p3 [sflag:s25], $0x4000  }
.Ltmp12:
0x135: {  	_ = 	snop;
	(pc) =	sbr.rel .LBB2_16-.Ltmp12, $1  }
0x136: {  	_ =	sdelay $0x3  }
.LBB2_5:
.Ltmp13:
0x137: {  	(pc) =	sbr.rel .LBB2_8-.Ltmp13, $2  }
0x138: {  	_ =	sdelay $0x2  }
0x139: {  	_ = 	snop  }
.LBB2_18:
0x13a: {  	_ =	sfence.sel $0x180000  }
0x13b: {  	[bflag:$0x0] =	sbarrier.arrive $0xFFFF  }
0x13c: {  	_ =	strace $0x9000004A  }
0x13d: {  	s0 =	sadd.s32 @!p0 $0x100000, s0;
	[bflag:$0x2] =	sbarrier.arrive $0xFFFF  }
0x13e: {  	[sflag:s0] =	ssyncadd.tile.s32 @!p0 $0x1;
	_ =	shalt  }
.Lfunc_end2:
_tile_overlayer_lowered:
.L_overlay_start_2:
0x13f: {  	(tag) =	ssettag $0x2  }
0x140: {  	s0 =	rddreg [dreg:$0x0];
	s2 =	stileid.u32  }
0x141: {  	s1 =	rddreg [dreg:$0x1];
	p0 =	sne.s32 s2, $0x0  }
0x142: {  	s3 =	rddreg [dreg:$0x2];
	[bflag:$0x3] =	sbarrier.arrive $0xFFFF;
	s2 =	simm.s32 @!p0 $0x1C03  }
0x143: {  	[timem:s3], [sflag:s2] =	dma.local @!p0 [hbm:s0], s1  }
0x144: {  	s0 =	simm.s32 @!p0 $0x3  }
0x145: {  	_ =	swait.ge @!p0 [sflag:s0], s1  }
0x146: {  	s1 =	ssub.s32 @!p0 $0x0, s1;
	[sflag:s0] =	ssyncset.done @!p0 $0x0  }
0x147: {  	[sflag:s0] =	ssyncadd.s32 @!p0 s1  }
0x148: {  	[bflag:$0x3] =	sbarrier.arrive $0xFFFF  }
0x149: {  	_ =	shalt  }

// kernel: kernel.14.cloned.1.call-start
scs
__scs_entry_jumppad:
0x0: {  	(pc) =	sbr.rel $0x88, $3  }
0x1: {  	(tag) =	ssettag $0x0;
	lr =	simm.s32 $0x1  }
0x2: {  	[smem:$0x3F98] =	sst lr;
	_ =	strace $0xD0000000  }
0x3: {  	_ = 	snop  }
0x4: {  	_ = 	snop  }
0x5: {  	_ = 	snop  }
0x6: {  	_ = 	snop  }
0x7: {  	_ = 	snop  }
__scs_overlays_trampoline_lowered:
0x8: {  	[smem:$0x3FA7] =	sst s0  }
0x9: {  	[smem:$0x3FA8] =	sst s1  }
0xa: {  	[smem:$0x3FA9] =	sst s2  }
0xb: {  	[smem:$0x3FAA] =	sst s3  }
0xc: {  	[smem:$0x3FAB] =	sst s4  }
0xd: {  	[smem:$0x3FAC] =	sst s5  }
0xe: {  	[smem:$0x3FAD] =	sst s6  }
0xf: {  	[smem:$0x3FAE] =	sst s7  }
0x10: {  	[smem:$0x3FAF] =	sst s8  }
0x11: {  	[smem:$0x3FB0] =	sst s9;
	s0 =	simm.s32 @!p0 $0x0  }
0x12: {  	s1 =	sld [smem:$0x3F96];
	s0 =	simm.s32 @p0 $0x1  }
0x13: {  	[smem:$0x3FB1] =	sst s0;
	s0 =	simm.s32 @!p1 $0x0  }
0x14: {  	s2 =	sld [smem:$0x3F95];
	s0 =	simm.s32 @p1 $0x1  }
0x15: {  	[smem:$0x3FB2] =	sst s0;
	s0 =	simm.s32 @!p2 $0x0  }
0x16: {  	s3 =	sld [smem:$0x3FDB];
	s0 =	simm.s32 @p2 $0x1  }
0x17: {  	s4 =	simm.s32 $0x1BF5;
	[smem:$0x3FB4] =	sst s0  }
0x18: {  	s0 =	sld [smem:$0x3F97];
	_ =	swait.ge [sflag:s4], $0x0  }
0x19: {  	s7 =	sld [smem:$0x3F98]  }
0x1a: {  	s8 =	sadd.s32 $0xFFFFE003, lr  }
0x1b: {  	s9 =	sadd.s32 $0xFFFFFEF7, lr;
	s5 =	simm.s32 $0xFFFFFFFF;
	p2 =	slt.u32 s8, $0xFFFFF086  }
0x1c: {  	p1 =	slt.u32 s9, $0xF7A;
	s5 =	simm.s32 @!p2 $0x0  }
0x1d: {  	s5 =	simm.s32 @p1 $0x1;
	p0 =	seq.s32 s7, s2  }
0x1e: {  	s7 =	smul.u32 @!p0 $0xF7A, s2;
	p2 =	seq.s32 @!p0 s5, $0x0  }
0x1f: {  	s9 =	smul.u32 $0xF7A, s1;
	s8 =	simm.s32 @!p0 $0x1BF5;
	p2 =	por !p2, p0  }
0x20: {  	[sflag:s8] =	ssyncset.s32 @!p0 $0xFFFFF086;
	s6 =	sadd.s32 @!p0 s3, s7;
	s7 =	simm.s32 @!p0 $0x108  }
0x21: {  	s3 =	sadd.s32 s3, s9;
	s6 =	sadd.s32 @!p0 $0x88, s6;
	s7 =	simm.s32 @p2 $0x1082  }
0x22: {  	[simem:s7], [sflag:s8] =	dma.local @!p0 [hbm:s6], $0xF7A  }
0x23: {  	s9 =	sor.u32 $0xD0000000, s2;
	s6 =	simm.s32 $0x108;
	_ =	swait.ge @!p0 [sflag:s8], $0x0  }
0x24: {  	s3 =	sadd.s32 $0x88, s3;
	s6 =	simm.s32 @!p1 $0x1082;
	[sflag:s4] =	ssyncset.s32 $0xFFFFF086  }
0x25: {  	[simem:s6], [sflag:s4] =	dma.local [hbm:s3], $0xF7A  }
0x26: {  	[smem:$0x3F98] =	sst s1;
	(tag) =	ssettag s2;
	_ =	strace s9  }
0x27: {  	s1 =	sld [smem:$0x3FA8]  }
0x28: {  	s2 =	sld [smem:$0x3FA9]  }
0x29: {  	s4 =	sld [smem:$0x3FAB]  }
0x2a: {  	p0 =	seq.s32 s5, $0x0;
	s5 =	sld [smem:$0x3FAC]  }
0x2b: {  	s6 =	sld [smem:$0x3FAD]  }
0x2c: {  	s7 =	sld [smem:$0x3FAE]  }
0x2d: {  	s3 =	simm.s32 $0x108;
	s8 =	sld [smem:$0x3FAF]  }
0x2e: {  	s3 =	simm.s32 @!p0 $0x1082;
	s9 =	sld [smem:$0x3FB0]  }
0x2f: {  	lr =	sadd.s32 s0, s3;
	s0 =	sld [smem:$0x3FA7]  }
0x30: {  	s3 =	sld [smem:$0x3FAA]  }
0x31: {  	[smem:$0x3FB3] =	sst s10  }
0x32: {  	s10 =	sld [smem:$0x3FB1];
	_ =	sdelay $0x3  }
0x33: {  	p0 =	seq.s32 s10, $0x1;
	s10 =	sld [smem:$0x3FB3];
	_ =	sdelay $0x3  }
0x34: {  	[smem:$0x3FB3] =	sst s10  }
0x35: {  	s10 =	sld [smem:$0x3FB2];
	_ =	sdelay $0x3  }
0x36: {  	p1 =	seq.s32 s10, $0x1;
	s10 =	sld [smem:$0x3FB3];
	_ =	sdelay $0x3  }
0x37: {  	[smem:$0x3FB3] =	sst s10  }
0x38: {  	s10 =	sld [smem:$0x3FB4]  }
0x39: {  	_ = 	snop;
	(pc) =	sbr.ind lr, $3  }
0x3a: {  	_ = 	snop  }
0x3b: {  	_ = 	snop  }
0x3c: {  	p2 =	seq.s32 s10, $0x1;
	s10 =	sld [smem:$0x3FB3]  }
0x3d: {  	_ =	shalt  }
0x3e: {  	_ =	shalt  }
0x3f: {  	_ =	shalt  }
0x40: {  	_ =	shalt  }
0x41: {  	_ =	shalt  }
0x42: {  	_ =	shalt  }
0x43: {  	_ =	shalt  }
0x44: {  	_ =	shalt  }
0x45: {  	_ =	shalt  }
0x46: {  	_ =	shalt  }
0x47: {  	_ =	shalt  }
0x48: {  	_ =	shalt  }
0x49: {  	_ =	shalt  }
0x4a: {  	_ =	shalt  }
0x4b: {  	_ =	shalt  }
0x4c: {  	_ =	shalt  }
0x4d: {  	_ =	shalt  }
0x4e: {  	_ =	shalt  }
0x4f: {  	_ =	shalt  }
0x50: {  	_ =	shalt  }
0x51: {  	_ =	shalt  }
0x52: {  	_ =	shalt  }
0x53: {  	_ =	shalt  }
0x54: {  	_ =	shalt  }
0x55: {  	_ =	shalt  }
0x56: {  	_ =	shalt  }
0x57: {  	_ =	shalt  }
0x58: {  	_ =	shalt  }
0x59: {  	_ =	shalt  }
0x5a: {  	_ =	shalt  }
0x5b: {  	_ =	shalt  }
0x5c: {  	_ =	shalt  }
0x5d: {  	_ =	shalt  }
0x5e: {  	_ =	shalt  }
0x5f: {  	_ =	shalt  }
0x60: {  	_ =	shalt  }
0x61: {  	_ =	shalt  }
0x62: {  	_ =	shalt  }
0x63: {  	_ =	shalt  }
0x64: {  	_ =	shalt  }
0x65: {  	_ =	shalt  }
0x66: {  	_ =	shalt  }
0x67: {  	_ =	shalt  }
0x68: {  	_ =	shalt  }
0x69: {  	_ =	shalt  }
0x6a: {  	_ =	shalt  }
0x6b: {  	_ =	shalt  }
0x6c: {  	_ =	shalt  }
0x6d: {  	_ =	shalt  }
0x6e: {  	_ =	shalt  }
0x6f: {  	_ =	shalt  }
0x70: {  	_ =	shalt  }
0x71: {  	_ =	shalt  }
0x72: {  	_ =	shalt  }
0x73: {  	_ =	shalt  }
0x74: {  	_ =	shalt  }
0x75: {  	_ =	shalt  }
0x76: {  	_ =	shalt  }
0x77: {  	_ =	shalt  }
0x78: {  	_ =	shalt  }
0x79: {  	_ =	shalt  }
0x7a: {  	_ =	shalt  }
0x7b: {  	_ =	shalt  }
0x7c: {  	_ =	shalt  }
0x7d: {  	_ =	shalt  }
0x7e: {  	_ =	shalt  }
0x7f: {  	_ =	shalt  }
0x80: {  	_ =	shalt  }
0x81: {  	_ =	shalt  }
0x82: {  	_ =	shalt  }
0x83: {  	_ =	shalt  }
0x84: {  	_ =	shalt  }
0x85: {  	_ =	shalt  }
0x86: {  	_ =	shalt  }
0x87: {  	_ =	shalt  }
.Lfunc_end0:
.L_simem_size_0:
called_computation.2_lowered:
.L_overlay_start_0:
0x88: {  	s2 =	sld [smem:$0x3FD9]  }
0x89: {  	s3 =	sld [smem:$0x3FFE];
	_ =	sdelay $0x1  }
0x8a: {  	s1 =	srdreg.scid  }
0x8b: {  	s0 =	sand.u32 $0x1, s1  }
0x8c: {  	s16 =	sshll.u32 s0, $0xA;
	s2 =	sadd.s32 s3, s2  }
0x8d: {  	s2 =	sadd.s32 s2, s16  }
0x8e: {  	[smem:$0x3FBF] =	sst s2  }
0x8f: {  	_ = 	snop  }
0x90: {  	(tm) =	ssettm $0x1  }
0x91: {  	s17 =	sld [smem:$0x3FFB];
	_ =	sdelay $0x3  }
0x92: {  	_ =	strace s17  }
0x93: {  	s2 =	sld [smem:$0x3FFC];
	_ =	sdelay $0x3  }
0x94: {  	_ =	strace s2  }
0x95: {  	s2 =	sld [smem:$0x3FFD];
	_ =	sdelay $0x3  }
0x96: {  	_ =	strace s2  }
0x97: {  	_ =	strace $0x8FFFFFFF  }
0x98: {  	s18 =	sld [smem:$0x3FDB];
	_ =	sdelay $0x1  }
0x99: {  	s19 =	simm.s32 $_scs_section_size  }
0x9a: {  	s4 =	simm.s32 $_size__tile_overlayer_lowered;
	s5 =	simm.s32 $_tile_overlayer_lowered  }
0x9b: {  	s22 =	simm.s32 $0x1BFF;
	s21 =	sshll.u32 s5, $0x1;
	s2 =	sadd.s32 s19, s18  }
0x9c: {  	s6 =	simm.s32 $0x0;
	s20 =	sshll.u32 s4, $0x1;
	s4 =	sadd.s32 s21, s2  }
0x9d: {  	[timem:s6], [sflag:s22] =	dma.local [hbm:s4], s20  }
0x9e: {  	_ =	swait.ge [sflag:s22], s20  }
0x9f: {  	s3 =	ssub.s32 $0x0, s20;
	[sflag:s22] =	ssyncset.done $0x0  }
0xa0: {  	[sflag:s22] =	ssyncadd.s32 s3;
	_ =	sdelay $0x1  }
0xa1: {  	s23 =	simm.s32 $0x1B8B  }
0xa2: {  	_ =	swait.ge [sflag:s23], $0x1  }
0xa3: {  	[sflag:s23] =	ssyncset.done $0x0  }
0xa4: {  	s25 =	simm.s32 $0x1B8E;
	s24 =	sld [smem:$0x3FFE];
	[sflag:s23] =	ssyncadd.s32 $0xFFFFFFFF  }
0xa5: {  	s26 =	simm.s32 $execute0_lowered;
	[smem:$0x3FD2] =	sst s25  }
0xa6: {  	s4 =	sshll.u32 s26, $0x1;
	_ =	strace $0x8000004C;
	[dreg:$0x1] =	wrdreg $0xFFFFFFFF  }
0xa7: {  	s28 =	simm.s32 $_size_execute0_lowered;
	s2 =	sadd.s32 s2, s4;
	[dreg:$0x0] =	wrdreg $0x0  }
0xa8: {  	s4 =	sshll.u32 s28, $0x1;
	[dreg:$0x2] =	wrdreg s2  }
0xa9: {  	[dreg:$0x3] =	wrdreg s4  }
0xaa: {  	[dreg:$0x4] =	wrdreg $0xC0  }
0xab: {  	_ =	task [dreg:s6], $0x5FFFF  }
0xac: {  	[dreg:$0x1] =	wrdreg $0xFFFFFFFF  }
0xad: {  	[dreg:$0x0] =	wrdreg $0x60  }
0xae: {  	[dreg:$0x2] =	wrdreg s24  }
0xaf: {  	[dreg:$0x3] =	wrdreg $0x11E000  }
0xb0: {  	[dreg:$0x4] =	wrdreg $0x9  }
0xb1: {  	_ =	task.clear_ibuf [dreg:s6], $0x5FFFF;
	_ =	strace $0x9000004C  }
0xb2: {  	s29 =	simm.s32 $0x9;
	_ =	strace $0x8000004E  }
0xb3: {  	_ =	swait.ge [sflag:s29], $0x1  }
0xb4: {  	[sflag:s29] =	ssyncadd.s32 $0xFFFFFFFF  }
0xb5: {  	_ =	strace $0x9000004E  }
0xb6: {  	_ =	sfence  }
0xb7: {  	s30 =	sld [smem:$0x0];
	_ =	sdelay $0x2  }
0xb8: {  	s31 =	sshll.u32 s1, $0xD;
	s1 =	sshrl.u32 s1, $0x2  }
0xb9: {  	s3 =	sand.u32 $0x4000, s31;
	s1 =	sadd.s32 s1, s30  }
0xba: {  	s0 =	sor.u32 s3, s0;
	s1 =	sshll.u32 s1, $0x11  }
0xbb: {  	s0 =	sor.u32 s1, s0  }
0xbc: {  	s0 =	sadd.s32 $0x8F2B, s0  }
0xbd: {  	[sflag:s0] =	ssyncadd.remote.s32 $0x1  }
0xbe: {  	_ =	sfence.sel $0xFFFF  }
0xbf: {  	[dreg:$0x0] =	wrdreg $0xFFFFFFFF;
	(pc) =	sbr.abs _section_cstart, $3  }
0xc0: {  	[dreg:$0x1] =	wrdreg $0xFFFFFFFF  }
0xc1: {  	_ =	task.clear_ibuf [dreg:s6], $0x2FFFF;
	_ =	strace $0x9FFFFFFF  }
0xc2: {  	(tm) =	ssettm $0x7FFFFFFF  }
0xc3: {  	_ =	shalt  }
tec
execute0_lowered:
.L_overlay_start_1:
0x0: {  	(tag) =	ssettag $0x1  }
0x1: {  	v7 =	vlaneseq.u32;
	v2 =	vimm.s32 $0x1CF  }
0x2: {  	vm14 =	vcmask $0x300;
	vm13 =	vcmask $0x704;
	v3 =	vimm.s32 $0x252  }
0x3: {  	vm12 =	vcmask $0xB08;
	vm11 =	vcmask $0xF0C;
	vm10 =	vcmask $0x1310  }
0x4: {  	vm9 =	vcmask $0x1714;
	vm8 =	vcmask $0x1B18;
	vm7 =	vcmask $0x1F1C  }
0x5: {  	vm6 =	vcmask $0x2320;
	vm5 =	vcmask $0x2724;
	vm4 =	vcmask $0x2B28  }
0x6: {  	vm3 =	vcmask $0x2F2C;
	vm2 =	vcmask $0x3330;
	vm1 =	vcmask $0x3734  }
0x7: {  	vm0 =	vcmask $0x3B38;
	v6 =	vimm.s32 $0x2D5;
	v8 =	vimm.s32 $0x358  }
0x8: {  	v9 =	vimm.s32 $0x3DB;
	v10 =	vimm.s32 $0x45E;
	v11 =	vimm.s32 $0x4E1  }
0x9: {  	v12 =	vimm.s32 $0x564;
	v1 =	vadd.s32 $0x9C8, v7;
	v2 =	vsel vm14, $0x0, v2  }
0xa: {  	v3 =	vsel vm14, $0x83, v3;
	v5 =	vadd.s32 $0x9E8, v7;
	v6 =	vsel vm14, $0x106, v6  }
0xb: {  	v8 =	vsel vm14, $0x189, v8;
	v9 =	vsel vm14, $0x20C, v9;
	v10 =	vsel vm14, $0x28F, v10  }
0xc: {  	v11 =	vsel vm14, $0x312, v11;
	v12 =	vsel vm14, $0x395, v12;
	v2 =	vsel vm13, $0x241, v2  }
0xd: {  	v3 =	vsel vm13, $0x2C4, v3;
	v6 =	vsel vm13, $0x347, v6;
	v8 =	vsel vm13, $0x3CA, v8  }
0xe: {  	s0 =	srdreg.scid;
	v9 =	vsel vm13, $0x44D, v9;
	v10 =	vsel vm13, $0x4D0, v10;
	v11 =	vsel vm13, $0x553, v11  }
0xf: {  	s5 =	sand.u32 $0x1, s0;
	v12 =	vsel vm13, $0x5D6, v12;
	v2 =	vsel vm12, $0x482, v2;
	v3 =	vsel vm12, $0x505, v3  }
0x10: {  	s0 =	smul.u32 $0x2710, s5;
	v6 =	vsel vm12, $0x588, v6;
	v8 =	vsel vm12, $0x60B, v8;
	v9 =	vsel vm12, $0x68E, v9  }
0x11: {  	v10 =	vsel vm12, $0x711, v10;
	v11 =	vsel vm12, $0x794, v11;
	v12 =	vsel vm12, $0x817, v12  }
0x12: {  	v0 =	vmov s0;
	v2 =	vsel vm11, $0x6C3, v2;
	v3 =	vsel vm11, $0x746, v3  }
0x13: {  	v6 =	vsel vm11, $0x7C9, v6;
	v8 =	vsel vm11, $0x84C, v8;
	v9 =	vsel vm11, $0x8CF, v9  }
0x14: {  	v10 =	vsel vm11, $0x952, v10;
	v11 =	vsel vm11, $0x9D5, v11;
	v12 =	vsel vm11, $0xA58, v12  }
0x15: {  	v2 =	vsel vm10, $0x904, v2;
	v3 =	vsel vm10, $0x987, v3;
	v6 =	vsel vm10, $0xA0A, v6  }
0x16: {  	v8 =	vsel vm10, $0xA8D, v8;
	v9 =	vsel vm10, $0xB10, v9;
	v10 =	vsel vm10, $0xB93, v10  }
0x17: {  	v11 =	vsel vm10, $0xC16, v11;
	v12 =	vsel vm10, $0xC99, v12;
	v2 =	vsel vm9, $0xB45, v2  }
0x18: {  	v3 =	vsel vm9, $0xBC8, v3;
	v6 =	vsel vm9, $0xC4B, v6;
	v8 =	vsel vm9, $0xCCE, v8  }
0x19: {  	v9 =	vsel vm9, $0xD51, v9;
	v10 =	vsel vm9, $0xDD4, v10;
	v11 =	vsel vm9, $0xE57, v11  }
0x1a: {  	v12 =	vsel vm9, $0xEDA, v12;
	v2 =	vsel vm8, $0xD86, v2;
	v3 =	vsel vm8, $0xE09, v3  }
0x1b: {  	v6 =	vsel vm8, $0xE8C, v6;
	v8 =	vsel vm8, $0xF0F, v8;
	v9 =	vsel vm8, $0xF92, v9  }
0x1c: {  	v10 =	vsel vm8, $0x1015, v10;
	v11 =	vsel vm8, $0x1098, v11;
	v12 =	vsel vm8, $0x111B, v12  }
0x1d: {  	v2 =	vsel vm7, $0xFC7, v2;
	v3 =	vsel vm7, $0x104A, v3;
	v6 =	vsel vm7, $0x10CD, v6  }
0x1e: {  	v8 =	vsel vm7, $0x1150, v8;
	v9 =	vsel vm7, $0x11D3, v9;
	v10 =	vsel vm7, $0x1256, v10  }
0x1f: {  	v11 =	vsel vm7, $0x12D9, v11;
	v12 =	vsel vm7, $0x135C, v12;
	v2 =	vsel vm6, $0x1208, v2  }
0x20: {  	v3 =	vsel vm6, $0x128B, v3;
	v6 =	vsel vm6, $0x130E, v6;
	v8 =	vsel vm6, $0x1391, v8  }
0x21: {  	v9 =	vsel vm6, $0x1414, v9;
	v10 =	vsel vm6, $0x1497, v10;
	v11 =	vsel vm6, $0x151A, v11  }
0x22: {  	v12 =	vsel vm6, $0x159D, v12;
	v2 =	vsel vm5, $0x1449, v2;
	v3 =	vsel vm5, $0x14CC, v3  }
0x23: {  	s19 =	stileid.u32;
	v6 =	vsel vm5, $0x154F, v6;
	v8 =	vsel vm5, $0x15D2, v8;
	v9 =	vsel vm5, $0x1655, v9  }
0x24: {  	s6 =	rddreg [dreg:$0x0];
	s2 =	simm.s32 $0x0;
	s13 =	simm.s32 $0x80;
	v10 =	vsel vm5, $0x16D8, v10;
	v11 =	vsel vm5, $0x175B, v11;
	v12 =	vsel vm5, $0x17DE, v12  }
0x25: {  	s14 =	simm.s32 $0x400;
	s15 =	simm.s32 $0x3;
	s16 =	simm.s32 $0x4F00;
	v2 =	vsel vm4, $0x168A, v2;
	v3 =	vsel vm4, $0x170D, v3;
	v6 =	vsel vm4, $0x1790, v6  }
0x26: {  	s17 =	simm.s32 $0x1;
	s18 =	simm.s32 $0x9E00;
	s20 =	simm.s32 $0x0;
	v8 =	vsel vm4, $0x1813, v8;
	v9 =	vsel vm4, $0x1896, v9;
	v10 =	vsel vm4, $0x1919, v10  }
0x27: {  	s1 =	sshrl.u32 s19, $0x3;
	s4 =	sshll.u32 s19, $0x7;
	[smem:$0x7FF] =	sst s2;
	v11 =	vsel vm4, $0x199C, v11;
	v12 =	vsel vm4, $0x1A1F, v12;
	v2 =	vsel vm3, $0x18CB, v2  }
0x28: {  	s10 =	sadd.s32 $0xC5A00, s6;
	p0 =	sne.s32 s19, $0x0;
	s3 =	smul.u32 $0x27400, s1;
	v3 =	vsel vm3, $0x194E, v3;
	v6 =	vsel vm3, $0x19D1, v6;
	v8 =	vsel vm3, $0x1A54, v8  }
0x29: {  	p1 =	sne.s32 s19, $0x1;
	s4 =	sand.u32 $0x380, s4;
	s9 =	smul.u32 $0x139000, s5;
	v9 =	vsel vm3, $0x1AD7, v9;
	v10 =	vsel vm3, $0x1B5A, v10;
	v11 =	vsel vm3, $0x1BDD, v11  }
0x2a: {  	s8 =	ssub.s32 $0x2, s5;
	s29 =	smul.u32 $0x27200, s5;
	p2 =	sne.s32 @p1 s19, $0x0;
	v12 =	vsel vm3, $0x1C60, v12;
	v2 =	vsel vm2, $0x1B0C, v2;
	v4 =	vsel vm2, $0x1B8F, v3  }
0x2b: {  	s19 =	simm.s32 $0x4;
	s28 =	sshrl.u32 s8, $0x1;
	p2 =	por p2, !p1;
	v3 =	vadd.s32 $0x9D8, v7;
	v6 =	vsel vm2, $0x1C12, v6;
	v8 =	vsel vm2, $0x1C95, v8  }
0x2c: {  	s0 =	rddreg [dreg:$0x1];
	s4 =	sor.u32 s4, s3;
	_ =	strace $0x8000004D;
	v9 =	vsel vm2, $0x1D18, v9;
	v7 =	vadd.s32 $0x9F8, v7;
	v10 =	vsel vm2, $0x1D9B, v10  }
0x2d: {  	s3 =	sadd.s32 $0x34600, s6;
	s11 =	ssub.s32 s8, s28;
	s9 =	sshrl.u32 s9, $0x3;
	v11 =	vsel vm2, $0x1E1E, v11;
	v12 =	vsel vm2, $0x1EA1, v12;
	v2 =	vsel vm1, $0x1D4D, v2  }
.Ltmp0:
0x2e: {  	s30 =	sadd.s32 s10, s29;
	s4 =	sshrl.u32 s4, $0x3;
	v4 =	vsel vm1, $0x1DD0, v4;
	v6 =	vsel vm1, $0x1E53, v6;
	v8 =	vsel vm1, $0x1ED6, v8;
	(pc) =	sbr.rel .LBB2_1-.Ltmp0, $4  }
0x2f: {  	s12 =	sadd.s32 s10, s9;
	[dreg:$0x3] =	wrdreg s30;
	s11 =	smax.u32 s11, $0x1;
	v9 =	vsel vm1, $0x1F59, v9;
	v10 =	vsel vm1, $0x1FDC, v10;
	v11 =	vsel vm1, $0x5F, v11  }
0x30: {  	s7 =	sadd.s32 s4, s6;
	s4 =	sadd.s32 $0x2A400, s6;
	s31 =	sadd.s32 $0x9C80, s12;
	v12 =	vsel vm1, $0xE2, v12;
	v2 =	vsel vm0, $0x1F8E, v2;
	v4 =	vsel vm0, $0x11, v4  }
0x31: {  	s9 =	sadd.s32 $0x13900, s12;
	s10 =	sadd.s32 $0x1D580, s12;
	s12 =	sshrl.u32 @!p0 s0, $0x3;
	v6 =	vsel vm0, $0x94, v6;
	v8 =	vsel vm0, $0x117, v8;
	v9 =	vsel vm0, $0x19A, v9  }
0x32: {  	s5 =	sadd.s32 $0xBBC00, s7;
	s6 =	sadd.s32 $0xB1E00, s7;
	[dreg:$0x4] =	wrdreg s31;
	v10 =	vsel vm0, $0x21D, v10;
	v11 =	vsel vm0, $0x2A0, v11;
	v12 =	vsel vm0, $0x323, v12  }
.LBB2_29:
0x33: {  	_ = 	snop  }
.LBB2_32:
0x34: {  	p3 =	por p3, !p4  }
0x35: {  	s1 =	simm.s32 @!p6 $0x80;
	[sflag:s28] =	ssyncset.done @!p3 $0x0  }
0x36: {  	s7 =	simm.s32 @!p6 $0xDE00;
	[sflag:s28] =	ssyncadd.s32 @!p3 $0xFFFFC000;
	p3 =	por p6, p6  }
0x37: {  	[tilespmem:s7], [sflag:$0x2] =	stream.indirect.gather @!p3 [hbm4b:s3+s1], $0x80, s24, s1, $0xb8;
	[tilespmem:$0x16E40] =	vst v63  }
0x38: {  	_ =	swait.ge [sflag:s17], $0x4000  }
0x39: {  	[sflag:s17] =	ssyncset.done $0x0  }
0x3a: {  	s8 =	sadd.s32 $0x2, s25;
	[sflag:s17] =	ssyncadd.s32 $0xFFFFC000  }
0x3b: {  	[spmem:s0] =	stream.indirect.scatter.add.f32 [tilespmem:s18], [sflag:$0x4], $0x80, s23, s13, $0xb8;
	[tilespmem:$0x16E40] =	vst v63  }
0x3c: {  	p4 =	sgt.s32 s8, s22;
	_ =	swait.ge [sflag:s19], $0x4000  }
0x3d: {  	s8 =	sadd.s32 @!p4 $0x80, s24;
	s25 =	simm.s32 @!p4 $0x9E00;
	[sflag:s19] =	ssyncset.done $0x0  }
0x3e: {  	s22 =	simm.s32 @!p3 $0x2;
	s24 =	simm.s32 @!p4 $0x80;
	[sflag:s19] =	ssyncadd.s32 $0xFFFFC000  }
0x3f: {  	[tilespmem:s25], [sflag:$0x1] =	stream.indirect.gather @!p4 [hbm4b:s3+s24], $0x80, s8, s24, $0xb8;
	[tilespmem:$0x16E40] =	vst v63  }
0x40: {  	_ =	swait.ge @!p3 [sflag:s22], $0x4000  }
0x41: {  	[sflag:s22] =	ssyncset.done @!p3 $0x0  }
0x42: {  	s8 =	sadd.s32 @!p3 $0x80, s23;
	s23 =	simm.s32 @!p3 $0x3;
	[sflag:s22] =	ssyncadd.s32 @!p3 $0xFFFFC000  }
0x43: {  	[spmem:s0] =	stream.indirect.scatter.add.f32 @!p3 [tilespmem:s7], [sflag:$0x3], $0x80, s8, s1, $0xb8;
	[tilespmem:$0x16E40] =	vst v63  }
0x44: {  	_ =	swait.ge @!p3 [sflag:s23], $0x4000  }
0x45: {  	[sflag:s23] =	ssyncset.done @!p3 $0x0  }
0x46: {  	[sflag:s23] =	ssyncadd.s32 @!p3 $0xFFFFC000  }
.LBB2_33:
0x47: {  	[bflag:$0x0] =	sbarrier.arrive $0xFFFF;
	s1 =	simm.s32 @!p1 $0x1C43;
	s20 =	sadd.s32 $0x1, s20  }
0x48: {  	[hbm:s10], [sflag:s1] =	dma.local @!p1 [spmem:s21], $0x9C80  }
0x49: {  	p3 =	sne.s32 s20, s11  }
.Ltmp1:
0x4a: {  	_ = 	snop;
	(pc) =	sbr.rel @!p3 .LBB2_34-.Ltmp1, $4  }
0x4b: {  	s1 =	simm.s32 @!p1 $0x3  }
0x4c: {  	_ =	swait.ge @!p1 [sflag:s1], $0x9C80  }
0x4d: {  	[sflag:s1] =	ssyncset.done @!p1 $0x0  }
0x4e: {  	[sflag:s1] =	ssyncadd.s32 @!p1 $0xFFFF6380  }
.LBB2_1:
0x4f: {  	s21 =	simm.s32 @!p0 $0x1C03  }
0x50: {  	[spmem:s12], [sflag:s21] =	dma.local @!p0 [hbm:s4], $0xA080  }
0x51: {  	s21 =	simm.s32 @!p0 $0x3  }
0x52: {  	_ =	swait.ge @!p0 [sflag:s21], $0xA080  }
0x53: {  	[sflag:s21] =	ssyncset.done @!p0 $0x0  }
0x54: {  	[sflag:s21] =	ssyncadd.s32 @!p0 $0xFFFF5F80  }
0x55: {  	[tilespmem:s2], [sflag:$0x3] =	stream.strided.gather [hbm4b:s5+s13], $0x4E80, s14, s13, $0x38;
	[tilespmem:$0x16E40] =	vst v63  }
0x56: {  	_ =	swait.ge [sflag:s15], $0x4E80  }
0x57: {  	[sflag:s15] =	ssyncset.done $0x0  }
0x58: {  	[sflag:s15] =	ssyncadd.s32 $0xFFFFB180  }
0x59: {  	[tilespmem:s16], [sflag:$0x3] =	stream.strided.gather [hbm4b:s6+s13], $0x4E80, s14, s13, $0x38;
	[tilespmem:$0x16E40] =	vst v63  }
0x5a: {  	_ =	swait.ge [sflag:s15], $0x4E80  }
0x5b: {  	[sflag:s15] =	ssyncset.done $0x0  }
0x5c: {  	s31 =	simm.s32 $0x0;
	[sflag:s15] =	ssyncadd.s32 $0xFFFFB180  }
0x5d: {  	v13 =	vld [tilespmem:s31+$0x4F00];
	_ =	sdelay $0x4  }
0x5e: {  	vm0 =	vlt.u32 v13, $0x9C8  }
0x5f: {  	v15 =	vmpcnt.ones.xlane vm0;
	_ =	sdelay $0x1  }
0x60: {  	(v2sf) =	vpush v15, $0x0  }
0x61: {  	v14 =	vld [tilespmem:s31+$0x0];
	_ =	sdelay $0x4  }
0x62: {  	v14 =	vadd.s32 v0, v14;
	[tilespmem:s2+$0x4F00] =	vst.msk vm0, v13  }
0x63: {  	s23 =	simm.s32 $0x10;
	s22 =	simm.s32 $0x80;
	s21 =	simm.s32 $0x0;
	[tilespmem:s2+$0x0] =	vst.msk vm0, v14  }
.LBB2_2:
0x64: {  	p3 =	sne.s32 s22, $0x139C0;
	v13 =	vld [tilespmem:s23+$0x4F00];
	_ =	sdelay $0x3  }
0x65: {  	v14 =	vld [tilespmem:s23+$0x0]  }
0x66: {  	vm0 =	vlt.u32 v13, $0x9C8  }
0x67: {  	v15 =	vmpcnt.ones.xlane vm0  }
0x68: {  	s23 =	spop (v2sf)  }
0x69: {  	(v2sf) =	vpush v15, $0x0;
	s21 =	sadd.s32 s21, s23  }
0x6a: {  	v14 =	vadd.s32 v0, v14;
	[tilespmem:s21+$0x4F00] =	vst.msk vm0, v13  }
0x6b: {  	[tilespmem:s21+$0x0] =	vst.msk vm0, v14  }
.Ltmp2:
0x6c: {  	(pc) =	sbr.rel @p3 .LBB2_2-.Ltmp2, $2  }
0x6d: {  	_ =	sdelay $0x2  }
0x6e: {  	s23 =	sshra.s32 s22, $0x2;
	s22 =	sadd.s32 $0x40, s22  }
0x6f: {  	v13 =	vld [tilespmem:s23+$0x4F00];
	_ =	sdelay $0x4  }
0x70: {  	vm0 =	vlt.u32 v13, $0x9C8  }
0x71: {  	v14 =	vmpcnt.ones.xlane vm0;
	_ =	sdelay $0x1  }
0x72: {  	(v2sf) =	vpush v14, $0x0;
	_ =	sdelay $0x9  }
0x73: {  	v14 =	vld [tilespmem:s23+$0x0];
	_ =	sdelay $0x2  }
0x74: {  	s22 =	spop (v2sf)  }
0x75: {  	s21 =	sadd.s32 s21, s22  }
0x76: {  	[tilespmem:s21+$0x4F00] =	vst.msk vm0, v13;
	v14 =	vadd.s32 v0, v14;
	s26 =	spop (v2sf)  }
0x77: {  	[tilespmem:s21+$0x0] =	vst.msk vm0, v14;
	s22 =	sadd.s32 s21, s26  }
0x78: {  	[tilespmem:s22+$0x4F00] =	vst v1  }
0x79: {  	[tilespmem:s22+$0x0] =	vst v2  }
0x7a: {  	[tilespmem:s22+$0x4F10] =	vst v3  }
0x7b: {  	[tilespmem:s22+$0x10] =	vst v4  }
0x7c: {  	[tilespmem:s22+$0x4F20] =	vst v5  }
0x7d: {  	[tilespmem:s22+$0x20] =	vst v6;
	s21 =	sand.u32 $0x7F, s22  }
0x7e: {  	[tilespmem:s22+$0x4F30] =	vst v7;
	s28 =	sshra.s32 s22, $0x1F;
	p3 =	slt.s32 s22, $0x1;
	p4 =	sne.s32 s21, $0x0  }
0x7f: {  	[tilespmem:s22+$0x30] =	vst v8;
	s29 =	sshrl.u32 s28, $0x19;
	p3 =	por !p3, !p4  }
0x80: {  	s23 =	simm.s32 $0x1;
	[tilespmem:s22+$0x4F40] =	vst v1;
	s21 =	sadd.s32 s29, s22;
	p3 =	por !p3, !p3  }
0x81: {  	[tilespmem:s22+$0x40] =	vst v9;
	s21 =	sshra.s32 s21, $0x7;
	s23 =	simm.s32 @!p3 $0x0  }
0x82: {  	[tilespmem:s22+$0x4F50] =	vst v3;
	s21 =	ssub.s32 s21, s23  }
0x83: {  	[tilespmem:s22+$0x50] =	vst v10;
	s23 =	sand.u32 $0x1, s21  }
0x84: {  	[tilespmem:s22+$0x4F60] =	vst v5;
	s24 =	sadd.s32 $0x2, s21;
	p5 =	slt.s32 s21, $0xFFFFFFFF;
	p6 =	seq.s32 s23, $0x1  }
0x85: {  	[tilespmem:s22+$0x60] =	vst v11;
	s30 =	sshrl.u32 s24, $0x1F;
	p3 =	por !p5, !p6  }
0x86: {  	[tilespmem:s22+$0x4F70] =	vst v7;
	s23 =	simm.s32 $0x1;
	s31 =	sadd.s32 s30, s24;
	p3 =	por !p3, !p3  }
0x87: {  	[tilespmem:s22+$0x70] =	vst v12;
	s22 =	sshra.s32 s31, $0x1;
	s23 =	simm.s32 @!p3 $0x0  }
0x88: {  	s25 =	ssub.s32 s22, s23  }
0x89: {  	p3 =	slt.s32 s25, $0x1  }
.Ltmp3:
0x8a: {  	_ = 	snop;
	(pc) =	sbr.rel @p3 .LBB2_9-.Ltmp3, $4  }
0x8b: {  	_ = 	snop  }
0x8c: {  	[bflag:$0x0] =	sbarrier.arrive $0xFFFF  }
0x8d: {  	s24 =	simm.s32 $0x0;
	s23 =	simm.s32 $0x80;
	s22 =	simm.s32 $0x4F00  }
0x8e: {  	[tilespmem:s18], [sflag:$0x1] =	stream.indirect.gather [hbm4b:s3+s23], $0x80, s24, s23, $0xb8;
	[tilespmem:$0x16E40] =	vst v63  }
0x8f: {  	s25 =	sadd.s32 $0xFFFFFFFF, s25  }
0x90: {  	p3 =	sne.s32 s25, $0x0  }
.Ltmp4:
0x91: {  	_ = 	snop;
	(pc) =	sbr.rel @!p3 .LBB2_5-.Ltmp4, $2  }
0x92: {  	_ =	sdelay $0x2  }
0x93: {  	p6 =	sle.s32 s21, $0x0;
	p4 =	por $0x0, $0x0  }
0x94: {  	s26 =	simm.s32 @!p6 $0x80;
	s28 =	simm.s32 @!p6 $0xDE00;
	p3 =	por p6, p6  }
0x95: {  	[tilespmem:s28], [sflag:$0x2] =	stream.indirect.gather @!p3 [hbm4b:s3+s26], $0x80, s23, s26, $0xb8;
	[tilespmem:$0x16E40] =	vst v63  }
0x96: {  	_ =	swait.ge [sflag:s17], $0x4000  }
0x97: {  	[sflag:s17] =	ssyncset.done $0x0  }
0x98: {  	[sflag:s17] =	ssyncadd.s32 $0xFFFFC000  }
0x99: {  	[spmem:s0] =	stream.indirect.scatter.add.f32 [tilespmem:s18], [sflag:$0x4], $0x80, s22, s13, $0xb8;
	[tilespmem:$0x16E40] =	vst v63  }
0x9a: {  	p4 =	slt.s32 s21, $0x2;
	s25 =	sadd.s32 $0xFFFFFFFF, s25;
	_ =	swait.ge [sflag:s19], $0x4000  }
0x9b: {  	s23 =	simm.s32 @!p3 $0x2;
	s24 =	simm.s32 @!p4 $0x80;
	[sflag:s19] =	ssyncset.done $0x0  }
0x9c: {  	s29 =	simm.s32 @!p4 $0x9E00;
	s22 =	simm.s32 @!p4 $0x100;
	[sflag:s19] =	ssyncadd.s32 $0xFFFFC000  }
0x9d: {  	[tilespmem:s29], [sflag:$0x1] =	stream.indirect.gather @!p4 [hbm4b:s3+s24], $0x80, s22, s24, $0xb8;
	[tilespmem:$0x16E40] =	vst v63  }
0x9e: {  	p5 =	sne.s32 s25, $0x0;
	_ =	swait.ge @!p3 [sflag:s23], $0x4000  }
.Ltmp5:
0x9f: {  	[sflag:s23] =	ssyncset.done @!p3 $0x0;
	(pc) =	sbr.rel @!p5 .LBB2_8-.Ltmp5, $4  }
0xa0: {  	p6 =	sle.s32 s21, $0x2;
	s22 =	simm.s32 @!p3 $0x4F80;
	[sflag:s23] =	ssyncadd.s32 @!p3 $0xFFFFC000  }
0xa1: {  	[spmem:s0] =	stream.indirect.scatter.add.f32 @!p3 [tilespmem:s28], [sflag:$0x3], $0x80, s22, s26, $0xb8;
	[tilespmem:$0x16E40] =	vst v63  }
0xa2: {  	s24 =	simm.s32 $0x2;
	p4 =	por $0x1, $0x1;
	s26 =	simm.s32 @!p3 $0x3  }
0xa3: {  	s23 =	simm.s32 $0x180;
	s22 =	simm.s32 $0x5000;
	_ =	swait.ge @!p3 [sflag:s26], $0x4000  }
.LBB2_7:
0xa4: {  	s28 =	simm.s32 @!p6 $0x80;
	s29 =	simm.s32 @!p6 $0xDE00;
	[sflag:s26] =	ssyncset.done @!p3 $0x0  }
0xa5: {  	s25 =	sadd.s32 $0xFFFFFFFF, s25;
	[sflag:s26] =	ssyncadd.s32 @!p3 $0xFFFFC000;
	p3 =	por p6, p6  }
0xa6: {  	[tilespmem:s29], [sflag:$0x2] =	stream.indirect.gather @!p3 [hbm4b:s3+s28], $0x80, s23, s28, $0xb8;
	[tilespmem:$0x16E40] =	vst v63  }
0xa7: {  	p5 =	sne.s32 s25, $0x0;
	_ =	swait.ge [sflag:s17], $0x4000  }
0xa8: {  	[sflag:s17] =	ssyncset.done $0x0  }
0xa9: {  	s24 =	sadd.s32 $0x2, s24;
	[sflag:s17] =	ssyncadd.s32 $0xFFFFC000  }
0xaa: {  	[spmem:s0] =	stream.indirect.scatter.add.f32 [tilespmem:s18], [sflag:$0x4], $0x80, s22, s13, $0xb8;
	[tilespmem:$0x16E40] =	vst v63  }
0xab: {  	p6 =	sgt.s32 s24, s21;
	_ =	swait.ge [sflag:s19], $0x4000  }
0xac: {  	s26 =	sadd.s32 @!p6 $0x80, s23;
	s30 =	simm.s32 @!p3 $0x2;
	[sflag:s19] =	ssyncset.done $0x0  }
0xad: {  	s31 =	simm.s32 @!p6 $0x80;
	s1 =	simm.s32 @!p6 $0x9E00;
	[sflag:s19] =	ssyncadd.s32 $0xFFFFC000  }
0xae: {  	[tilespmem:s1], [sflag:$0x1] =	stream.indirect.gather @!p6 [hbm4b:s3+s31], $0x80, s26, s31, $0xb8;
	[tilespmem:$0x16E40] =	vst v63  }
.Ltmp6:
0xaf: {  	_ =	swait.ge @!p3 [sflag:s30], $0x4000;
	(pc) =	sbr.rel @p5 .LBB2_7-.Ltmp6, $4  }
0xb0: {  	s1 =	sadd.s32 @!p3 $0x80, s22;
	s26 =	simm.s32 @!p3 $0x3;
	[sflag:s30] =	ssyncset.done @!p3 $0x0  }
0xb1: {  	s23 =	sadd.s32 $0x100, s23;
	[sflag:s30] =	ssyncadd.s32 @!p3 $0xFFFFC000  }
0xb2: {  	[spmem:s0] =	stream.indirect.scatter.add.f32 @!p3 [tilespmem:s29], [sflag:$0x3], $0x80, s1, s28, $0xb8;
	[tilespmem:$0x16E40] =	vst v63  }
0xb3: {  	p6 =	sge.s32 s24, s21;
	s22 =	sadd.s32 $0x100, s22;
	_ =	swait.ge @!p3 [sflag:s26], $0x4000  }
.LBB2_8:
0xb4: {  	p3 =	por p3, !p4  }
0xb5: {  	s1 =	simm.s32 @!p6 $0x80;
	[sflag:s26] =	ssyncset.done @!p3 $0x0  }
0xb6: {  	s25 =	simm.s32 @!p6 $0xDE00;
	[sflag:s26] =	ssyncadd.s32 @!p3 $0xFFFFC000;
	p3 =	por p6, p6  }
0xb7: {  	[tilespmem:s25], [sflag:$0x2] =	stream.indirect.gather @!p3 [hbm4b:s3+s1], $0x80, s23, s1, $0xb8;
	[tilespmem:$0x16E40] =	vst v63  }
0xb8: {  	_ =	swait.ge [sflag:s17], $0x4000  }
0xb9: {  	[sflag:s17] =	ssyncset.done $0x0  }
0xba: {  	s24 =	sadd.s32 $0x2, s24;
	[sflag:s17] =	ssyncadd.s32 $0xFFFFC000  }
0xbb: {  	[spmem:s0] =	stream.indirect.scatter.add.f32 [tilespmem:s18], [sflag:$0x4], $0x80, s22, s13, $0xb8;
	[tilespmem:$0x16E40] =	vst v63  }
0xbc: {  	p4 =	sgt.s32 s24, s21;
	_ =	swait.ge [sflag:s19], $0x4000  }
0xbd: {  	s21 =	sadd.s32 @!p4 $0x80, s23;
	s24 =	simm.s32 @!p4 $0x80;
	[sflag:s19] =	ssyncset.done $0x0  }
0xbe: {  	s26 =	simm.s32 @!p4 $0x9E00;
	s23 =	simm.s32 @!p3 $0x2;
	[sflag:s19] =	ssyncadd.s32 $0xFFFFC000  }
0xbf: {  	[tilespmem:s26], [sflag:$0x1] =	stream.indirect.gather @!p4 [hbm4b:s3+s24], $0x80, s21, s24, $0xb8;
	[tilespmem:$0x16E40] =	vst v63  }
0xc0: {  	_ =	swait.ge @!p3 [sflag:s23], $0x4000  }
0xc1: {  	[sflag:s23] =	ssyncset.done @!p3 $0x0  }
0xc2: {  	s21 =	sadd.s32 @!p3 $0x80, s22;
	s22 =	simm.s32 @!p3 $0x3;
	[sflag:s23] =	ssyncadd.s32 @!p3 $0xFFFFC000  }
0xc3: {  	[spmem:s0] =	stream.indirect.scatter.add.f32 @!p3 [tilespmem:s25], [sflag:$0x3], $0x80, s21, s1, $0xb8;
	[tilespmem:$0x16E40] =	vst v63  }
0xc4: {  	_ =	swait.ge @!p3 [sflag:s22], $0x4000  }
0xc5: {  	[sflag:s22] =	ssyncset.done @!p3 $0x0  }
0xc6: {  	[sflag:s22] =	ssyncadd.s32 @!p3 $0xFFFFC000  }
.LBB2_9:
0xc7: {  	[bflag:$0x0] =	sbarrier.arrive $0xFFFF  }
0xc8: {  	s22 =	sshrl.u32 @!p2 s0, $0x3;
	s1 =	simm.s32 @!p2 $0x1C03;
	[bflag:$0x0] =	sbarrier.arrive @p1 $0xFFFF  }
0xc9: {  	[spmem:s22], [sflag:s1] =	dma.local @!p2 [hbm:s4], $0xA080  }
0xca: {  	s1 =	simm.s32 @!p2 $0x3  }
0xcb: {  	_ =	swait.ge @!p2 [sflag:s1], $0xA080  }
0xcc: {  	s21 =	sshrl.u32 @!p1 s0, $0x3;
	[sflag:s1] =	ssyncset.done @!p2 $0x0  }
0xcd: {  	s7 =	rddreg [dreg:$0x3];
	[sflag:s1] =	ssyncadd.s32 @!p2 $0xFFFF5F80;
	s1 =	simm.s32 @!p1 $0x1C43  }
0xce: {  	[hbm:s7], [sflag:s1] =	dma.local @!p1 [spmem:s21], $0x9C80  }
0xcf: {  	s1 =	simm.s32 @!p1 $0x3  }
0xd0: {  	_ =	swait.ge @!p1 [sflag:s1], $0x9C80  }
0xd1: {  	[sflag:s1] =	ssyncset.done @!p1 $0x0  }
0xd2: {  	[sflag:s1] =	ssyncadd.s32 @!p1 $0xFFFF6380  }
0xd3: {  	s23 =	simm.s32 $0x0;
	[bflag:$0x0] =	sbarrier.arrive @!p1 $0xFFFF  }
0xd4: {  	[tilespmem:s23], [sflag:$0x3] =	stream.strided.gather [hbm4b:s5+s13], $0x4E80, s14, s13, $0x38;
	[tilespmem:$0x16E40] =	vst v63  }
0xd5: {  	_ =	swait.ge [sflag:s15], $0x4E80  }
0xd6: {  	[sflag:s15] =	ssyncset.done $0x0  }
0xd7: {  	[sflag:s15] =	ssyncadd.s32 $0xFFFFB180  }
0xd8: {  	[tilespmem:s16], [sflag:$0x3] =	stream.strided.gather [hbm4b:s6+s13], $0x4E80, s14, s13, $0x38;
	[tilespmem:$0x16E40] =	vst v63  }
0xd9: {  	_ =	swait.ge [sflag:s15], $0x4E80  }
0xda: {  	[sflag:s15] =	ssyncset.done $0x0  }
0xdb: {  	s31 =	simm.s32 $0x0;
	[sflag:s15] =	ssyncadd.s32 $0xFFFFB180  }
0xdc: {  	v13 =	vld [tilespmem:s31+$0x4F00];
	_ =	sdelay $0x4  }
0xdd: {  	v13 =	vadd.s32 $0xFFFFF638, v13  }
0xde: {  	vm0 =	vlt.u32 v13, $0x9C8  }
0xdf: {  	v15 =	vmpcnt.ones.xlane vm0;
	_ =	sdelay $0x1  }
0xe0: {  	v14 =	vld [tilespmem:s31+$0x0];
	(v2sf) =	vpush v15, $0x0;
	_ =	sdelay $0x4  }
0xe1: {  	v14 =	vadd.s32 v0, v14;
	[tilespmem:s23+$0x4F00] =	vst.msk vm0, v13  }
0xe2: {  	s25 =	simm.s32 $0x10;
	s24 =	simm.s32 $0x80;
	[tilespmem:s23+$0x0] =	vst.msk vm0, v14  }
.LBB2_10:
0xe3: {  	p3 =	sne.s32 s24, $0x139C0;
	v13 =	vld [tilespmem:s25+$0x4F00];
	_ =	sdelay $0x4  }
0xe4: {  	v13 =	vadd.s32 $0xFFFFF638, v13;
	v14 =	vld [tilespmem:s25+$0x0]  }
0xe5: {  	vm0 =	vlt.u32 v13, $0x9C8  }
0xe6: {  	v15 =	vmpcnt.ones.xlane vm0  }
0xe7: {  	s1 =	spop (v2sf)  }
0xe8: {  	(v2sf) =	vpush v15, $0x0;
	s23 =	sadd.s32 s23, s1  }
0xe9: {  	v14 =	vadd.s32 v0, v14;
	[tilespmem:s23+$0x4F00] =	vst.msk vm0, v13  }
.Ltmp7:
0xea: {  	[tilespmem:s23+$0x0] =	vst.msk vm0, v14;
	(pc) =	sbr.rel @p3 .LBB2_10-.Ltmp7, $2  }
0xeb: {  	_ =	sdelay $0x2  }
0xec: {  	s25 =	sshra.s32 s24, $0x2;
	s24 =	sadd.s32 $0x40, s24  }
0xed: {  	v13 =	vld [tilespmem:s25+$0x4F00];
	_ =	sdelay $0x4  }
0xee: {  	v13 =	vadd.s32 $0xFFFFF638, v13  }
0xef: {  	vm0 =	vlt.u32 v13, $0x9C8  }
0xf0: {  	v14 =	vmpcnt.ones.xlane vm0;
	_ =	sdelay $0x1  }
0xf1: {  	(v2sf) =	vpush v14, $0x0;
	_ =	sdelay $0x9  }
0xf2: {  	v14 =	vld [tilespmem:s25+$0x0];
	_ =	sdelay $0x2  }
0xf3: {  	s1 =	spop (v2sf)  }
0xf4: {  	s1 =	sadd.s32 s23, s1  }
0xf5: {  	[tilespmem:s1+$0x4F00] =	vst.msk vm0, v13;
	v14 =	vadd.s32 v0, v14;
	s25 =	spop (v2sf)  }
0xf6: {  	[tilespmem:s1+$0x0] =	vst.msk vm0, v14;
	s1 =	sadd.s32 s1, s25  }
0xf7: {  	[tilespmem:s1+$0x4F00] =	vst v1  }
0xf8: {  	[tilespmem:s1+$0x0] =	vst v2  }
0xf9: {  	[tilespmem:s1+$0x4F10] =	vst v3  }
0xfa: {  	[tilespmem:s1+$0x10] =	vst v4  }
0xfb: {  	[tilespmem:s1+$0x4F20] =	vst v5  }
0xfc: {  	[tilespmem:s1+$0x20] =	vst v6;
	s23 =	sand.u32 $0x7F, s1  }
0xfd: {  	[tilespmem:s1+$0x4F30] =	vst v7;
	s24 =	sshra.s32 s1, $0x1F;
	p3 =	slt.s32 s1, $0x1;
	p4 =	sne.s32 s23, $0x0  }
0xfe: {  	[tilespmem:s1+$0x30] =	vst v8;
	s26 =	sshrl.u32 s24, $0x19;
	p3 =	por !p3, !p4  }
0xff: {  	[tilespmem:s1+$0x4F40] =	vst v1;
	s24 =	simm.s32 $0x1;
	s23 =	sadd.s32 s26, s1;
	p3 =	por !p3, !p3  }
0x100: {  	[tilespmem:s1+$0x40] =	vst v9;
	s23 =	sshra.s32 s23, $0x7;
	s24 =	simm.s32 @!p3 $0x0  }
0x101: {  	[tilespmem:s1+$0x4F50] =	vst v3;
	s23 =	ssub.s32 s23, s24  }
0x102: {  	[tilespmem:s1+$0x50] =	vst v10;
	s24 =	sand.u32 $0x1, s23  }
0x103: {  	[tilespmem:s1+$0x4F60] =	vst v5;
	s29 =	sadd.s32 $0x2, s23;
	p5 =	slt.s32 s23, $0xFFFFFFFF;
	p6 =	seq.s32 s24, $0x1  }
0x104: {  	[tilespmem:s1+$0x60] =	vst v11;
	s30 =	sshrl.u32 s29, $0x1F;
	p3 =	por !p5, !p6  }
0x105: {  	[tilespmem:s1+$0x4F70] =	vst v7;
	s24 =	simm.s32 $0x1;
	s31 =	sadd.s32 s30, s29;
	p3 =	por !p3, !p3  }
0x106: {  	[tilespmem:s1+$0x70] =	vst v12;
	s1 =	sshra.s32 s31, $0x1;
	s24 =	simm.s32 @!p3 $0x0  }
0x107: {  	s28 =	ssub.s32 s1, s24  }
0x108: {  	p3 =	slt.s32 s28, $0x1  }
.Ltmp8:
0x109: {  	_ = 	snop;
	(pc) =	sbr.rel @p3 .LBB2_17-.Ltmp8, $4  }
0x10a: {  	_ = 	snop  }
0x10b: {  	s25 =	simm.s32 $0x80;
	[bflag:$0x0] =	sbarrier.arrive $0xFFFF;
	s26 =	simm.s32 $0x0  }
0x10c: {  	[tilespmem:s18], [sflag:$0x1] =	stream.indirect.gather [hbm4b:s3+s25], $0x80, s26, s25, $0xb8;
	[tilespmem:$0x16E40] =	vst v63  }
0x10d: {  	s24 =	simm.s32 $0x4F00  }
0x10e: {  	s28 =	sadd.s32 $0xFFFFFFFF, s28  }
0x10f: {  	p3 =	sne.s32 s28, $0x0  }
.Ltmp9:
0x110: {  	_ = 	snop;
	(pc) =	sbr.rel @!p3 .LBB2_13-.Ltmp9, $2  }
0x111: {  	_ =	sdelay $0x2  }
0x112: {  	p6 =	sle.s32 s23, $0x0;
	p4 =	por $0x0, $0x0  }
0x113: {  	s1 =	simm.s32 @!p6 $0x80;
	s29 =	simm.s32 @!p6 $0xDE00;
	p3 =	por p6, p6  }
0x114: {  	[tilespmem:s29], [sflag:$0x2] =	stream.indirect.gather @!p3 [hbm4b:s3+s1], $0x80, s25, s1, $0xb8;
	[tilespmem:$0x16E40] =	vst v63  }
0x115: {  	_ =	swait.ge [sflag:s17], $0x4000  }
0x116: {  	[sflag:s17] =	ssyncset.done $0x0  }
0x117: {  	[sflag:s17] =	ssyncadd.s32 $0xFFFFC000  }
0x118: {  	[spmem:s0] =	stream.indirect.scatter.add.f32 [tilespmem:s18], [sflag:$0x4], $0x80, s24, s13, $0xb8;
	[tilespmem:$0x16E40] =	vst v63  }
0x119: {  	p4 =	slt.s32 s23, $0x2;
	s28 =	sadd.s32 $0xFFFFFFFF, s28;
	_ =	swait.ge [sflag:s19], $0x4000  }
0x11a: {  	s25 =	simm.s32 @!p3 $0x2;
	s26 =	simm.s32 @!p4 $0x80;
	[sflag:s19] =	ssyncset.done $0x0  }
0x11b: {  	s30 =	simm.s32 @!p4 $0x9E00;
	s24 =	simm.s32 @!p4 $0x100;
	[sflag:s19] =	ssyncadd.s32 $0xFFFFC000  }
0x11c: {  	[tilespmem:s30], [sflag:$0x1] =	stream.indirect.gather @!p4 [hbm4b:s3+s26], $0x80, s24, s26, $0xb8;
	[tilespmem:$0x16E40] =	vst v63  }
0x11d: {  	p5 =	sne.s32 s28, $0x0;
	_ =	swait.ge @!p3 [sflag:s25], $0x4000  }
.Ltmp10:
0x11e: {  	[sflag:s25] =	ssyncset.done @!p3 $0x0;
	(pc) =	sbr.rel @!p5 .LBB2_16-.Ltmp10, $4  }
0x11f: {  	p6 =	sle.s32 s23, $0x2;
	s24 =	simm.s32 @!p3 $0x4F80;
	[sflag:s25] =	ssyncadd.s32 @!p3 $0xFFFFC000  }
0x120: {  	[spmem:s0] =	stream.indirect.scatter.add.f32 @!p3 [tilespmem:s29], [sflag:$0x3], $0x80, s24, s1, $0xb8;
	[tilespmem:$0x16E40] =	vst v63  }
0x121: {  	s26 =	simm.s32 $0x2;
	p4 =	por $0x1, $0x1;
	s29 =	simm.s32 @!p3 $0x3  }
0x122: {  	s25 =	simm.s32 $0x180;
	s24 =	simm.s32 $0x5000;
	_ =	swait.ge @!p3 [sflag:s29], $0x4000  }
.LBB2_15:
0x123: {  	s1 =	simm.s32 @!p6 $0x80;
	s30 =	simm.s32 @!p6 $0xDE00;
	[sflag:s29] =	ssyncset.done @!p3 $0x0  }
0x124: {  	s28 =	sadd.s32 $0xFFFFFFFF, s28;
	[sflag:s29] =	ssyncadd.s32 @!p3 $0xFFFFC000;
	p3 =	por p6, p6  }
0x125: {  	[tilespmem:s30], [sflag:$0x2] =	stream.indirect.gather @!p3 [hbm4b:s3+s1], $0x80, s25, s1, $0xb8;
	[tilespmem:$0x16E40] =	vst v63  }
0x126: {  	p5 =	sne.s32 s28, $0x0;
	_ =	swait.ge [sflag:s17], $0x4000  }
0x127: {  	[sflag:s17] =	ssyncset.done $0x0  }
0x128: {  	s26 =	sadd.s32 $0x2, s26;
	[sflag:s17] =	ssyncadd.s32 $0xFFFFC000  }
0x129: {  	[spmem:s0] =	stream.indirect.scatter.add.f32 [tilespmem:s18], [sflag:$0x4], $0x80, s24, s13, $0xb8;
	[tilespmem:$0x16E40] =	vst v63  }
0x12a: {  	p6 =	sgt.s32 s26, s23;
	_ =	swait.ge [sflag:s19], $0x4000  }
0x12b: {  	s29 =	sadd.s32 @!p6 $0x80, s25;
	s31 =	simm.s32 @!p3 $0x2;
	[sflag:s19] =	ssyncset.done $0x0  }
0x12c: {  	s7 =	simm.s32 @!p6 $0x80;
	s8 =	simm.s32 @!p6 $0x9E00;
	[sflag:s19] =	ssyncadd.s32 $0xFFFFC000  }
0x12d: {  	[tilespmem:s8], [sflag:$0x1] =	stream.indirect.gather @!p6 [hbm4b:s3+s7], $0x80, s29, s7, $0xb8;
	[tilespmem:$0x16E40] =	vst v63  }
.Ltmp11:
0x12e: {  	_ =	swait.ge @!p3 [sflag:s31], $0x4000;
	(pc) =	sbr.rel @p5 .LBB2_15-.Ltmp11, $4  }
0x12f: {  	s7 =	sadd.s32 @!p3 $0x80, s24;
	s29 =	simm.s32 @!p3 $0x3;
	[sflag:s31] =	ssyncset.done @!p3 $0x0  }
0x130: {  	s25 =	sadd.s32 $0x100, s25;
	[sflag:s31] =	ssyncadd.s32 @!p3 $0xFFFFC000  }
0x131: {  	[spmem:s0] =	stream.indirect.scatter.add.f32 @!p3 [tilespmem:s30], [sflag:$0x3], $0x80, s7, s1, $0xb8;
	[tilespmem:$0x16E40] =	vst v63  }
0x132: {  	p6 =	sge.s32 s26, s23;
	s24 =	sadd.s32 $0x100, s24;
	_ =	swait.ge @!p3 [sflag:s29], $0x4000  }
.LBB2_16:
0x133: {  	p3 =	por p3, !p4  }
0x134: {  	s1 =	simm.s32 @!p6 $0x80;
	[sflag:s29] =	ssyncset.done @!p3 $0x0  }
0x135: {  	s7 =	simm.s32 @!p6 $0xDE00;
	[sflag:s29] =	ssyncadd.s32 @!p3 $0xFFFFC000;
	p3 =	por p6, p6  }
0x136: {  	[tilespmem:s7], [sflag:$0x2] =	stream.indirect.gather @!p3 [hbm4b:s3+s1], $0x80, s25, s1, $0xb8;
	[tilespmem:$0x16E40] =	vst v63  }
0x137: {  	_ =	swait.ge [sflag:s17], $0x4000  }
0x138: {  	[sflag:s17] =	ssyncset.done $0x0  }
0x139: {  	s8 =	sadd.s32 $0x2, s26;
	[sflag:s17] =	ssyncadd.s32 $0xFFFFC000  }
0x13a: {  	[spmem:s0] =	stream.indirect.scatter.add.f32 [tilespmem:s18], [sflag:$0x4], $0x80, s24, s13, $0xb8;
	[tilespmem:$0x16E40] =	vst v63  }
0x13b: {  	p4 =	sgt.s32 s8, s23;
	_ =	swait.ge [sflag:s19], $0x4000  }
0x13c: {  	s8 =	sadd.s32 @!p4 $0x80, s25;
	s26 =	simm.s32 @!p4 $0x9E00;
	[sflag:s19] =	ssyncset.done $0x0  }
0x13d: {  	s23 =	simm.s32 @!p3 $0x2;
	s25 =	simm.s32 @!p4 $0x80;
	[sflag:s19] =	ssyncadd.s32 $0xFFFFC000  }
0x13e: {  	[tilespmem:s26], [sflag:$0x1] =	stream.indirect.gather @!p4 [hbm4b:s3+s25], $0x80, s8, s25, $0xb8;
	[tilespmem:$0x16E40] =	vst v63  }
0x13f: {  	_ =	swait.ge @!p3 [sflag:s23], $0x4000  }
0x140: {  	[sflag:s23] =	ssyncset.done @!p3 $0x0  }
0x141: {  	s8 =	sadd.s32 @!p3 $0x80, s24;
	s24 =	simm.s32 @!p3 $0x3;
	[sflag:s23] =	ssyncadd.s32 @!p3 $0xFFFFC000  }
0x142: {  	[spmem:s0] =	stream.indirect.scatter.add.f32 @!p3 [tilespmem:s7], [sflag:$0x3], $0x80, s8, s1, $0xb8;
	[tilespmem:$0x16E40] =	vst v63  }
0x143: {  	_ =	swait.ge @!p3 [sflag:s24], $0x4000  }
0x144: {  	[sflag:s24] =	ssyncset.done @!p3 $0x0  }
0x145: {  	[sflag:s24] =	ssyncadd.s32 @!p3 $0xFFFFC000  }
.LBB2_17:
0x146: {  	[bflag:$0x0] =	sbarrier.arrive $0xFFFF  }
0x147: {  	s1 =	simm.s32 @!p2 $0x1C03;
	[bflag:$0x0] =	sbarrier.arrive @p1 $0xFFFF  }
0x148: {  	[spmem:s22], [sflag:s1] =	dma.local @!p2 [hbm:s4], $0xA080  }
0x149: {  	s1 =	simm.s32 @!p2 $0x3  }
0x14a: {  	_ =	swait.ge @!p2 [sflag:s1], $0xA080  }
0x14b: {  	[sflag:s1] =	ssyncset.done @!p2 $0x0  }
0x14c: {  	s7 =	rddreg [dreg:$0x4];
	[sflag:s1] =	ssyncadd.s32 @!p2 $0xFFFF5F80;
	s1 =	simm.s32 @!p1 $0x1C43  }
0x14d: {  	[hbm:s7], [sflag:s1] =	dma.local @!p1 [spmem:s21], $0x9C80  }
0x14e: {  	s1 =	simm.s32 @!p1 $0x3  }
0x14f: {  	_ =	swait.ge @!p1 [sflag:s1], $0x9C80  }
0x150: {  	[sflag:s1] =	ssyncset.done @!p1 $0x0  }
0x151: {  	[sflag:s1] =	ssyncadd.s32 @!p1 $0xFFFF6380  }
0x152: {  	s23 =	simm.s32 $0x0;
	[bflag:$0x0] =	sbarrier.arrive @!p1 $0xFFFF  }
0x153: {  	[tilespmem:s23], [sflag:$0x3] =	stream.strided.gather [hbm4b:s5+s13], $0x4E80, s14, s13, $0x38;
	[tilespmem:$0x16E40] =	vst v63  }
0x154: {  	_ =	swait.ge [sflag:s15], $0x4E80  }
0x155: {  	[sflag:s15] =	ssyncset.done $0x0  }
0x156: {  	[sflag:s15] =	ssyncadd.s32 $0xFFFFB180  }
0x157: {  	[tilespmem:s16], [sflag:$0x3] =	stream.strided.gather [hbm4b:s6+s13], $0x4E80, s14, s13, $0x38;
	[tilespmem:$0x16E40] =	vst v63  }
0x158: {  	_ =	swait.ge [sflag:s15], $0x4E80  }
0x159: {  	[sflag:s15] =	ssyncset.done $0x0  }
0x15a: {  	s31 =	simm.s32 $0x0;
	[sflag:s15] =	ssyncadd.s32 $0xFFFFB180  }
0x15b: {  	v13 =	vld [tilespmem:s31+$0x4F00];
	_ =	sdelay $0x4  }
0x15c: {  	v13 =	vadd.s32 $0xFFFFEC70, v13  }
0x15d: {  	vm0 =	vlt.u32 v13, $0x9C8  }
0x15e: {  	v15 =	vmpcnt.ones.xlane vm0;
	_ =	sdelay $0x1  }
0x15f: {  	v14 =	vld [tilespmem:s31+$0x0];
	(v2sf) =	vpush v15, $0x0;
	_ =	sdelay $0x4  }
0x160: {  	v14 =	vadd.s32 v0, v14;
	[tilespmem:s23+$0x4F00] =	vst.msk vm0, v13  }
0x161: {  	s25 =	simm.s32 $0x10;
	s24 =	simm.s32 $0x80;
	[tilespmem:s23+$0x0] =	vst.msk vm0, v14  }
.LBB2_18:
0x162: {  	p3 =	sne.s32 s24, $0x139C0;
	v13 =	vld [tilespmem:s25+$0x4F00];
	_ =	sdelay $0x4  }
0x163: {  	v13 =	vadd.s32 $0xFFFFEC70, v13;
	v14 =	vld [tilespmem:s25+$0x0]  }
0x164: {  	vm0 =	vlt.u32 v13, $0x9C8  }
0x165: {  	v15 =	vmpcnt.ones.xlane vm0  }
0x166: {  	s1 =	spop (v2sf)  }
0x167: {  	(v2sf) =	vpush v15, $0x0;
	s23 =	sadd.s32 s23, s1  }
0x168: {  	v14 =	vadd.s32 v0, v14;
	[tilespmem:s23+$0x4F00] =	vst.msk vm0, v13  }
.Ltmp12:
0x169: {  	[tilespmem:s23+$0x0] =	vst.msk vm0, v14;
	(pc) =	sbr.rel @p3 .LBB2_18-.Ltmp12, $2  }
0x16a: {  	_ =	sdelay $0x2  }
0x16b: {  	s25 =	sshra.s32 s24, $0x2;
	s24 =	sadd.s32 $0x40, s24  }
0x16c: {  	v13 =	vld [tilespmem:s25+$0x4F00];
	_ =	sdelay $0x4  }
0x16d: {  	v13 =	vadd.s32 $0xFFFFEC70, v13  }
0x16e: {  	vm0 =	vlt.u32 v13, $0x9C8  }
0x16f: {  	v14 =	vmpcnt.ones.xlane vm0;
	_ =	sdelay $0x1  }
0x170: {  	(v2sf) =	vpush v14, $0x0;
	_ =	sdelay $0x9  }
0x171: {  	v14 =	vld [tilespmem:s25+$0x0];
	_ =	sdelay $0x2  }
0x172: {  	s1 =	spop (v2sf)  }
0x173: {  	s1 =	sadd.s32 s23, s1  }
0x174: {  	[tilespmem:s1+$0x4F00] =	vst.msk vm0, v13;
	v14 =	vadd.s32 v0, v14;
	s7 =	spop (v2sf)  }
0x175: {  	[tilespmem:s1+$0x0] =	vst.msk vm0, v14;
	s1 =	sadd.s32 s1, s7  }
0x176: {  	[tilespmem:s1+$0x4F00] =	vst v1  }
0x177: {  	[tilespmem:s1+$0x0] =	vst v2  }
0x178: {  	[tilespmem:s1+$0x4F10] =	vst v3  }
0x179: {  	[tilespmem:s1+$0x10] =	vst v4  }
0x17a: {  	[tilespmem:s1+$0x4F20] =	vst v5  }
0x17b: {  	[tilespmem:s1+$0x20] =	vst v6;
	s7 =	sand.u32 $0x7F, s1  }
0x17c: {  	[tilespmem:s1+$0x4F30] =	vst v7;
	s8 =	sshra.s32 s1, $0x1F;
	p3 =	slt.s32 s1, $0x1;
	p4 =	sne.s32 s7, $0x0  }
0x17d: {  	[tilespmem:s1+$0x30] =	vst v8;
	s29 =	sshrl.u32 s8, $0x19;
	p3 =	por !p3, !p4  }
0x17e: {  	[tilespmem:s1+$0x4F40] =	vst v1;
	s8 =	simm.s32 $0x1;
	s7 =	sadd.s32 s29, s1;
	p3 =	por !p3, !p3  }
0x17f: {  	[tilespmem:s1+$0x40] =	vst v9;
	s7 =	sshra.s32 s7, $0x7;
	s8 =	simm.s32 @!p3 $0x0  }
0x180: {  	[tilespmem:s1+$0x4F50] =	vst v3;
	s23 =	ssub.s32 s7, s8  }
0x181: {  	[tilespmem:s1+$0x50] =	vst v10;
	s7 =	sand.u32 $0x1, s23  }
0x182: {  	[tilespmem:s1+$0x4F60] =	vst v5;
	s8 =	sadd.s32 $0x2, s23;
	p5 =	slt.s32 s23, $0xFFFFFFFF;
	p6 =	seq.s32 s7, $0x1  }
0x183: {  	[tilespmem:s1+$0x60] =	vst v11;
	s30 =	sshrl.u32 s8, $0x1F;
	p3 =	por !p5, !p6  }
0x184: {  	[tilespmem:s1+$0x4F70] =	vst v7;
	s7 =	simm.s32 $0x1;
	s31 =	sadd.s32 s30, s8;
	p3 =	por !p3, !p3  }
0x185: {  	[tilespmem:s1+$0x70] =	vst v12;
	s1 =	sshra.s32 s31, $0x1;
	s7 =	simm.s32 @!p3 $0x0  }
0x186: {  	s28 =	ssub.s32 s1, s7  }
0x187: {  	p3 =	slt.s32 s28, $0x1  }
.Ltmp13:
0x188: {  	_ = 	snop;
	(pc) =	sbr.rel @p3 .LBB2_25-.Ltmp13, $4  }
0x189: {  	_ = 	snop  }
0x18a: {  	s26 =	simm.s32 $0x0  }
0x18b: {  	s24 =	simm.s32 $0x4F00;
	s25 =	simm.s32 $0x80;
	[bflag:$0x0] =	sbarrier.arrive $0xFFFF  }
0x18c: {  	[tilespmem:s18], [sflag:$0x1] =	stream.indirect.gather [hbm4b:s3+s25], $0x80, s26, s25, $0xb8;
	[tilespmem:$0x16E40] =	vst v63  }
0x18d: {  	s28 =	sadd.s32 $0xFFFFFFFF, s28  }
0x18e: {  	p3 =	sne.s32 s28, $0x0  }
.Ltmp14:
0x18f: {  	_ = 	snop;
	(pc) =	sbr.rel @!p3 .LBB2_21-.Ltmp14, $2  }
0x190: {  	_ =	sdelay $0x2  }
0x191: {  	p6 =	sle.s32 s23, $0x0;
	p4 =	por $0x0, $0x0  }
0x192: {  	s1 =	simm.s32 @!p6 $0x80;
	s7 =	simm.s32 @!p6 $0xDE00;
	p3 =	por p6, p6  }
0x193: {  	[tilespmem:s7], [sflag:$0x2] =	stream.indirect.gather @!p3 [hbm4b:s3+s1], $0x80, s25, s1, $0xb8;
	[tilespmem:$0x16E40] =	vst v63  }
0x194: {  	_ =	swait.ge [sflag:s17], $0x4000  }
0x195: {  	[sflag:s17] =	ssyncset.done $0x0  }
0x196: {  	p4 =	slt.s32 s23, $0x2;
	[sflag:s17] =	ssyncadd.s32 $0xFFFFC000  }
0x197: {  	[spmem:s0] =	stream.indirect.scatter.add.f32 [tilespmem:s18], [sflag:$0x4], $0x80, s24, s13, $0xb8;
	[tilespmem:$0x16E40] =	vst v63  }
0x198: {  	s28 =	sadd.s32 $0xFFFFFFFF, s28;
	s8 =	simm.s32 @!p4 $0x100;
	_ =	swait.ge [sflag:s19], $0x4000  }
0x199: {  	s25 =	simm.s32 @!p4 $0x80;
	s26 =	simm.s32 @!p4 $0x9E00;
	[sflag:s19] =	ssyncset.done $0x0  }
0x19a: {  	p5 =	sne.s32 s28, $0x0;
	s24 =	simm.s32 @!p3 $0x2;
	[sflag:s19] =	ssyncadd.s32 $0xFFFFC000  }
0x19b: {  	[tilespmem:s26], [sflag:$0x1] =	stream.indirect.gather @!p4 [hbm4b:s3+s25], $0x80, s8, s25, $0xb8;
	[tilespmem:$0x16E40] =	vst v63  }
.Ltmp15:
0x19c: {  	p6 =	sle.s32 s23, $0x2;
	_ =	swait.ge @!p3 [sflag:s24], $0x4000;
	(pc) =	sbr.rel @!p5 .LBB2_24-.Ltmp15, $4  }
0x19d: {  	s29 =	simm.s32 @!p3 $0x3;
	s26 =	simm.s32 $0x2;
	[sflag:s24] =	ssyncset.done @!p3 $0x0  }
0x19e: {  	s8 =	simm.s32 @!p3 $0x4F80;
	s25 =	simm.s32 $0x180;
	[sflag:s24] =	ssyncadd.s32 @!p3 $0xFFFFC000  }
0x19f: {  	[spmem:s0] =	stream.indirect.scatter.add.f32 @!p3 [tilespmem:s7], [sflag:$0x3], $0x80, s8, s1, $0xb8;
	[tilespmem:$0x16E40] =	vst v63  }
0x1a0: {  	p4 =	por $0x1, $0x1;
	s24 =	simm.s32 $0x5000;
	_ =	swait.ge @!p3 [sflag:s29], $0x4000  }
.LBB2_23:
0x1a1: {  	s1 =	simm.s32 @!p6 $0x80;
	s7 =	simm.s32 @!p6 $0xDE00;
	[sflag:s29] =	ssyncset.done @!p3 $0x0  }
0x1a2: {  	s28 =	sadd.s32 $0xFFFFFFFF, s28;
	[sflag:s29] =	ssyncadd.s32 @!p3 $0xFFFFC000;
	p3 =	por p6, p6  }
0x1a3: {  	[tilespmem:s7], [sflag:$0x2] =	stream.indirect.gather @!p3 [hbm4b:s3+s1], $0x80, s25, s1, $0xb8;
	[tilespmem:$0x16E40] =	vst v63  }
0x1a4: {  	p5 =	sne.s32 s28, $0x0;
	_ =	swait.ge [sflag:s17], $0x4000  }
0x1a5: {  	[sflag:s17] =	ssyncset.done $0x0  }
0x1a6: {  	s26 =	sadd.s32 $0x2, s26;
	[sflag:s17] =	ssyncadd.s32 $0xFFFFC000  }
0x1a7: {  	[spmem:s0] =	stream.indirect.scatter.add.f32 [tilespmem:s18], [sflag:$0x4], $0x80, s24, s13, $0xb8;
	[tilespmem:$0x16E40] =	vst v63  }
0x1a8: {  	p6 =	sgt.s32 s26, s23;
	_ =	swait.ge [sflag:s19], $0x4000  }
0x1a9: {  	s8 =	sadd.s32 @!p6 $0x80, s25;
	s30 =	simm.s32 @!p3 $0x2;
	[sflag:s19] =	ssyncset.done $0x0  }
0x1aa: {  	s29 =	simm.s32 @!p6 $0x80;
	s31 =	simm.s32 @!p6 $0x9E00;
	[sflag:s19] =	ssyncadd.s32 $0xFFFFC000  }
0x1ab: {  	[tilespmem:s31], [sflag:$0x1] =	stream.indirect.gather @!p6 [hbm4b:s3+s29], $0x80, s8, s29, $0xb8;
	[tilespmem:$0x16E40] =	vst v63  }
.Ltmp16:
0x1ac: {  	_ =	swait.ge @!p3 [sflag:s30], $0x4000;
	(pc) =	sbr.rel @p5 .LBB2_23-.Ltmp16, $4  }
0x1ad: {  	s8 =	sadd.s32 @!p3 $0x80, s24;
	s29 =	simm.s32 @!p3 $0x3;
	[sflag:s30] =	ssyncset.done @!p3 $0x0  }
0x1ae: {  	s25 =	sadd.s32 $0x100, s25;
	[sflag:s30] =	ssyncadd.s32 @!p3 $0xFFFFC000  }
0x1af: {  	[spmem:s0] =	stream.indirect.scatter.add.f32 @!p3 [tilespmem:s7], [sflag:$0x3], $0x80, s8, s1, $0xb8;
	[tilespmem:$0x16E40] =	vst v63  }
0x1b0: {  	p6 =	sge.s32 s26, s23;
	s24 =	sadd.s32 $0x100, s24;
	_ =	swait.ge @!p3 [sflag:s29], $0x4000  }
.LBB2_24:
0x1b1: {  	p3 =	por p3, !p4  }
0x1b2: {  	s1 =	simm.s32 @!p6 $0x80;
	[sflag:s29] =	ssyncset.done @!p3 $0x0  }
0x1b3: {  	s7 =	simm.s32 @!p6 $0xDE00;
	[sflag:s29] =	ssyncadd.s32 @!p3 $0xFFFFC000;
	p3 =	por p6, p6  }
0x1b4: {  	[tilespmem:s7], [sflag:$0x2] =	stream.indirect.gather @!p3 [hbm4b:s3+s1], $0x80, s25, s1, $0xb8;
	[tilespmem:$0x16E40] =	vst v63  }
0x1b5: {  	_ =	swait.ge [sflag:s17], $0x4000  }
0x1b6: {  	[sflag:s17] =	ssyncset.done $0x0  }
0x1b7: {  	s8 =	sadd.s32 $0x2, s26;
	[sflag:s17] =	ssyncadd.s32 $0xFFFFC000  }
0x1b8: {  	[spmem:s0] =	stream.indirect.scatter.add.f32 [tilespmem:s18], [sflag:$0x4], $0x80, s24, s13, $0xb8;
	[tilespmem:$0x16E40] =	vst v63  }
0x1b9: {  	p4 =	sgt.s32 s8, s23;
	_ =	swait.ge [sflag:s19], $0x4000  }
0x1ba: {  	s8 =	sadd.s32 @!p4 $0x80, s25;
	s26 =	simm.s32 @!p4 $0x9E00;
	[sflag:s19] =	ssyncset.done $0x0  }
0x1bb: {  	s23 =	simm.s32 @!p3 $0x2;
	s25 =	simm.s32 @!p4 $0x80;
	[sflag:s19] =	ssyncadd.s32 $0xFFFFC000  }
0x1bc: {  	[tilespmem:s26], [sflag:$0x1] =	stream.indirect.gather @!p4 [hbm4b:s3+s25], $0x80, s8, s25, $0xb8;
	[tilespmem:$0x16E40] =	vst v63  }
0x1bd: {  	_ =	swait.ge @!p3 [sflag:s23], $0x4000  }
0x1be: {  	[sflag:s23] =	ssyncset.done @!p3 $0x0  }
0x1bf: {  	s8 =	sadd.s32 @!p3 $0x80, s24;
	s24 =	simm.s32 @!p3 $0x3;
	[sflag:s23] =	ssyncadd.s32 @!p3 $0xFFFFC000  }
0x1c0: {  	[spmem:s0] =	stream.indirect.scatter.add.f32 @!p3 [tilespmem:s7], [sflag:$0x3], $0x80, s8, s1, $0xb8;
	[tilespmem:$0x16E40] =	vst v63  }
0x1c1: {  	_ =	swait.ge @!p3 [sflag:s24], $0x4000  }
0x1c2: {  	[sflag:s24] =	ssyncset.done @!p3 $0x0  }
0x1c3: {  	[sflag:s24] =	ssyncadd.s32 @!p3 $0xFFFFC000  }
.LBB2_25:
0x1c4: {  	[bflag:$0x0] =	sbarrier.arrive $0xFFFF  }
0x1c5: {  	s1 =	simm.s32 @!p2 $0x1C03;
	[bflag:$0x0] =	sbarrier.arrive @p1 $0xFFFF  }
0x1c6: {  	[spmem:s22], [sflag:s1] =	dma.local @!p2 [hbm:s4], $0xA080  }
0x1c7: {  	s1 =	simm.s32 @!p2 $0x3  }
0x1c8: {  	_ =	swait.ge @!p2 [sflag:s1], $0xA080  }
0x1c9: {  	[sflag:s1] =	ssyncset.done @!p2 $0x0  }
0x1ca: {  	[sflag:s1] =	ssyncadd.s32 @!p2 $0xFFFF5F80;
	s1 =	simm.s32 @!p1 $0x1C43  }
0x1cb: {  	[hbm:s9], [sflag:s1] =	dma.local @!p1 [spmem:s21], $0x9C80  }
0x1cc: {  	s1 =	simm.s32 @!p1 $0x3  }
0x1cd: {  	_ =	swait.ge @!p1 [sflag:s1], $0x9C80  }
0x1ce: {  	[sflag:s1] =	ssyncset.done @!p1 $0x0  }
0x1cf: {  	[sflag:s1] =	ssyncadd.s32 @!p1 $0xFFFF6380  }
0x1d0: {  	s22 =	simm.s32 $0x0;
	[bflag:$0x0] =	sbarrier.arrive @!p1 $0xFFFF  }
0x1d1: {  	[tilespmem:s22], [sflag:$0x3] =	stream.strided.gather [hbm4b:s5+s13], $0x4E80, s14, s13, $0x38;
	[tilespmem:$0x16E40] =	vst v63  }
0x1d2: {  	_ =	swait.ge [sflag:s15], $0x4E80  }
0x1d3: {  	[sflag:s15] =	ssyncset.done $0x0  }
0x1d4: {  	[sflag:s15] =	ssyncadd.s32 $0xFFFFB180  }
0x1d5: {  	[tilespmem:s16], [sflag:$0x3] =	stream.strided.gather [hbm4b:s6+s13], $0x4E80, s14, s13, $0x38;
	[tilespmem:$0x16E40] =	vst v63  }
0x1d6: {  	_ =	swait.ge [sflag:s15], $0x4E80  }
0x1d7: {  	[sflag:s15] =	ssyncset.done $0x0  }
0x1d8: {  	s31 =	simm.s32 $0x0;
	[sflag:s15] =	ssyncadd.s32 $0xFFFFB180  }
0x1d9: {  	v13 =	vld [tilespmem:s31+$0x4F00];
	_ =	sdelay $0x4  }
0x1da: {  	v13 =	vadd.s32 $0xFFFFE2A8, v13  }
0x1db: {  	vm0 =	vlt.u32 v13, $0x9C8  }
0x1dc: {  	v15 =	vmpcnt.ones.xlane vm0;
	_ =	sdelay $0x1  }
0x1dd: {  	v14 =	vld [tilespmem:s31+$0x0];
	(v2sf) =	vpush v15, $0x0;
	_ =	sdelay $0x4  }
0x1de: {  	v14 =	vadd.s32 v0, v14;
	[tilespmem:s22+$0x4F00] =	vst.msk vm0, v13  }
0x1df: {  	s24 =	simm.s32 $0x10;
	s23 =	simm.s32 $0x80;
	[tilespmem:s22+$0x0] =	vst.msk vm0, v14  }
.LBB2_26:
0x1e0: {  	p3 =	sne.s32 s23, $0x139C0;
	v13 =	vld [tilespmem:s24+$0x4F00];
	_ =	sdelay $0x4  }
0x1e1: {  	v13 =	vadd.s32 $0xFFFFE2A8, v13;
	v14 =	vld [tilespmem:s24+$0x0]  }
0x1e2: {  	vm0 =	vlt.u32 v13, $0x9C8  }
0x1e3: {  	v15 =	vmpcnt.ones.xlane vm0  }
0x1e4: {  	s1 =	spop (v2sf)  }
0x1e5: {  	(v2sf) =	vpush v15, $0x0;
	s22 =	sadd.s32 s22, s1  }
0x1e6: {  	v14 =	vadd.s32 v0, v14;
	[tilespmem:s22+$0x4F00] =	vst.msk vm0, v13  }
.Ltmp17:
0x1e7: {  	[tilespmem:s22+$0x0] =	vst.msk vm0, v14;
	(pc) =	sbr.rel @p3 .LBB2_26-.Ltmp17, $2  }
0x1e8: {  	_ =	sdelay $0x2  }
0x1e9: {  	s24 =	sshra.s32 s23, $0x2;
	s23 =	sadd.s32 $0x40, s23  }
0x1ea: {  	v13 =	vld [tilespmem:s24+$0x4F00];
	_ =	sdelay $0x4  }
0x1eb: {  	v13 =	vadd.s32 $0xFFFFE2A8, v13  }
0x1ec: {  	vm0 =	vlt.u32 v13, $0x9C8  }
0x1ed: {  	v14 =	vmpcnt.ones.xlane vm0;
	_ =	sdelay $0x1  }
0x1ee: {  	(v2sf) =	vpush v14, $0x0;
	_ =	sdelay $0x9  }
0x1ef: {  	v14 =	vld [tilespmem:s24+$0x0];
	_ =	sdelay $0x2  }
0x1f0: {  	s1 =	spop (v2sf)  }
0x1f1: {  	s1 =	sadd.s32 s22, s1  }
0x1f2: {  	[tilespmem:s1+$0x4F00] =	vst.msk vm0, v13;
	v14 =	vadd.s32 v0, v14;
	s7 =	spop (v2sf)  }
0x1f3: {  	[tilespmem:s1+$0x0] =	vst.msk vm0, v14;
	s1 =	sadd.s32 s1, s7  }
0x1f4: {  	[tilespmem:s1+$0x4F00] =	vst v1  }
0x1f5: {  	[tilespmem:s1+$0x0] =	vst v2  }
0x1f6: {  	[tilespmem:s1+$0x4F10] =	vst v3  }
0x1f7: {  	[tilespmem:s1+$0x10] =	vst v4  }
0x1f8: {  	[tilespmem:s1+$0x4F20] =	vst v5  }
0x1f9: {  	[tilespmem:s1+$0x20] =	vst v6;
	s7 =	sand.u32 $0x7F, s1  }
0x1fa: {  	[tilespmem:s1+$0x4F30] =	vst v7;
	s8 =	sshra.s32 s1, $0x1F;
	p3 =	slt.s32 s1, $0x1;
	p4 =	sne.s32 s7, $0x0  }
0x1fb: {  	[tilespmem:s1+$0x30] =	vst v8;
	s29 =	sshrl.u32 s8, $0x19;
	p3 =	por !p3, !p4  }
0x1fc: {  	[tilespmem:s1+$0x4F40] =	vst v1;
	s8 =	simm.s32 $0x1;
	s7 =	sadd.s32 s29, s1;
	p3 =	por !p3, !p3  }
0x1fd: {  	[tilespmem:s1+$0x40] =	vst v9;
	s7 =	sshra.s32 s7, $0x7;
	s8 =	simm.s32 @!p3 $0x0  }
0x1fe: {  	[tilespmem:s1+$0x4F50] =	vst v3;
	s22 =	ssub.s32 s7, s8  }
0x1ff: {  	[tilespmem:s1+$0x50] =	vst v10;
	s7 =	sand.u32 $0x1, s22  }
0x200: {  	[tilespmem:s1+$0x4F60] =	vst v5;
	s8 =	sadd.s32 $0x2, s22;
	p5 =	slt.s32 s22, $0xFFFFFFFF;
	p6 =	seq.s32 s7, $0x1  }
0x201: {  	[tilespmem:s1+$0x60] =	vst v11;
	s30 =	sshrl.u32 s8, $0x1F;
	p3 =	por !p5, !p6  }
0x202: {  	[tilespmem:s1+$0x4F70] =	vst v7;
	s7 =	simm.s32 $0x1;
	s31 =	sadd.s32 s30, s8;
	p3 =	por !p3, !p3  }
0x203: {  	[tilespmem:s1+$0x70] =	vst v12;
	s1 =	sshra.s32 s31, $0x1;
	s7 =	simm.s32 @!p3 $0x0  }
0x204: {  	s26 =	ssub.s32 s1, s7  }
0x205: {  	p3 =	slt.s32 s26, $0x1  }
.Ltmp18:
0x206: {  	_ = 	snop;
	(pc) =	sbr.rel @p3 .LBB2_33-.Ltmp18, $4  }
0x207: {  	_ = 	snop  }
0x208: {  	s25 =	simm.s32 $0x0  }
0x209: {  	s23 =	simm.s32 $0x4F00;
	s24 =	simm.s32 $0x80;
	[bflag:$0x0] =	sbarrier.arrive $0xFFFF  }
0x20a: {  	[tilespmem:s18], [sflag:$0x1] =	stream.indirect.gather [hbm4b:s3+s24], $0x80, s25, s24, $0xb8;
	[tilespmem:$0x16E40] =	vst v63  }
0x20b: {  	s26 =	sadd.s32 $0xFFFFFFFF, s26  }
0x20c: {  	p3 =	sne.s32 s26, $0x0  }
.Ltmp19:
0x20d: {  	_ = 	snop;
	(pc) =	sbr.rel @!p3 .LBB2_29-.Ltmp19, $2  }
0x20e: {  	_ =	sdelay $0x2  }
0x20f: {  	p6 =	sle.s32 s22, $0x0;
	p4 =	por $0x0, $0x0  }
0x210: {  	s1 =	simm.s32 @!p6 $0x80;
	s7 =	simm.s32 @!p6 $0xDE00;
	p3 =	por p6, p6  }
0x211: {  	[tilespmem:s7], [sflag:$0x2] =	stream.indirect.gather @!p3 [hbm4b:s3+s1], $0x80, s24, s1, $0xb8;
	[tilespmem:$0x16E40] =	vst v63  }
0x212: {  	_ =	swait.ge [sflag:s17], $0x4000  }
0x213: {  	[sflag:s17] =	ssyncset.done $0x0  }
0x214: {  	p4 =	slt.s32 s22, $0x2;
	[sflag:s17] =	ssyncadd.s32 $0xFFFFC000  }
0x215: {  	[spmem:s0] =	stream.indirect.scatter.add.f32 [tilespmem:s18], [sflag:$0x4], $0x80, s23, s13, $0xb8;
	[tilespmem:$0x16E40] =	vst v63  }
0x216: {  	s26 =	sadd.s32 $0xFFFFFFFF, s26;
	s8 =	simm.s32 @!p4 $0x100;
	_ =	swait.ge [sflag:s19], $0x4000  }
0x217: {  	s24 =	simm.s32 @!p4 $0x80;
	s25 =	simm.s32 @!p4 $0x9E00;
	[sflag:s19] =	ssyncset.done $0x0  }
0x218: {  	p5 =	sne.s32 s26, $0x0;
	s23 =	simm.s32 @!p3 $0x2;
	[sflag:s19] =	ssyncadd.s32 $0xFFFFC000  }
0x219: {  	[tilespmem:s25], [sflag:$0x1] =	stream.indirect.gather @!p4 [hbm4b:s3+s24], $0x80, s8, s24, $0xb8;
	[tilespmem:$0x16E40] =	vst v63  }
.Ltmp20:
0x21a: {  	p6 =	sle.s32 s22, $0x2;
	_ =	swait.ge @!p3 [sflag:s23], $0x4000;
	(pc) =	sbr.rel @!p5 .LBB2_32-.Ltmp20, $4  }
0x21b: {  	s28 =	simm.s32 @!p3 $0x3;
	s25 =	simm.s32 $0x2;
	[sflag:s23] =	ssyncset.done @!p3 $0x0  }
0x21c: {  	s8 =	simm.s32 @!p3 $0x4F80;
	s24 =	simm.s32 $0x180;
	[sflag:s23] =	ssyncadd.s32 @!p3 $0xFFFFC000  }
0x21d: {  	[spmem:s0] =	stream.indirect.scatter.add.f32 @!p3 [tilespmem:s7], [sflag:$0x3], $0x80, s8, s1, $0xb8;
	[tilespmem:$0x16E40] =	vst v63  }
0x21e: {  	p4 =	por $0x1, $0x1;
	s23 =	simm.s32 $0x5000;
	_ =	swait.ge @!p3 [sflag:s28], $0x4000  }
.LBB2_31:
0x21f: {  	s1 =	simm.s32 @!p6 $0x80;
	s7 =	simm.s32 @!p6 $0xDE00;
	[sflag:s28] =	ssyncset.done @!p3 $0x0  }
0x220: {  	s26 =	sadd.s32 $0xFFFFFFFF, s26;
	[sflag:s28] =	ssyncadd.s32 @!p3 $0xFFFFC000;
	p3 =	por p6, p6  }
0x221: {  	[tilespmem:s7], [sflag:$0x2] =	stream.indirect.gather @!p3 [hbm4b:s3+s1], $0x80, s24, s1, $0xb8;
	[tilespmem:$0x16E40] =	vst v63  }
0x222: {  	p5 =	sne.s32 s26, $0x0;
	_ =	swait.ge [sflag:s17], $0x4000  }
0x223: {  	[sflag:s17] =	ssyncset.done $0x0  }
0x224: {  	s25 =	sadd.s32 $0x2, s25;
	[sflag:s17] =	ssyncadd.s32 $0xFFFFC000  }
0x225: {  	[spmem:s0] =	stream.indirect.scatter.add.f32 [tilespmem:s18], [sflag:$0x4], $0x80, s23, s13, $0xb8;
	[tilespmem:$0x16E40] =	vst v63  }
0x226: {  	p6 =	sgt.s32 s25, s22;
	_ =	swait.ge [sflag:s19], $0x4000  }
0x227: {  	s8 =	sadd.s32 @!p6 $0x80, s24;
	s29 =	simm.s32 @!p3 $0x2;
	[sflag:s19] =	ssyncset.done $0x0  }
0x228: {  	s28 =	simm.s32 @!p6 $0x80;
	s30 =	simm.s32 @!p6 $0x9E00;
	[sflag:s19] =	ssyncadd.s32 $0xFFFFC000  }
0x229: {  	[tilespmem:s30], [sflag:$0x1] =	stream.indirect.gather @!p6 [hbm4b:s3+s28], $0x80, s8, s28, $0xb8;
	[tilespmem:$0x16E40] =	vst v63  }
.Ltmp21:
0x22a: {  	_ =	swait.ge @!p3 [sflag:s29], $0x4000;
	(pc) =	sbr.rel @p5 .LBB2_31-.Ltmp21, $4  }
0x22b: {  	s8 =	sadd.s32 @!p3 $0x80, s23;
	s28 =	simm.s32 @!p3 $0x3;
	[sflag:s29] =	ssyncset.done @!p3 $0x0  }
0x22c: {  	s24 =	sadd.s32 $0x100, s24;
	[sflag:s29] =	ssyncadd.s32 @!p3 $0xFFFFC000  }
0x22d: {  	[spmem:s0] =	stream.indirect.scatter.add.f32 @!p3 [tilespmem:s7], [sflag:$0x3], $0x80, s8, s1, $0xb8;
	[tilespmem:$0x16E40] =	vst v63  }
0x22e: {  	p6 =	sge.s32 s25, s22;
	s23 =	sadd.s32 $0x100, s23;
	_ =	swait.ge @!p3 [sflag:s28], $0x4000  }
.Ltmp22:
0x22f: {  	_ = 	snop;
	(pc) =	sbr.rel .LBB2_32-.Ltmp22, $1  }
0x230: {  	_ =	sdelay $0x3  }
.LBB2_5:
.Ltmp23:
0x231: {  	(pc) =	sbr.rel .LBB2_8-.Ltmp23, $2  }
0x232: {  	_ =	sdelay $0x2  }
0x233: {  	_ = 	snop  }
.LBB2_13:
.Ltmp24:
0x234: {  	(pc) =	sbr.rel .LBB2_16-.Ltmp24, $2  }
0x235: {  	_ =	sdelay $0x2  }
0x236: {  	_ = 	snop  }
.LBB2_21:
.Ltmp25:
0x237: {  	(pc) =	sbr.rel .LBB2_24-.Ltmp25, $2  }
0x238: {  	_ =	sdelay $0x2  }
0x239: {  	_ = 	snop  }
.LBB2_34:
0x23a: {  	_ =	sfence.sel $0x180000  }
0x23b: {  	[bflag:$0x0] =	sbarrier.arrive $0xFFFF  }
0x23c: {  	_ =	strace $0x9000004D  }
0x23d: {  	[bflag:$0x2] =	sbarrier.arrive $0xFFFF  }
0x23e: {  	s0 =	rddreg [dreg:$0x2]  }
0x23f: {  	s0 =	sadd.s32 @!p0 $0x100000, s0  }
0x240: {  	[sflag:s0] =	ssyncadd.tile.s32 @!p0 $0x1;
	_ =	shalt  }
.Lfunc_end2:
_tile_overlayer_lowered:
.L_overlay_start_2:
0x241: {  	(tag) =	ssettag $0x2  }
0x242: {  	s0 =	rddreg [dreg:$0x0];
	s2 =	stileid.u32  }
0x243: {  	s1 =	rddreg [dreg:$0x1];
	p0 =	sne.s32 s2, $0x0  }
0x244: {  	s3 =	rddreg [dreg:$0x2];
	[bflag:$0x3] =	sbarrier.arrive $0xFFFF;
	s2 =	simm.s32 @!p0 $0x1C03  }
0x245: {  	[timem:s3], [sflag:s2] =	dma.local @!p0 [hbm:s0], s1  }
0x246: {  	s0 =	simm.s32 @!p0 $0x3  }
0x247: {  	_ =	swait.ge @!p0 [sflag:s0], s1  }
0x248: {  	s1 =	ssub.s32 @!p0 $0x0, s1;
	[sflag:s0] =	ssyncset.done @!p0 $0x0  }
0x249: {  	[sflag:s0] =	ssyncadd.s32 @!p0 s1  }
0x24a: {  	[bflag:$0x3] =	sbarrier.arrive $0xFFFF  }
0x24b: {  	_ =	shalt  }

// kernel: kernel.8.cloned.1.call-start
scs
__scs_entry_jumppad:
0x0: {  	(pc) =	sbr.rel $0x88, $3  }
0x1: {  	(tag) =	ssettag $0x0;
	lr =	simm.s32 $0x1  }
0x2: {  	[smem:$0x3F98] =	sst lr;
	_ =	strace $0xD0000000  }
0x3: {  	_ = 	snop  }
0x4: {  	_ = 	snop  }
0x5: {  	_ = 	snop  }
0x6: {  	_ = 	snop  }
0x7: {  	_ = 	snop  }
__scs_overlays_trampoline_lowered:
0x8: {  	[smem:$0x3FA7] =	sst s0  }
0x9: {  	[smem:$0x3FA8] =	sst s1  }
0xa: {  	[smem:$0x3FA9] =	sst s2  }
0xb: {  	[smem:$0x3FAA] =	sst s3  }
0xc: {  	[smem:$0x3FAB] =	sst s4  }
0xd: {  	[smem:$0x3FAC] =	sst s5  }
0xe: {  	[smem:$0x3FAD] =	sst s6  }
0xf: {  	[smem:$0x3FAE] =	sst s7  }
0x10: {  	[smem:$0x3FAF] =	sst s8  }
0x11: {  	[smem:$0x3FB0] =	sst s9;
	s0 =	simm.s32 @!p0 $0x0  }
0x12: {  	s1 =	sld [smem:$0x3F96];
	s0 =	simm.s32 @p0 $0x1  }
0x13: {  	[smem:$0x3FB1] =	sst s0;
	s0 =	simm.s32 @!p1 $0x0  }
0x14: {  	s2 =	sld [smem:$0x3F95];
	s0 =	simm.s32 @p1 $0x1  }
0x15: {  	[smem:$0x3FB2] =	sst s0;
	s0 =	simm.s32 @!p2 $0x0  }
0x16: {  	s3 =	sld [smem:$0x3FDB];
	s0 =	simm.s32 @p2 $0x1  }
0x17: {  	s4 =	simm.s32 $0x1BF5;
	[smem:$0x3FB4] =	sst s0  }
0x18: {  	s0 =	sld [smem:$0x3F97];
	_ =	swait.ge [sflag:s4], $0x0  }
0x19: {  	s7 =	sld [smem:$0x3F98]  }
0x1a: {  	s8 =	sadd.s32 $0xFFFFE003, lr  }
0x1b: {  	s9 =	sadd.s32 $0xFFFFFEF7, lr;
	s5 =	simm.s32 $0xFFFFFFFF;
	p2 =	slt.u32 s8, $0xFFFFF086  }
0x1c: {  	p1 =	slt.u32 s9, $0xF7A;
	s5 =	simm.s32 @!p2 $0x0  }
0x1d: {  	s5 =	simm.s32 @p1 $0x1;
	p0 =	seq.s32 s7, s2  }
0x1e: {  	s7 =	smul.u32 @!p0 $0xF7A, s2;
	p2 =	seq.s32 @!p0 s5, $0x0  }
0x1f: {  	s9 =	smul.u32 $0xF7A, s1;
	s8 =	simm.s32 @!p0 $0x1BF5;
	p2 =	por !p2, p0  }
0x20: {  	[sflag:s8] =	ssyncset.s32 @!p0 $0xFFFFF086;
	s6 =	sadd.s32 @!p0 s3, s7;
	s7 =	simm.s32 @!p0 $0x108  }
0x21: {  	s3 =	sadd.s32 s3, s9;
	s6 =	sadd.s32 @!p0 $0x88, s6;
	s7 =	simm.s32 @p2 $0x1082  }
0x22: {  	[simem:s7], [sflag:s8] =	dma.local @!p0 [hbm:s6], $0xF7A  }
0x23: {  	s9 =	sor.u32 $0xD0000000, s2;
	s6 =	simm.s32 $0x108;
	_ =	swait.ge @!p0 [sflag:s8], $0x0  }
0x24: {  	s3 =	sadd.s32 $0x88, s3;
	s6 =	simm.s32 @!p1 $0x1082;
	[sflag:s4] =	ssyncset.s32 $0xFFFFF086  }
0x25: {  	[simem:s6], [sflag:s4] =	dma.local [hbm:s3], $0xF7A  }
0x26: {  	[smem:$0x3F98] =	sst s1;
	(tag) =	ssettag s2;
	_ =	strace s9  }
0x27: {  	s1 =	sld [smem:$0x3FA8]  }
0x28: {  	s2 =	sld [smem:$0x3FA9]  }
0x29: {  	s4 =	sld [smem:$0x3FAB]  }
0x2a: {  	p0 =	seq.s32 s5, $0x0;
	s5 =	sld [smem:$0x3FAC]  }
0x2b: {  	s6 =	sld [smem:$0x3FAD]  }
0x2c: {  	s7 =	sld [smem:$0x3FAE]  }
0x2d: {  	s3 =	simm.s32 $0x108;
	s8 =	sld [smem:$0x3FAF]  }
0x2e: {  	s3 =	simm.s32 @!p0 $0x1082;
	s9 =	sld [smem:$0x3FB0]  }
0x2f: {  	lr =	sadd.s32 s0, s3;
	s0 =	sld [smem:$0x3FA7]  }
0x30: {  	s3 =	sld [smem:$0x3FAA]  }
0x31: {  	[smem:$0x3FB3] =	sst s10  }
0x32: {  	s10 =	sld [smem:$0x3FB1];
	_ =	sdelay $0x3  }
0x33: {  	p0 =	seq.s32 s10, $0x1;
	s10 =	sld [smem:$0x3FB3];
	_ =	sdelay $0x3  }
0x34: {  	[smem:$0x3FB3] =	sst s10  }
0x35: {  	s10 =	sld [smem:$0x3FB2];
	_ =	sdelay $0x3  }
0x36: {  	p1 =	seq.s32 s10, $0x1;
	s10 =	sld [smem:$0x3FB3];
	_ =	sdelay $0x3  }
0x37: {  	[smem:$0x3FB3] =	sst s10  }
0x38: {  	s10 =	sld [smem:$0x3FB4]  }
0x39: {  	_ = 	snop;
	(pc) =	sbr.ind lr, $3  }
0x3a: {  	_ = 	snop  }
0x3b: {  	_ = 	snop  }
0x3c: {  	p2 =	seq.s32 s10, $0x1;
	s10 =	sld [smem:$0x3FB3]  }
0x3d: {  	_ =	shalt  }
0x3e: {  	_ =	shalt  }
0x3f: {  	_ =	shalt  }
0x40: {  	_ =	shalt  }
0x41: {  	_ =	shalt  }
0x42: {  	_ =	shalt  }
0x43: {  	_ =	shalt  }
0x44: {  	_ =	shalt  }
0x45: {  	_ =	shalt  }
0x46: {  	_ =	shalt  }
0x47: {  	_ =	shalt  }
0x48: {  	_ =	shalt  }
0x49: {  	_ =	shalt  }
0x4a: {  	_ =	shalt  }
0x4b: {  	_ =	shalt  }
0x4c: {  	_ =	shalt  }
0x4d: {  	_ =	shalt  }
0x4e: {  	_ =	shalt  }
0x4f: {  	_ =	shalt  }
0x50: {  	_ =	shalt  }
0x51: {  	_ =	shalt  }
0x52: {  	_ =	shalt  }
0x53: {  	_ =	shalt  }
0x54: {  	_ =	shalt  }
0x55: {  	_ =	shalt  }
0x56: {  	_ =	shalt  }
0x57: {  	_ =	shalt  }
0x58: {  	_ =	shalt  }
0x59: {  	_ =	shalt  }
0x5a: {  	_ =	shalt  }
0x5b: {  	_ =	shalt  }
0x5c: {  	_ =	shalt  }
0x5d: {  	_ =	shalt  }
0x5e: {  	_ =	shalt  }
0x5f: {  	_ =	shalt  }
0x60: {  	_ =	shalt  }
0x61: {  	_ =	shalt  }
0x62: {  	_ =	shalt  }
0x63: {  	_ =	shalt  }
0x64: {  	_ =	shalt  }
0x65: {  	_ =	shalt  }
0x66: {  	_ =	shalt  }
0x67: {  	_ =	shalt  }
0x68: {  	_ =	shalt  }
0x69: {  	_ =	shalt  }
0x6a: {  	_ =	shalt  }
0x6b: {  	_ =	shalt  }
0x6c: {  	_ =	shalt  }
0x6d: {  	_ =	shalt  }
0x6e: {  	_ =	shalt  }
0x6f: {  	_ =	shalt  }
0x70: {  	_ =	shalt  }
0x71: {  	_ =	shalt  }
0x72: {  	_ =	shalt  }
0x73: {  	_ =	shalt  }
0x74: {  	_ =	shalt  }
0x75: {  	_ =	shalt  }
0x76: {  	_ =	shalt  }
0x77: {  	_ =	shalt  }
0x78: {  	_ =	shalt  }
0x79: {  	_ =	shalt  }
0x7a: {  	_ =	shalt  }
0x7b: {  	_ =	shalt  }
0x7c: {  	_ =	shalt  }
0x7d: {  	_ =	shalt  }
0x7e: {  	_ =	shalt  }
0x7f: {  	_ =	shalt  }
0x80: {  	_ =	shalt  }
0x81: {  	_ =	shalt  }
0x82: {  	_ =	shalt  }
0x83: {  	_ =	shalt  }
0x84: {  	_ =	shalt  }
0x85: {  	_ =	shalt  }
0x86: {  	_ =	shalt  }
0x87: {  	_ =	shalt  }
.Lfunc_end0:
.L_simem_size_0:
called_computation_lowered:
.L_overlay_start_0:
0x88: {  	s2 =	sld [smem:$0x3FD9]  }
0x89: {  	s3 =	sld [smem:$0x3FFE];
	_ =	sdelay $0x1  }
0x8a: {  	s1 =	srdreg.scid  }
0x8b: {  	s0 =	sand.u32 $0x1, s1  }
0x8c: {  	s16 =	sshll.u32 s0, $0xA;
	s2 =	sadd.s32 s3, s2  }
0x8d: {  	s2 =	sadd.s32 s2, s16  }
0x8e: {  	[smem:$0x3FBF] =	sst s2  }
0x8f: {  	_ = 	snop  }
0x90: {  	(tm) =	ssettm $0x1  }
0x91: {  	s17 =	sld [smem:$0x3FFB];
	_ =	sdelay $0x3  }
0x92: {  	_ =	strace s17  }
0x93: {  	s2 =	sld [smem:$0x3FFC];
	_ =	sdelay $0x3  }
0x94: {  	_ =	strace s2  }
0x95: {  	s2 =	sld [smem:$0x3FFD];
	_ =	sdelay $0x3  }
0x96: {  	_ =	strace s2  }
0x97: {  	_ =	strace $0x8FFFFFFF  }
0x98: {  	s18 =	sld [smem:$0x3FDB];
	_ =	sdelay $0x1  }
0x99: {  	s19 =	simm.s32 $_scs_section_size  }
0x9a: {  	s4 =	simm.s32 $_size__tile_overlayer_lowered;
	s5 =	simm.s32 $_tile_overlayer_lowered  }
0x9b: {  	s22 =	simm.s32 $0x1BFF;
	s21 =	sshll.u32 s5, $0x1;
	s2 =	sadd.s32 s19, s18  }
0x9c: {  	s6 =	simm.s32 $0x0;
	s20 =	sshll.u32 s4, $0x1;
	s4 =	sadd.s32 s21, s2  }
0x9d: {  	[timem:s6], [sflag:s22] =	dma.local [hbm:s4], s20  }
0x9e: {  	_ =	swait.ge [sflag:s22], s20  }
0x9f: {  	s3 =	ssub.s32 $0x0, s20;
	[sflag:s22] =	ssyncset.done $0x0  }
0xa0: {  	[sflag:s22] =	ssyncadd.s32 s3;
	_ =	sdelay $0x1  }
0xa1: {  	s23 =	simm.s32 $0x1B8B  }
0xa2: {  	_ =	swait.ge [sflag:s23], $0x1  }
0xa3: {  	[sflag:s23] =	ssyncset.done $0x0  }
0xa4: {  	s25 =	simm.s32 $0x1B8E;
	s24 =	sld [smem:$0x3FFE];
	[sflag:s23] =	ssyncadd.s32 $0xFFFFFFFF  }
0xa5: {  	s26 =	simm.s32 $execute0_lowered;
	[smem:$0x3FD2] =	sst s25  }
0xa6: {  	s4 =	sshll.u32 s26, $0x1;
	_ =	strace $0x80000046;
	[dreg:$0x1] =	wrdreg $0xFFFFFFFF  }
0xa7: {  	s28 =	simm.s32 $_size_execute0_lowered;
	s2 =	sadd.s32 s2, s4;
	[dreg:$0x0] =	wrdreg $0x0  }
0xa8: {  	s4 =	sshll.u32 s28, $0x1;
	[dreg:$0x2] =	wrdreg s2  }
0xa9: {  	[dreg:$0x3] =	wrdreg s4  }
0xaa: {  	[dreg:$0x4] =	wrdreg $0xC0  }
0xab: {  	_ =	task [dreg:s6], $0x5FFFF  }
0xac: {  	[dreg:$0x1] =	wrdreg $0xFFFFFFFF  }
0xad: {  	[dreg:$0x0] =	wrdreg $0x60  }
0xae: {  	[dreg:$0x2] =	wrdreg s24  }
0xaf: {  	[dreg:$0x3] =	wrdreg $0x9  }
0xb0: {  	_ =	task.clear_ibuf [dreg:s6], $0x4FFFF;
	_ =	strace $0x90000046  }
0xb1: {  	s29 =	simm.s32 $0x9;
	_ =	strace $0x80000048  }
0xb2: {  	_ =	swait.ge [sflag:s29], $0x1  }
0xb3: {  	[sflag:s29] =	ssyncadd.s32 $0xFFFFFFFF  }
0xb4: {  	_ =	strace $0x90000048  }
0xb5: {  	_ =	sfence  }
0xb6: {  	s30 =	sld [smem:$0x0];
	_ =	sdelay $0x2  }
0xb7: {  	s31 =	sshll.u32 s1, $0xD;
	s1 =	sshrl.u32 s1, $0x2  }
0xb8: {  	s3 =	sand.u32 $0x4000, s31;
	s1 =	sadd.s32 s1, s30  }
0xb9: {  	s0 =	sor.u32 s3, s0;
	s1 =	sshll.u32 s1, $0x11  }
0xba: {  	s0 =	sor.u32 s1, s0  }
0xbb: {  	s0 =	sadd.s32 $0x8F2B, s0  }
0xbc: {  	[sflag:s0] =	ssyncadd.remote.s32 $0x1  }
0xbd: {  	_ =	sfence.sel $0xFFFF  }
0xbe: {  	[dreg:$0x0] =	wrdreg $0xFFFFFFFF;
	(pc) =	sbr.abs _section_cstart, $3  }
0xbf: {  	[dreg:$0x1] =	wrdreg $0xFFFFFFFF  }
0xc0: {  	_ =	task.clear_ibuf [dreg:s6], $0x2FFFF;
	_ =	strace $0x9FFFFFFF  }
0xc1: {  	(tm) =	ssettm $0x7FFFFFFF  }
tec
execute0_lowered:
.L_overlay_start_1:
0x0: {  	(tag) =	ssettag $0x1  }
0x1: {  	s0 =	srdreg.scid;
	s5 =	rddreg [dreg:$0x0]  }
0x2: {  	s1 =	rddreg [dreg:$0x1];
	s4 =	sand.u32 $0x1, s0;
	s0 =	stileid.u32  }
0x3: {  	s2 =	simm.s32 $0x0;
	s3 =	sshll.u32 s4, $0x5;
	s6 =	sshll.u32 s0, $0x1  }
0x4: {  	s10 =	simm.s32 $0x80;
	s11 =	simm.s32 $0x400;
	s3 =	sor.u32 s6, s3  }
0x5: {  	s12 =	simm.s32 $0x0;
	[smem:$0x7FF] =	sst s2;
	s3 =	sshrl.u32 s3, $0x3  }
0x6: {  	s28 =	sshll.u32 s4, $0xB;
	s29 =	sshll.u32 s0, $0x8;
	s7 =	smul.u32 $0x9C400, s3  }
0x7: {  	_ =	strace $0x80000047;
	s4 =	ssub.s32 $0x2, s4;
	s8 =	sand.u32 $0x300, s29  }
0x8: {  	s9 =	sshll.u32 s0, $0xC;
	s6 =	sadd.s32 s28, s5;
	s7 =	sor.u32 s8, s7  }
0x9: {  	s30 =	sshrl.u32 s4, $0x1;
	s31 =	sadd.s32 s9, s6;
	s7 =	sshrl.u32 s7, $0x3  }
0xa: {  	s9 =	simm.s32 $0x4000;
	s3 =	sadd.s32 $0x13200, s5;
	s7 =	sadd.s32 s7, s5  }
0xb: {  	s8 =	ssub.s32 s4, s30;
	s4 =	sadd.s32 $0x3200, s31;
	s5 =	sadd.s32 $0x15A00, s7  }
0xc: {  	v0 =	vlaneseq.u32;
	v1 =	vimm.f32 $1.000000000e+00;
	s6 =	sadd.s32 $0x15A10, s7;
	s7 =	smax.u32 s8, $0x1;
	s8 =	simm.s32 $0x1  }
.LBB2_1:
0xd: {  	[tilespmem:s2], [sflag:$0x1] =	stream.linear.gather [hbm4b:s4+s2], $0x3E80, $0x38;
	[tilespmem:$0x17880] =	vst v63  }
0xe: {  	_ =	swait.ge [sflag:s8], $0x3E80  }
0xf: {  	[sflag:s8] =	ssyncset.done $0x0  }
0x10: {  	[sflag:s8] =	ssyncadd.s32 $0xFFFFC180  }
0x11: {  	[tilespmem:s9], [sflag:$0x1] =	stream.linear.gather [hbm4b:s3+s2], $0x13880, $0x38;
	[tilespmem:$0x17880] =	vst v63  }
0x12: {  	_ =	swait.ge [sflag:s8], $0x13880  }
0x13: {  	[sflag:s8] =	ssyncset.done $0x0  }
0x14: {  	s13 =	simm.s32 $0x0;
	[sflag:s8] =	ssyncadd.s32 $0xFFFEC780  }
.LBB2_2:
0x15: {  	s14 =	sshra.s32 s13, $0x2  }
0x16: {  	v2 =	vld [tilespmem:s14+$0x0];
	_ =	sdelay $0x4  }
0x17: {  	vm0 =	vgt.s32 v2, $0x0  }
0x18: {  	v3 =	vnsel vm0, $0x0, v2  }
0x19: {  	v3 =	vmin.u32 v3, $0x1387  }
0x1a: {  	vm7 =	vlt.u32 v2, $0x1388;
	v2 =	vshll.u32 v3, $0x4  }
0x1b: {  	v2 =	vor.u32 v0, v2;
	_ =	sdelay $0x4  }
0x1c: {  	[tilespmem:v2+s9+$0x0] =	vst.idx.add.f32.msk vm7, v1  }
0x1d: {  	v2 =	vld [tilespmem:s14+$0x10];
	_ =	sdelay $0x4  }
0x1e: {  	vm8 =	vgt.s32 v2, $0x0  }
0x1f: {  	v3 =	vnsel vm8, $0x0, v2  }
0x20: {  	v3 =	vmin.u32 v3, $0x1387  }
0x21: {  	vm9 =	vlt.u32 v2, $0x1388;
	v2 =	vshll.u32 v3, $0x4  }
0x22: {  	v2 =	vor.u32 v0, v2;
	_ =	sdelay $0x4  }
0x23: {  	[tilespmem:v2+s9+$0x0] =	vst.idx.add.f32.msk vm9, v1  }
0x24: {  	v2 =	vld [tilespmem:s14+$0x20];
	_ =	sdelay $0x4  }
0x25: {  	vm10 =	vgt.s32 v2, $0x0  }
0x26: {  	v3 =	vnsel vm10, $0x0, v2  }
0x27: {  	v3 =	vmin.u32 v3, $0x1387  }
0x28: {  	vm11 =	vlt.u32 v2, $0x1388;
	v2 =	vshll.u32 v3, $0x4  }
0x29: {  	v2 =	vor.u32 v0, v2;
	_ =	sdelay $0x4  }
0x2a: {  	[tilespmem:v2+s9+$0x0] =	vst.idx.add.f32.msk vm11, v1  }
0x2b: {  	v2 =	vld [tilespmem:s14+$0x30];
	_ =	sdelay $0x4  }
0x2c: {  	vm12 =	vgt.s32 v2, $0x0  }
0x2d: {  	v3 =	vnsel vm12, $0x0, v2  }
0x2e: {  	v3 =	vmin.u32 v3, $0x1387  }
0x2f: {  	vm13 =	vlt.u32 v2, $0x1388;
	v2 =	vshll.u32 v3, $0x4  }
0x30: {  	v2 =	vor.u32 v0, v2;
	_ =	sdelay $0x4  }
0x31: {  	[tilespmem:v2+s9+$0x0] =	vst.idx.add.f32.msk vm13, v1  }
0x32: {  	v2 =	vld [tilespmem:s14+$0x40];
	_ =	sdelay $0x4  }
0x33: {  	vm14 =	vgt.s32 v2, $0x0  }
0x34: {  	v3 =	vnsel vm14, $0x0, v2  }
0x35: {  	v3 =	vmin.u32 v3, $0x1387  }
0x36: {  	vm15 =	vlt.u32 v2, $0x1388;
	v2 =	vshll.u32 v3, $0x4  }
0x37: {  	p0 =	sne.s32 s13, $0xF800;
	v2 =	vor.u32 v0, v2  }
.Ltmp0:
0x38: {  	_ = 	snop;
	(pc) =	sbr.rel @p0 .LBB2_2-.Ltmp0, $2  }
0x39: {  	_ =	sdelay $0x2  }
0x3a: {  	s13 =	sadd.s32 $0x200, s13;
	[tilespmem:v2+s9+$0x0] =	vst.idx.add.f32.msk vm15, v1  }
0x3b: {  	[hbm4b:s5+s10] =	stream.strided.scatter [tilespmem:s9], [sflag:$0x1], $0x13880, s11, s10, $0x38;
	[tilespmem:$0x17880] =	vst v63  }
0x3c: {  	_ =	swait.ge [sflag:s8], $0x13880  }
0x3d: {  	[sflag:s8] =	ssyncset.done $0x0  }
0x3e: {  	s13 =	simm.s32 $0x0;
	[sflag:s8] =	ssyncadd.s32 $0xFFFEC780  }
0x3f: {  	[tilespmem:s9], [sflag:$0x1] =	stream.linear.gather [hbm4b:s3+s13], $0x13880, $0x38;
	[tilespmem:$0x17880] =	vst v63  }
0x40: {  	_ =	swait.ge [sflag:s8], $0x13880  }
0x41: {  	[sflag:s8] =	ssyncset.done $0x0  }
0x42: {  	[sflag:s8] =	ssyncadd.s32 $0xFFFEC780  }
.LBB2_4:
0x43: {  	s14 =	sshra.s32 s13, $0x2  }
0x44: {  	v2 =	vld [tilespmem:s14+$0x0];
	_ =	sdelay $0x4  }
0x45: {  	v2 =	vadd.s32 $0xFFFFEC78, v2  }
0x46: {  	vm0 =	vgt.s32 v2, $0x0  }
0x47: {  	v3 =	vnsel vm0, $0x0, v2  }
0x48: {  	v3 =	vmin.u32 v3, $0x1387  }
0x49: {  	vm7 =	vlt.u32 v2, $0x1388;
	v2 =	vshll.u32 v3, $0x4  }
0x4a: {  	v2 =	vor.u32 v0, v2;
	_ =	sdelay $0x4  }
0x4b: {  	[tilespmem:v2+s9+$0x0] =	vst.idx.add.f32.msk vm7, v1  }
0x4c: {  	v2 =	vld [tilespmem:s14+$0x10];
	_ =	sdelay $0x4  }
0x4d: {  	v2 =	vadd.s32 $0xFFFFEC78, v2  }
0x4e: {  	vm8 =	vgt.s32 v2, $0x0  }
0x4f: {  	v3 =	vnsel vm8, $0x0, v2  }
0x50: {  	v3 =	vmin.u32 v3, $0x1387  }
0x51: {  	vm9 =	vlt.u32 v2, $0x1388;
	v2 =	vshll.u32 v3, $0x4  }
0x52: {  	v2 =	vor.u32 v0, v2;
	_ =	sdelay $0x4  }
0x53: {  	[tilespmem:v2+s9+$0x0] =	vst.idx.add.f32.msk vm9, v1  }
0x54: {  	v2 =	vld [tilespmem:s14+$0x20];
	_ =	sdelay $0x4  }
0x55: {  	v2 =	vadd.s32 $0xFFFFEC78, v2  }
0x56: {  	vm10 =	vgt.s32 v2, $0x0  }
0x57: {  	v3 =	vnsel vm10, $0x0, v2  }
0x58: {  	v3 =	vmin.u32 v3, $0x1387  }
0x59: {  	vm11 =	vlt.u32 v2, $0x1388;
	v2 =	vshll.u32 v3, $0x4  }
0x5a: {  	v2 =	vor.u32 v0, v2;
	_ =	sdelay $0x4  }
0x5b: {  	[tilespmem:v2+s9+$0x0] =	vst.idx.add.f32.msk vm11, v1  }
0x5c: {  	v2 =	vld [tilespmem:s14+$0x30];
	_ =	sdelay $0x4  }
0x5d: {  	v2 =	vadd.s32 $0xFFFFEC78, v2  }
0x5e: {  	vm12 =	vgt.s32 v2, $0x0  }
0x5f: {  	v3 =	vnsel vm12, $0x0, v2  }
0x60: {  	v3 =	vmin.u32 v3, $0x1387  }
0x61: {  	vm13 =	vlt.u32 v2, $0x1388;
	v2 =	vshll.u32 v3, $0x4  }
0x62: {  	v2 =	vor.u32 v0, v2;
	_ =	sdelay $0x4  }
0x63: {  	[tilespmem:v2+s9+$0x0] =	vst.idx.add.f32.msk vm13, v1  }
0x64: {  	v2 =	vld [tilespmem:s14+$0x40];
	_ =	sdelay $0x4  }
0x65: {  	v2 =	vadd.s32 $0xFFFFEC78, v2  }
0x66: {  	vm14 =	vgt.s32 v2, $0x0  }
0x67: {  	v3 =	vnsel vm14, $0x0, v2  }
0x68: {  	v3 =	vmin.u32 v3, $0x1387  }
0x69: {  	vm15 =	vlt.u32 v2, $0x1388;
	v2 =	vshll.u32 v3, $0x4  }
0x6a: {  	p0 =	sne.s32 s13, $0xF800;
	v2 =	vor.u32 v0, v2  }
.Ltmp1:
0x6b: {  	_ = 	snop;
	(pc) =	sbr.rel @p0 .LBB2_4-.Ltmp1, $2  }
0x6c: {  	_ =	sdelay $0x2  }
0x6d: {  	s13 =	sadd.s32 $0x200, s13;
	[tilespmem:v2+s9+$0x0] =	vst.idx.add.f32.msk vm15, v1  }
0x6e: {  	s12 =	sadd.s32 $0x1, s12  }
0x6f: {  	p0 =	sne.s32 s12, s7  }
.Ltmp2:
0x70: {  	_ = 	snop;
	(pc) =	sbr.rel @p0 .LBB2_1-.Ltmp2, $4  }
0x71: {  	[hbm4b:s6+s10] =	stream.strided.scatter [tilespmem:s9], [sflag:$0x1], $0x13880, s11, s10, $0x38;
	[tilespmem:$0x17880] =	vst v63  }
0x72: {  	_ =	swait.ge [sflag:s8], $0x13880  }
0x73: {  	[sflag:s8] =	ssyncset.done $0x0  }
0x74: {  	[sflag:s8] =	ssyncadd.s32 $0xFFFEC780  }
0x75: {  	_ =	sfence.sel $0x180000  }
0x76: {  	[bflag:$0x0] =	sbarrier.arrive $0xFFFF  }
0x77: {  	p0 =	sne.s32 s0, $0x0;
	_ =	strace $0x90000047  }
0x78: {  	s0 =	sadd.s32 @!p0 $0x100000, s1;
	[bflag:$0x2] =	sbarrier.arrive $0xFFFF  }
0x79: {  	[sflag:s0] =	ssyncadd.tile.s32 @!p0 $0x1;
	_ =	shalt  }
.Lfunc_end2:
_tile_overlayer_lowered:
.L_overlay_start_2:
0x7a: {  	(tag) =	ssettag $0x2  }
0x7b: {  	s0 =	rddreg [dreg:$0x0];
	s2 =	stileid.u32  }
0x7c: {  	s1 =	rddreg [dreg:$0x1];
	p0 =	sne.s32 s2, $0x0  }
0x7d: {  	s3 =	rddreg [dreg:$0x2];
	[bflag:$0x3] =	sbarrier.arrive $0xFFFF;
	s2 =	simm.s32 @!p0 $0x1C01  }
0x7e: {  	[timem:s3], [sflag:s2] =	dma.local @!p0 [hbm:s0], s1  }
0x7f: {  	s0 =	simm.s32 @!p0 $0x1  }
0x80: {  	_ =	swait.ge @!p0 [sflag:s0], s1  }
0x81: {  	s1 =	ssub.s32 @!p0 $0x0, s1;
	[sflag:s0] =	ssyncset.done @!p0 $0x0  }
0x82: {  	[sflag:s0] =	ssyncadd.s32 @!p0 s1  }
0x83: {  	[bflag:$0x3] =	sbarrier.arrive $0xFFFF  }
0x84: {  	_ =	shalt  }

</sc_bundles>
